<compile_context>
chip_gen: v7x
topology: tpu7x:2x2x1
jax: 0.10.2.dev20260603
libtpu: 0.0.44.dev20260713+nightly
codegen_flags: <defaults>
</compile_context>

<pallas_src>
import functools

import jax
import jax.numpy as jnp
from jax import lax
from jax.experimental import pallas as pl
from jax.experimental.pallas import tpu as pltpu
from jax.experimental.pallas import tpu_sc as plsc

N = 10000
E = 320000
H = 256
VOCAB = 10001
VPAD = 10112
NC, NS, L = 2, 16, 16
K = 128
EPAD = 327680
NPAD = 10240
RPT = NPAD // NS
NBLK = 5
BR = N // NBLK

_f32 = jnp.float32
_i32 = jnp.int32


def _tc1_body(st_ref, es_ref, dg_ref, idp_ref, pos_ref, wm1_ref, bm1_ref,
              wm2_ref, bm2_ref, nfp_ref, wt4_ref):
    i0 = lax.broadcasted_iota(_i32, (80, 128), 0)
    i1 = lax.broadcasted_iota(_i32, (80, 128), 1)
    m = (i0 * 128 + i1) < N

    def _norm(x):
        xm = jnp.where(m, x, 0.0)
        mean = jnp.sum(xm) / N
        d = jnp.where(m, x - mean, 0.0)
        std = jnp.sqrt(jnp.sum(d * d) / (N - 1))
        return jnp.where(std > 1e-8, d / std, d)

    st = st_ref[...]
    es = es_ref[...]
    dg = dg_ref[...]
    anyf = jnp.any(jnp.where(m, dg, 0.0) > 2.0)
    nfp_ref[0] = st
    nfp_ref[1] = _norm(es)
    nfp_ref[2] = jnp.where(anyf, _norm(dg), jnp.ones_like(dg))

    wm1 = wm1_ref[...]
    h1 = jnp.dot(idp_ref[...], wm1[:8, :], preferred_element_type=_f32) \
        + bm1_ref[...]
    p1 = jnp.dot(pos_ref[...], wm1[8:, :], preferred_element_type=_f32)
    wm2 = wm2_ref[...]
    cols = []
    for p in range(3):
        t = jnp.maximum(h1 + p1[p:p + 1, :], 0.0)
        cols.append(jnp.dot(t, wm2, preferred_element_type=_f32))
    cols.append(jnp.zeros_like(cols[0]))
    wt4_ref[...] = jax.nn.sigmoid(jnp.concatenate(cols, axis=1) + bm2_ref[0, 0])


def _tc1(st, es, dg, idp, pos_tab, wm1, bm1, wm2, bm2):
    return pl.pallas_call(
        _tc1_body,
        out_shape=(jax.ShapeDtypeStruct((3, 80, 128), _f32),
                   jax.ShapeDtypeStruct((VPAD, 4), _f32)),
    )(st, es, dg, idp, pos_tab, wm1, bm1, wm2, bm2)


_MESH = plsc.VectorSubcoreMesh(core_axis_name="c", subcore_axis_name="s")
_EPT1 = EPAD // (NC * NS)
_CH1 = _EPT1 // K


@functools.partial(
    pl.kernel,
    out_type=(jax.ShapeDtypeStruct((EPAD,), _f32),
              jax.ShapeDtypeStruct((NC, NPAD), _f32)),
    mesh=_MESH,
    compiler_params=pltpu.CompilerParams(needs_layout_passes=False, use_tc_tiling_on_sc=False),
    scratch_types=[
        pltpu.VMEM((4 * VPAD,), _f32),
        pltpu.VMEM((_EPT1,), _i32),
        pltpu.VMEM((_EPT1,), _i32),
        pltpu.VMEM((_CH1, K), _i32),
        pltpu.VMEM((_EPT1,), _f32),
        pltpu.VMEM_SHARED((NPAD,), _f32),
        pltpu.SemaphoreType.DMA,
    ])
def _sc1(wt_hbm, ids_hbm, pos_hbm, col2_hbm, zer_hbm,
         ew_hbm, degp_hbm, wt_v, id_v, pos_v, col_v, ew_v, deg_sh, dsem):
    cid = lax.axis_index("c")
    sid = lax.axis_index("s")
    gbase = (cid * NS + sid) * _EPT1
    cbase = (cid * NS + sid) * _CH1
    pltpu.sync_copy(wt_hbm, wt_v)
    pltpu.sync_copy(ids_hbm.at[pl.ds(gbase, _EPT1)], id_v)
    pltpu.sync_copy(pos_hbm.at[pl.ds(gbase, _EPT1)], pos_v)
    pltpu.sync_copy(col2_hbm.at[pl.ds(cbase, _CH1)], col_v)
    pltpu.sync_copy(zer_hbm.at[pl.ds(0, RPT)], deg_sh.at[pl.ds(sid * RPT, RPT)])
    plsc.subcore_barrier()

    @pl.loop(0, _EPT1 // L, unroll=4)
    def _ew(i):
        flat = id_v[pl.ds(i * L, L)] * 4 + pos_v[pl.ds(i * L, L)]
        w16 = plsc.load_gather(wt_v, [flat])
        gpos = gbase + i * L + lax.broadcasted_iota(_i32, (L,), 0)
        ew_v[pl.ds(i * L, L)] = jnp.where(gpos < E, w16, 0.0)

    pltpu.sync_copy(ew_v, ew_hbm.at[pl.ds(gbase, _EPT1)])

    @pl.loop(0, _CH1)
    def _fire(c):
        pltpu.async_copy(ew_v.at[pl.ds(c * K, K)], deg_sh.at[col_v.at[c]],
                         dsem, add=True)

    @pl.loop(0, _CH1)
    def _drain(c):
        pltpu.make_async_copy(ew_v.at[pl.ds(c * K, K)],
                              deg_sh.at[col_v.at[c]], dsem).wait()

    plsc.subcore_barrier()
    pltpu.sync_copy(deg_sh.at[pl.ds(sid * RPT, RPT)],
                    degp_hbm.at[cid, pl.ds(sid * RPT, RPT)])


def _tc2_body(degp_ref, nfp_ref, dis_ref, vp_ref):
    deg = degp_ref[0] + degp_ref[1] + 1.0
    dis = 1.0 / jnp.sqrt(jnp.maximum(deg, 1e-12))
    dis_ref[...] = dis
    for k in range(3):
        vp_ref[k] = dis * nfp_ref[k]


def _tc2(degp, nfp):
    return pl.pallas_call(
        _tc2_body,
        out_shape=(jax.ShapeDtypeStruct((80, 128), _f32),
                   jax.ShapeDtypeStruct((3, 80, 128), _f32)),
    )(degp, nfp)


def _make_sc_spmm(W, split32, row_off_by_core, tbl_rows, passes):
    ept = EPAD // (NC * NS) if split32 else EPAD // NS
    nch = ept // K

    @functools.partial(
        pl.kernel,
        out_type=jax.ShapeDtypeStruct((passes, NC, NPAD, W), _f32),
        mesh=_MESH,
        compiler_params=pltpu.CompilerParams(needs_layout_passes=False, use_tc_tiling_on_sc=False),
        scratch_types=[
            pltpu.VMEM((ept,), _i32),
            pltpu.VMEM((nch, K), _i32),
            pltpu.VMEM((ept,), _f32),
            pltpu.VMEM((K, W), _f32),
            pltpu.VMEM((K, W), _f32),
            pltpu.VMEM((K,), _i32),
            pltpu.VMEM((K,), _i32),
            pltpu.VMEM_SHARED((NPAD, W), _f32),
            pltpu.SemaphoreType.DMA,
            pltpu.SemaphoreType.DMA,
            pltpu.SemaphoreType.DMA,
            pltpu.SemaphoreType.DMA,
        ])
    def spmm(tbl_hbm, row_hbm, col2_hbm, ew_hbm, zer_hbm,
             out_hbm, row_v, col_v, ew_v, bufa, bufb, adja, adjb, acc_sh,
             gsa, gsb, ssa, ssb):
        cid = lax.axis_index("c")
        sid = lax.axis_index("s")
        if split32:
            gbase = (cid * NS + sid) * ept
        else:
            gbase = sid * ept
        cbase = gbase // K
        pltpu.sync_copy(row_hbm.at[pl.ds(gbase, ept)], row_v)
        pltpu.sync_copy(col2_hbm.at[pl.ds(cbase, nch)], col_v)
        pltpu.sync_copy(ew_hbm.at[pl.ds(gbase, ept)], ew_v)

        bufs = (bufa, bufb)
        adjs = (adja, adjb)
        gs = (gsa, gsb)
        ss = (ssa, ssb)

        for g in range(passes):
            if row_off_by_core:
                off = (cid * passes + g) * tbl_rows
            else:
                off = g * tbl_rows

            def gstart(b, lc):
                if passes > 1 or row_off_by_core:
                    for j in range(K // L):
                        adjs[b][pl.ds(j * L, L)] = \
                            row_v[pl.ds(lc * K + j * L, L)] + off
                    idx = adjs[b]
                else:
                    idx = row_v.at[pl.ds(lc * K, K)]
                pltpu.async_copy(tbl_hbm.at[idx], bufs[b], gs[b])

            def gwait(b):
                pltpu.make_async_copy(tbl_hbm.at[adjs[b]], bufs[b],
                                      gs[b]).wait()

            def sstart(b, lc):
                pltpu.async_copy(bufs[b], acc_sh.at[col_v.at[lc]], ss[b],
                                 add=True)

            def swait(b, lc):
                pltpu.make_async_copy(bufs[b], acc_sh.at[col_v.at[lc]],
                                      ss[b]).wait()

            def scale(b, lc):
                ebase = lc * K

                @pl.loop(0, K, unroll=4)
                def _row(i):
                    s = plsc.load_gather(ew_v, [jnp.full((L,), ebase + i, _i32)])
                    for j in range(W // L):
                        bufs[b][i, pl.ds(j * L, L)] = \
                            bufs[b][i, pl.ds(j * L, L)] * s

            pltpu.sync_copy(zer_hbm.at[pl.ds(0, RPT)],
                            acc_sh.at[pl.ds(sid * RPT, RPT)])
            plsc.subcore_barrier()

            gstart(0, 0)

            @pl.loop(0, nch // 2)
            def _pair(t):
                c0 = 2 * t
                gstart(1, c0 + 1)
                gwait(0)
                scale(0, c0)
                sstart(0, c0)
                gwait(1)
                scale(1, c0 + 1)
                sstart(1, c0 + 1)
                swait(0, c0)

                @pl.when(t + 1 < nch // 2)
                def _():
                    gstart(0, c0 + 2)

                swait(1, c0 + 1)

            plsc.subcore_barrier()
            pltpu.sync_copy(acc_sh.at[pl.ds(sid * RPT, RPT)],
                            out_hbm.at[g, cid, pl.ds(sid * RPT, RPT)])

    return spmm


_sc2 = _make_sc_spmm(16, split32=True, row_off_by_core=False, tbl_rows=N,
                     passes=1)
_sc3 = _make_sc_spmm(64, split32=False, row_off_by_core=True, tbl_rows=N,
                     passes=2)


def _tc3_body(qs0_ref, qs1_ref, v_ref, dis_ref, wc1_ref, bc1_ref, wc2_ref,
              u0_ref, u1_ref):
    dis = dis_ref[...]
    q = dis * (qs0_ref[...] + qs1_ref[...] + v_ref[...])
    x1 = jnp.maximum(
        jnp.dot(q, wc1_ref[...], preferred_element_type=_f32) + bc1_ref[...],
        0.0)
    h = jnp.dot(x1, wc2_ref[...], preferred_element_type=_f32)
    u = dis * h
    u0_ref[...] = u[:, :H // 2]
    u1_ref[...] = u[:, H // 2:]


def _tc3(qs0, qs1, v16, dis, wc1p, bc1, wc2):
    blk = lambda i: (i, 0)
    return pl.pallas_call(
        _tc3_body,
        grid=(NBLK,),
        in_specs=[
            pl.BlockSpec((BR, 16), blk),
            pl.BlockSpec((BR, 16), blk),
            pl.BlockSpec((BR, 16), blk),
            pl.BlockSpec((BR, 1), blk),
            pl.BlockSpec((16, H), lambda i: (0, 0)),
            pl.BlockSpec((1, H), lambda i: (0, 0)),
            pl.BlockSpec((H, H), lambda i: (0, 0)),
        ],
        out_specs=(pl.BlockSpec((BR, H // 2), blk),
                   pl.BlockSpec((BR, H // 2), blk)),
        out_shape=(jax.ShapeDtypeStruct((N, H // 2), _f32),
                   jax.ShapeDtypeStruct((N, H // 2), _f32)),
    )(qs0, qs1, v16, dis, wc1p, bc1, wc2)


def _tc4_body(a00_ref, a01_ref, a10_ref, a11_ref, u0_ref, u1_ref, dis_ref,
              bc2_ref, x2_ref, xsum_ref):
    dis = dis_ref[...]
    bc2 = bc2_ref[...]
    x20 = jnp.maximum(
        dis * (jnp.concatenate([a00_ref[...], a01_ref[...]], axis=1)
               + u0_ref[...]) + bc2[:, :H // 2], 0.0)
    x21 = jnp.maximum(
        dis * (jnp.concatenate([a10_ref[...], a11_ref[...]], axis=1)
               + u1_ref[...]) + bc2[:, H // 2:], 0.0)
    x2 = jnp.concatenate([x20, x21], axis=1)
    x2_ref[...] = x2

    @pl.when(pl.program_id(0) == 0)
    def _():
        xsum_ref[...] = jnp.zeros_like(xsum_ref)
    xsum_ref[...] += jnp.sum(x2, axis=0, keepdims=True)


def _tc4(a00, a01, a10, a11, u0, u1, dis, bc2):
    blk = lambda i: (i, 0)
    full = lambda i: (0, 0)
    return pl.pallas_call(
        _tc4_body,
        grid=(NBLK,),
        in_specs=[
            pl.BlockSpec((BR, H // 4), blk),
            pl.BlockSpec((BR, H // 4), blk),
            pl.BlockSpec((BR, H // 4), blk),
            pl.BlockSpec((BR, H // 4), blk),
            pl.BlockSpec((BR, H // 2), blk),
            pl.BlockSpec((BR, H // 2), blk),
            pl.BlockSpec((BR, 1), blk),
            pl.BlockSpec((1, H), full),
        ],
        out_specs=(pl.BlockSpec((BR, H), blk),
                   pl.BlockSpec((1, H), full)),
        out_shape=(jax.ShapeDtypeStruct((N, H), _f32),
                   jax.ShapeDtypeStruct((1, H), _f32)),
    )(a00, a01, a10, a11, u0, u1, dis, bc2)


def _tc5_body(x2_ref, xsum_ref, wa1a_ref, wa1b_ref, ba1_ref, wa2_ref,
              ba2_ref, wv1_ref, bv1_ref, wv2_ref, bv2_ref, wv3_ref, bv3_ref,
              lg_ref, sv_ref):
    gr = xsum_ref[...] * (1.0 / N)
    t = jnp.dot(gr, wa1b_ref[...], preferred_element_type=_f32) \
        + ba1_ref[...]
    hl = jnp.maximum(
        jnp.dot(x2_ref[...], wa1a_ref[...], preferred_element_type=_f32) + t,
        0.0)
    lg_ref[...] = jnp.dot(hl, wa2_ref[...], preferred_element_type=_f32) \
        + ba2_ref[...]

    @pl.when(pl.program_id(0) == 0)
    def _():
        pooled = jnp.concatenate([gr, gr], axis=1)
        v1 = jnp.maximum(
            jnp.dot(pooled, wv1_ref[...], preferred_element_type=_f32)
            + bv1_ref[...], 0.0)
        v2 = jnp.maximum(
            jnp.dot(v1, wv2_ref[...], preferred_element_type=_f32)
            + bv2_ref[...], 0.0)
        sv_ref[...] = jnp.dot(v2, wv3_ref[...], preferred_element_type=_f32) \
            + bv3_ref[...]


def _tc5(x2, xsum, wa1a, wa1b, ba1, wa2, ba2, wv1, bv1, wv2, bv2, wv3, bv3):
    blk = lambda i: (i, 0)
    full = lambda i: (0, 0)
    return pl.pallas_call(
        _tc5_body,
        grid=(NBLK,),
        in_specs=[
            pl.BlockSpec((BR, H), blk),
            pl.BlockSpec((1, H), full),
            pl.BlockSpec((H, H), full),
            pl.BlockSpec((H, H), full),
            pl.BlockSpec((1, H), full),
            pl.BlockSpec((H, 1), full),
            pl.BlockSpec((1, 1), full),
            pl.BlockSpec((2 * H, 2 * H), full),
            pl.BlockSpec((1, 2 * H), full),
            pl.BlockSpec((2 * H, H), full),
            pl.BlockSpec((1, H), full),
            pl.BlockSpec((H, 1), full),
            pl.BlockSpec((1, 1), full),
        ],
        out_specs=(pl.BlockSpec((BR, 1), blk),
                   pl.BlockSpec((1, 1), full)),
        out_shape=(jax.ShapeDtypeStruct((N, 1), _f32),
                   jax.ShapeDtypeStruct((1, 1), _f32)),
    )(x2, xsum, wa1a, wa1b, ba1, wa2, ba2, wv1, bv1, wv2, bv2, wv3, bv3)


def kernel(status, est_size, degree, edge_index, edge_feat_id, edge_feat_pos,
           edge_id_tab, edge_pos_tab, Wm1, bm1, Wm2, bm2,
           Wc1, bc1, Wc2, bc2, Wa1, ba1, Wa2, ba2,
           Wv1, bv1, Wv2, bv2, Wv3, bv3):
    f32 = _f32

    def plane(x):
        return jnp.pad(x.astype(f32), (0, NPAD - N)).reshape(80, 128)

    def epad(x):
        return jnp.pad(x.astype(_i32), (0, EPAD - E))

    st, es, dg = plane(status), plane(est_size), plane(degree)
    idp = jnp.pad(edge_id_tab.astype(f32), ((0, VPAD - VOCAB), (0, 0)))

    nfp, wt4 = _tc1(st, es, dg, idp, edge_pos_tab.astype(f32),
                    Wm1.astype(f32), bm1.astype(f32).reshape(1, 10),
                    Wm2.astype(f32), bm2.astype(f32).reshape(1, 1))

    wt_flat = wt4.reshape(4 * VPAD)
    rows = epad(edge_index[0])
    cols2 = epad(edge_index[1]).reshape(EPAD // K, K)
    ids = epad(edge_feat_id)
    poss = epad(edge_feat_pos)
    zeros_rw = jnp.zeros((RPT, 128), f32)

    ew, degp = _sc1(wt_flat, ids, poss, cols2, zeros_rw[:, 0])

    dis_p, vp = _tc2(degp.reshape(NC, 80, 128), nfp)
    vT = jnp.transpose(vp.reshape(3, NPAD))[:N]
    v16 = jnp.pad(vT, ((0, 0), (0, 13)))
    dis = dis_p.reshape(NPAD)[:N, None]

    qsum = _sc2(v16, rows, cols2, ew, zeros_rw[:, :16])[0]

    wc1p = jnp.pad(Wc1.astype(f32), ((0, 13), (0, 0)))
    u0, u1 = _tc3(qsum[0, :N], qsum[1, :N], v16, dis,
                  wc1p, bc1.astype(f32).reshape(1, H), Wc2.astype(f32))

    def quarters(a, b):
        return jnp.concatenate([a[:, :64], a[:, 64:],
                                b[:, :64], b[:, 64:]], axis=0)

    acc = _sc3(quarters(u0, u1), rows, cols2, ew, zeros_rw[:, :64])

    x2, xsum = _tc4(acc[0, 0, :N], acc[1, 0, :N], acc[0, 1, :N],
                    acc[1, 1, :N], u0, u1, dis,
                    bc2.astype(f32).reshape(1, H))

    lg, sv = _tc5(x2, xsum,
                  Wa1.astype(f32)[:H], Wa1.astype(f32)[H:],
                  ba1.astype(f32).reshape(1, H),
                  Wa2.astype(f32), ba2.astype(f32).reshape(1, 1),
                  Wv1.astype(f32), bv1.astype(f32).reshape(1, 2 * H),
                  Wv2.astype(f32), bv2.astype(f32).reshape(1, H),
                  Wv3.astype(f32), bv3.astype(f32).reshape(1, 1))

    return (lg.reshape(N), sv[0, 0])

# --- scband reference (transcript-rebuilt; emitter-appended) ---
"""Pipeline reference for scband-graph-actor-critic-25185688224415 (READ-ONLY COPY).

The authoritative reference and input builder live on the scoring server;
editing this copy changes nothing except your own understanding.
"""

import jax, jax.numpy as jnp
import numpy as np


def _normalize(x):
    if x.shape[0] == 1:
        return jnp.zeros_like(x)
    std = jnp.std(x, ddof=1)
    mean = jnp.mean(x)
    return jnp.where(std > 1e-8, (x - mean) / std, x - mean)


def _gcn_conv(x, edge_index, edge_weight, W, b):
    N = x.shape[0]
    loop = jnp.arange(N, dtype=edge_index.dtype)
    row = jnp.concatenate([edge_index[0], loop])
    col = jnp.concatenate([edge_index[1], loop])
    ew = jnp.concatenate([edge_weight, jnp.ones((N,), dtype=x.dtype)])
    deg = jnp.zeros((N,), dtype=x.dtype).at[col].add(ew)
    dis = jnp.where(deg > 0, 1.0 / jnp.sqrt(jnp.maximum(deg, 1e-12)), 0.0)
    norm = dis[row] * ew * dis[col]
    h = x @ W
    out = jnp.zeros((N, W.shape[1]), dtype=x.dtype).at[col].add(h[row] * norm[:, None])
    return out + b


def setup_inputs(seed: int = 0) -> dict:
    key = jax.random.key(seed)
    ks = [jax.random.fold_in(key, i) for i in range(40)]
    N, E, H, MAXID = 10000, 320000, 256, 10000
    s = 0.05
    inp = {}
    inp['status'] = jax.random.uniform(ks[0], (N,), dtype=jnp.float32)
    inp['est_size'] = jax.random.normal(ks[1], (N,), dtype=jnp.float32)
    inp['degree'] = jax.random.normal(ks[2], (N,), dtype=jnp.float32)
    inp['edge_index'] = jax.random.randint(ks[3], (2, E), 0, N, dtype=jnp.int64) if jax.config.jax_enable_x64 else jax.random.randint(ks[3], (2, E), 0, N, dtype=jnp.int32)
    inp['edge_feat_id'] = jax.random.randint(ks[4], (E,), 0, MAXID + 1, dtype=jnp.int32)
    inp['edge_feat_pos'] = jax.random.randint(ks[5], (E,), 0, 3, dtype=jnp.int32)
    inp['edge_id_tab'] = jax.random.normal(ks[6], (MAXID + 1, 8), dtype=jnp.float32) * s
    inp['edge_pos_tab'] = jax.random.normal(ks[7], (3, 2), dtype=jnp.float32) * s
    inp['Wm1'] = jax.random.normal(ks[8], (10, 10), dtype=jnp.float32) * s
    inp['bm1'] = jnp.zeros((10,), dtype=jnp.float32)
    inp['Wm2'] = jax.random.normal(ks[9], (10, 1), dtype=jnp.float32) * s
    inp['bm2'] = jnp.zeros((1,), dtype=jnp.float32)
    inp['Wc1'] = jax.random.normal(ks[10], (3, H), dtype=jnp.float32) * s
    inp['bc1'] = jnp.zeros((H,), dtype=jnp.float32)
    inp['Wc2'] = jax.random.normal(ks[11], (H, H), dtype=jnp.float32) * s
    inp['bc2'] = jnp.zeros((H,), dtype=jnp.float32)
    inp['Wa1'] = jax.random.normal(ks[12], (2 * H, H), dtype=jnp.float32) * s
    inp['ba1'] = jnp.zeros((H,), dtype=jnp.float32)
    inp['Wa2'] = jax.random.normal(ks[13], (H, 1), dtype=jnp.float32) * s
    inp['ba2'] = jnp.zeros((1,), dtype=jnp.float32)
    inp['Wv1'] = jax.random.normal(ks[14], (2 * H, 2 * H), dtype=jnp.float32) * s
    inp['bv1'] = jnp.zeros((2 * H,), dtype=jnp.float32)
    inp['Wv2'] = jax.random.normal(ks[15], (2 * H, H), dtype=jnp.float32) * s
    inp['bv2'] = jnp.zeros((H,), dtype=jnp.float32)
    inp['Wv3'] = jax.random.normal(ks[16], (H, 1), dtype=jnp.float32) * s
    inp['bv3'] = jnp.zeros((1,), dtype=jnp.float32)
    return inp


def reference(status, est_size, degree, edge_index, edge_feat_id, edge_feat_pos,
              edge_id_tab, edge_pos_tab, Wm1, bm1, Wm2, bm2,
              Wc1, bc1, Wc2, bc2, Wa1, ba1, Wa2, ba2,
              Wv1, bv1, Wv2, bv2, Wv3, bv3):
    N = status.shape[0]
    # build node features
    deg_feat = jnp.where(jnp.any(degree > 2.0), _normalize(degree), jnp.ones_like(degree))
    nf = jnp.stack([status, _normalize(est_size), deg_feat], axis=1)
    # edge weights from embeddings + MLP (gather on embedding tables)
    ef = jnp.concatenate([jnp.take(edge_id_tab, edge_feat_id, axis=0),
                          jnp.take(edge_pos_tab, edge_feat_pos, axis=0)], axis=1)
    hm = jax.nn.relu(ef @ Wm1 + bm1)
    edge_weight = jax.nn.sigmoid(hm @ Wm2 + bm2)[:, 0]
    # two GCN layers
    x = jax.nn.relu(_gcn_conv(nf, edge_index, edge_weight, Wc1, bc1))
    x = jax.nn.relu(_gcn_conv(x, edge_index, edge_weight, Wc2, bc2))
    graph_rep = jnp.mean(x, axis=0)
    global_feat = jnp.broadcast_to(graph_rep[None, :], (N, graph_rep.shape[0]))
    combined = jnp.concatenate([x, global_feat], axis=1)
    action_logits = (jax.nn.relu(combined @ Wa1 + ba1) @ Wa2 + ba2)[:, 0]
    pooled = jnp.mean(combined, axis=0)
    v = jax.nn.relu(pooled[None, :] @ Wv1 + bv1)
    v = jax.nn.relu(v @ Wv2 + bv2)
    state_value = (v @ Wv3 + bv3)[0, 0]
    return (action_logits, state_value)

if __name__ == "__main__":
    import jax
    _d = setup_inputs()
    print(jax.jit(kernel)(*tuple(_d.values())))

</pallas_src>

<mosaic_0001>
#map = affine_map<(d0, d1) -> (0)>
#map1 = affine_map<(d0, d1) -> (0, 0)>
module attributes {stable_mosaic.version = 14 : i64} {
  func.func @_sc1(%arg0: i32, %arg1: i32, %arg2: memref<40448xf32, #tpu.memory_space<hbm>>, %arg3: memref<327680xi32, #tpu.memory_space<hbm>>, %arg4: memref<327680xi32, #tpu.memory_space<hbm>>, %arg5: memref<2560x128xi32, #tpu.memory_space<hbm>>, %arg6: memref<640xf32, #tpu.memory_space<hbm>>, %arg7: memref<327680xf32, #tpu.memory_space<hbm>>, %arg8: memref<2x10240xf32, #tpu.memory_space<hbm>>, %arg9: memref<40448xf32, #tpu.memory_space<vmem>>, %arg10: memref<10240xi32, #tpu.memory_space<vmem>>, %arg11: memref<10240xi32, #tpu.memory_space<vmem>>, %arg12: memref<80x128xi32, #tpu.memory_space<vmem>>, %arg13: memref<10240xf32, #tpu.memory_space<vmem>>, %arg14: memref<10240xf32, #tpu.memory_space<vmem_shared>>, %arg15: memref<!tpu.dma_semaphore, #tpu.memory_space<semaphore_mem>>) attributes {dimension_semantics = [#tpu.dimension_semantics<core_parallel>, #tpu.dimension_semantics<subcore_parallel>], iteration_bounds = array<i64: 2, 16>, scalar_prefetch = 0 : i64, scratch_operands = 7 : i64, tpu.core_type = #tpu.core_type<sc_vector_subcore>, window_params = [{transform_indices = #map}, {transform_indices = #map}, {transform_indices = #map}, {transform_indices = #map1}, {transform_indices = #map}, {transform_indices = #map}, {transform_indices = #map1}]} {
    %mul3A = arith.constant 16 : i32
    %mul3A_0 = arith.muli %arg0, %mul3A : i32
    %add3A = arith.addi %mul3A_0, %arg1 : i32
    %mul3A_1 = arith.constant 10240 : i32
    %mul3A_2 = arith.muli %add3A, %mul3A_1 : i32
    %mul3A_3 = arith.constant 16 : i32
    %mul3A_4 = arith.muli %arg0, %mul3A_3 : i32
    %add3A_5 = arith.addi %mul3A_4, %arg1 : i32
    %mul3A_6 = arith.constant 80 : i32
    %mul3A_7 = arith.muli %add3A_5, %mul3A_6 : i32
    "tpu.region"() ({
      %run_scoped3A = tpu.sem_alloc : memref<!tpu.dma_semaphore, #tpu.memory_space<semaphore_mem>>
      tpu.enqueue_dma source(%arg2 : memref<40448xf32, #tpu.memory_space<hbm>>) target(%arg9 : memref<40448xf32, #tpu.memory_space<vmem>>) target_semaphore(%run_scoped3A : memref<!tpu.dma_semaphore, #tpu.memory_space<semaphore_mem>>)
      tpu.wait_dma2 semaphore(%run_scoped3A : memref<!tpu.dma_semaphore, #tpu.memory_space<semaphore_mem>>) src(%arg2 : memref<40448xf32, #tpu.memory_space<hbm>>) dst(%arg9 : memref<40448xf32, #tpu.memory_space<vmem>>)
      tpu.yield
    }) : () -> ()
    "tpu.region"() ({
      %run_scoped3A = tpu.sem_alloc : memref<!tpu.dma_semaphore, #tpu.memory_space<semaphore_mem>>
      %dma_start3A = tpu.memref_slice %arg3[%mul3A_2] : memref<327680xi32, #tpu.memory_space<hbm>> -> memref<10240xi32, #tpu.memory_space<hbm>>
      %dma_start3A_29 = tpu.memref_slice %arg3[%mul3A_2] : memref<327680xi32, #tpu.memory_space<hbm>> -> memref<10240xi32, #tpu.memory_space<hbm>>
      tpu.enqueue_dma source(%dma_start3A_29 : memref<10240xi32, #tpu.memory_space<hbm>>) target(%arg10 : memref<10240xi32, #tpu.memory_space<vmem>>) target_semaphore(%run_scoped3A : memref<!tpu.dma_semaphore, #tpu.memory_space<semaphore_mem>>)
      %dma_wait3A = tpu.memref_slice %arg3[%mul3A_2] : memref<327680xi32, #tpu.memory_space<hbm>> -> memref<10240xi32, #tpu.memory_space<hbm>>
      %dma_wait3A_30 = tpu.memref_slice %arg3[%mul3A_2] : memref<327680xi32, #tpu.memory_space<hbm>> -> memref<10240xi32, #tpu.memory_space<hbm>>
      tpu.wait_dma2 semaphore(%run_scoped3A : memref<!tpu.dma_semaphore, #tpu.memory_space<semaphore_mem>>) src(%dma_wait3A_30 : memref<10240xi32, #tpu.memory_space<hbm>>) dst(%arg10 : memref<10240xi32, #tpu.memory_space<vmem>>)
      tpu.yield
    }) : () -> ()
    "tpu.region"() ({
      %run_scoped3A = tpu.sem_alloc : memref<!tpu.dma_semaphore, #tpu.memory_space<semaphore_mem>>
      %dma_start3A = tpu.memref_slice %arg4[%mul3A_2] : memref<327680xi32, #tpu.memory_space<hbm>> -> memref<10240xi32, #tpu.memory_space<hbm>>
      %dma_start3A_29 = tpu.memref_slice %arg4[%mul3A_2] : memref<327680xi32, #tpu.memory_space<hbm>> -> memref<10240xi32, #tpu.memory_space<hbm>>
      tpu.enqueue_dma source(%dma_start3A_29 : memref<10240xi32, #tpu.memory_space<hbm>>) target(%arg11 : memref<10240xi32, #tpu.memory_space<vmem>>) target_semaphore(%run_scoped3A : memref<!tpu.dma_semaphore, #tpu.memory_space<semaphore_mem>>)
      %dma_wait3A = tpu.memref_slice %arg4[%mul3A_2] : memref<327680xi32, #tpu.memory_space<hbm>> -> memref<10240xi32, #tpu.memory_space<hbm>>
      %dma_wait3A_30 = tpu.memref_slice %arg4[%mul3A_2] : memref<327680xi32, #tpu.memory_space<hbm>> -> memref<10240xi32, #tpu.memory_space<hbm>>
      tpu.wait_dma2 semaphore(%run_scoped3A : memref<!tpu.dma_semaphore, #tpu.memory_space<semaphore_mem>>) src(%dma_wait3A_30 : memref<10240xi32, #tpu.memory_space<hbm>>) dst(%arg11 : memref<10240xi32, #tpu.memory_space<vmem>>)
      tpu.yield
    }) : () -> ()
    "tpu.region"() ({
      %run_scoped3A = tpu.sem_alloc : memref<!tpu.dma_semaphore, #tpu.memory_space<semaphore_mem>>
      %dma_start3A = arith.constant 0 : i32
      %dma_start3A_29 = tpu.memref_slice %arg5[%mul3A_7, %dma_start3A] : memref<2560x128xi32, #tpu.memory_space<hbm>> -> memref<80x128xi32, #tpu.memory_space<hbm>>
      %dma_start3A_30 = arith.constant 0 : i32
      %dma_start3A_31 = tpu.memref_slice %arg5[%mul3A_7, %dma_start3A_30] : memref<2560x128xi32, #tpu.memory_space<hbm>> -> memref<80x128xi32, #tpu.memory_space<hbm>>
      tpu.enqueue_dma source(%dma_start3A_31 : memref<80x128xi32, #tpu.memory_space<hbm>>) target(%arg12 : memref<80x128xi32, #tpu.memory_space<vmem>>) target_semaphore(%run_scoped3A : memref<!tpu.dma_semaphore, #tpu.memory_space<semaphore_mem>>)
      %dma_wait3A = arith.constant 0 : i32
      %dma_wait3A_32 = tpu.memref_slice %arg5[%mul3A_7, %dma_wait3A] : memref<2560x128xi32, #tpu.memory_space<hbm>> -> memref<80x128xi32, #tpu.memory_space<hbm>>
      %dma_wait3A_33 = arith.constant 0 : i32
      %dma_wait3A_34 = tpu.memref_slice %arg5[%mul3A_7, %dma_wait3A_33] : memref<2560x128xi32, #tpu.memory_space<hbm>> -> memref<80x128xi32, #tpu.memory_space<hbm>>
      tpu.wait_dma2 semaphore(%run_scoped3A : memref<!tpu.dma_semaphore, #tpu.memory_space<semaphore_mem>>) src(%dma_wait3A_34 : memref<80x128xi32, #tpu.memory_space<hbm>>) dst(%arg12 : memref<80x128xi32, #tpu.memory_space<vmem>>)
      tpu.yield
    }) : () -> ()
    %mul3A_8 = arith.constant 640 : i32
    %mul3A_9 = arith.muli %arg1, %mul3A_8 : i32
    "tpu.region"() ({
      %run_scoped3A = tpu.sem_alloc : memref<!tpu.dma_semaphore, #tpu.memory_space<semaphore_mem>>
      %dma_start3A = tpu.memref_slice %arg14[%mul3A_9] : memref<10240xf32, #tpu.memory_space<vmem_shared>> -> memref<640xf32, #tpu.memory_space<vmem_shared>>
      %dma_start3A_29 = arith.constant 0 : i32
      %dma_start3A_30 = tpu.memref_slice %arg6[%dma_start3A_29] : memref<640xf32, #tpu.memory_space<hbm>> -> memref<640xf32, #tpu.memory_space<hbm>>
      tpu.enqueue_dma source(%dma_start3A_30 : memref<640xf32, #tpu.memory_space<hbm>>) target(%dma_start3A : memref<640xf32, #tpu.memory_space<vmem_shared>>) target_semaphore(%run_scoped3A : memref<!tpu.dma_semaphore, #tpu.memory_space<semaphore_mem>>)
      %dma_wait3A = tpu.memref_slice %arg14[%mul3A_9] : memref<10240xf32, #tpu.memory_space<vmem_shared>> -> memref<640xf32, #tpu.memory_space<vmem_shared>>
      %dma_wait3A_31 = arith.constant 0 : i32
      %dma_wait3A_32 = tpu.memref_slice %arg6[%dma_wait3A_31] : memref<640xf32, #tpu.memory_space<hbm>> -> memref<640xf32, #tpu.memory_space<hbm>>
      tpu.wait_dma2 semaphore(%run_scoped3A : memref<!tpu.dma_semaphore, #tpu.memory_space<semaphore_mem>>) src(%dma_wait3A_32 : memref<640xf32, #tpu.memory_space<hbm>>) dst(%dma_wait3A : memref<640xf32, #tpu.memory_space<vmem_shared>>)
      tpu.yield
    }) : () -> ()
    %barrier3A = arith.constant 0 : index
    tpu.barrier barrier_id(%barrier3A)
    %scan3A = arith.constant 0 : i32
    %scan3A_10 = arith.constant 640 : i32
    %scan3A_11 = arith.addi %scan3A, %scan3A_10 : i32
    %scan3A_12 = arith.constant 4 : i32
    scf.for %scan3A_29 = %scan3A to %scan3A_11 step %scan3A_12  : i32 {
      %mul3A_30 = arith.constant 1 : i32
      %mul3A_31 = arith.muli %scan3A_29, %mul3A_30 : i32
      %add3A_32 = arith.constant 0 : i32
      %add3A_33 = arith.addi %add3A_32, %mul3A_31 : i32
      %mul3A_34 = arith.constant 16 : i32
      %mul3A_35 = arith.muli %add3A_33, %mul3A_34 : i32
      %get3A = arith.index_cast %mul3A_35 : i32 to index
      %get3A_36 = tpu.vector_load %arg10[%get3A] {strides = array<i32>} : memref<10240xi32, #tpu.memory_space<vmem>>, vector<16xi32>,
      %mul3A_37 = arith.constant 4 : i32
      %mul3A_38 = vector.broadcast %mul3A_37 : i32 to vector<16xi32>
      %mul3A_39 = arith.muli %get3A_36, %mul3A_38 : vector<16xi32>
      %mul3A_40 = arith.constant 16 : i32
      %mul3A_41 = arith.muli %add3A_33, %mul3A_40 : i32
      %get3A_42 = arith.index_cast %mul3A_41 : i32 to index
      %get3A_43 = tpu.vector_load %arg11[%get3A_42] {strides = array<i32>} : memref<10240xi32, #tpu.memory_space<vmem>>, vector<16xi32>,
      %add3A_44 = arith.addi %mul3A_39, %get3A_43 : vector<16xi32>
      %gather3A = tpu.vector_load_idx %arg9[%add3A_44] : memref<40448xf32, #tpu.memory_space<vmem>>[vector<16xi32>], vector<16xf32>,
      %mul3A_45 = arith.constant 16 : i32
      %mul3A_46 = arith.muli %add3A_33, %mul3A_45 : i32
      %add3A_47 = arith.addi %mul3A_2, %mul3A_46 : i32
      %iota3A = tpu.iota {dimensions = array<i32: 0>} : vector<16xi32>
      %add3A_48 = vector.broadcast %add3A_47 : i32 to vector<16xi32>
      %add3A_49 = arith.addi %add3A_48, %iota3A : vector<16xi32>
      %lt3A = arith.constant 320000 : i32
      %lt3A_50 = vector.broadcast %lt3A : i32 to vector<16xi32>
      %lt3A_51 = arith.cmpi slt, %add3A_49, %lt3A_50 : vector<16xi32>
      %jit3A = arith.constant 0.000000e+00 : f32
      %broadcast_in_dim3A = vector.broadcast %jit3A : f32 to vector<16xf32>
      %select_n3A = arith.select %lt3A_51, %gather3A, %broadcast_in_dim3A : vector<16xi1>, vector<16xf32>
      %mul3A_52 = arith.constant 16 : i32
      %mul3A_53 = arith.muli %add3A_33, %mul3A_52 : i32
      %swap3A = arith.index_cast %mul3A_53 : i32 to index
      %swap3A_54 = tpu.vector_load %arg13[%swap3A] {strides = array<i32>} : memref<10240xf32, #tpu.memory_space<vmem>>, vector<16xf32>,
      tpu.vector_store %arg13[%swap3A], %select_n3A {strides = array<i32>} : memref<10240xf32, #tpu.memory_space<vmem>>, vector<16xf32>,
      %scan3A_55 = arith.constant 1 : i32
      %scan3A_56 = arith.addi %scan3A_29, %scan3A_55 : i32
      %mul3A_57 = arith.constant 1 : i32
      %mul3A_58 = arith.muli %scan3A_56, %mul3A_57 : i32
      %add3A_59 = arith.constant 0 : i32
      %add3A_60 = arith.addi %add3A_59, %mul3A_58 : i32
      %mul3A_61 = arith.constant 16 : i32
      %mul3A_62 = arith.muli %add3A_60, %mul3A_61 : i32
      %get3A_63 = arith.index_cast %mul3A_62 : i32 to index
      %get3A_64 = tpu.vector_load %arg10[%get3A_63] {strides = array<i32>} : memref<10240xi32, #tpu.memory_space<vmem>>, vector<16xi32>,
      %mul3A_65 = arith.constant 4 : i32
      %mul3A_66 = vector.broadcast %mul3A_65 : i32 to vector<16xi32>
      %mul3A_67 = arith.muli %get3A_64, %mul3A_66 : vector<16xi32>
      %mul3A_68 = arith.constant 16 : i32
      %mul3A_69 = arith.muli %add3A_60, %mul3A_68 : i32
      %get3A_70 = arith.index_cast %mul3A_69 : i32 to index
      %get3A_71 = tpu.vector_load %arg11[%get3A_70] {strides = array<i32>} : memref<10240xi32, #tpu.memory_space<vmem>>, vector<16xi32>,
      %add3A_72 = arith.addi %mul3A_67, %get3A_71 : vector<16xi32>
      %gather3A_73 = tpu.vector_load_idx %arg9[%add3A_72] : memref<40448xf32, #tpu.memory_space<vmem>>[vector<16xi32>], vector<16xf32>,
      %mul3A_74 = arith.constant 16 : i32
      %mul3A_75 = arith.muli %add3A_60, %mul3A_74 : i32
      %add3A_76 = arith.addi %mul3A_2, %mul3A_75 : i32
      %iota3A_77 = tpu.iota {dimensions = array<i32: 0>} : vector<16xi32>
      %add3A_78 = vector.broadcast %add3A_76 : i32 to vector<16xi32>
      %add3A_79 = arith.addi %add3A_78, %iota3A_77 : vector<16xi32>
      %lt3A_80 = arith.constant 320000 : i32
      %lt3A_81 = vector.broadcast %lt3A_80 : i32 to vector<16xi32>
      %lt3A_82 = arith.cmpi slt, %add3A_79, %lt3A_81 : vector<16xi32>
      %jit3A_83 = arith.constant 0.000000e+00 : f32
      %broadcast_in_dim3A_84 = vector.broadcast %jit3A_83 : f32 to vector<16xf32>
      %select_n3A_85 = arith.select %lt3A_82, %gather3A_73, %broadcast_in_dim3A_84 : vector<16xi1>, vector<16xf32>
      %mul3A_86 = arith.constant 16 : i32
      %mul3A_87 = arith.muli %add3A_60, %mul3A_86 : i32
      %swap3A_88 = arith.index_cast %mul3A_87 : i32 to index
      %swap3A_89 = tpu.vector_load %arg13[%swap3A_88] {strides = array<i32>} : memref<10240xf32, #tpu.memory_space<vmem>>, vector<16xf32>,
      tpu.vector_store %arg13[%swap3A_88], %select_n3A_85 {strides = array<i32>} : memref<10240xf32, #tpu.memory_space<vmem>>, vector<16xf32>,
      %scan3A_90 = arith.constant 2 : i32
      %scan3A_91 = arith.addi %scan3A_29, %scan3A_90 : i32
      %mul3A_92 = arith.constant 1 : i32
      %mul3A_93 = arith.muli %scan3A_91, %mul3A_92 : i32
      %add3A_94 = arith.constant 0 : i32
      %add3A_95 = arith.addi %add3A_94, %mul3A_93 : i32
      %mul3A_96 = arith.constant 16 : i32
      %mul3A_97 = arith.muli %add3A_95, %mul3A_96 : i32
      %get3A_98 = arith.index_cast %mul3A_97 : i32 to index
      %get3A_99 = tpu.vector_load %arg10[%get3A_98] {strides = array<i32>} : memref<10240xi32, #tpu.memory_space<vmem>>, vector<16xi32>,
      %mul3A_100 = arith.constant 4 : i32
      %mul3A_101 = vector.broadcast %mul3A_100 : i32 to vector<16xi32>
      %mul3A_102 = arith.muli %get3A_99, %mul3A_101 : vector<16xi32>
      %mul3A_103 = arith.constant 16 : i32
      %mul3A_104 = arith.muli %add3A_95, %mul3A_103 : i32
      %get3A_105 = arith.index_cast %mul3A_104 : i32 to index
      %get3A_106 = tpu.vector_load %arg11[%get3A_105] {strides = array<i32>} : memref<10240xi32, #tpu.memory_space<vmem>>, vector<16xi32>,
      %add3A_107 = arith.addi %mul3A_102, %get3A_106 : vector<16xi32>
      %gather3A_108 = tpu.vector_load_idx %arg9[%add3A_107] : memref<40448xf32, #tpu.memory_space<vmem>>[vector<16xi32>], vector<16xf32>,
      %mul3A_109 = arith.constant 16 : i32
      %mul3A_110 = arith.muli %add3A_95, %mul3A_109 : i32
      %add3A_111 = arith.addi %mul3A_2, %mul3A_110 : i32
      %iota3A_112 = tpu.iota {dimensions = array<i32: 0>} : vector<16xi32>
      %add3A_113 = vector.broadcast %add3A_111 : i32 to vector<16xi32>
      %add3A_114 = arith.addi %add3A_113, %iota3A_112 : vector<16xi32>
      %lt3A_115 = arith.constant 320000 : i32
      %lt3A_116 = vector.broadcast %lt3A_115 : i32 to vector<16xi32>
      %lt3A_117 = arith.cmpi slt, %add3A_114, %lt3A_116 : vector<16xi32>
      %jit3A_118 = arith.constant 0.000000e+00 : f32
      %broadcast_in_dim3A_119 = vector.broadcast %jit3A_118 : f32 to vector<16xf32>
      %select_n3A_120 = arith.select %lt3A_117, %gather3A_108, %broadcast_in_dim3A_119 : vector<16xi1>, vector<16xf32>
      %mul3A_121 = arith.constant 16 : i32
      %mul3A_122 = arith.muli %add3A_95, %mul3A_121 : i32
      %swap3A_123 = arith.index_cast %mul3A_122 : i32 to index
      %swap3A_124 = tpu.vector_load %arg13[%swap3A_123] {strides = array<i32>} : memref<10240xf32, #tpu.memory_space<vmem>>, vector<16xf32>,
      tpu.vector_store %arg13[%swap3A_123], %select_n3A_120 {strides = array<i32>} : memref<10240xf32, #tpu.memory_space<vmem>>, vector<16xf32>,
      %scan3A_125 = arith.constant 3 : i32
      %scan3A_126 = arith.addi %scan3A_29, %scan3A_125 : i32
      %mul3A_127 = arith.constant 1 : i32
      %mul3A_128 = arith.muli %scan3A_126, %mul3A_127 : i32
      %add3A_129 = arith.constant 0 : i32
      %add3A_130 = arith.addi %add3A_129, %mul3A_128 : i32
      %mul3A_131 = arith.constant 16 : i32
      %mul3A_132 = arith.muli %add3A_130, %mul3A_131 : i32
      %get3A_133 = arith.index_cast %mul3A_132 : i32 to index
      %get3A_134 = tpu.vector_load %arg10[%get3A_133] {strides = array<i32>} : memref<10240xi32, #tpu.memory_space<vmem>>, vector<16xi32>,
      %mul3A_135 = arith.constant 4 : i32
      %mul3A_136 = vector.broadcast %mul3A_135 : i32 to vector<16xi32>
      %mul3A_137 = arith.muli %get3A_134, %mul3A_136 : vector<16xi32>
      %mul3A_138 = arith.constant 16 : i32
      %mul3A_139 = arith.muli %add3A_130, %mul3A_138 : i32
      %get3A_140 = arith.index_cast %mul3A_139 : i32 to index
      %get3A_141 = tpu.vector_load %arg11[%get3A_140] {strides = array<i32>} : memref<10240xi32, #tpu.memory_space<vmem>>, vector<16xi32>,
      %add3A_142 = arith.addi %mul3A_137, %get3A_141 : vector<16xi32>
      %gather3A_143 = tpu.vector_load_idx %arg9[%add3A_142] : memref<40448xf32, #tpu.memory_space<vmem>>[vector<16xi32>], vector<16xf32>,
      %mul3A_144 = arith.constant 16 : i32
      %mul3A_145 = arith.muli %add3A_130, %mul3A_144 : i32
      %add3A_146 = arith.addi %mul3A_2, %mul3A_145 : i32
      %iota3A_147 = tpu.iota {dimensions = array<i32: 0>} : vector<16xi32>
      %add3A_148 = vector.broadcast %add3A_146 : i32 to vector<16xi32>
      %add3A_149 = arith.addi %add3A_148, %iota3A_147 : vector<16xi32>
      %lt3A_150 = arith.constant 320000 : i32
      %lt3A_151 = vector.broadcast %lt3A_150 : i32 to vector<16xi32>
      %lt3A_152 = arith.cmpi slt, %add3A_149, %lt3A_151 : vector<16xi32>
      %jit3A_153 = arith.constant 0.000000e+00 : f32
      %broadcast_in_dim3A_154 = vector.broadcast %jit3A_153 : f32 to vector<16xf32>
      %select_n3A_155 = arith.select %lt3A_152, %gather3A_143, %broadcast_in_dim3A_154 : vector<16xi1>, vector<16xf32>
      %mul3A_156 = arith.constant 16 : i32
      %mul3A_157 = arith.muli %add3A_130, %mul3A_156 : i32
      %swap3A_158 = arith.index_cast %mul3A_157 : i32 to index
      %swap3A_159 = tpu.vector_load %arg13[%swap3A_158] {strides = array<i32>} : memref<10240xf32, #tpu.memory_space<vmem>>, vector<16xf32>,
      tpu.vector_store %arg13[%swap3A_158], %select_n3A_155 {strides = array<i32>} : memref<10240xf32, #tpu.memory_space<vmem>>, vector<16xf32>,
    }
    %scan3A_13 = arith.constant 640 : i32
    "tpu.region"() ({
      %run_scoped3A = tpu.sem_alloc : memref<!tpu.dma_semaphore, #tpu.memory_space<semaphore_mem>>
      %dma_start3A = tpu.memref_slice %arg7[%mul3A_2] : memref<327680xf32, #tpu.memory_space<hbm>> -> memref<10240xf32, #tpu.memory_space<hbm>>
      %dma_start3A_29 = tpu.memref_slice %arg7[%mul3A_2] : memref<327680xf32, #tpu.memory_space<hbm>> -> memref<10240xf32, #tpu.memory_space<hbm>>
      tpu.enqueue_dma source(%arg13 : memref<10240xf32, #tpu.memory_space<vmem>>) target(%dma_start3A_29 : memref<10240xf32, #tpu.memory_space<hbm>>) target_semaphore(%run_scoped3A : memref<!tpu.dma_semaphore, #tpu.memory_space<semaphore_mem>>)
      %dma_wait3A = tpu.memref_slice %arg7[%mul3A_2] : memref<327680xf32, #tpu.memory_space<hbm>> -> memref<10240xf32, #tpu.memory_space<hbm>>
      %dma_wait3A_30 = tpu.memref_slice %arg7[%mul3A_2] : memref<327680xf32, #tpu.memory_space<hbm>> -> memref<10240xf32, #tpu.memory_space<hbm>>
      tpu.wait_dma2 semaphore(%run_scoped3A : memref<!tpu.dma_semaphore, #tpu.memory_space<semaphore_mem>>) src(%arg13 : memref<10240xf32, #tpu.memory_space<vmem>>) dst(%dma_wait3A_30 : memref<10240xf32, #tpu.memory_space<hbm>>)
      tpu.yield
    }) : () -> ()
    %scan3A_14 = arith.constant 0 : i32
    %scan3A_15 = arith.constant 80 : i32
    %scan3A_16 = arith.addi %scan3A_14, %scan3A_15 : i32
    %scan3A_17 = arith.constant 1 : i32
    scf.for %scan3A_29 = %scan3A_14 to %scan3A_16 step %scan3A_17  : i32 {
      %mul3A_30 = arith.constant 1 : i32
      %mul3A_31 = arith.muli %scan3A_29, %mul3A_30 : i32
      %add3A_32 = arith.constant 0 : i32
      %add3A_33 = arith.addi %add3A_32, %mul3A_31 : i32
      %mul3A_34 = arith.constant 128 : i32
      %mul3A_35 = arith.muli %add3A_33, %mul3A_34 : i32
      %dma_start3A = tpu.memref_slice %arg13[%mul3A_35] : memref<10240xf32, #tpu.memory_space<vmem>> -> memref<128xf32, #tpu.memory_space<vmem>>
      %dma_start3A_36 = arith.constant 0 : i32
      %dma_start3A_37 = tpu.memref_slice %arg12[%add3A_33, %dma_start3A_36] : memref<80x128xi32, #tpu.memory_space<vmem>> -> memref<1x128xi32, #tpu.memory_space<vmem>>
      %dma_start3A_38 = tpu.memref_squeeze %dma_start3A_37 : memref<1x128xi32, #tpu.memory_space<vmem>> -> memref<128xi32, #tpu.memory_space<vmem>>
      %dma_start3A_39 = arith.constant 0 : i32
      %dma_start3A_40 = tpu.memref_slice %arg14[%dma_start3A_39] : memref<10240xf32, #tpu.memory_space<vmem_shared>> -> memref<10240xf32, #tpu.memory_space<vmem_shared>>
      tpu.enqueue_indirect_dma source(%dma_start3A : memref<128xf32, #tpu.memory_space<vmem>>) target(%dma_start3A_40 : memref<10240xf32, #tpu.memory_space<vmem_shared>>) offsets(%dma_start3A_38 : memref<128xi32, #tpu.memory_space<vmem>>) semaphore(%arg15 : memref<!tpu.dma_semaphore, #tpu.memory_space<semaphore_mem>>) {add = true}
    }
    %scan3A_18 = arith.constant 80 : i32
    %scan3A_19 = arith.constant 0 : i32
    %scan3A_20 = arith.constant 80 : i32
    %scan3A_21 = arith.addi %scan3A_19, %scan3A_20 : i32
    %scan3A_22 = arith.constant 1 : i32
    scf.for %scan3A_29 = %scan3A_19 to %scan3A_21 step %scan3A_22  : i32 {
      %mul3A_30 = arith.constant 1 : i32
      %mul3A_31 = arith.muli %scan3A_29, %mul3A_30 : i32
      %add3A_32 = arith.constant 0 : i32
      %add3A_33 = arith.addi %add3A_32, %mul3A_31 : i32
      %mul3A_34 = arith.constant 128 : i32
      %mul3A_35 = arith.muli %add3A_33, %mul3A_34 : i32
      %dma_wait3A = tpu.memref_slice %arg13[%mul3A_35] : memref<10240xf32, #tpu.memory_space<vmem>> -> memref<128xf32, #tpu.memory_space<vmem>>
      %dma_wait3A_36 = arith.constant 0 : i32
      %dma_wait3A_37 = tpu.memref_slice %arg12[%add3A_33, %dma_wait3A_36] : memref<80x128xi32, #tpu.memory_space<vmem>> -> memref<1x128xi32, #tpu.memory_space<vmem>>
      %dma_wait3A_38 = tpu.memref_squeeze %dma_wait3A_37 : memref<1x128xi32, #tpu.memory_space<vmem>> -> memref<128xi32, #tpu.memory_space<vmem>>
      %dma_wait3A_39 = arith.constant 0 : i32
      %dma_wait3A_40 = tpu.memref_slice %arg14[%dma_wait3A_39] : memref<10240xf32, #tpu.memory_space<vmem_shared>> -> memref<10240xf32, #tpu.memory_space<vmem_shared>>
      tpu.wait_indirect_dma semaphore(%arg15 : memref<!tpu.dma_semaphore, #tpu.memory_space<semaphore_mem>>) src(%dma_wait3A : memref<128xf32, #tpu.memory_space<vmem>>) dst(%dma_wait3A_40 : memref<10240xf32, #tpu.memory_space<vmem_shared>>)
    }
    %scan3A_23 = arith.constant 80 : i32
    %barrier3A_24 = arith.constant 0 : index
    tpu.barrier barrier_id(%barrier3A_24)
    %mul3A_25 = arith.constant 640 : i32
    %mul3A_26 = arith.muli %arg1, %mul3A_25 : i32
    %mul3A_27 = arith.constant 640 : i32
    %mul3A_28 = arith.muli %arg1, %mul3A_27 : i32
    "tpu.region"() ({
      %run_scoped3A = tpu.sem_alloc : memref<!tpu.dma_semaphore, #tpu.memory_space<semaphore_mem>>
      %dma_start3A = tpu.memref_slice %arg8[%arg0, %mul3A_28] : memref<2x10240xf32, #tpu.memory_space<hbm>> -> memref<1x640xf32, #tpu.memory_space<hbm>>
      %dma_start3A_29 = tpu.memref_squeeze %dma_start3A : memref<1x640xf32, #tpu.memory_space<hbm>> -> memref<640xf32, #tpu.memory_space<hbm>>
      %dma_start3A_30 = tpu.memref_slice %arg14[%mul3A_26] : memref<10240xf32, #tpu.memory_space<vmem_shared>> -> memref<640xf32, #tpu.memory_space<vmem_shared>>
      tpu.enqueue_dma source(%dma_start3A_30 : memref<640xf32, #tpu.memory_space<vmem_shared>>) target(%dma_start3A_29 : memref<640xf32, #tpu.memory_space<hbm>>) target_semaphore(%run_scoped3A : memref<!tpu.dma_semaphore, #tpu.memory_space<semaphore_mem>>)
      %dma_wait3A = tpu.memref_slice %arg8[%arg0, %mul3A_28] : memref<2x10240xf32, #tpu.memory_space<hbm>> -> memref<1x640xf32, #tpu.memory_space<hbm>>
      %dma_wait3A_31 = tpu.memref_squeeze %dma_wait3A : memref<1x640xf32, #tpu.memory_space<hbm>> -> memref<640xf32, #tpu.memory_space<hbm>>
      %dma_wait3A_32 = tpu.memref_slice %arg14[%mul3A_26] : memref<10240xf32, #tpu.memory_space<vmem_shared>> -> memref<640xf32, #tpu.memory_space<vmem_shared>>
      tpu.wait_dma2 semaphore(%run_scoped3A : memref<!tpu.dma_semaphore, #tpu.memory_space<semaphore_mem>>) src(%dma_wait3A_32 : memref<640xf32, #tpu.memory_space<vmem_shared>>) dst(%dma_wait3A_31 : memref<640xf32, #tpu.memory_space<hbm>>)
      tpu.yield
    }) : () -> ()
    return
  }
}

#map = affine_map<(d0, d1) -> (0, 0)>
#map1 = affine_map<(d0, d1) -> (0)>
#map2 = affine_map<(d0, d1) -> (0, 0, 0, 0)>
module attributes {stable_mosaic.version = 14 : i64} {
  func.func @spmm(%arg0: i32, %arg1: i32, %arg2: memref<10000x16xf32, #tpu.memory_space<hbm>>, %arg3: memref<327680xi32, #tpu.memory_space<hbm>>, %arg4: memref<2560x128xi32, #tpu.memory_space<hbm>>, %arg5: memref<327680xf32, #tpu.memory_space<hbm>>, %arg6: memref<640x16xf32, #tpu.memory_space<hbm>>, %arg7: memref<1x2x10240x16xf32, #tpu.memory_space<hbm>>, %arg8: memref<10240xi32, #tpu.memory_space<vmem>>, %arg9: memref<80x128xi32, #tpu.memory_space<vmem>>, %arg10: memref<10240xf32, #tpu.memory_space<vmem>>, %arg11: memref<128x16xf32, #tpu.memory_space<vmem>>, %arg12: memref<128x16xf32, #tpu.memory_space<vmem>>, %arg13: memref<128xi32, #tpu.memory_space<vmem>>, %arg14: memref<128xi32, #tpu.memory_space<vmem>>, %arg15: memref<10240x16xf32, #tpu.memory_space<vmem_shared>>, %arg16: memref<!tpu.dma_semaphore, #tpu.memory_space<semaphore_mem>>, %arg17: memref<!tpu.dma_semaphore, #tpu.memory_space<semaphore_mem>>, %arg18: memref<!tpu.dma_semaphore, #tpu.memory_space<semaphore_mem>>, %arg19: memref<!tpu.dma_semaphore, #tpu.memory_space<semaphore_mem>>) attributes {dimension_semantics = [#tpu.dimension_semantics<core_parallel>, #tpu.dimension_semantics<subcore_parallel>], iteration_bounds = array<i64: 2, 16>, scalar_prefetch = 0 : i64, scratch_operands = 12 : i64, tpu.core_type = #tpu.core_type<sc_vector_subcore>, window_params = [{transform_indices = #map}, {transform_indices = #map1}, {transform_indices = #map}, {transform_indices = #map1}, {transform_indices = #map}, {transform_indices = #map2}]} {
    %mul3A = arith.constant 16 : i32
    %mul3A_0 = arith.muli %arg0, %mul3A : i32
    %add3A = arith.addi %mul3A_0, %arg1 : i32
    %mul3A_1 = arith.constant 10240 : i32
    %mul3A_2 = arith.muli %add3A, %mul3A_1 : i32
    %jit3A = arith.constant 128 : i32
    %div3A = arith.divsi %mul3A_2, %jit3A : i32
    %sign3A = arith.constant 0 : i32
    %sign3A_3 = arith.cmpi sgt, %mul3A_2, %sign3A : i32
    %sign3A_4 = arith.extui %sign3A_3 : i1 to i32
    %sign3A_5 = arith.constant 0 : i32
    %sign3A_6 = arith.cmpi slt, %mul3A_2, %sign3A_5 : i32
    %sign3A_7 = arith.extui %sign3A_6 : i1 to i32
    %sign3A_8 = arith.subi %sign3A_4, %sign3A_7 : i32
    %sign3A_9 = arith.constant 0 : i32
    %sign3A_10 = arith.cmpi sgt, %jit3A, %sign3A_9 : i32
    %sign3A_11 = arith.extui %sign3A_10 : i1 to i32
    %sign3A_12 = arith.constant 0 : i32
    %sign3A_13 = arith.cmpi slt, %jit3A, %sign3A_12 : i32
    %sign3A_14 = arith.extui %sign3A_13 : i1 to i32
    %sign3A_15 = arith.subi %sign3A_11, %sign3A_14 : i32
    %ne3A = arith.cmpi ne, %sign3A_8, %sign3A_15 : i32
    %rem3A = arith.remsi %mul3A_2, %jit3A : i32
    %ne3A_16 = arith.constant 0 : i32
    %ne3A_17 = arith.cmpi ne, %rem3A, %ne3A_16 : i32
    %and3A = arith.andi %ne3A, %ne3A_17 : i1
    %sub3A = arith.constant 1 : i32
    %sub3A_18 = arith.subi %div3A, %sub3A : i32
    %select_n3A = arith.select %and3A, %sub3A_18, %div3A : i32
    "tpu.region"() ({
      %run_scoped3A_34 = tpu.sem_alloc : memref<!tpu.dma_semaphore, #tpu.memory_space<semaphore_mem>>
      %dma_start3A_35 = tpu.memref_slice %arg3[%mul3A_2] : memref<327680xi32, #tpu.memory_space<hbm>> -> memref<10240xi32, #tpu.memory_space<hbm>>
      %dma_start3A_36 = tpu.memref_slice %arg3[%mul3A_2] : memref<327680xi32, #tpu.memory_space<hbm>> -> memref<10240xi32, #tpu.memory_space<hbm>>
      tpu.enqueue_dma source(%dma_start3A_36 : memref<10240xi32, #tpu.memory_space<hbm>>) target(%arg8 : memref<10240xi32, #tpu.memory_space<vmem>>) target_semaphore(%run_scoped3A_34 : memref<!tpu.dma_semaphore, #tpu.memory_space<semaphore_mem>>)
      %dma_wait3A = tpu.memref_slice %arg3[%mul3A_2] : memref<327680xi32, #tpu.memory_space<hbm>> -> memref<10240xi32, #tpu.memory_space<hbm>>
      %dma_wait3A_37 = tpu.memref_slice %arg3[%mul3A_2] : memref<327680xi32, #tpu.memory_space<hbm>> -> memref<10240xi32, #tpu.memory_space<hbm>>
      tpu.wait_dma2 semaphore(%run_scoped3A_34 : memref<!tpu.dma_semaphore, #tpu.memory_space<semaphore_mem>>) src(%dma_wait3A_37 : memref<10240xi32, #tpu.memory_space<hbm>>) dst(%arg8 : memref<10240xi32, #tpu.memory_space<vmem>>)
      tpu.yield
    }) : () -> ()
    "tpu.region"() ({
      %run_scoped3A_34 = tpu.sem_alloc : memref<!tpu.dma_semaphore, #tpu.memory_space<semaphore_mem>>
      %dma_start3A_35 = arith.constant 0 : i32
      %dma_start3A_36 = tpu.memref_slice %arg4[%select_n3A, %dma_start3A_35] : memref<2560x128xi32, #tpu.memory_space<hbm>> -> memref<80x128xi32, #tpu.memory_space<hbm>>
      %dma_start3A_37 = arith.constant 0 : i32
      %dma_start3A_38 = tpu.memref_slice %arg4[%select_n3A, %dma_start3A_37] : memref<2560x128xi32, #tpu.memory_space<hbm>> -> memref<80x128xi32, #tpu.memory_space<hbm>>
      tpu.enqueue_dma source(%dma_start3A_38 : memref<80x128xi32, #tpu.memory_space<hbm>>) target(%arg9 : memref<80x128xi32, #tpu.memory_space<vmem>>) target_semaphore(%run_scoped3A_34 : memref<!tpu.dma_semaphore, #tpu.memory_space<semaphore_mem>>)
      %dma_wait3A = arith.constant 0 : i32
      %dma_wait3A_39 = tpu.memref_slice %arg4[%select_n3A, %dma_wait3A] : memref<2560x128xi32, #tpu.memory_space<hbm>> -> memref<80x128xi32, #tpu.memory_space<hbm>>
      %dma_wait3A_40 = arith.constant 0 : i32
      %dma_wait3A_41 = tpu.memref_slice %arg4[%select_n3A, %dma_wait3A_40] : memref<2560x128xi32, #tpu.memory_space<hbm>> -> memref<80x128xi32, #tpu.memory_space<hbm>>
      tpu.wait_dma2 semaphore(%run_scoped3A_34 : memref<!tpu.dma_semaphore, #tpu.memory_space<semaphore_mem>>) src(%dma_wait3A_41 : memref<80x128xi32, #tpu.memory_space<hbm>>) dst(%arg9 : memref<80x128xi32, #tpu.memory_space<vmem>>)
      tpu.yield
    }) : () -> ()
    "tpu.region"() ({
      %run_scoped3A_34 = tpu.sem_alloc : memref<!tpu.dma_semaphore, #tpu.memory_space<semaphore_mem>>
      %dma_start3A_35 = tpu.memref_slice %arg5[%mul3A_2] : memref<327680xf32, #tpu.memory_space<hbm>> -> memref<10240xf32, #tpu.memory_space<hbm>>
      %dma_start3A_36 = tpu.memref_slice %arg5[%mul3A_2] : memref<327680xf32, #tpu.memory_space<hbm>> -> memref<10240xf32, #tpu.memory_space<hbm>>
      tpu.enqueue_dma source(%dma_start3A_36 : memref<10240xf32, #tpu.memory_space<hbm>>) target(%arg10 : memref<10240xf32, #tpu.memory_space<vmem>>) target_semaphore(%run_scoped3A_34 : memref<!tpu.dma_semaphore, #tpu.memory_space<semaphore_mem>>)
      %dma_wait3A = tpu.memref_slice %arg5[%mul3A_2] : memref<327680xf32, #tpu.memory_space<hbm>> -> memref<10240xf32, #tpu.memory_space<hbm>>
      %dma_wait3A_37 = tpu.memref_slice %arg5[%mul3A_2] : memref<327680xf32, #tpu.memory_space<hbm>> -> memref<10240xf32, #tpu.memory_space<hbm>>
      tpu.wait_dma2 semaphore(%run_scoped3A_34 : memref<!tpu.dma_semaphore, #tpu.memory_space<semaphore_mem>>) src(%dma_wait3A_37 : memref<10240xf32, #tpu.memory_space<hbm>>) dst(%arg10 : memref<10240xf32, #tpu.memory_space<vmem>>)
      tpu.yield
    }) : () -> ()
    %mul3A_19 = arith.constant 640 : i32
    %mul3A_20 = arith.muli %arg1, %mul3A_19 : i32
    "tpu.region"() ({
      %run_scoped3A_34 = tpu.sem_alloc : memref<!tpu.dma_semaphore, #tpu.memory_space<semaphore_mem>>
      %dma_start3A_35 = arith.constant 0 : i32
      %dma_start3A_36 = tpu.memref_slice %arg15[%mul3A_20, %dma_start3A_35] : memref<10240x16xf32, #tpu.memory_space<vmem_shared>> -> memref<640x16xf32, #tpu.memory_space<vmem_shared>>
      %dma_start3A_37 = arith.constant 0 : i32
      %dma_start3A_38 = arith.constant 0 : i32
      %dma_start3A_39 = tpu.memref_slice %arg6[%dma_start3A_37, %dma_start3A_38] : memref<640x16xf32, #tpu.memory_space<hbm>> -> memref<640x16xf32, #tpu.memory_space<hbm>>
      tpu.enqueue_dma source(%dma_start3A_39 : memref<640x16xf32, #tpu.memory_space<hbm>>) target(%dma_start3A_36 : memref<640x16xf32, #tpu.memory_space<vmem_shared>>) target_semaphore(%run_scoped3A_34 : memref<!tpu.dma_semaphore, #tpu.memory_space<semaphore_mem>>)
      %dma_wait3A = arith.constant 0 : i32
      %dma_wait3A_40 = tpu.memref_slice %arg15[%mul3A_20, %dma_wait3A] : memref<10240x16xf32, #tpu.memory_space<vmem_shared>> -> memref<640x16xf32, #tpu.memory_space<vmem_shared>>
      %dma_wait3A_41 = arith.constant 0 : i32
      %dma_wait3A_42 = arith.constant 0 : i32
      %dma_wait3A_43 = tpu.memref_slice %arg6[%dma_wait3A_41, %dma_wait3A_42] : memref<640x16xf32, #tpu.memory_space<hbm>> -> memref<640x16xf32, #tpu.memory_space<hbm>>
      tpu.wait_dma2 semaphore(%run_scoped3A_34 : memref<!tpu.dma_semaphore, #tpu.memory_space<semaphore_mem>>) src(%dma_wait3A_43 : memref<640x16xf32, #tpu.memory_space<hbm>>) dst(%dma_wait3A_40 : memref<640x16xf32, #tpu.memory_space<vmem_shared>>)
      tpu.yield
    }) : () -> ()
    %barrier3A = arith.constant 0 : index
    tpu.barrier barrier_id(%barrier3A)
    %dma_start3A = arith.constant 0 : i32
    %dma_start3A_21 = tpu.memref_slice %arg8[%dma_start3A] : memref<10240xi32, #tpu.memory_space<vmem>> -> memref<128xi32, #tpu.memory_space<vmem>>
    %dma_start3A_22 = arith.constant 0 : i32
    %dma_start3A_23 = arith.constant 0 : i32
    %dma_start3A_24 = tpu.memref_slice %arg2[%dma_start3A_22, %dma_start3A_23] : memref<10000x16xf32, #tpu.memory_space<hbm>> -> memref<10000x16xf32, #tpu.memory_space<hbm>>
    tpu.enqueue_indirect_dma source(%dma_start3A_24 : memref<10000x16xf32, #tpu.memory_space<hbm>>) target(%arg11 : memref<128x16xf32, #tpu.memory_space<vmem>>) offsets(%dma_start3A_21 : memref<128xi32, #tpu.memory_space<vmem>>) semaphore(%arg16 : memref<!tpu.dma_semaphore, #tpu.memory_space<semaphore_mem>>)
    %scan3A = arith.constant 0 : i32
    %scan3A_25 = arith.constant 40 : i32
    %scan3A_26 = arith.addi %scan3A, %scan3A_25 : i32
    %scan3A_27 = arith.constant 1 : i32
    scf.for %scan3A_34 = %scan3A to %scan3A_26 step %scan3A_27  : i32 {
      %mul3A_35 = arith.constant 1 : i32
      %mul3A_36 = arith.muli %scan3A_34, %mul3A_35 : i32
      %add3A_37 = arith.constant 0 : i32
      %add3A_38 = arith.addi %add3A_37, %mul3A_36 : i32
      %mul3A_39 = arith.constant 2 : i32
      %mul3A_40 = arith.muli %mul3A_39, %add3A_38 : i32
      %add3A_41 = arith.constant 1 : i32
      %add3A_42 = arith.addi %mul3A_40, %add3A_41 : i32
      %mul3A_43 = arith.constant 128 : i32
      %mul3A_44 = arith.muli %add3A_42, %mul3A_43 : i32
      %dma_start3A_45 = tpu.memref_slice %arg8[%mul3A_44] : memref<10240xi32, #tpu.memory_space<vmem>> -> memref<128xi32, #tpu.memory_space<vmem>>
      %dma_start3A_46 = arith.constant 0 : i32
      %dma_start3A_47 = arith.constant 0 : i32
      %dma_start3A_48 = tpu.memref_slice %arg2[%dma_start3A_46, %dma_start3A_47] : memref<10000x16xf32, #tpu.memory_space<hbm>> -> memref<10000x16xf32, #tpu.memory_space<hbm>>
      tpu.enqueue_indirect_dma source(%dma_start3A_48 : memref<10000x16xf32, #tpu.memory_space<hbm>>) target(%arg12 : memref<128x16xf32, #tpu.memory_space<vmem>>) offsets(%dma_start3A_45 : memref<128xi32, #tpu.memory_space<vmem>>) semaphore(%arg17 : memref<!tpu.dma_semaphore, #tpu.memory_space<semaphore_mem>>)
      %dma_wait3A = arith.constant 0 : i32
      %dma_wait3A_49 = arith.constant 0 : i32
      %dma_wait3A_50 = tpu.memref_slice %arg2[%dma_wait3A, %dma_wait3A_49] : memref<10000x16xf32, #tpu.memory_space<hbm>> -> memref<10000x16xf32, #tpu.memory_space<hbm>>
      tpu.wait_indirect_dma semaphore(%arg16 : memref<!tpu.dma_semaphore, #tpu.memory_space<semaphore_mem>>) src(%dma_wait3A_50 : memref<10000x16xf32, #tpu.memory_space<hbm>>) dst(%arg11 : memref<128x16xf32, #tpu.memory_space<vmem>>)
      %mul3A_51 = arith.constant 128 : i32
      %mul3A_52 = arith.muli %mul3A_40, %mul3A_51 : i32
      %scan3A_53 = arith.constant 0 : i32
      %scan3A_54 = arith.constant 128 : i32
      %scan3A_55 = arith.addi %scan3A_53, %scan3A_54 : i32
      %scan3A_56 = arith.constant 4 : i32
      scf.for %scan3A_102 = %scan3A_53 to %scan3A_55 step %scan3A_56  : i32 {
        %mul3A_103 = arith.constant 1 : i32
        %mul3A_104 = arith.muli %scan3A_102, %mul3A_103 : i32
        %add3A_105 = arith.constant 0 : i32
        %add3A_106 = arith.addi %add3A_105, %mul3A_104 : i32
        %add3A_107 = arith.addi %mul3A_52, %add3A_106 : i32
        %broadcast_in_dim3A = vector.broadcast %add3A_107 : i32 to vector<16xi32>
        %gather3A = tpu.vector_load_idx %arg10[%broadcast_in_dim3A] : memref<10240xf32, #tpu.memory_space<vmem>>[vector<16xi32>], vector<16xf32>,
        %get3A = arith.index_cast %add3A_106 : i32 to index
        %get3A_108 = arith.constant 0 : index
        %get3A_109 = tpu.vector_load %arg11[%get3A, %get3A_108] {strides = array<i32>} : memref<128x16xf32, #tpu.memory_space<vmem>>, vector<16xf32>,
        %mul3A_110 = arith.mulf %get3A_109, %gather3A : vector<16xf32>
        %swap3A = arith.index_cast %add3A_106 : i32 to index
        %swap3A_111 = arith.constant 0 : index
        %swap3A_112 = tpu.vector_load %arg11[%swap3A, %swap3A_111] {strides = array<i32>} : memref<128x16xf32, #tpu.memory_space<vmem>>, vector<16xf32>,
        tpu.vector_store %arg11[%swap3A, %swap3A_111], %mul3A_110 {strides = array<i32>} : memref<128x16xf32, #tpu.memory_space<vmem>>, vector<16xf32>,
        %scan3A_113 = arith.constant 1 : i32
        %scan3A_114 = arith.addi %scan3A_102, %scan3A_113 : i32
        %mul3A_115 = arith.constant 1 : i32
        %mul3A_116 = arith.muli %scan3A_114, %mul3A_115 : i32
        %add3A_117 = arith.constant 0 : i32
        %add3A_118 = arith.addi %add3A_117, %mul3A_116 : i32
        %add3A_119 = arith.addi %mul3A_52, %add3A_118 : i32
        %broadcast_in_dim3A_120 = vector.broadcast %add3A_119 : i32 to vector<16xi32>
        %gather3A_121 = tpu.vector_load_idx %arg10[%broadcast_in_dim3A_120] : memref<10240xf32, #tpu.memory_space<vmem>>[vector<16xi32>], vector<16xf32>,
        %get3A_122 = arith.index_cast %add3A_118 : i32 to index
        %get3A_123 = arith.constant 0 : index
        %get3A_124 = tpu.vector_load %arg11[%get3A_122, %get3A_123] {strides = array<i32>} : memref<128x16xf32, #tpu.memory_space<vmem>>, vector<16xf32>,
        %mul3A_125 = arith.mulf %get3A_124, %gather3A_121 : vector<16xf32>
        %swap3A_126 = arith.index_cast %add3A_118 : i32 to index
        %swap3A_127 = arith.constant 0 : index
        %swap3A_128 = tpu.vector_load %arg11[%swap3A_126, %swap3A_127] {strides = array<i32>} : memref<128x16xf32, #tpu.memory_space<vmem>>, vector<16xf32>,
        tpu.vector_store %arg11[%swap3A_126, %swap3A_127], %mul3A_125 {strides = array<i32>} : memref<128x16xf32, #tpu.memory_space<vmem>>, vector<16xf32>,
        %scan3A_129 = arith.constant 2 : i32
        %scan3A_130 = arith.addi %scan3A_102, %scan3A_129 : i32
        %mul3A_131 = arith.constant 1 : i32
        %mul3A_132 = arith.muli %scan3A_130, %mul3A_131 : i32
        %add3A_133 = arith.constant 0 : i32
        %add3A_134 = arith.addi %add3A_133, %mul3A_132 : i32
        %add3A_135 = arith.addi %mul3A_52, %add3A_134 : i32
        %broadcast_in_dim3A_136 = vector.broadcast %add3A_135 : i32 to vector<16xi32>
        %gather3A_137 = tpu.vector_load_idx %arg10[%broadcast_in_dim3A_136] : memref<10240xf32, #tpu.memory_space<vmem>>[vector<16xi32>], vector<16xf32>,
        %get3A_138 = arith.index_cast %add3A_134 : i32 to index
        %get3A_139 = arith.constant 0 : index
        %get3A_140 = tpu.vector_load %arg11[%get3A_138, %get3A_139] {strides = array<i32>} : memref<128x16xf32, #tpu.memory_space<vmem>>, vector<16xf32>,
        %mul3A_141 = arith.mulf %get3A_140, %gather3A_137 : vector<16xf32>
        %swap3A_142 = arith.index_cast %add3A_134 : i32 to index
        %swap3A_143 = arith.constant 0 : index
        %swap3A_144 = tpu.vector_load %arg11[%swap3A_142, %swap3A_143] {strides = array<i32>} : memref<128x16xf32, #tpu.memory_space<vmem>>, vector<16xf32>,
        tpu.vector_store %arg11[%swap3A_142, %swap3A_143], %mul3A_141 {strides = array<i32>} : memref<128x16xf32, #tpu.memory_space<vmem>>, vector<16xf32>,
        %scan3A_145 = arith.constant 3 : i32
        %scan3A_146 = arith.addi %scan3A_102, %scan3A_145 : i32
        %mul3A_147 = arith.constant 1 : i32
        %mul3A_148 = arith.muli %scan3A_146, %mul3A_147 : i32
        %add3A_149 = arith.constant 0 : i32
        %add3A_150 = arith.addi %add3A_149, %mul3A_148 : i32
        %add3A_151 = arith.addi %mul3A_52, %add3A_150 : i32
        %broadcast_in_dim3A_152 = vector.broadcast %add3A_151 : i32 to vector<16xi32>
        %gather3A_153 = tpu.vector_load_idx %arg10[%broadcast_in_dim3A_152] : memref<10240xf32, #tpu.memory_space<vmem>>[vector<16xi32>], vector<16xf32>,
        %get3A_154 = arith.index_cast %add3A_150 : i32 to index
        %get3A_155 = arith.constant 0 : index
        %get3A_156 = tpu.vector_load %arg11[%get3A_154, %get3A_155] {strides = array<i32>} : memref<128x16xf32, #tpu.memory_space<vmem>>, vector<16xf32>,
        %mul3A_157 = arith.mulf %get3A_156, %gather3A_153 : vector<16xf32>
        %swap3A_158 = arith.index_cast %add3A_150 : i32 to index
        %swap3A_159 = arith.constant 0 : index
        %swap3A_160 = tpu.vector_load %arg11[%swap3A_158, %swap3A_159] {strides = array<i32>} : memref<128x16xf32, #tpu.memory_space<vmem>>, vector<16xf32>,
        tpu.vector_store %arg11[%swap3A_158, %swap3A_159], %mul3A_157 {strides = array<i32>} : memref<128x16xf32, #tpu.memory_space<vmem>>, vector<16xf32>,
      }
      %scan3A_57 = arith.constant 128 : i32
      %dma_start3A_58 = arith.constant 0 : i32
      %dma_start3A_59 = tpu.memref_slice %arg9[%mul3A_40, %dma_start3A_58] : memref<80x128xi32, #tpu.memory_space<vmem>> -> memref<1x128xi32, #tpu.memory_space<vmem>>
      %dma_start3A_60 = tpu.memref_squeeze %dma_start3A_59 : memref<1x128xi32, #tpu.memory_space<vmem>> -> memref<128xi32, #tpu.memory_space<vmem>>
      %dma_start3A_61 = arith.constant 0 : i32
      %dma_start3A_62 = arith.constant 0 : i32
      %dma_start3A_63 = tpu.memref_slice %arg15[%dma_start3A_61, %dma_start3A_62] : memref<10240x16xf32, #tpu.memory_space<vmem_shared>> -> memref<10240x16xf32, #tpu.memory_space<vmem_shared>>
      tpu.enqueue_indirect_dma source(%arg11 : memref<128x16xf32, #tpu.memory_space<vmem>>) target(%dma_start3A_63 : memref<10240x16xf32, #tpu.memory_space<vmem_shared>>) offsets(%dma_start3A_60 : memref<128xi32, #tpu.memory_space<vmem>>) semaphore(%arg18 : memref<!tpu.dma_semaphore, #tpu.memory_space<semaphore_mem>>) {add = true}
      %dma_wait3A_64 = arith.constant 0 : i32
      %dma_wait3A_65 = arith.constant 0 : i32
      %dma_wait3A_66 = tpu.memref_slice %arg2[%dma_wait3A_64, %dma_wait3A_65] : memref<10000x16xf32, #tpu.memory_space<hbm>> -> memref<10000x16xf32, #tpu.memory_space<hbm>>
      tpu.wait_indirect_dma semaphore(%arg17 : memref<!tpu.dma_semaphore, #tpu.memory_space<semaphore_mem>>) src(%dma_wait3A_66 : memref<10000x16xf32, #tpu.memory_space<hbm>>) dst(%arg12 : memref<128x16xf32, #tpu.memory_space<vmem>>)
      %add3A_67 = arith.constant 1 : i32
      %add3A_68 = arith.addi %mul3A_40, %add3A_67 : i32
      %mul3A_69 = arith.constant 128 : i32
      %mul3A_70 = arith.muli %add3A_68, %mul3A_69 : i32
      %scan3A_71 = arith.constant 0 : i32
      %scan3A_72 = arith.constant 128 : i32
      %scan3A_73 = arith.addi %scan3A_71, %scan3A_72 : i32
      %scan3A_74 = arith.constant 4 : i32
      scf.for %scan3A_102 = %scan3A_71 to %scan3A_73 step %scan3A_74  : i32 {
        %mul3A_103 = arith.constant 1 : i32
        %mul3A_104 = arith.muli %scan3A_102, %mul3A_103 : i32
        %add3A_105 = arith.constant 0 : i32
        %add3A_106 = arith.addi %add3A_105, %mul3A_104 : i32
        %add3A_107 = arith.addi %mul3A_70, %add3A_106 : i32
        %broadcast_in_dim3A = vector.broadcast %add3A_107 : i32 to vector<16xi32>
        %gather3A = tpu.vector_load_idx %arg10[%broadcast_in_dim3A] : memref<10240xf32, #tpu.memory_space<vmem>>[vector<16xi32>], vector<16xf32>,
        %get3A = arith.index_cast %add3A_106 : i32 to index
        %get3A_108 = arith.constant 0 : index
        %get3A_109 = tpu.vector_load %arg12[%get3A, %get3A_108] {strides = array<i32>} : memref<128x16xf32, #tpu.memory_space<vmem>>, vector<16xf32>,
        %mul3A_110 = arith.mulf %get3A_109, %gather3A : vector<16xf32>
        %swap3A = arith.index_cast %add3A_106 : i32 to index
        %swap3A_111 = arith.constant 0 : index
        %swap3A_112 = tpu.vector_load %arg12[%swap3A, %swap3A_111] {strides = array<i32>} : memref<128x16xf32, #tpu.memory_space<vmem>>, vector<16xf32>,
        tpu.vector_store %arg12[%swap3A, %swap3A_111], %mul3A_110 {strides = array<i32>} : memref<128x16xf32, #tpu.memory_space<vmem>>, vector<16xf32>,
        %scan3A_113 = arith.constant 1 : i32
        %scan3A_114 = arith.addi %scan3A_102, %scan3A_113 : i32
        %mul3A_115 = arith.constant 1 : i32
        %mul3A_116 = arith.muli %scan3A_114, %mul3A_115 : i32
        %add3A_117 = arith.constant 0 : i32
        %add3A_118 = arith.addi %add3A_117, %mul3A_116 : i32
        %add3A_119 = arith.addi %mul3A_70, %add3A_118 : i32
        %broadcast_in_dim3A_120 = vector.broadcast %add3A_119 : i32 to vector<16xi32>
        %gather3A_121 = tpu.vector_load_idx %arg10[%broadcast_in_dim3A_120] : memref<10240xf32, #tpu.memory_space<vmem>>[vector<16xi32>], vector<16xf32>,
        %get3A_122 = arith.index_cast %add3A_118 : i32 to index
        %get3A_123 = arith.constant 0 : index
        %get3A_124 = tpu.vector_load %arg12[%get3A_122, %get3A_123] {strides = array<i32>} : memref<128x16xf32, #tpu.memory_space<vmem>>, vector<16xf32>,
        %mul3A_125 = arith.mulf %get3A_124, %gather3A_121 : vector<16xf32>
        %swap3A_126 = arith.index_cast %add3A_118 : i32 to index
        %swap3A_127 = arith.constant 0 : index
        %swap3A_128 = tpu.vector_load %arg12[%swap3A_126, %swap3A_127] {strides = array<i32>} : memref<128x16xf32, #tpu.memory_space<vmem>>, vector<16xf32>,
        tpu.vector_store %arg12[%swap3A_126, %swap3A_127], %mul3A_125 {strides = array<i32>} : memref<128x16xf32, #tpu.memory_space<vmem>>, vector<16xf32>,
        %scan3A_129 = arith.constant 2 : i32
        %scan3A_130 = arith.addi %scan3A_102, %scan3A_129 : i32
        %mul3A_131 = arith.constant 1 : i32
        %mul3A_132 = arith.muli %scan3A_130, %mul3A_131 : i32
        %add3A_133 = arith.constant 0 : i32
        %add3A_134 = arith.addi %add3A_133, %mul3A_132 : i32
        %add3A_135 = arith.addi %mul3A_70, %add3A_134 : i32
        %broadcast_in_dim3A_136 = vector.broadcast %add3A_135 : i32 to vector<16xi32>
        %gather3A_137 = tpu.vector_load_idx %arg10[%broadcast_in_dim3A_136] : memref<10240xf32, #tpu.memory_space<vmem>>[vector<16xi32>], vector<16xf32>,
        %get3A_138 = arith.index_cast %add3A_134 : i32 to index
        %get3A_139 = arith.constant 0 : index
        %get3A_140 = tpu.vector_load %arg12[%get3A_138, %get3A_139] {strides = array<i32>} : memref<128x16xf32, #tpu.memory_space<vmem>>, vector<16xf32>,
        %mul3A_141 = arith.mulf %get3A_140, %gather3A_137 : vector<16xf32>
        %swap3A_142 = arith.index_cast %add3A_134 : i32 to index
        %swap3A_143 = arith.constant 0 : index
        %swap3A_144 = tpu.vector_load %arg12[%swap3A_142, %swap3A_143] {strides = array<i32>} : memref<128x16xf32, #tpu.memory_space<vmem>>, vector<16xf32>,
        tpu.vector_store %arg12[%swap3A_142, %swap3A_143], %mul3A_141 {strides = array<i32>} : memref<128x16xf32, #tpu.memory_space<vmem>>, vector<16xf32>,
        %scan3A_145 = arith.constant 3 : i32
        %scan3A_146 = arith.addi %scan3A_102, %scan3A_145 : i32
        %mul3A_147 = arith.constant 1 : i32
        %mul3A_148 = arith.muli %scan3A_146, %mul3A_147 : i32
        %add3A_149 = arith.constant 0 : i32
        %add3A_150 = arith.addi %add3A_149, %mul3A_148 : i32
        %add3A_151 = arith.addi %mul3A_70, %add3A_150 : i32
        %broadcast_in_dim3A_152 = vector.broadcast %add3A_151 : i32 to vector<16xi32>
        %gather3A_153 = tpu.vector_load_idx %arg10[%broadcast_in_dim3A_152] : memref<10240xf32, #tpu.memory_space<vmem>>[vector<16xi32>], vector<16xf32>,
        %get3A_154 = arith.index_cast %add3A_150 : i32 to index
        %get3A_155 = arith.constant 0 : index
        %get3A_156 = tpu.vector_load %arg12[%get3A_154, %get3A_155] {strides = array<i32>} : memref<128x16xf32, #tpu.memory_space<vmem>>, vector<16xf32>,
        %mul3A_157 = arith.mulf %get3A_156, %gather3A_153 : vector<16xf32>
        %swap3A_158 = arith.index_cast %add3A_150 : i32 to index
        %swap3A_159 = arith.constant 0 : index
        %swap3A_160 = tpu.vector_load %arg12[%swap3A_158, %swap3A_159] {strides = array<i32>} : memref<128x16xf32, #tpu.memory_space<vmem>>, vector<16xf32>,
        tpu.vector_store %arg12[%swap3A_158, %swap3A_159], %mul3A_157 {strides = array<i32>} : memref<128x16xf32, #tpu.memory_space<vmem>>, vector<16xf32>,
      }
      %scan3A_75 = arith.constant 128 : i32
      %add3A_76 = arith.constant 1 : i32
      %add3A_77 = arith.addi %mul3A_40, %add3A_76 : i32
      %dma_start3A_78 = arith.constant 0 : i32
      %dma_start3A_79 = tpu.memref_slice %arg9[%add3A_77, %dma_start3A_78] : memref<80x128xi32, #tpu.memory_space<vmem>> -> memref<1x128xi32, #tpu.memory_space<vmem>>
      %dma_start3A_80 = tpu.memref_squeeze %dma_start3A_79 : memref<1x128xi32, #tpu.memory_space<vmem>> -> memref<128xi32, #tpu.memory_space<vmem>>
      %dma_start3A_81 = arith.constant 0 : i32
      %dma_start3A_82 = arith.constant 0 : i32
      %dma_start3A_83 = tpu.memref_slice %arg15[%dma_start3A_81, %dma_start3A_82] : memref<10240x16xf32, #tpu.memory_space<vmem_shared>> -> memref<10240x16xf32, #tpu.memory_space<vmem_shared>>
      tpu.enqueue_indirect_dma source(%arg12 : memref<128x16xf32, #tpu.memory_space<vmem>>) target(%dma_start3A_83 : memref<10240x16xf32, #tpu.memory_space<vmem_shared>>) offsets(%dma_start3A_80 : memref<128xi32, #tpu.memory_space<vmem>>) semaphore(%arg19 : memref<!tpu.dma_semaphore, #tpu.memory_space<semaphore_mem>>) {add = true}
      %dma_wait3A_84 = arith.constant 0 : i32
      %dma_wait3A_85 = tpu.memref_slice %arg9[%mul3A_40, %dma_wait3A_84] : memref<80x128xi32, #tpu.memory_space<vmem>> -> memref<1x128xi32, #tpu.memory_space<vmem>>
      %dma_wait3A_86 = tpu.memref_squeeze %dma_wait3A_85 : memref<1x128xi32, #tpu.memory_space<vmem>> -> memref<128xi32, #tpu.memory_space<vmem>>
      %dma_wait3A_87 = arith.constant 0 : i32
      %dma_wait3A_88 = arith.constant 0 : i32
      %dma_wait3A_89 = tpu.memref_slice %arg15[%dma_wait3A_87, %dma_wait3A_88] : memref<10240x16xf32, #tpu.memory_space<vmem_shared>> -> memref<10240x16xf32, #tpu.memory_space<vmem_shared>>
      tpu.wait_indirect_dma semaphore(%arg18 : memref<!tpu.dma_semaphore, #tpu.memory_space<semaphore_mem>>) src(%arg11 : memref<128x16xf32, #tpu.memory_space<vmem>>) dst(%dma_wait3A_89 : memref<10240x16xf32, #tpu.memory_space<vmem_shared>>)
      %add3A_90 = arith.constant 1 : i32
      %add3A_91 = arith.addi %add3A_38, %add3A_90 : i32
      %lt3A = arith.constant 40 : i32
      %lt3A_92 = arith.cmpi slt, %add3A_91, %lt3A : i32
      %convert_element_type3A = arith.extui %lt3A_92 : i1 to i32
      %cond3A = arith.constant 0 : i32
      %cond3A_93 = arith.cmpi ne, %convert_element_type3A, %cond3A : i32
      scf.if %cond3A_93 {
        %add3A_102 = arith.constant 2 : i32
        %add3A_103 = arith.addi %mul3A_40, %add3A_102 : i32
        %mul3A_104 = arith.constant 128 : i32
        %mul3A_105 = arith.muli %add3A_103, %mul3A_104 : i32
        %dma_start3A_106 = tpu.memref_slice %arg8[%mul3A_105] : memref<10240xi32, #tpu.memory_space<vmem>> -> memref<128xi32, #tpu.memory_space<vmem>>
        %dma_start3A_107 = arith.constant 0 : i32
        %dma_start3A_108 = arith.constant 0 : i32
        %dma_start3A_109 = tpu.memref_slice %arg2[%dma_start3A_107, %dma_start3A_108] : memref<10000x16xf32, #tpu.memory_space<hbm>> -> memref<10000x16xf32, #tpu.memory_space<hbm>>
        tpu.enqueue_indirect_dma source(%dma_start3A_109 : memref<10000x16xf32, #tpu.memory_space<hbm>>) target(%arg11 : memref<128x16xf32, #tpu.memory_space<vmem>>) offsets(%dma_start3A_106 : memref<128xi32, #tpu.memory_space<vmem>>) semaphore(%arg16 : memref<!tpu.dma_semaphore, #tpu.memory_space<semaphore_mem>>)
      } else {
      }
      %add3A_94 = arith.constant 1 : i32
      %add3A_95 = arith.addi %mul3A_40, %add3A_94 : i32
      %dma_wait3A_96 = arith.constant 0 : i32
      %dma_wait3A_97 = tpu.memref_slice %arg9[%add3A_95, %dma_wait3A_96] : memref<80x128xi32, #tpu.memory_space<vmem>> -> memref<1x128xi32, #tpu.memory_space<vmem>>
      %dma_wait3A_98 = tpu.memref_squeeze %dma_wait3A_97 : memref<1x128xi32, #tpu.memory_space<vmem>> -> memref<128xi32, #tpu.memory_space<vmem>>
      %dma_wait3A_99 = arith.constant 0 : i32
      %dma_wait3A_100 = arith.constant 0 : i32
      %dma_wait3A_101 = tpu.memref_slice %arg15[%dma_wait3A_99, %dma_wait3A_100] : memref<10240x16xf32, #tpu.memory_space<vmem_shared>> -> memref<10240x16xf32, #tpu.memory_space<vmem_shared>>
      tpu.wait_indirect_dma semaphore(%arg19 : memref<!tpu.dma_semaphore, #tpu.memory_space<semaphore_mem>>) src(%arg12 : memref<128x16xf32, #tpu.memory_space<vmem>>) dst(%dma_wait3A_101 : memref<10240x16xf32, #tpu.memory_space<vmem_shared>>)
    }
    %scan3A_28 = arith.constant 40 : i32
    %barrier3A_29 = arith.constant 0 : index
    tpu.barrier barrier_id(%barrier3A_29)
    %mul3A_30 = arith.constant 640 : i32
    %mul3A_31 = arith.muli %arg1, %mul3A_30 : i32
    %mul3A_32 = arith.constant 640 : i32
    %mul3A_33 = arith.muli %arg1, %mul3A_32 : i32
    %run_scoped3A = arith.constant 0 : i32
    "tpu.region"() ({
      %run_scoped3A_34 = tpu.sem_alloc : memref<!tpu.dma_semaphore, #tpu.memory_space<semaphore_mem>>
      %dma_start3A_35 = arith.constant 0 : i32
      %dma_start3A_36 = tpu.memref_slice %arg7[%run_scoped3A, %arg0, %mul3A_33, %dma_start3A_35] : memref<1x2x10240x16xf32, #tpu.memory_space<hbm>> -> memref<1x1x640x16xf32, #tpu.memory_space<hbm>>
      %dma_start3A_37 = tpu.memref_squeeze %dma_start3A_36 : memref<1x1x640x16xf32, #tpu.memory_space<hbm>> -> memref<640x16xf32, #tpu.memory_space<hbm>>
      %dma_start3A_38 = arith.constant 0 : i32
      %dma_start3A_39 = tpu.memref_slice %arg15[%mul3A_31, %dma_start3A_38] : memref<10240x16xf32, #tpu.memory_space<vmem_shared>> -> memref<640x16xf32, #tpu.memory_space<vmem_shared>>
      tpu.enqueue_dma source(%dma_start3A_39 : memref<640x16xf32, #tpu.memory_space<vmem_shared>>) target(%dma_start3A_37 : memref<640x16xf32, #tpu.memory_space<hbm>>) target_semaphore(%run_scoped3A_34 : memref<!tpu.dma_semaphore, #tpu.memory_space<semaphore_mem>>)
      %dma_wait3A = arith.constant 0 : i32
      %dma_wait3A_40 = tpu.memref_slice %arg7[%run_scoped3A, %arg0, %mul3A_33, %dma_wait3A] : memref<1x2x10240x16xf32, #tpu.memory_space<hbm>> -> memref<1x1x640x16xf32, #tpu.memory_space<hbm>>
      %dma_wait3A_41 = tpu.memref_squeeze %dma_wait3A_40 : memref<1x1x640x16xf32, #tpu.memory_space<hbm>> -> memref<640x16xf32, #tpu.memory_space<hbm>>
      %dma_wait3A_42 = arith.constant 0 : i32
      %dma_wait3A_43 = tpu.memref_slice %arg15[%mul3A_31, %dma_wait3A_42] : memref<10240x16xf32, #tpu.memory_space<vmem_shared>> -> memref<640x16xf32, #tpu.memory_space<vmem_shared>>
      tpu.wait_dma2 semaphore(%run_scoped3A_34 : memref<!tpu.dma_semaphore, #tpu.memory_space<semaphore_mem>>) src(%dma_wait3A_43 : memref<640x16xf32, #tpu.memory_space<vmem_shared>>) dst(%dma_wait3A_41 : memref<640x16xf32, #tpu.memory_space<hbm>>)
      tpu.yield
    }) : () -> ()
    return
  }
}

#map = affine_map<(d0, d1) -> (0, 0)>
#map1 = affine_map<(d0, d1) -> (0)>
#map2 = affine_map<(d0, d1) -> (0, 0, 0, 0)>
module attributes {stable_mosaic.version = 14 : i64} {
  func.func @spmm(%arg0: i32, %arg1: i32, %arg2: memref<40000x64xf32, #tpu.memory_space<hbm>>, %arg3: memref<327680xi32, #tpu.memory_space<hbm>>, %arg4: memref<2560x128xi32, #tpu.memory_space<hbm>>, %arg5: memref<327680xf32, #tpu.memory_space<hbm>>, %arg6: memref<640x64xf32, #tpu.memory_space<hbm>>, %arg7: memref<2x2x10240x64xf32, #tpu.memory_space<hbm>>, %arg8: memref<20480xi32, #tpu.memory_space<vmem>>, %arg9: memref<160x128xi32, #tpu.memory_space<vmem>>, %arg10: memref<20480xf32, #tpu.memory_space<vmem>>, %arg11: memref<128x64xf32, #tpu.memory_space<vmem>>, %arg12: memref<128x64xf32, #tpu.memory_space<vmem>>, %arg13: memref<128xi32, #tpu.memory_space<vmem>>, %arg14: memref<128xi32, #tpu.memory_space<vmem>>, %arg15: memref<10240x64xf32, #tpu.memory_space<vmem_shared>>, %arg16: memref<!tpu.dma_semaphore, #tpu.memory_space<semaphore_mem>>, %arg17: memref<!tpu.dma_semaphore, #tpu.memory_space<semaphore_mem>>, %arg18: memref<!tpu.dma_semaphore, #tpu.memory_space<semaphore_mem>>, %arg19: memref<!tpu.dma_semaphore, #tpu.memory_space<semaphore_mem>>) attributes {dimension_semantics = [#tpu.dimension_semantics<core_parallel>, #tpu.dimension_semantics<subcore_parallel>], iteration_bounds = array<i64: 2, 16>, scalar_prefetch = 0 : i64, scratch_operands = 12 : i64, tpu.core_type = #tpu.core_type<sc_vector_subcore>, window_params = [{transform_indices = #map}, {transform_indices = #map1}, {transform_indices = #map}, {transform_indices = #map1}, {transform_indices = #map}, {transform_indices = #map2}]} {
    %mul3A = arith.constant 20480 : i32
    %mul3A_0 = arith.muli %arg1, %mul3A : i32
    %jit3A = arith.constant 128 : i32
    %div3A = arith.divsi %mul3A_0, %jit3A : i32
    %sign3A = arith.constant 0 : i32
    %sign3A_1 = arith.cmpi sgt, %mul3A_0, %sign3A : i32
    %sign3A_2 = arith.extui %sign3A_1 : i1 to i32
    %sign3A_3 = arith.constant 0 : i32
    %sign3A_4 = arith.cmpi slt, %mul3A_0, %sign3A_3 : i32
    %sign3A_5 = arith.extui %sign3A_4 : i1 to i32
    %sign3A_6 = arith.subi %sign3A_2, %sign3A_5 : i32
    %sign3A_7 = arith.constant 0 : i32
    %sign3A_8 = arith.cmpi sgt, %jit3A, %sign3A_7 : i32
    %sign3A_9 = arith.extui %sign3A_8 : i1 to i32
    %sign3A_10 = arith.constant 0 : i32
    %sign3A_11 = arith.cmpi slt, %jit3A, %sign3A_10 : i32
    %sign3A_12 = arith.extui %sign3A_11 : i1 to i32
    %sign3A_13 = arith.subi %sign3A_9, %sign3A_12 : i32
    %ne3A = arith.cmpi ne, %sign3A_6, %sign3A_13 : i32
    %rem3A = arith.remsi %mul3A_0, %jit3A : i32
    %ne3A_14 = arith.constant 0 : i32
    %ne3A_15 = arith.cmpi ne, %rem3A, %ne3A_14 : i32
    %and3A = arith.andi %ne3A, %ne3A_15 : i1
    %sub3A = arith.constant 1 : i32
    %sub3A_16 = arith.subi %div3A, %sub3A : i32
    %select_n3A = arith.select %and3A, %sub3A_16, %div3A : i32
    "tpu.region"() ({
      %run_scoped3A_152 = tpu.sem_alloc : memref<!tpu.dma_semaphore, #tpu.memory_space<semaphore_mem>>
      %dma_start3A_153 = tpu.memref_slice %arg3[%mul3A_0] : memref<327680xi32, #tpu.memory_space<hbm>> -> memref<20480xi32, #tpu.memory_space<hbm>>
      %dma_start3A_154 = tpu.memref_slice %arg3[%mul3A_0] : memref<327680xi32, #tpu.memory_space<hbm>> -> memref<20480xi32, #tpu.memory_space<hbm>>
      tpu.enqueue_dma source(%dma_start3A_154 : memref<20480xi32, #tpu.memory_space<hbm>>) target(%arg8 : memref<20480xi32, #tpu.memory_space<vmem>>) target_semaphore(%run_scoped3A_152 : memref<!tpu.dma_semaphore, #tpu.memory_space<semaphore_mem>>)
      %dma_wait3A = tpu.memref_slice %arg3[%mul3A_0] : memref<327680xi32, #tpu.memory_space<hbm>> -> memref<20480xi32, #tpu.memory_space<hbm>>
      %dma_wait3A_155 = tpu.memref_slice %arg3[%mul3A_0] : memref<327680xi32, #tpu.memory_space<hbm>> -> memref<20480xi32, #tpu.memory_space<hbm>>
      tpu.wait_dma2 semaphore(%run_scoped3A_152 : memref<!tpu.dma_semaphore, #tpu.memory_space<semaphore_mem>>) src(%dma_wait3A_155 : memref<20480xi32, #tpu.memory_space<hbm>>) dst(%arg8 : memref<20480xi32, #tpu.memory_space<vmem>>)
      tpu.yield
    }) : () -> ()
    "tpu.region"() ({
      %run_scoped3A_152 = tpu.sem_alloc : memref<!tpu.dma_semaphore, #tpu.memory_space<semaphore_mem>>
      %dma_start3A_153 = arith.constant 0 : i32
      %dma_start3A_154 = tpu.memref_slice %arg4[%select_n3A, %dma_start3A_153] : memref<2560x128xi32, #tpu.memory_space<hbm>> -> memref<160x128xi32, #tpu.memory_space<hbm>>
      %dma_start3A_155 = arith.constant 0 : i32
      %dma_start3A_156 = tpu.memref_slice %arg4[%select_n3A, %dma_start3A_155] : memref<2560x128xi32, #tpu.memory_space<hbm>> -> memref<160x128xi32, #tpu.memory_space<hbm>>
      tpu.enqueue_dma source(%dma_start3A_156 : memref<160x128xi32, #tpu.memory_space<hbm>>) target(%arg9 : memref<160x128xi32, #tpu.memory_space<vmem>>) target_semaphore(%run_scoped3A_152 : memref<!tpu.dma_semaphore, #tpu.memory_space<semaphore_mem>>)
      %dma_wait3A = arith.constant 0 : i32
      %dma_wait3A_157 = tpu.memref_slice %arg4[%select_n3A, %dma_wait3A] : memref<2560x128xi32, #tpu.memory_space<hbm>> -> memref<160x128xi32, #tpu.memory_space<hbm>>
      %dma_wait3A_158 = arith.constant 0 : i32
      %dma_wait3A_159 = tpu.memref_slice %arg4[%select_n3A, %dma_wait3A_158] : memref<2560x128xi32, #tpu.memory_space<hbm>> -> memref<160x128xi32, #tpu.memory_space<hbm>>
      tpu.wait_dma2 semaphore(%run_scoped3A_152 : memref<!tpu.dma_semaphore, #tpu.memory_space<semaphore_mem>>) src(%dma_wait3A_159 : memref<160x128xi32, #tpu.memory_space<hbm>>) dst(%arg9 : memref<160x128xi32, #tpu.memory_space<vmem>>)
      tpu.yield
    }) : () -> ()
    "tpu.region"() ({
      %run_scoped3A_152 = tpu.sem_alloc : memref<!tpu.dma_semaphore, #tpu.memory_space<semaphore_mem>>
      %dma_start3A_153 = tpu.memref_slice %arg5[%mul3A_0] : memref<327680xf32, #tpu.memory_space<hbm>> -> memref<20480xf32, #tpu.memory_space<hbm>>
      %dma_start3A_154 = tpu.memref_slice %arg5[%mul3A_0] : memref<327680xf32, #tpu.memory_space<hbm>> -> memref<20480xf32, #tpu.memory_space<hbm>>
      tpu.enqueue_dma source(%dma_start3A_154 : memref<20480xf32, #tpu.memory_space<hbm>>) target(%arg10 : memref<20480xf32, #tpu.memory_space<vmem>>) target_semaphore(%run_scoped3A_152 : memref<!tpu.dma_semaphore, #tpu.memory_space<semaphore_mem>>)
      %dma_wait3A = tpu.memref_slice %arg5[%mul3A_0] : memref<327680xf32, #tpu.memory_space<hbm>> -> memref<20480xf32, #tpu.memory_space<hbm>>
      %dma_wait3A_155 = tpu.memref_slice %arg5[%mul3A_0] : memref<327680xf32, #tpu.memory_space<hbm>> -> memref<20480xf32, #tpu.memory_space<hbm>>
      tpu.wait_dma2 semaphore(%run_scoped3A_152 : memref<!tpu.dma_semaphore, #tpu.memory_space<semaphore_mem>>) src(%dma_wait3A_155 : memref<20480xf32, #tpu.memory_space<hbm>>) dst(%arg10 : memref<20480xf32, #tpu.memory_space<vmem>>)
      tpu.yield
    }) : () -> ()
    %mul3A_17 = arith.constant 2 : i32
    %mul3A_18 = arith.muli %arg0, %mul3A_17 : i32
    %add3A = arith.constant 0 : i32
    %add3A_19 = arith.addi %mul3A_18, %add3A : i32
    %mul3A_20 = arith.constant 10000 : i32
    %mul3A_21 = arith.muli %add3A_19, %mul3A_20 : i32
    %mul3A_22 = arith.constant 640 : i32
    %mul3A_23 = arith.muli %arg1, %mul3A_22 : i32
    "tpu.region"() ({
      %run_scoped3A_152 = tpu.sem_alloc : memref<!tpu.dma_semaphore, #tpu.memory_space<semaphore_mem>>
      %dma_start3A_153 = arith.constant 0 : i32
      %dma_start3A_154 = tpu.memref_slice %arg15[%mul3A_23, %dma_start3A_153] : memref<10240x64xf32, #tpu.memory_space<vmem_shared>> -> memref<640x64xf32, #tpu.memory_space<vmem_shared>>
      %dma_start3A_155 = arith.constant 0 : i32
      %dma_start3A_156 = arith.constant 0 : i32
      %dma_start3A_157 = tpu.memref_slice %arg6[%dma_start3A_155, %dma_start3A_156] : memref<640x64xf32, #tpu.memory_space<hbm>> -> memref<640x64xf32, #tpu.memory_space<hbm>>
      tpu.enqueue_dma source(%dma_start3A_157 : memref<640x64xf32, #tpu.memory_space<hbm>>) target(%dma_start3A_154 : memref<640x64xf32, #tpu.memory_space<vmem_shared>>) target_semaphore(%run_scoped3A_152 : memref<!tpu.dma_semaphore, #tpu.memory_space<semaphore_mem>>)
      %dma_wait3A = arith.constant 0 : i32
      %dma_wait3A_158 = tpu.memref_slice %arg15[%mul3A_23, %dma_wait3A] : memref<10240x64xf32, #tpu.memory_space<vmem_shared>> -> memref<640x64xf32, #tpu.memory_space<vmem_shared>>
      %dma_wait3A_159 = arith.constant 0 : i32
      %dma_wait3A_160 = arith.constant 0 : i32
      %dma_wait3A_161 = tpu.memref_slice %arg6[%dma_wait3A_159, %dma_wait3A_160] : memref<640x64xf32, #tpu.memory_space<hbm>> -> memref<640x64xf32, #tpu.memory_space<hbm>>
      tpu.wait_dma2 semaphore(%run_scoped3A_152 : memref<!tpu.dma_semaphore, #tpu.memory_space<semaphore_mem>>) src(%dma_wait3A_161 : memref<640x64xf32, #tpu.memory_space<hbm>>) dst(%dma_wait3A_158 : memref<640x64xf32, #tpu.memory_space<vmem_shared>>)
      tpu.yield
    }) : () -> ()
    %barrier3A = arith.constant 0 : index
    tpu.barrier barrier_id(%barrier3A)
    %get3A = arith.constant 0 : index
    %get3A_24 = tpu.vector_load %arg8[%get3A] {strides = array<i32>} : memref<20480xi32, #tpu.memory_space<vmem>>, vector<16xi32>,
    %add3A_25 = vector.broadcast %mul3A_21 : i32 to vector<16xi32>
    %add3A_26 = arith.addi %get3A_24, %add3A_25 : vector<16xi32>
    %swap3A = arith.constant 0 : index
    %swap3A_27 = tpu.vector_load %arg13[%swap3A] {strides = array<i32>} : memref<128xi32, #tpu.memory_space<vmem>>, vector<16xi32>,
    tpu.vector_store %arg13[%swap3A], %add3A_26 {strides = array<i32>} : memref<128xi32, #tpu.memory_space<vmem>>, vector<16xi32>,
    %get3A_28 = arith.constant 16 : index
    %get3A_29 = tpu.vector_load %arg8[%get3A_28] {strides = array<i32>} : memref<20480xi32, #tpu.memory_space<vmem>>, vector<16xi32>,
    %add3A_30 = vector.broadcast %mul3A_21 : i32 to vector<16xi32>
    %add3A_31 = arith.addi %get3A_29, %add3A_30 : vector<16xi32>
    %swap3A_32 = arith.constant 16 : index
    %swap3A_33 = tpu.vector_load %arg13[%swap3A_32] {strides = array<i32>} : memref<128xi32, #tpu.memory_space<vmem>>, vector<16xi32>,
    tpu.vector_store %arg13[%swap3A_32], %add3A_31 {strides = array<i32>} : memref<128xi32, #tpu.memory_space<vmem>>, vector<16xi32>,
    %get3A_34 = arith.constant 32 : index
    %get3A_35 = tpu.vector_load %arg8[%get3A_34] {strides = array<i32>} : memref<20480xi32, #tpu.memory_space<vmem>>, vector<16xi32>,
    %add3A_36 = vector.broadcast %mul3A_21 : i32 to vector<16xi32>
    %add3A_37 = arith.addi %get3A_35, %add3A_36 : vector<16xi32>
    %swap3A_38 = arith.constant 32 : index
    %swap3A_39 = tpu.vector_load %arg13[%swap3A_38] {strides = array<i32>} : memref<128xi32, #tpu.memory_space<vmem>>, vector<16xi32>,
    tpu.vector_store %arg13[%swap3A_38], %add3A_37 {strides = array<i32>} : memref<128xi32, #tpu.memory_space<vmem>>, vector<16xi32>,
    %get3A_40 = arith.constant 48 : index
    %get3A_41 = tpu.vector_load %arg8[%get3A_40] {strides = array<i32>} : memref<20480xi32, #tpu.memory_space<vmem>>, vector<16xi32>,
    %add3A_42 = vector.broadcast %mul3A_21 : i32 to vector<16xi32>
    %add3A_43 = arith.addi %get3A_41, %add3A_42 : vector<16xi32>
    %swap3A_44 = arith.constant 48 : index
    %swap3A_45 = tpu.vector_load %arg13[%swap3A_44] {strides = array<i32>} : memref<128xi32, #tpu.memory_space<vmem>>, vector<16xi32>,
    tpu.vector_store %arg13[%swap3A_44], %add3A_43 {strides = array<i32>} : memref<128xi32, #tpu.memory_space<vmem>>, vector<16xi32>,
    %get3A_46 = arith.constant 64 : index
    %get3A_47 = tpu.vector_load %arg8[%get3A_46] {strides = array<i32>} : memref<20480xi32, #tpu.memory_space<vmem>>, vector<16xi32>,
    %add3A_48 = vector.broadcast %mul3A_21 : i32 to vector<16xi32>
    %add3A_49 = arith.addi %get3A_47, %add3A_48 : vector<16xi32>
    %swap3A_50 = arith.constant 64 : index
    %swap3A_51 = tpu.vector_load %arg13[%swap3A_50] {strides = array<i32>} : memref<128xi32, #tpu.memory_space<vmem>>, vector<16xi32>,
    tpu.vector_store %arg13[%swap3A_50], %add3A_49 {strides = array<i32>} : memref<128xi32, #tpu.memory_space<vmem>>, vector<16xi32>,
    %get3A_52 = arith.constant 80 : index
    %get3A_53 = tpu.vector_load %arg8[%get3A_52] {strides = array<i32>} : memref<20480xi32, #tpu.memory_space<vmem>>, vector<16xi32>,
    %add3A_54 = vector.broadcast %mul3A_21 : i32 to vector<16xi32>
    %add3A_55 = arith.addi %get3A_53, %add3A_54 : vector<16xi32>
    %swap3A_56 = arith.constant 80 : index
    %swap3A_57 = tpu.vector_load %arg13[%swap3A_56] {strides = array<i32>} : memref<128xi32, #tpu.memory_space<vmem>>, vector<16xi32>,
    tpu.vector_store %arg13[%swap3A_56], %add3A_55 {strides = array<i32>} : memref<128xi32, #tpu.memory_space<vmem>>, vector<16xi32>,
    %get3A_58 = arith.constant 96 : index
    %get3A_59 = tpu.vector_load %arg8[%get3A_58] {strides = array<i32>} : memref<20480xi32, #tpu.memory_space<vmem>>, vector<16xi32>,
    %add3A_60 = vector.broadcast %mul3A_21 : i32 to vector<16xi32>
    %add3A_61 = arith.addi %get3A_59, %add3A_60 : vector<16xi32>
    %swap3A_62 = arith.constant 96 : index
    %swap3A_63 = tpu.vector_load %arg13[%swap3A_62] {strides = array<i32>} : memref<128xi32, #tpu.memory_space<vmem>>, vector<16xi32>,
    tpu.vector_store %arg13[%swap3A_62], %add3A_61 {strides = array<i32>} : memref<128xi32, #tpu.memory_space<vmem>>, vector<16xi32>,
    %get3A_64 = arith.constant 112 : index
    %get3A_65 = tpu.vector_load %arg8[%get3A_64] {strides = array<i32>} : memref<20480xi32, #tpu.memory_space<vmem>>, vector<16xi32>,
    %add3A_66 = vector.broadcast %mul3A_21 : i32 to vector<16xi32>
    %add3A_67 = arith.addi %get3A_65, %add3A_66 : vector<16xi32>
    %swap3A_68 = arith.constant 112 : index
    %swap3A_69 = tpu.vector_load %arg13[%swap3A_68] {strides = array<i32>} : memref<128xi32, #tpu.memory_space<vmem>>, vector<16xi32>,
    tpu.vector_store %arg13[%swap3A_68], %add3A_67 {strides = array<i32>} : memref<128xi32, #tpu.memory_space<vmem>>, vector<16xi32>,
    %dma_start3A = arith.constant 0 : i32
    %dma_start3A_70 = arith.constant 0 : i32
    %dma_start3A_71 = tpu.memref_slice %arg2[%dma_start3A, %dma_start3A_70] : memref<40000x64xf32, #tpu.memory_space<hbm>> -> memref<40000x64xf32, #tpu.memory_space<hbm>>
    tpu.enqueue_indirect_dma source(%dma_start3A_71 : memref<40000x64xf32, #tpu.memory_space<hbm>>) target(%arg11 : memref<128x64xf32, #tpu.memory_space<vmem>>) offsets(%arg13 : memref<128xi32, #tpu.memory_space<vmem>>) semaphore(%arg16 : memref<!tpu.dma_semaphore, #tpu.memory_space<semaphore_mem>>)
    %scan3A = arith.constant 0 : i32
    %scan3A_72 = arith.constant 80 : i32
    %scan3A_73 = arith.addi %scan3A, %scan3A_72 : i32
    %scan3A_74 = arith.constant 1 : i32
    scf.for %scan3A_152 = %scan3A to %scan3A_73 step %scan3A_74  : i32 {
      %mul3A_153 = arith.constant 1 : i32
      %mul3A_154 = arith.muli %scan3A_152, %mul3A_153 : i32
      %add3A_155 = arith.constant 0 : i32
      %add3A_156 = arith.addi %add3A_155, %mul3A_154 : i32
      %mul3A_157 = arith.constant 2 : i32
      %mul3A_158 = arith.muli %mul3A_157, %add3A_156 : i32
      %add3A_159 = arith.constant 1 : i32
      %add3A_160 = arith.addi %mul3A_158, %add3A_159 : i32
      %mul3A_161 = arith.constant 128 : i32
      %mul3A_162 = arith.muli %add3A_160, %mul3A_161 : i32
      %add3A_163 = arith.constant 0 : i32
      %add3A_164 = arith.addi %mul3A_162, %add3A_163 : i32
      %get3A_165 = arith.index_cast %add3A_164 : i32 to index
      %get3A_166 = tpu.vector_load %arg8[%get3A_165] {strides = array<i32>} : memref<20480xi32, #tpu.memory_space<vmem>>, vector<16xi32>,
      %add3A_167 = vector.broadcast %mul3A_21 : i32 to vector<16xi32>
      %add3A_168 = arith.addi %get3A_166, %add3A_167 : vector<16xi32>
      %swap3A_169 = arith.constant 0 : index
      %swap3A_170 = tpu.vector_load %arg14[%swap3A_169] {strides = array<i32>} : memref<128xi32, #tpu.memory_space<vmem>>, vector<16xi32>,
      tpu.vector_store %arg14[%swap3A_169], %add3A_168 {strides = array<i32>} : memref<128xi32, #tpu.memory_space<vmem>>, vector<16xi32>,
      %mul3A_171 = arith.constant 128 : i32
      %mul3A_172 = arith.muli %add3A_160, %mul3A_171 : i32
      %add3A_173 = arith.constant 16 : i32
      %add3A_174 = arith.addi %mul3A_172, %add3A_173 : i32
      %get3A_175 = arith.index_cast %add3A_174 : i32 to index
      %get3A_176 = tpu.vector_load %arg8[%get3A_175] {strides = array<i32>} : memref<20480xi32, #tpu.memory_space<vmem>>, vector<16xi32>,
      %add3A_177 = vector.broadcast %mul3A_21 : i32 to vector<16xi32>
      %add3A_178 = arith.addi %get3A_176, %add3A_177 : vector<16xi32>
      %swap3A_179 = arith.constant 16 : index
      %swap3A_180 = tpu.vector_load %arg14[%swap3A_179] {strides = array<i32>} : memref<128xi32, #tpu.memory_space<vmem>>, vector<16xi32>,
      tpu.vector_store %arg14[%swap3A_179], %add3A_178 {strides = array<i32>} : memref<128xi32, #tpu.memory_space<vmem>>, vector<16xi32>,
      %mul3A_181 = arith.constant 128 : i32
      %mul3A_182 = arith.muli %add3A_160, %mul3A_181 : i32
      %add3A_183 = arith.constant 32 : i32
      %add3A_184 = arith.addi %mul3A_182, %add3A_183 : i32
      %get3A_185 = arith.index_cast %add3A_184 : i32 to index
      %get3A_186 = tpu.vector_load %arg8[%get3A_185] {strides = array<i32>} : memref<20480xi32, #tpu.memory_space<vmem>>, vector<16xi32>,
      %add3A_187 = vector.broadcast %mul3A_21 : i32 to vector<16xi32>
      %add3A_188 = arith.addi %get3A_186, %add3A_187 : vector<16xi32>
      %swap3A_189 = arith.constant 32 : index
      %swap3A_190 = tpu.vector_load %arg14[%swap3A_189] {strides = array<i32>} : memref<128xi32, #tpu.memory_space<vmem>>, vector<16xi32>,
      tpu.vector_store %arg14[%swap3A_189], %add3A_188 {strides = array<i32>} : memref<128xi32, #tpu.memory_space<vmem>>, vector<16xi32>,
      %mul3A_191 = arith.constant 128 : i32
      %mul3A_192 = arith.muli %add3A_160, %mul3A_191 : i32
      %add3A_193 = arith.constant 48 : i32
      %add3A_194 = arith.addi %mul3A_192, %add3A_193 : i32
      %get3A_195 = arith.index_cast %add3A_194 : i32 to index
      %get3A_196 = tpu.vector_load %arg8[%get3A_195] {strides = array<i32>} : memref<20480xi32, #tpu.memory_space<vmem>>, vector<16xi32>,
      %add3A_197 = vector.broadcast %mul3A_21 : i32 to vector<16xi32>
      %add3A_198 = arith.addi %get3A_196, %add3A_197 : vector<16xi32>
      %swap3A_199 = arith.constant 48 : index
      %swap3A_200 = tpu.vector_load %arg14[%swap3A_199] {strides = array<i32>} : memref<128xi32, #tpu.memory_space<vmem>>, vector<16xi32>,
      tpu.vector_store %arg14[%swap3A_199], %add3A_198 {strides = array<i32>} : memref<128xi32, #tpu.memory_space<vmem>>, vector<16xi32>,
      %mul3A_201 = arith.constant 128 : i32
      %mul3A_202 = arith.muli %add3A_160, %mul3A_201 : i32
      %add3A_203 = arith.constant 64 : i32
      %add3A_204 = arith.addi %mul3A_202, %add3A_203 : i32
      %get3A_205 = arith.index_cast %add3A_204 : i32 to index
      %get3A_206 = tpu.vector_load %arg8[%get3A_205] {strides = array<i32>} : memref<20480xi32, #tpu.memory_space<vmem>>, vector<16xi32>,
      %add3A_207 = vector.broadcast %mul3A_21 : i32 to vector<16xi32>
      %add3A_208 = arith.addi %get3A_206, %add3A_207 : vector<16xi32>
      %swap3A_209 = arith.constant 64 : index
      %swap3A_210 = tpu.vector_load %arg14[%swap3A_209] {strides = array<i32>} : memref<128xi32, #tpu.memory_space<vmem>>, vector<16xi32>,
      tpu.vector_store %arg14[%swap3A_209], %add3A_208 {strides = array<i32>} : memref<128xi32, #tpu.memory_space<vmem>>, vector<16xi32>,
      %mul3A_211 = arith.constant 128 : i32
      %mul3A_212 = arith.muli %add3A_160, %mul3A_211 : i32
      %add3A_213 = arith.constant 80 : i32
      %add3A_214 = arith.addi %mul3A_212, %add3A_213 : i32
      %get3A_215 = arith.index_cast %add3A_214 : i32 to index
      %get3A_216 = tpu.vector_load %arg8[%get3A_215] {strides = array<i32>} : memref<20480xi32, #tpu.memory_space<vmem>>, vector<16xi32>,
      %add3A_217 = vector.broadcast %mul3A_21 : i32 to vector<16xi32>
      %add3A_218 = arith.addi %get3A_216, %add3A_217 : vector<16xi32>
      %swap3A_219 = arith.constant 80 : index
      %swap3A_220 = tpu.vector_load %arg14[%swap3A_219] {strides = array<i32>} : memref<128xi32, #tpu.memory_space<vmem>>, vector<16xi32>,
      tpu.vector_store %arg14[%swap3A_219], %add3A_218 {strides = array<i32>} : memref<128xi32, #tpu.memory_space<vmem>>, vector<16xi32>,
      %mul3A_221 = arith.constant 128 : i32
      %mul3A_222 = arith.muli %add3A_160, %mul3A_221 : i32
      %add3A_223 = arith.constant 96 : i32
      %add3A_224 = arith.addi %mul3A_222, %add3A_223 : i32
      %get3A_225 = arith.index_cast %add3A_224 : i32 to index
      %get3A_226 = tpu.vector_load %arg8[%get3A_225] {strides = array<i32>} : memref<20480xi32, #tpu.memory_space<vmem>>, vector<16xi32>,
      %add3A_227 = vector.broadcast %mul3A_21 : i32 to vector<16xi32>
      %add3A_228 = arith.addi %get3A_226, %add3A_227 : vector<16xi32>
      %swap3A_229 = arith.constant 96 : index
      %swap3A_230 = tpu.vector_load %arg14[%swap3A_229] {strides = array<i32>} : memref<128xi32, #tpu.memory_space<vmem>>, vector<16xi32>,
      tpu.vector_store %arg14[%swap3A_229], %add3A_228 {strides = array<i32>} : memref<128xi32, #tpu.memory_space<vmem>>, vector<16xi32>,
      %mul3A_231 = arith.constant 128 : i32
      %mul3A_232 = arith.muli %add3A_160, %mul3A_231 : i32
      %add3A_233 = arith.constant 112 : i32
      %add3A_234 = arith.addi %mul3A_232, %add3A_233 : i32
      %get3A_235 = arith.index_cast %add3A_234 : i32 to index
      %get3A_236 = tpu.vector_load %arg8[%get3A_235] {strides = array<i32>} : memref<20480xi32, #tpu.memory_space<vmem>>, vector<16xi32>,
      %add3A_237 = vector.broadcast %mul3A_21 : i32 to vector<16xi32>
      %add3A_238 = arith.addi %get3A_236, %add3A_237 : vector<16xi32>
      %swap3A_239 = arith.constant 112 : index
      %swap3A_240 = tpu.vector_load %arg14[%swap3A_239] {strides = array<i32>} : memref<128xi32, #tpu.memory_space<vmem>>, vector<16xi32>,
      tpu.vector_store %arg14[%swap3A_239], %add3A_238 {strides = array<i32>} : memref<128xi32, #tpu.memory_space<vmem>>, vector<16xi32>,
      %dma_start3A_241 = arith.constant 0 : i32
      %dma_start3A_242 = arith.constant 0 : i32
      %dma_start3A_243 = tpu.memref_slice %arg2[%dma_start3A_241, %dma_start3A_242] : memref<40000x64xf32, #tpu.memory_space<hbm>> -> memref<40000x64xf32, #tpu.memory_space<hbm>>
      tpu.enqueue_indirect_dma source(%dma_start3A_243 : memref<40000x64xf32, #tpu.memory_space<hbm>>) target(%arg12 : memref<128x64xf32, #tpu.memory_space<vmem>>) offsets(%arg14 : memref<128xi32, #tpu.memory_space<vmem>>) semaphore(%arg17 : memref<!tpu.dma_semaphore, #tpu.memory_space<semaphore_mem>>)
      %dma_wait3A = arith.constant 0 : i32
      %dma_wait3A_244 = arith.constant 0 : i32
      %dma_wait3A_245 = tpu.memref_slice %arg2[%dma_wait3A, %dma_wait3A_244] : memref<40000x64xf32, #tpu.memory_space<hbm>> -> memref<40000x64xf32, #tpu.memory_space<hbm>>
      tpu.wait_indirect_dma semaphore(%arg16 : memref<!tpu.dma_semaphore, #tpu.memory_space<semaphore_mem>>) src(%dma_wait3A_245 : memref<40000x64xf32, #tpu.memory_space<hbm>>) dst(%arg11 : memref<128x64xf32, #tpu.memory_space<vmem>>)
      %mul3A_246 = arith.constant 128 : i32
      %mul3A_247 = arith.muli %mul3A_158, %mul3A_246 : i32
      %scan3A_248 = arith.constant 0 : i32
      %scan3A_249 = arith.constant 128 : i32
      %scan3A_250 = arith.addi %scan3A_248, %scan3A_249 : i32
      %scan3A_251 = arith.constant 4 : i32
      scf.for %scan3A_297 = %scan3A_248 to %scan3A_250 step %scan3A_251  : i32 {
        %mul3A_298 = arith.constant 1 : i32
        %mul3A_299 = arith.muli %scan3A_297, %mul3A_298 : i32
        %add3A_300 = arith.constant 0 : i32
        %add3A_301 = arith.addi %add3A_300, %mul3A_299 : i32
        %add3A_302 = arith.addi %mul3A_247, %add3A_301 : i32
        %broadcast_in_dim3A = vector.broadcast %add3A_302 : i32 to vector<16xi32>
        %gather3A = tpu.vector_load_idx %arg10[%broadcast_in_dim3A] : memref<20480xf32, #tpu.memory_space<vmem>>[vector<16xi32>], vector<16xf32>,
        %get3A_303 = arith.index_cast %add3A_301 : i32 to index
        %get3A_304 = arith.constant 0 : index
        %get3A_305 = tpu.vector_load %arg11[%get3A_303, %get3A_304] {strides = array<i32>} : memref<128x64xf32, #tpu.memory_space<vmem>>, vector<16xf32>,
        %mul3A_306 = arith.mulf %get3A_305, %gather3A : vector<16xf32>
        %swap3A_307 = arith.index_cast %add3A_301 : i32 to index
        %swap3A_308 = arith.constant 0 : index
        %swap3A_309 = tpu.vector_load %arg11[%swap3A_307, %swap3A_308] {strides = array<i32>} : memref<128x64xf32, #tpu.memory_space<vmem>>, vector<16xf32>,
        tpu.vector_store %arg11[%swap3A_307, %swap3A_308], %mul3A_306 {strides = array<i32>} : memref<128x64xf32, #tpu.memory_space<vmem>>, vector<16xf32>,
        %get3A_310 = arith.index_cast %add3A_301 : i32 to index
        %get3A_311 = arith.constant 16 : index
        %get3A_312 = tpu.vector_load %arg11[%get3A_310, %get3A_311] {strides = array<i32>} : memref<128x64xf32, #tpu.memory_space<vmem>>, vector<16xf32>,
        %mul3A_313 = arith.mulf %get3A_312, %gather3A : vector<16xf32>
        %swap3A_314 = arith.index_cast %add3A_301 : i32 to index
        %swap3A_315 = arith.constant 16 : index
        %swap3A_316 = tpu.vector_load %arg11[%swap3A_314, %swap3A_315] {strides = array<i32>} : memref<128x64xf32, #tpu.memory_space<vmem>>, vector<16xf32>,
        tpu.vector_store %arg11[%swap3A_314, %swap3A_315], %mul3A_313 {strides = array<i32>} : memref<128x64xf32, #tpu.memory_space<vmem>>, vector<16xf32>,
        %get3A_317 = arith.index_cast %add3A_301 : i32 to index
        %get3A_318 = arith.constant 32 : index
        %get3A_319 = tpu.vector_load %arg11[%get3A_317, %get3A_318] {strides = array<i32>} : memref<128x64xf32, #tpu.memory_space<vmem>>, vector<16xf32>,
        %mul3A_320 = arith.mulf %get3A_319, %gather3A : vector<16xf32>
        %swap3A_321 = arith.index_cast %add3A_301 : i32 to index
        %swap3A_322 = arith.constant 32 : index
        %swap3A_323 = tpu.vector_load %arg11[%swap3A_321, %swap3A_322] {strides = array<i32>} : memref<128x64xf32, #tpu.memory_space<vmem>>, vector<16xf32>,
        tpu.vector_store %arg11[%swap3A_321, %swap3A_322], %mul3A_320 {strides = array<i32>} : memref<128x64xf32, #tpu.memory_space<vmem>>, vector<16xf32>,
        %get3A_324 = arith.index_cast %add3A_301 : i32 to index
        %get3A_325 = arith.constant 48 : index
        %get3A_326 = tpu.vector_load %arg11[%get3A_324, %get3A_325] {strides = array<i32>} : memref<128x64xf32, #tpu.memory_space<vmem>>, vector<16xf32>,
        %mul3A_327 = arith.mulf %get3A_326, %gather3A : vector<16xf32>
        %swap3A_328 = arith.index_cast %add3A_301 : i32 to index
        %swap3A_329 = arith.constant 48 : index
        %swap3A_330 = tpu.vector_load %arg11[%swap3A_328, %swap3A_329] {strides = array<i32>} : memref<128x64xf32, #tpu.memory_space<vmem>>, vector<16xf32>,
        tpu.vector_store %arg11[%swap3A_328, %swap3A_329], %mul3A_327 {strides = array<i32>} : memref<128x64xf32, #tpu.memory_space<vmem>>, vector<16xf32>,
        %scan3A_331 = arith.constant 1 : i32
        %scan3A_332 = arith.addi %scan3A_297, %scan3A_331 : i32
        %mul3A_333 = arith.constant 1 : i32
        %mul3A_334 = arith.muli %scan3A_332, %mul3A_333 : i32
        %add3A_335 = arith.constant 0 : i32
        %add3A_336 = arith.addi %add3A_335, %mul3A_334 : i32
        %add3A_337 = arith.addi %mul3A_247, %add3A_336 : i32
        %broadcast_in_dim3A_338 = vector.broadcast %add3A_337 : i32 to vector<16xi32>
        %gather3A_339 = tpu.vector_load_idx %arg10[%broadcast_in_dim3A_338] : memref<20480xf32, #tpu.memory_space<vmem>>[vector<16xi32>], vector<16xf32>,
        %get3A_340 = arith.index_cast %add3A_336 : i32 to index
        %get3A_341 = arith.constant 0 : index
        %get3A_342 = tpu.vector_load %arg11[%get3A_340, %get3A_341] {strides = array<i32>} : memref<128x64xf32, #tpu.memory_space<vmem>>, vector<16xf32>,
        %mul3A_343 = arith.mulf %get3A_342, %gather3A_339 : vector<16xf32>
        %swap3A_344 = arith.index_cast %add3A_336 : i32 to index
        %swap3A_345 = arith.constant 0 : index
        %swap3A_346 = tpu.vector_load %arg11[%swap3A_344, %swap3A_345] {strides = array<i32>} : memref<128x64xf32, #tpu.memory_space<vmem>>, vector<16xf32>,
        tpu.vector_store %arg11[%swap3A_344, %swap3A_345], %mul3A_343 {strides = array<i32>} : memref<128x64xf32, #tpu.memory_space<vmem>>, vector<16xf32>,
        %get3A_347 = arith.index_cast %add3A_336 : i32 to index
        %get3A_348 = arith.constant 16 : index
        %get3A_349 = tpu.vector_load %arg11[%get3A_347, %get3A_348] {strides = array<i32>} : memref<128x64xf32, #tpu.memory_space<vmem>>, vector<16xf32>,
        %mul3A_350 = arith.mulf %get3A_349, %gather3A_339 : vector<16xf32>
        %swap3A_351 = arith.index_cast %add3A_336 : i32 to index
        %swap3A_352 = arith.constant 16 : index
        %swap3A_353 = tpu.vector_load %arg11[%swap3A_351, %swap3A_352] {strides = array<i32>} : memref<128x64xf32, #tpu.memory_space<vmem>>, vector<16xf32>,
        tpu.vector_store %arg11[%swap3A_351, %swap3A_352], %mul3A_350 {strides = array<i32>} : memref<128x64xf32, #tpu.memory_space<vmem>>, vector<16xf32>,
        %get3A_354 = arith.index_cast %add3A_336 : i32 to index
        %get3A_355 = arith.constant 32 : index
        %get3A_356 = tpu.vector_load %arg11[%get3A_354, %get3A_355] {strides = array<i32>} : memref<128x64xf32, #tpu.memory_space<vmem>>, vector<16xf32>,
        %mul3A_357 = arith.mulf %get3A_356, %gather3A_339 : vector<16xf32>
        %swap3A_358 = arith.index_cast %add3A_336 : i32 to index
        %swap3A_359 = arith.constant 32 : index
        %swap3A_360 = tpu.vector_load %arg11[%swap3A_358, %swap3A_359] {strides = array<i32>} : memref<128x64xf32, #tpu.memory_space<vmem>>, vector<16xf32>,
        tpu.vector_store %arg11[%swap3A_358, %swap3A_359], %mul3A_357 {strides = array<i32>} : memref<128x64xf32, #tpu.memory_space<vmem>>, vector<16xf32>,
        %get3A_361 = arith.index_cast %add3A_336 : i32 to index
        %get3A_362 = arith.constant 48 : index
        %get3A_363 = tpu.vector_load %arg11[%get3A_361, %get3A_362] {strides = array<i32>} : memref<128x64xf32, #tpu.memory_space<vmem>>, vector<16xf32>,
        %mul3A_364 = arith.mulf %get3A_363, %gather3A_339 : vector<16xf32>
        %swap3A_365 = arith.index_cast %add3A_336 : i32 to index
        %swap3A_366 = arith.constant 48 : index
        %swap3A_367 = tpu.vector_load %arg11[%swap3A_365, %swap3A_366] {strides = array<i32>} : memref<128x64xf32, #tpu.memory_space<vmem>>, vector<16xf32>,
        tpu.vector_store %arg11[%swap3A_365, %swap3A_366], %mul3A_364 {strides = array<i32>} : memref<128x64xf32, #tpu.memory_space<vmem>>, vector<16xf32>,
        %scan3A_368 = arith.constant 2 : i32
        %scan3A_369 = arith.addi %scan3A_297, %scan3A_368 : i32
        %mul3A_370 = arith.constant 1 : i32
        %mul3A_371 = arith.muli %scan3A_369, %mul3A_370 : i32
        %add3A_372 = arith.constant 0 : i32
        %add3A_373 = arith.addi %add3A_372, %mul3A_371 : i32
        %add3A_374 = arith.addi %mul3A_247, %add3A_373 : i32
        %broadcast_in_dim3A_375 = vector.broadcast %add3A_374 : i32 to vector<16xi32>
        %gather3A_376 = tpu.vector_load_idx %arg10[%broadcast_in_dim3A_375] : memref<20480xf32, #tpu.memory_space<vmem>>[vector<16xi32>], vector<16xf32>,
        %get3A_377 = arith.index_cast %add3A_373 : i32 to index
        %get3A_378 = arith.constant 0 : index
        %get3A_379 = tpu.vector_load %arg11[%get3A_377, %get3A_378] {strides = array<i32>} : memref<128x64xf32, #tpu.memory_space<vmem>>, vector<16xf32>,
        %mul3A_380 = arith.mulf %get3A_379, %gather3A_376 : vector<16xf32>
        %swap3A_381 = arith.index_cast %add3A_373 : i32 to index
        %swap3A_382 = arith.constant 0 : index
        %swap3A_383 = tpu.vector_load %arg11[%swap3A_381, %swap3A_382] {strides = array<i32>} : memref<128x64xf32, #tpu.memory_space<vmem>>, vector<16xf32>,
        tpu.vector_store %arg11[%swap3A_381, %swap3A_382], %mul3A_380 {strides = array<i32>} : memref<128x64xf32, #tpu.memory_space<vmem>>, vector<16xf32>,
        %get3A_384 = arith.index_cast %add3A_373 : i32 to index
        %get3A_385 = arith.constant 16 : index
        %get3A_386 = tpu.vector_load %arg11[%get3A_384, %get3A_385] {strides = array<i32>} : memref<128x64xf32, #tpu.memory_space<vmem>>, vector<16xf32>,
        %mul3A_387 = arith.mulf %get3A_386, %gather3A_376 : vector<16xf32>
        %swap3A_388 = arith.index_cast %add3A_373 : i32 to index
        %swap3A_389 = arith.constant 16 : index
        %swap3A_390 = tpu.vector_load %arg11[%swap3A_388, %swap3A_389] {strides = array<i32>} : memref<128x64xf32, #tpu.memory_space<vmem>>, vector<16xf32>,
        tpu.vector_store %arg11[%swap3A_388, %swap3A_389], %mul3A_387 {strides = array<i32>} : memref<128x64xf32, #tpu.memory_space<vmem>>, vector<16xf32>,
        %get3A_391 = arith.index_cast %add3A_373 : i32 to index
        %get3A_392 = arith.constant 32 : index
        %get3A_393 = tpu.vector_load %arg11[%get3A_391, %get3A_392] {strides = array<i32>} : memref<128x64xf32, #tpu.memory_space<vmem>>, vector<16xf32>,
        %mul3A_394 = arith.mulf %get3A_393, %gather3A_376 : vector<16xf32>
        %swap3A_395 = arith.index_cast %add3A_373 : i32 to index
        %swap3A_396 = arith.constant 32 : index
        %swap3A_397 = tpu.vector_load %arg11[%swap3A_395, %swap3A_396] {strides = array<i32>} : memref<128x64xf32, #tpu.memory_space<vmem>>, vector<16xf32>,
        tpu.vector_store %arg11[%swap3A_395, %swap3A_396], %mul3A_394 {strides = array<i32>} : memref<128x64xf32, #tpu.memory_space<vmem>>, vector<16xf32>,
        %get3A_398 = arith.index_cast %add3A_373 : i32 to index
        %get3A_399 = arith.constant 48 : index
        %get3A_400 = tpu.vector_load %arg11[%get3A_398, %get3A_399] {strides = array<i32>} : memref<128x64xf32, #tpu.memory_space<vmem>>, vector<16xf32>,
        %mul3A_401 = arith.mulf %get3A_400, %gather3A_376 : vector<16xf32>
        %swap3A_402 = arith.index_cast %add3A_373 : i32 to index
        %swap3A_403 = arith.constant 48 : index
        %swap3A_404 = tpu.vector_load %arg11[%swap3A_402, %swap3A_403] {strides = array<i32>} : memref<128x64xf32, #tpu.memory_space<vmem>>, vector<16xf32>,
        tpu.vector_store %arg11[%swap3A_402, %swap3A_403], %mul3A_401 {strides = array<i32>} : memref<128x64xf32, #tpu.memory_space<vmem>>, vector<16xf32>,
        %scan3A_405 = arith.constant 3 : i32
        %scan3A_406 = arith.addi %scan3A_297, %scan3A_405 : i32
        %mul3A_407 = arith.constant 1 : i32
        %mul3A_408 = arith.muli %scan3A_406, %mul3A_407 : i32
        %add3A_409 = arith.constant 0 : i32
        %add3A_410 = arith.addi %add3A_409, %mul3A_408 : i32
        %add3A_411 = arith.addi %mul3A_247, %add3A_410 : i32
        %broadcast_in_dim3A_412 = vector.broadcast %add3A_411 : i32 to vector<16xi32>
        %gather3A_413 = tpu.vector_load_idx %arg10[%broadcast_in_dim3A_412] : memref<20480xf32, #tpu.memory_space<vmem>>[vector<16xi32>], vector<16xf32>,
        %get3A_414 = arith.index_cast %add3A_410 : i32 to index
        %get3A_415 = arith.constant 0 : index
        %get3A_416 = tpu.vector_load %arg11[%get3A_414, %get3A_415] {strides = array<i32>} : memref<128x64xf32, #tpu.memory_space<vmem>>, vector<16xf32>,
        %mul3A_417 = arith.mulf %get3A_416, %gather3A_413 : vector<16xf32>
        %swap3A_418 = arith.index_cast %add3A_410 : i32 to index
        %swap3A_419 = arith.constant 0 : index
        %swap3A_420 = tpu.vector_load %arg11[%swap3A_418, %swap3A_419] {strides = array<i32>} : memref<128x64xf32, #tpu.memory_space<vmem>>, vector<16xf32>,
        tpu.vector_store %arg11[%swap3A_418, %swap3A_419], %mul3A_417 {strides = array<i32>} : memref<128x64xf32, #tpu.memory_space<vmem>>, vector<16xf32>,
        %get3A_421 = arith.index_cast %add3A_410 : i32 to index
        %get3A_422 = arith.constant 16 : index
        %get3A_423 = tpu.vector_load %arg11[%get3A_421, %get3A_422] {strides = array<i32>} : memref<128x64xf32, #tpu.memory_space<vmem>>, vector<16xf32>,
        %mul3A_424 = arith.mulf %get3A_423, %gather3A_413 : vector<16xf32>
        %swap3A_425 = arith.index_cast %add3A_410 : i32 to index
        %swap3A_426 = arith.constant 16 : index
        %swap3A_427 = tpu.vector_load %arg11[%swap3A_425, %swap3A_426] {strides = array<i32>} : memref<128x64xf32, #tpu.memory_space<vmem>>, vector<16xf32>,
        tpu.vector_store %arg11[%swap3A_425, %swap3A_426], %mul3A_424 {strides = array<i32>} : memref<128x64xf32, #tpu.memory_space<vmem>>, vector<16xf32>,
        %get3A_428 = arith.index_cast %add3A_410 : i32 to index
        %get3A_429 = arith.constant 32 : index
        %get3A_430 = tpu.vector_load %arg11[%get3A_428, %get3A_429] {strides = array<i32>} : memref<128x64xf32, #tpu.memory_space<vmem>>, vector<16xf32>,
        %mul3A_431 = arith.mulf %get3A_430, %gather3A_413 : vector<16xf32>
        %swap3A_432 = arith.index_cast %add3A_410 : i32 to index
        %swap3A_433 = arith.constant 32 : index
        %swap3A_434 = tpu.vector_load %arg11[%swap3A_432, %swap3A_433] {strides = array<i32>} : memref<128x64xf32, #tpu.memory_space<vmem>>, vector<16xf32>,
        tpu.vector_store %arg11[%swap3A_432, %swap3A_433], %mul3A_431 {strides = array<i32>} : memref<128x64xf32, #tpu.memory_space<vmem>>, vector<16xf32>,
        %get3A_435 = arith.index_cast %add3A_410 : i32 to index
        %get3A_436 = arith.constant 48 : index
        %get3A_437 = tpu.vector_load %arg11[%get3A_435, %get3A_436] {strides = array<i32>} : memref<128x64xf32, #tpu.memory_space<vmem>>, vector<16xf32>,
        %mul3A_438 = arith.mulf %get3A_437, %gather3A_413 : vector<16xf32>
        %swap3A_439 = arith.index_cast %add3A_410 : i32 to index
        %swap3A_440 = arith.constant 48 : index
        %swap3A_441 = tpu.vector_load %arg11[%swap3A_439, %swap3A_440] {strides = array<i32>} : memref<128x64xf32, #tpu.memory_space<vmem>>, vector<16xf32>,
        tpu.vector_store %arg11[%swap3A_439, %swap3A_440], %mul3A_438 {strides = array<i32>} : memref<128x64xf32, #tpu.memory_space<vmem>>, vector<16xf32>,
      }
      %scan3A_252 = arith.constant 128 : i32
      %dma_start3A_253 = arith.constant 0 : i32
      %dma_start3A_254 = tpu.memref_slice %arg9[%mul3A_158, %dma_start3A_253] : memref<160x128xi32, #tpu.memory_space<vmem>> -> memref<1x128xi32, #tpu.memory_space<vmem>>
      %dma_start3A_255 = tpu.memref_squeeze %dma_start3A_254 : memref<1x128xi32, #tpu.memory_space<vmem>> -> memref<128xi32, #tpu.memory_space<vmem>>
      %dma_start3A_256 = arith.constant 0 : i32
      %dma_start3A_257 = arith.constant 0 : i32
      %dma_start3A_258 = tpu.memref_slice %arg15[%dma_start3A_256, %dma_start3A_257] : memref<10240x64xf32, #tpu.memory_space<vmem_shared>> -> memref<10240x64xf32, #tpu.memory_space<vmem_shared>>
      tpu.enqueue_indirect_dma source(%arg11 : memref<128x64xf32, #tpu.memory_space<vmem>>) target(%dma_start3A_258 : memref<10240x64xf32, #tpu.memory_space<vmem_shared>>) offsets(%dma_start3A_255 : memref<128xi32, #tpu.memory_space<vmem>>) semaphore(%arg18 : memref<!tpu.dma_semaphore, #tpu.memory_space<semaphore_mem>>) {add = true}
      %dma_wait3A_259 = arith.constant 0 : i32
      %dma_wait3A_260 = arith.constant 0 : i32
      %dma_wait3A_261 = tpu.memref_slice %arg2[%dma_wait3A_259, %dma_wait3A_260] : memref<40000x64xf32, #tpu.memory_space<hbm>> -> memref<40000x64xf32, #tpu.memory_space<hbm>>
      tpu.wait_indirect_dma semaphore(%arg17 : memref<!tpu.dma_semaphore, #tpu.memory_space<semaphore_mem>>) src(%dma_wait3A_261 : memref<40000x64xf32, #tpu.memory_space<hbm>>) dst(%arg12 : memref<128x64xf32, #tpu.memory_space<vmem>>)
      %add3A_262 = arith.constant 1 : i32
      %add3A_263 = arith.addi %mul3A_158, %add3A_262 : i32
      %mul3A_264 = arith.constant 128 : i32
      %mul3A_265 = arith.muli %add3A_263, %mul3A_264 : i32
      %scan3A_266 = arith.constant 0 : i32
      %scan3A_267 = arith.constant 128 : i32
      %scan3A_268 = arith.addi %scan3A_266, %scan3A_267 : i32
      %scan3A_269 = arith.constant 4 : i32
      scf.for %scan3A_297 = %scan3A_266 to %scan3A_268 step %scan3A_269  : i32 {
        %mul3A_298 = arith.constant 1 : i32
        %mul3A_299 = arith.muli %scan3A_297, %mul3A_298 : i32
        %add3A_300 = arith.constant 0 : i32
        %add3A_301 = arith.addi %add3A_300, %mul3A_299 : i32
        %add3A_302 = arith.addi %mul3A_265, %add3A_301 : i32
        %broadcast_in_dim3A = vector.broadcast %add3A_302 : i32 to vector<16xi32>
        %gather3A = tpu.vector_load_idx %arg10[%broadcast_in_dim3A] : memref<20480xf32, #tpu.memory_space<vmem>>[vector<16xi32>], vector<16xf32>,
        %get3A_303 = arith.index_cast %add3A_301 : i32 to index
        %get3A_304 = arith.constant 0 : index
        %get3A_305 = tpu.vector_load %arg12[%get3A_303, %get3A_304] {strides = array<i32>} : memref<128x64xf32, #tpu.memory_space<vmem>>, vector<16xf32>,
        %mul3A_306 = arith.mulf %get3A_305, %gather3A : vector<16xf32>
        %swap3A_307 = arith.index_cast %add3A_301 : i32 to index
        %swap3A_308 = arith.constant 0 : index
        %swap3A_309 = tpu.vector_load %arg12[%swap3A_307, %swap3A_308] {strides = array<i32>} : memref<128x64xf32, #tpu.memory_space<vmem>>, vector<16xf32>,
        tpu.vector_store %arg12[%swap3A_307, %swap3A_308], %mul3A_306 {strides = array<i32>} : memref<128x64xf32, #tpu.memory_space<vmem>>, vector<16xf32>,
        %get3A_310 = arith.index_cast %add3A_301 : i32 to index
        %get3A_311 = arith.constant 16 : index
        %get3A_312 = tpu.vector_load %arg12[%get3A_310, %get3A_311] {strides = array<i32>} : memref<128x64xf32, #tpu.memory_space<vmem>>, vector<16xf32>,
        %mul3A_313 = arith.mulf %get3A_312, %gather3A : vector<16xf32>
        %swap3A_314 = arith.index_cast %add3A_301 : i32 to index
        %swap3A_315 = arith.constant 16 : index
        %swap3A_316 = tpu.vector_load %arg12[%swap3A_314, %swap3A_315] {strides = array<i32>} : memref<128x64xf32, #tpu.memory_space<vmem>>, vector<16xf32>,
        tpu.vector_store %arg12[%swap3A_314, %swap3A_315], %mul3A_313 {strides = array<i32>} : memref<128x64xf32, #tpu.memory_space<vmem>>, vector<16xf32>,
        %get3A_317 = arith.index_cast %add3A_301 : i32 to index
        %get3A_318 = arith.constant 32 : index
        %get3A_319 = tpu.vector_load %arg12[%get3A_317, %get3A_318] {strides = array<i32>} : memref<128x64xf32, #tpu.memory_space<vmem>>, vector<16xf32>,
        %mul3A_320 = arith.mulf %get3A_319, %gather3A : vector<16xf32>
        %swap3A_321 = arith.index_cast %add3A_301 : i32 to index
        %swap3A_322 = arith.constant 32 : index
        %swap3A_323 = tpu.vector_load %arg12[%swap3A_321, %swap3A_322] {strides = array<i32>} : memref<128x64xf32, #tpu.memory_space<vmem>>, vector<16xf32>,
        tpu.vector_store %arg12[%swap3A_321, %swap3A_322], %mul3A_320 {strides = array<i32>} : memref<128x64xf32, #tpu.memory_space<vmem>>, vector<16xf32>,
        %get3A_324 = arith.index_cast %add3A_301 : i32 to index
        %get3A_325 = arith.constant 48 : index
        %get3A_326 = tpu.vector_load %arg12[%get3A_324, %get3A_325] {strides = array<i32>} : memref<128x64xf32, #tpu.memory_space<vmem>>, vector<16xf32>,
        %mul3A_327 = arith.mulf %get3A_326, %gather3A : vector<16xf32>
        %swap3A_328 = arith.index_cast %add3A_301 : i32 to index
        %swap3A_329 = arith.constant 48 : index
        %swap3A_330 = tpu.vector_load %arg12[%swap3A_328, %swap3A_329] {strides = array<i32>} : memref<128x64xf32, #tpu.memory_space<vmem>>, vector<16xf32>,
        tpu.vector_store %arg12[%swap3A_328, %swap3A_329], %mul3A_327 {strides = array<i32>} : memref<128x64xf32, #tpu.memory_space<vmem>>, vector<16xf32>,
        %scan3A_331 = arith.constant 1 : i32
        %scan3A_332 = arith.addi %scan3A_297, %scan3A_331 : i32
        %mul3A_333 = arith.constant 1 : i32
        %mul3A_334 = arith.muli %scan3A_332, %mul3A_333 : i32
        %add3A_335 = arith.constant 0 : i32
        %add3A_336 = arith.addi %add3A_335, %mul3A_334 : i32
        %add3A_337 = arith.addi %mul3A_265, %add3A_336 : i32
        %broadcast_in_dim3A_338 = vector.broadcast %add3A_337 : i32 to vector<16xi32>
        %gather3A_339 = tpu.vector_load_idx %arg10[%broadcast_in_dim3A_338] : memref<20480xf32, #tpu.memory_space<vmem>>[vector<16xi32>], vector<16xf32>,
        %get3A_340 = arith.index_cast %add3A_336 : i32 to index
        %get3A_341 = arith.constant 0 : index
        %get3A_342 = tpu.vector_load %arg12[%get3A_340, %get3A_341] {strides = array<i32>} : memref<128x64xf32, #tpu.memory_space<vmem>>, vector<16xf32>,
        %mul3A_343 = arith.mulf %get3A_342, %gather3A_339 : vector<16xf32>
        %swap3A_344 = arith.index_cast %add3A_336 : i32 to index
        %swap3A_345 = arith.constant 0 : index
        %swap3A_346 = tpu.vector_load %arg12[%swap3A_344, %swap3A_345] {strides = array<i32>} : memref<128x64xf32, #tpu.memory_space<vmem>>, vector<16xf32>,
        tpu.vector_store %arg12[%swap3A_344, %swap3A_345], %mul3A_343 {strides = array<i32>} : memref<128x64xf32, #tpu.memory_space<vmem>>, vector<16xf32>,
        %get3A_347 = arith.index_cast %add3A_336 : i32 to index
        %get3A_348 = arith.constant 16 : index
        %get3A_349 = tpu.vector_load %arg12[%get3A_347, %get3A_348] {strides = array<i32>} : memref<128x64xf32, #tpu.memory_space<vmem>>, vector<16xf32>,
        %mul3A_350 = arith.mulf %get3A_349, %gather3A_339 : vector<16xf32>
        %swap3A_351 = arith.index_cast %add3A_336 : i32 to index
        %swap3A_352 = arith.constant 16 : index
        %swap3A_353 = tpu.vector_load %arg12[%swap3A_351, %swap3A_352] {strides = array<i32>} : memref<128x64xf32, #tpu.memory_space<vmem>>, vector<16xf32>,
        tpu.vector_store %arg12[%swap3A_351, %swap3A_352], %mul3A_350 {strides = array<i32>} : memref<128x64xf32, #tpu.memory_space<vmem>>, vector<16xf32>,
        %get3A_354 = arith.index_cast %add3A_336 : i32 to index
        %get3A_355 = arith.constant 32 : index
        %get3A_356 = tpu.vector_load %arg12[%get3A_354, %get3A_355] {strides = array<i32>} : memref<128x64xf32, #tpu.memory_space<vmem>>, vector<16xf32>,
        %mul3A_357 = arith.mulf %get3A_356, %gather3A_339 : vector<16xf32>
        %swap3A_358 = arith.index_cast %add3A_336 : i32 to index
        %swap3A_359 = arith.constant 32 : index
        %swap3A_360 = tpu.vector_load %arg12[%swap3A_358, %swap3A_359] {strides = array<i32>} : memref<128x64xf32, #tpu.memory_space<vmem>>, vector<16xf32>,
        tpu.vector_store %arg12[%swap3A_358, %swap3A_359], %mul3A_357 {strides = array<i32>} : memref<128x64xf32, #tpu.memory_space<vmem>>, vector<16xf32>,
        %get3A_361 = arith.index_cast %add3A_336 : i32 to index
        %get3A_362 = arith.constant 48 : index
        %get3A_363 = tpu.vector_load %arg12[%get3A_361, %get3A_362] {strides = array<i32>} : memref<128x64xf32, #tpu.memory_space<vmem>>, vector<16xf32>,
        %mul3A_364 = arith.mulf %get3A_363, %gather3A_339 : vector<16xf32>
        %swap3A_365 = arith.index_cast %add3A_336 : i32 to index
        %swap3A_366 = arith.constant 48 : index
        %swap3A_367 = tpu.vector_load %arg12[%swap3A_365, %swap3A_366] {strides = array<i32>} : memref<128x64xf32, #tpu.memory_space<vmem>>, vector<16xf32>,
        tpu.vector_store %arg12[%swap3A_365, %swap3A_366], %mul3A_364 {strides = array<i32>} : memref<128x64xf32, #tpu.memory_space<vmem>>, vector<16xf32>,
        %scan3A_368 = arith.constant 2 : i32
        %scan3A_369 = arith.addi %scan3A_297, %scan3A_368 : i32
        %mul3A_370 = arith.constant 1 : i32
        %mul3A_371 = arith.muli %scan3A_369, %mul3A_370 : i32
        %add3A_372 = arith.constant 0 : i32
        %add3A_373 = arith.addi %add3A_372, %mul3A_371 : i32
        %add3A_374 = arith.addi %mul3A_265, %add3A_373 : i32
        %broadcast_in_dim3A_375 = vector.broadcast %add3A_374 : i32 to vector<16xi32>
        %gather3A_376 = tpu.vector_load_idx %arg10[%broadcast_in_dim3A_375] : memref<20480xf32, #tpu.memory_space<vmem>>[vector<16xi32>], vector<16xf32>,
        %get3A_377 = arith.index_cast %add3A_373 : i32 to index
        %get3A_378 = arith.constant 0 : index
        %get3A_379 = tpu.vector_load %arg12[%get3A_377, %get3A_378] {strides = array<i32>} : memref<128x64xf32, #tpu.memory_space<vmem>>, vector<16xf32>,
        %mul3A_380 = arith.mulf %get3A_379, %gather3A_376 : vector<16xf32>
        %swap3A_381 = arith.index_cast %add3A_373 : i32 to index
        %swap3A_382 = arith.constant 0 : index
        %swap3A_383 = tpu.vector_load %arg12[%swap3A_381, %swap3A_382] {strides = array<i32>} : memref<128x64xf32, #tpu.memory_space<vmem>>, vector<16xf32>,
        tpu.vector_store %arg12[%swap3A_381, %swap3A_382], %mul3A_380 {strides = array<i32>} : memref<128x64xf32, #tpu.memory_space<vmem>>, vector<16xf32>,
        %get3A_384 = arith.index_cast %add3A_373 : i32 to index
        %get3A_385 = arith.constant 16 : index
        %get3A_386 = tpu.vector_load %arg12[%get3A_384, %get3A_385] {strides = array<i32>} : memref<128x64xf32, #tpu.memory_space<vmem>>, vector<16xf32>,
        %mul3A_387 = arith.mulf %get3A_386, %gather3A_376 : vector<16xf32>
        %swap3A_388 = arith.index_cast %add3A_373 : i32 to index
        %swap3A_389 = arith.constant 16 : index
        %swap3A_390 = tpu.vector_load %arg12[%swap3A_388, %swap3A_389] {strides = array<i32>} : memref<128x64xf32, #tpu.memory_space<vmem>>, vector<16xf32>,
        tpu.vector_store %arg12[%swap3A_388, %swap3A_389], %mul3A_387 {strides = array<i32>} : memref<128x64xf32, #tpu.memory_space<vmem>>, vector<16xf32>,
        %get3A_391 = arith.index_cast %add3A_373 : i32 to index
        %get3A_392 = arith.constant 32 : index
        %get3A_393 = tpu.vector_load %arg12[%get3A_391, %get3A_392] {strides = array<i32>} : memref<128x64xf32, #tpu.memory_space<vmem>>, vector<16xf32>,
        %mul3A_394 = arith.mulf %get3A_393, %gather3A_376 : vector<16xf32>
        %swap3A_395 = arith.index_cast %add3A_373 : i32 to index
        %swap3A_396 = arith.constant 32 : index
        %swap3A_397 = tpu.vector_load %arg12[%swap3A_395, %swap3A_396] {strides = array<i32>} : memref<128x64xf32, #tpu.memory_space<vmem>>, vector<16xf32>,
        tpu.vector_store %arg12[%swap3A_395, %swap3A_396], %mul3A_394 {strides = array<i32>} : memref<128x64xf32, #tpu.memory_space<vmem>>, vector<16xf32>,
        %get3A_398 = arith.index_cast %add3A_373 : i32 to index
        %get3A_399 = arith.constant 48 : index
        %get3A_400 = tpu.vector_load %arg12[%get3A_398, %get3A_399] {strides = array<i32>} : memref<128x64xf32, #tpu.memory_space<vmem>>, vector<16xf32>,
        %mul3A_401 = arith.mulf %get3A_400, %gather3A_376 : vector<16xf32>
        %swap3A_402 = arith.index_cast %add3A_373 : i32 to index
        %swap3A_403 = arith.constant 48 : index
        %swap3A_404 = tpu.vector_load %arg12[%swap3A_402, %swap3A_403] {strides = array<i32>} : memref<128x64xf32, #tpu.memory_space<vmem>>, vector<16xf32>,
        tpu.vector_store %arg12[%swap3A_402, %swap3A_403], %mul3A_401 {strides = array<i32>} : memref<128x64xf32, #tpu.memory_space<vmem>>, vector<16xf32>,
        %scan3A_405 = arith.constant 3 : i32
        %scan3A_406 = arith.addi %scan3A_297, %scan3A_405 : i32
        %mul3A_407 = arith.constant 1 : i32
        %mul3A_408 = arith.muli %scan3A_406, %mul3A_407 : i32
        %add3A_409 = arith.constant 0 : i32
        %add3A_410 = arith.addi %add3A_409, %mul3A_408 : i32
        %add3A_411 = arith.addi %mul3A_265, %add3A_410 : i32
        %broadcast_in_dim3A_412 = vector.broadcast %add3A_411 : i32 to vector<16xi32>
        %gather3A_413 = tpu.vector_load_idx %arg10[%broadcast_in_dim3A_412] : memref<20480xf32, #tpu.memory_space<vmem>>[vector<16xi32>], vector<16xf32>,
        %get3A_414 = arith.index_cast %add3A_410 : i32 to index
        %get3A_415 = arith.constant 0 : index
        %get3A_416 = tpu.vector_load %arg12[%get3A_414, %get3A_415] {strides = array<i32>} : memref<128x64xf32, #tpu.memory_space<vmem>>, vector<16xf32>,
        %mul3A_417 = arith.mulf %get3A_416, %gather3A_413 : vector<16xf32>
        %swap3A_418 = arith.index_cast %add3A_410 : i32 to index
        %swap3A_419 = arith.constant 0 : index
        %swap3A_420 = tpu.vector_load %arg12[%swap3A_418, %swap3A_419] {strides = array<i32>} : memref<128x64xf32, #tpu.memory_space<vmem>>, vector<16xf32>,
        tpu.vector_store %arg12[%swap3A_418, %swap3A_419], %mul3A_417 {strides = array<i32>} : memref<128x64xf32, #tpu.memory_space<vmem>>, vector<16xf32>,
        %get3A_421 = arith.index_cast %add3A_410 : i32 to index
        %get3A_422 = arith.constant 16 : index
        %get3A_423 = tpu.vector_load %arg12[%get3A_421, %get3A_422] {strides = array<i32>} : memref<128x64xf32, #tpu.memory_space<vmem>>, vector<16xf32>,
        %mul3A_424 = arith.mulf %get3A_423, %gather3A_413 : vector<16xf32>
        %swap3A_425 = arith.index_cast %add3A_410 : i32 to index
        %swap3A_426 = arith.constant 16 : index
        %swap3A_427 = tpu.vector_load %arg12[%swap3A_425, %swap3A_426] {strides = array<i32>} : memref<128x64xf32, #tpu.memory_space<vmem>>, vector<16xf32>,
        tpu.vector_store %arg12[%swap3A_425, %swap3A_426], %mul3A_424 {strides = array<i32>} : memref<128x64xf32, #tpu.memory_space<vmem>>, vector<16xf32>,
        %get3A_428 = arith.index_cast %add3A_410 : i32 to index
        %get3A_429 = arith.constant 32 : index
        %get3A_430 = tpu.vector_load %arg12[%get3A_428, %get3A_429] {strides = array<i32>} : memref<128x64xf32, #tpu.memory_space<vmem>>, vector<16xf32>,
        %mul3A_431 = arith.mulf %get3A_430, %gather3A_413 : vector<16xf32>
        %swap3A_432 = arith.index_cast %add3A_410 : i32 to index
        %swap3A_433 = arith.constant 32 : index
        %swap3A_434 = tpu.vector_load %arg12[%swap3A_432, %swap3A_433] {strides = array<i32>} : memref<128x64xf32, #tpu.memory_space<vmem>>, vector<16xf32>,
        tpu.vector_store %arg12[%swap3A_432, %swap3A_433], %mul3A_431 {strides = array<i32>} : memref<128x64xf32, #tpu.memory_space<vmem>>, vector<16xf32>,
        %get3A_435 = arith.index_cast %add3A_410 : i32 to index
        %get3A_436 = arith.constant 48 : index
        %get3A_437 = tpu.vector_load %arg12[%get3A_435, %get3A_436] {strides = array<i32>} : memref<128x64xf32, #tpu.memory_space<vmem>>, vector<16xf32>,
        %mul3A_438 = arith.mulf %get3A_437, %gather3A_413 : vector<16xf32>
        %swap3A_439 = arith.index_cast %add3A_410 : i32 to index
        %swap3A_440 = arith.constant 48 : index
        %swap3A_441 = tpu.vector_load %arg12[%swap3A_439, %swap3A_440] {strides = array<i32>} : memref<128x64xf32, #tpu.memory_space<vmem>>, vector<16xf32>,
        tpu.vector_store %arg12[%swap3A_439, %swap3A_440], %mul3A_438 {strides = array<i32>} : memref<128x64xf32, #tpu.memory_space<vmem>>, vector<16xf32>,
      }
      %scan3A_270 = arith.constant 128 : i32
      %add3A_271 = arith.constant 1 : i32
      %add3A_272 = arith.addi %mul3A_158, %add3A_271 : i32
      %dma_start3A_273 = arith.constant 0 : i32
      %dma_start3A_274 = tpu.memref_slice %arg9[%add3A_272, %dma_start3A_273] : memref<160x128xi32, #tpu.memory_space<vmem>> -> memref<1x128xi32, #tpu.memory_space<vmem>>
      %dma_start3A_275 = tpu.memref_squeeze %dma_start3A_274 : memref<1x128xi32, #tpu.memory_space<vmem>> -> memref<128xi32, #tpu.memory_space<vmem>>
      %dma_start3A_276 = arith.constant 0 : i32
      %dma_start3A_277 = arith.constant 0 : i32
      %dma_start3A_278 = tpu.memref_slice %arg15[%dma_start3A_276, %dma_start3A_277] : memref<10240x64xf32, #tpu.memory_space<vmem_shared>> -> memref<10240x64xf32, #tpu.memory_space<vmem_shared>>
      tpu.enqueue_indirect_dma source(%arg12 : memref<128x64xf32, #tpu.memory_space<vmem>>) target(%dma_start3A_278 : memref<10240x64xf32, #tpu.memory_space<vmem_shared>>) offsets(%dma_start3A_275 : memref<128xi32, #tpu.memory_space<vmem>>) semaphore(%arg19 : memref<!tpu.dma_semaphore, #tpu.memory_space<semaphore_mem>>) {add = true}
      %dma_wait3A_279 = arith.constant 0 : i32
      %dma_wait3A_280 = tpu.memref_slice %arg9[%mul3A_158, %dma_wait3A_279] : memref<160x128xi32, #tpu.memory_space<vmem>> -> memref<1x128xi32, #tpu.memory_space<vmem>>
      %dma_wait3A_281 = tpu.memref_squeeze %dma_wait3A_280 : memref<1x128xi32, #tpu.memory_space<vmem>> -> memref<128xi32, #tpu.memory_space<vmem>>
      %dma_wait3A_282 = arith.constant 0 : i32
      %dma_wait3A_283 = arith.constant 0 : i32
      %dma_wait3A_284 = tpu.memref_slice %arg15[%dma_wait3A_282, %dma_wait3A_283] : memref<10240x64xf32, #tpu.memory_space<vmem_shared>> -> memref<10240x64xf32, #tpu.memory_space<vmem_shared>>
      tpu.wait_indirect_dma semaphore(%arg18 : memref<!tpu.dma_semaphore, #tpu.memory_space<semaphore_mem>>) src(%arg11 : memref<128x64xf32, #tpu.memory_space<vmem>>) dst(%dma_wait3A_284 : memref<10240x64xf32, #tpu.memory_space<vmem_shared>>)
      %add3A_285 = arith.constant 1 : i32
      %add3A_286 = arith.addi %add3A_156, %add3A_285 : i32
      %lt3A = arith.constant 80 : i32
      %lt3A_287 = arith.cmpi slt, %add3A_286, %lt3A : i32
      %convert_element_type3A = arith.extui %lt3A_287 : i1 to i32
      %cond3A = arith.constant 0 : i32
      %cond3A_288 = arith.cmpi ne, %convert_element_type3A, %cond3A : i32
      scf.if %cond3A_288 {
        %add3A_297 = arith.constant 2 : i32
        %add3A_298 = arith.addi %mul3A_158, %add3A_297 : i32
        %mul3A_299 = arith.constant 128 : i32
        %mul3A_300 = arith.muli %add3A_298, %mul3A_299 : i32
        %add3A_301 = arith.constant 0 : i32
        %add3A_302 = arith.addi %mul3A_300, %add3A_301 : i32
        %get3A_303 = arith.index_cast %add3A_302 : i32 to index
        %get3A_304 = tpu.vector_load %arg8[%get3A_303] {strides = array<i32>} : memref<20480xi32, #tpu.memory_space<vmem>>, vector<16xi32>,
        %add3A_305 = vector.broadcast %mul3A_21 : i32 to vector<16xi32>
        %add3A_306 = arith.addi %get3A_304, %add3A_305 : vector<16xi32>
        %swap3A_307 = arith.constant 0 : index
        %swap3A_308 = tpu.vector_load %arg13[%swap3A_307] {strides = array<i32>} : memref<128xi32, #tpu.memory_space<vmem>>, vector<16xi32>,
        tpu.vector_store %arg13[%swap3A_307], %add3A_306 {strides = array<i32>} : memref<128xi32, #tpu.memory_space<vmem>>, vector<16xi32>,
        %mul3A_309 = arith.constant 128 : i32
        %mul3A_310 = arith.muli %add3A_298, %mul3A_309 : i32
        %add3A_311 = arith.constant 16 : i32
        %add3A_312 = arith.addi %mul3A_310, %add3A_311 : i32
        %get3A_313 = arith.index_cast %add3A_312 : i32 to index
        %get3A_314 = tpu.vector_load %arg8[%get3A_313] {strides = array<i32>} : memref<20480xi32, #tpu.memory_space<vmem>>, vector<16xi32>,
        %add3A_315 = vector.broadcast %mul3A_21 : i32 to vector<16xi32>
        %add3A_316 = arith.addi %get3A_314, %add3A_315 : vector<16xi32>
        %swap3A_317 = arith.constant 16 : index
        %swap3A_318 = tpu.vector_load %arg13[%swap3A_317] {strides = array<i32>} : memref<128xi32, #tpu.memory_space<vmem>>, vector<16xi32>,
        tpu.vector_store %arg13[%swap3A_317], %add3A_316 {strides = array<i32>} : memref<128xi32, #tpu.memory_space<vmem>>, vector<16xi32>,
        %mul3A_319 = arith.constant 128 : i32
        %mul3A_320 = arith.muli %add3A_298, %mul3A_319 : i32
        %add3A_321 = arith.constant 32 : i32
        %add3A_322 = arith.addi %mul3A_320, %add3A_321 : i32
        %get3A_323 = arith.index_cast %add3A_322 : i32 to index
        %get3A_324 = tpu.vector_load %arg8[%get3A_323] {strides = array<i32>} : memref<20480xi32, #tpu.memory_space<vmem>>, vector<16xi32>,
        %add3A_325 = vector.broadcast %mul3A_21 : i32 to vector<16xi32>
        %add3A_326 = arith.addi %get3A_324, %add3A_325 : vector<16xi32>
        %swap3A_327 = arith.constant 32 : index
        %swap3A_328 = tpu.vector_load %arg13[%swap3A_327] {strides = array<i32>} : memref<128xi32, #tpu.memory_space<vmem>>, vector<16xi32>,
        tpu.vector_store %arg13[%swap3A_327], %add3A_326 {strides = array<i32>} : memref<128xi32, #tpu.memory_space<vmem>>, vector<16xi32>,
        %mul3A_329 = arith.constant 128 : i32
        %mul3A_330 = arith.muli %add3A_298, %mul3A_329 : i32
        %add3A_331 = arith.constant 48 : i32
        %add3A_332 = arith.addi %mul3A_330, %add3A_331 : i32
        %get3A_333 = arith.index_cast %add3A_332 : i32 to index
        %get3A_334 = tpu.vector_load %arg8[%get3A_333] {strides = array<i32>} : memref<20480xi32, #tpu.memory_space<vmem>>, vector<16xi32>,
        %add3A_335 = vector.broadcast %mul3A_21 : i32 to vector<16xi32>
        %add3A_336 = arith.addi %get3A_334, %add3A_335 : vector<16xi32>
        %swap3A_337 = arith.constant 48 : index
        %swap3A_338 = tpu.vector_load %arg13[%swap3A_337] {strides = array<i32>} : memref<128xi32, #tpu.memory_space<vmem>>, vector<16xi32>,
        tpu.vector_store %arg13[%swap3A_337], %add3A_336 {strides = array<i32>} : memref<128xi32, #tpu.memory_space<vmem>>, vector<16xi32>,
        %mul3A_339 = arith.constant 128 : i32
        %mul3A_340 = arith.muli %add3A_298, %mul3A_339 : i32
        %add3A_341 = arith.constant 64 : i32
        %add3A_342 = arith.addi %mul3A_340, %add3A_341 : i32
        %get3A_343 = arith.index_cast %add3A_342 : i32 to index
        %get3A_344 = tpu.vector_load %arg8[%get3A_343] {strides = array<i32>} : memref<20480xi32, #tpu.memory_space<vmem>>, vector<16xi32>,
        %add3A_345 = vector.broadcast %mul3A_21 : i32 to vector<16xi32>
        %add3A_346 = arith.addi %get3A_344, %add3A_345 : vector<16xi32>
        %swap3A_347 = arith.constant 64 : index
        %swap3A_348 = tpu.vector_load %arg13[%swap3A_347] {strides = array<i32>} : memref<128xi32, #tpu.memory_space<vmem>>, vector<16xi32>,
        tpu.vector_store %arg13[%swap3A_347], %add3A_346 {strides = array<i32>} : memref<128xi32, #tpu.memory_space<vmem>>, vector<16xi32>,
        %mul3A_349 = arith.constant 128 : i32
        %mul3A_350 = arith.muli %add3A_298, %mul3A_349 : i32
        %add3A_351 = arith.constant 80 : i32
        %add3A_352 = arith.addi %mul3A_350, %add3A_351 : i32
        %get3A_353 = arith.index_cast %add3A_352 : i32 to index
        %get3A_354 = tpu.vector_load %arg8[%get3A_353] {strides = array<i32>} : memref<20480xi32, #tpu.memory_space<vmem>>, vector<16xi32>,
        %add3A_355 = vector.broadcast %mul3A_21 : i32 to vector<16xi32>
        %add3A_356 = arith.addi %get3A_354, %add3A_355 : vector<16xi32>
        %swap3A_357 = arith.constant 80 : index
        %swap3A_358 = tpu.vector_load %arg13[%swap3A_357] {strides = array<i32>} : memref<128xi32, #tpu.memory_space<vmem>>, vector<16xi32>,
        tpu.vector_store %arg13[%swap3A_357], %add3A_356 {strides = array<i32>} : memref<128xi32, #tpu.memory_space<vmem>>, vector<16xi32>,
        %mul3A_359 = arith.constant 128 : i32
        %mul3A_360 = arith.muli %add3A_298, %mul3A_359 : i32
        %add3A_361 = arith.constant 96 : i32
        %add3A_362 = arith.addi %mul3A_360, %add3A_361 : i32
        %get3A_363 = arith.index_cast %add3A_362 : i32 to index
        %get3A_364 = tpu.vector_load %arg8[%get3A_363] {strides = array<i32>} : memref<20480xi32, #tpu.memory_space<vmem>>, vector<16xi32>,
        %add3A_365 = vector.broadcast %mul3A_21 : i32 to vector<16xi32>
        %add3A_366 = arith.addi %get3A_364, %add3A_365 : vector<16xi32>
        %swap3A_367 = arith.constant 96 : index
        %swap3A_368 = tpu.vector_load %arg13[%swap3A_367] {strides = array<i32>} : memref<128xi32, #tpu.memory_space<vmem>>, vector<16xi32>,
        tpu.vector_store %arg13[%swap3A_367], %add3A_366 {strides = array<i32>} : memref<128xi32, #tpu.memory_space<vmem>>, vector<16xi32>,
        %mul3A_369 = arith.constant 128 : i32
        %mul3A_370 = arith.muli %add3A_298, %mul3A_369 : i32
        %add3A_371 = arith.constant 112 : i32
        %add3A_372 = arith.addi %mul3A_370, %add3A_371 : i32
        %get3A_373 = arith.index_cast %add3A_372 : i32 to index
        %get3A_374 = tpu.vector_load %arg8[%get3A_373] {strides = array<i32>} : memref<20480xi32, #tpu.memory_space<vmem>>, vector<16xi32>,
        %add3A_375 = vector.broadcast %mul3A_21 : i32 to vector<16xi32>
        %add3A_376 = arith.addi %get3A_374, %add3A_375 : vector<16xi32>
        %swap3A_377 = arith.constant 112 : index
        %swap3A_378 = tpu.vector_load %arg13[%swap3A_377] {strides = array<i32>} : memref<128xi32, #tpu.memory_space<vmem>>, vector<16xi32>,
        tpu.vector_store %arg13[%swap3A_377], %add3A_376 {strides = array<i32>} : memref<128xi32, #tpu.memory_space<vmem>>, vector<16xi32>,
        %dma_start3A_379 = arith.constant 0 : i32
        %dma_start3A_380 = arith.constant 0 : i32
        %dma_start3A_381 = tpu.memref_slice %arg2[%dma_start3A_379, %dma_start3A_380] : memref<40000x64xf32, #tpu.memory_space<hbm>> -> memref<40000x64xf32, #tpu.memory_space<hbm>>
        tpu.enqueue_indirect_dma source(%dma_start3A_381 : memref<40000x64xf32, #tpu.memory_space<hbm>>) target(%arg11 : memref<128x64xf32, #tpu.memory_space<vmem>>) offsets(%arg13 : memref<128xi32, #tpu.memory_space<vmem>>) semaphore(%arg16 : memref<!tpu.dma_semaphore, #tpu.memory_space<semaphore_mem>>)
      } else {
      }
      %add3A_289 = arith.constant 1 : i32
      %add3A_290 = arith.addi %mul3A_158, %add3A_289 : i32
      %dma_wait3A_291 = arith.constant 0 : i32
      %dma_wait3A_292 = tpu.memref_slice %arg9[%add3A_290, %dma_wait3A_291] : memref<160x128xi32, #tpu.memory_space<vmem>> -> memref<1x128xi32, #tpu.memory_space<vmem>>
      %dma_wait3A_293 = tpu.memref_squeeze %dma_wait3A_292 : memref<1x128xi32, #tpu.memory_space<vmem>> -> memref<128xi32, #tpu.memory_space<vmem>>
      %dma_wait3A_294 = arith.constant 0 : i32
      %dma_wait3A_295 = arith.constant 0 : i32
      %dma_wait3A_296 = tpu.memref_slice %arg15[%dma_wait3A_294, %dma_wait3A_295] : memref<10240x64xf32, #tpu.memory_space<vmem_shared>> -> memref<10240x64xf32, #tpu.memory_space<vmem_shared>>
      tpu.wait_indirect_dma semaphore(%arg19 : memref<!tpu.dma_semaphore, #tpu.memory_space<semaphore_mem>>) src(%arg12 : memref<128x64xf32, #tpu.memory_space<vmem>>) dst(%dma_wait3A_296 : memref<10240x64xf32, #tpu.memory_space<vmem_shared>>)
    }
    %scan3A_75 = arith.constant 80 : i32
    %barrier3A_76 = arith.constant 0 : index
    tpu.barrier barrier_id(%barrier3A_76)
    %mul3A_77 = arith.constant 640 : i32
    %mul3A_78 = arith.muli %arg1, %mul3A_77 : i32
    %mul3A_79 = arith.constant 640 : i32
    %mul3A_80 = arith.muli %arg1, %mul3A_79 : i32
    %run_scoped3A = arith.constant 0 : i32
    "tpu.region"() ({
      %run_scoped3A_152 = tpu.sem_alloc : memref<!tpu.dma_semaphore, #tpu.memory_space<semaphore_mem>>
      %dma_start3A_153 = arith.constant 0 : i32
      %dma_start3A_154 = tpu.memref_slice %arg7[%run_scoped3A, %arg0, %mul3A_80, %dma_start3A_153] : memref<2x2x10240x64xf32, #tpu.memory_space<hbm>> -> memref<1x1x640x64xf32, #tpu.memory_space<hbm>>
      %dma_start3A_155 = tpu.memref_squeeze %dma_start3A_154 : memref<1x1x640x64xf32, #tpu.memory_space<hbm>> -> memref<640x64xf32, #tpu.memory_space<hbm>>
      %dma_start3A_156 = arith.constant 0 : i32
      %dma_start3A_157 = tpu.memref_slice %arg15[%mul3A_78, %dma_start3A_156] : memref<10240x64xf32, #tpu.memory_space<vmem_shared>> -> memref<640x64xf32, #tpu.memory_space<vmem_shared>>
      tpu.enqueue_dma source(%dma_start3A_157 : memref<640x64xf32, #tpu.memory_space<vmem_shared>>) target(%dma_start3A_155 : memref<640x64xf32, #tpu.memory_space<hbm>>) target_semaphore(%run_scoped3A_152 : memref<!tpu.dma_semaphore, #tpu.memory_space<semaphore_mem>>)
      %dma_wait3A = arith.constant 0 : i32
      %dma_wait3A_158 = tpu.memref_slice %arg7[%run_scoped3A, %arg0, %mul3A_80, %dma_wait3A] : memref<2x2x10240x64xf32, #tpu.memory_space<hbm>> -> memref<1x1x640x64xf32, #tpu.memory_space<hbm>>
      %dma_wait3A_159 = tpu.memref_squeeze %dma_wait3A_158 : memref<1x1x640x64xf32, #tpu.memory_space<hbm>> -> memref<640x64xf32, #tpu.memory_space<hbm>>
      %dma_wait3A_160 = arith.constant 0 : i32
      %dma_wait3A_161 = tpu.memref_slice %arg15[%mul3A_78, %dma_wait3A_160] : memref<10240x64xf32, #tpu.memory_space<vmem_shared>> -> memref<640x64xf32, #tpu.memory_space<vmem_shared>>
      tpu.wait_dma2 semaphore(%run_scoped3A_152 : memref<!tpu.dma_semaphore, #tpu.memory_space<semaphore_mem>>) src(%dma_wait3A_161 : memref<640x64xf32, #tpu.memory_space<vmem_shared>>) dst(%dma_wait3A_159 : memref<640x64xf32, #tpu.memory_space<hbm>>)
      tpu.yield
    }) : () -> ()
    %mul3A_81 = arith.constant 2 : i32
    %mul3A_82 = arith.muli %arg0, %mul3A_81 : i32
    %add3A_83 = arith.constant 1 : i32
    %add3A_84 = arith.addi %mul3A_82, %add3A_83 : i32
    %mul3A_85 = arith.constant 10000 : i32
    %mul3A_86 = arith.muli %add3A_84, %mul3A_85 : i32
    %mul3A_87 = arith.constant 640 : i32
    %mul3A_88 = arith.muli %arg1, %mul3A_87 : i32
    "tpu.region"() ({
      %run_scoped3A_152 = tpu.sem_alloc : memref<!tpu.dma_semaphore, #tpu.memory_space<semaphore_mem>>
      %dma_start3A_153 = arith.constant 0 : i32
      %dma_start3A_154 = tpu.memref_slice %arg15[%mul3A_88, %dma_start3A_153] : memref<10240x64xf32, #tpu.memory_space<vmem_shared>> -> memref<640x64xf32, #tpu.memory_space<vmem_shared>>
      %dma_start3A_155 = arith.constant 0 : i32
      %dma_start3A_156 = arith.constant 0 : i32
      %dma_start3A_157 = tpu.memref_slice %arg6[%dma_start3A_155, %dma_start3A_156] : memref<640x64xf32, #tpu.memory_space<hbm>> -> memref<640x64xf32, #tpu.memory_space<hbm>>
      tpu.enqueue_dma source(%dma_start3A_157 : memref<640x64xf32, #tpu.memory_space<hbm>>) target(%dma_start3A_154 : memref<640x64xf32, #tpu.memory_space<vmem_shared>>) target_semaphore(%run_scoped3A_152 : memref<!tpu.dma_semaphore, #tpu.memory_space<semaphore_mem>>)
      %dma_wait3A = arith.constant 0 : i32
      %dma_wait3A_158 = tpu.memref_slice %arg15[%mul3A_88, %dma_wait3A] : memref<10240x64xf32, #tpu.memory_space<vmem_shared>> -> memref<640x64xf32, #tpu.memory_space<vmem_shared>>
      %dma_wait3A_159 = arith.constant 0 : i32
      %dma_wait3A_160 = arith.constant 0 : i32
      %dma_wait3A_161 = tpu.memref_slice %arg6[%dma_wait3A_159, %dma_wait3A_160] : memref<640x64xf32, #tpu.memory_space<hbm>> -> memref<640x64xf32, #tpu.memory_space<hbm>>
      tpu.wait_dma2 semaphore(%run_scoped3A_152 : memref<!tpu.dma_semaphore, #tpu.memory_space<semaphore_mem>>) src(%dma_wait3A_161 : memref<640x64xf32, #tpu.memory_space<hbm>>) dst(%dma_wait3A_158 : memref<640x64xf32, #tpu.memory_space<vmem_shared>>)
      tpu.yield
    }) : () -> ()
    %barrier3A_89 = arith.constant 0 : index
    tpu.barrier barrier_id(%barrier3A_89)
    %get3A_90 = arith.constant 0 : index
    %get3A_91 = tpu.vector_load %arg8[%get3A_90] {strides = array<i32>} : memref<20480xi32, #tpu.memory_space<vmem>>, vector<16xi32>,
    %add3A_92 = vector.broadcast %mul3A_86 : i32 to vector<16xi32>
    %add3A_93 = arith.addi %get3A_91, %add3A_92 : vector<16xi32>
    %swap3A_94 = arith.constant 0 : index
    %swap3A_95 = tpu.vector_load %arg13[%swap3A_94] {strides = array<i32>} : memref<128xi32, #tpu.memory_space<vmem>>, vector<16xi32>,
    tpu.vector_store %arg13[%swap3A_94], %add3A_93 {strides = array<i32>} : memref<128xi32, #tpu.memory_space<vmem>>, vector<16xi32>,
    %get3A_96 = arith.constant 16 : index
    %get3A_97 = tpu.vector_load %arg8[%get3A_96] {strides = array<i32>} : memref<20480xi32, #tpu.memory_space<vmem>>, vector<16xi32>,
    %add3A_98 = vector.broadcast %mul3A_86 : i32 to vector<16xi32>
    %add3A_99 = arith.addi %get3A_97, %add3A_98 : vector<16xi32>
    %swap3A_100 = arith.constant 16 : index
    %swap3A_101 = tpu.vector_load %arg13[%swap3A_100] {strides = array<i32>} : memref<128xi32, #tpu.memory_space<vmem>>, vector<16xi32>,
    tpu.vector_store %arg13[%swap3A_100], %add3A_99 {strides = array<i32>} : memref<128xi32, #tpu.memory_space<vmem>>, vector<16xi32>,
    %get3A_102 = arith.constant 32 : index
    %get3A_103 = tpu.vector_load %arg8[%get3A_102] {strides = array<i32>} : memref<20480xi32, #tpu.memory_space<vmem>>, vector<16xi32>,
    %add3A_104 = vector.broadcast %mul3A_86 : i32 to vector<16xi32>
    %add3A_105 = arith.addi %get3A_103, %add3A_104 : vector<16xi32>
    %swap3A_106 = arith.constant 32 : index
    %swap3A_107 = tpu.vector_load %arg13[%swap3A_106] {strides = array<i32>} : memref<128xi32, #tpu.memory_space<vmem>>, vector<16xi32>,
    tpu.vector_store %arg13[%swap3A_106], %add3A_105 {strides = array<i32>} : memref<128xi32, #tpu.memory_space<vmem>>, vector<16xi32>,
    %get3A_108 = arith.constant 48 : index
    %get3A_109 = tpu.vector_load %arg8[%get3A_108] {strides = array<i32>} : memref<20480xi32, #tpu.memory_space<vmem>>, vector<16xi32>,
    %add3A_110 = vector.broadcast %mul3A_86 : i32 to vector<16xi32>
    %add3A_111 = arith.addi %get3A_109, %add3A_110 : vector<16xi32>
    %swap3A_112 = arith.constant 48 : index
    %swap3A_113 = tpu.vector_load %arg13[%swap3A_112] {strides = array<i32>} : memref<128xi32, #tpu.memory_space<vmem>>, vector<16xi32>,
    tpu.vector_store %arg13[%swap3A_112], %add3A_111 {strides = array<i32>} : memref<128xi32, #tpu.memory_space<vmem>>, vector<16xi32>,
    %get3A_114 = arith.constant 64 : index
    %get3A_115 = tpu.vector_load %arg8[%get3A_114] {strides = array<i32>} : memref<20480xi32, #tpu.memory_space<vmem>>, vector<16xi32>,
    %add3A_116 = vector.broadcast %mul3A_86 : i32 to vector<16xi32>
    %add3A_117 = arith.addi %get3A_115, %add3A_116 : vector<16xi32>
    %swap3A_118 = arith.constant 64 : index
    %swap3A_119 = tpu.vector_load %arg13[%swap3A_118] {strides = array<i32>} : memref<128xi32, #tpu.memory_space<vmem>>, vector<16xi32>,
    tpu.vector_store %arg13[%swap3A_118], %add3A_117 {strides = array<i32>} : memref<128xi32, #tpu.memory_space<vmem>>, vector<16xi32>,
    %get3A_120 = arith.constant 80 : index
    %get3A_121 = tpu.vector_load %arg8[%get3A_120] {strides = array<i32>} : memref<20480xi32, #tpu.memory_space<vmem>>, vector<16xi32>,
    %add3A_122 = vector.broadcast %mul3A_86 : i32 to vector<16xi32>
    %add3A_123 = arith.addi %get3A_121, %add3A_122 : vector<16xi32>
    %swap3A_124 = arith.constant 80 : index
    %swap3A_125 = tpu.vector_load %arg13[%swap3A_124] {strides = array<i32>} : memref<128xi32, #tpu.memory_space<vmem>>, vector<16xi32>,
    tpu.vector_store %arg13[%swap3A_124], %add3A_123 {strides = array<i32>} : memref<128xi32, #tpu.memory_space<vmem>>, vector<16xi32>,
    %get3A_126 = arith.constant 96 : index
    %get3A_127 = tpu.vector_load %arg8[%get3A_126] {strides = array<i32>} : memref<20480xi32, #tpu.memory_space<vmem>>, vector<16xi32>,
    %add3A_128 = vector.broadcast %mul3A_86 : i32 to vector<16xi32>
    %add3A_129 = arith.addi %get3A_127, %add3A_128 : vector<16xi32>
    %swap3A_130 = arith.constant 96 : index
    %swap3A_131 = tpu.vector_load %arg13[%swap3A_130] {strides = array<i32>} : memref<128xi32, #tpu.memory_space<vmem>>, vector<16xi32>,
    tpu.vector_store %arg13[%swap3A_130], %add3A_129 {strides = array<i32>} : memref<128xi32, #tpu.memory_space<vmem>>, vector<16xi32>,
    %get3A_132 = arith.constant 112 : index
    %get3A_133 = tpu.vector_load %arg8[%get3A_132] {strides = array<i32>} : memref<20480xi32, #tpu.memory_space<vmem>>, vector<16xi32>,
    %add3A_134 = vector.broadcast %mul3A_86 : i32 to vector<16xi32>
    %add3A_135 = arith.addi %get3A_133, %add3A_134 : vector<16xi32>
    %swap3A_136 = arith.constant 112 : index
    %swap3A_137 = tpu.vector_load %arg13[%swap3A_136] {strides = array<i32>} : memref<128xi32, #tpu.memory_space<vmem>>, vector<16xi32>,
    tpu.vector_store %arg13[%swap3A_136], %add3A_135 {strides = array<i32>} : memref<128xi32, #tpu.memory_space<vmem>>, vector<16xi32>,
    %dma_start3A_138 = arith.constant 0 : i32
    %dma_start3A_139 = arith.constant 0 : i32
    %dma_start3A_140 = tpu.memref_slice %arg2[%dma_start3A_138, %dma_start3A_139] : memref<40000x64xf32, #tpu.memory_space<hbm>> -> memref<40000x64xf32, #tpu.memory_space<hbm>>
    tpu.enqueue_indirect_dma source(%dma_start3A_140 : memref<40000x64xf32, #tpu.memory_space<hbm>>) target(%arg11 : memref<128x64xf32, #tpu.memory_space<vmem>>) offsets(%arg13 : memref<128xi32, #tpu.memory_space<vmem>>) semaphore(%arg16 : memref<!tpu.dma_semaphore, #tpu.memory_space<semaphore_mem>>)
    %scan3A_141 = arith.constant 0 : i32
    %scan3A_142 = arith.constant 80 : i32
    %scan3A_143 = arith.addi %scan3A_141, %scan3A_142 : i32
    %scan3A_144 = arith.constant 1 : i32
    scf.for %scan3A_152 = %scan3A_141 to %scan3A_143 step %scan3A_144  : i32 {
      %mul3A_153 = arith.constant 1 : i32
      %mul3A_154 = arith.muli %scan3A_152, %mul3A_153 : i32
      %add3A_155 = arith.constant 0 : i32
      %add3A_156 = arith.addi %add3A_155, %mul3A_154 : i32
      %mul3A_157 = arith.constant 2 : i32
      %mul3A_158 = arith.muli %mul3A_157, %add3A_156 : i32
      %add3A_159 = arith.constant 1 : i32
      %add3A_160 = arith.addi %mul3A_158, %add3A_159 : i32
      %mul3A_161 = arith.constant 128 : i32
      %mul3A_162 = arith.muli %add3A_160, %mul3A_161 : i32
      %add3A_163 = arith.constant 0 : i32
      %add3A_164 = arith.addi %mul3A_162, %add3A_163 : i32
      %get3A_165 = arith.index_cast %add3A_164 : i32 to index
      %get3A_166 = tpu.vector_load %arg8[%get3A_165] {strides = array<i32>} : memref<20480xi32, #tpu.memory_space<vmem>>, vector<16xi32>,
      %add3A_167 = vector.broadcast %mul3A_86 : i32 to vector<16xi32>
      %add3A_168 = arith.addi %get3A_166, %add3A_167 : vector<16xi32>
      %swap3A_169 = arith.constant 0 : index
      %swap3A_170 = tpu.vector_load %arg14[%swap3A_169] {strides = array<i32>} : memref<128xi32, #tpu.memory_space<vmem>>, vector<16xi32>,
      tpu.vector_store %arg14[%swap3A_169], %add3A_168 {strides = array<i32>} : memref<128xi32, #tpu.memory_space<vmem>>, vector<16xi32>,
      %mul3A_171 = arith.constant 128 : i32
      %mul3A_172 = arith.muli %add3A_160, %mul3A_171 : i32
      %add3A_173 = arith.constant 16 : i32
      %add3A_174 = arith.addi %mul3A_172, %add3A_173 : i32
      %get3A_175 = arith.index_cast %add3A_174 : i32 to index
      %get3A_176 = tpu.vector_load %arg8[%get3A_175] {strides = array<i32>} : memref<20480xi32, #tpu.memory_space<vmem>>, vector<16xi32>,
      %add3A_177 = vector.broadcast %mul3A_86 : i32 to vector<16xi32>
      %add3A_178 = arith.addi %get3A_176, %add3A_177 : vector<16xi32>
      %swap3A_179 = arith.constant 16 : index
      %swap3A_180 = tpu.vector_load %arg14[%swap3A_179] {strides = array<i32>} : memref<128xi32, #tpu.memory_space<vmem>>, vector<16xi32>,
      tpu.vector_store %arg14[%swap3A_179], %add3A_178 {strides = array<i32>} : memref<128xi32, #tpu.memory_space<vmem>>, vector<16xi32>,
      %mul3A_181 = arith.constant 128 : i32
      %mul3A_182 = arith.muli %add3A_160, %mul3A_181 : i32
      %add3A_183 = arith.constant 32 : i32
      %add3A_184 = arith.addi %mul3A_182, %add3A_183 : i32
      %get3A_185 = arith.index_cast %add3A_184 : i32 to index
      %get3A_186 = tpu.vector_load %arg8[%get3A_185] {strides = array<i32>} : memref<20480xi32, #tpu.memory_space<vmem>>, vector<16xi32>,
      %add3A_187 = vector.broadcast %mul3A_86 : i32 to vector<16xi32>
      %add3A_188 = arith.addi %get3A_186, %add3A_187 : vector<16xi32>
      %swap3A_189 = arith.constant 32 : index
      %swap3A_190 = tpu.vector_load %arg14[%swap3A_189] {strides = array<i32>} : memref<128xi32, #tpu.memory_space<vmem>>, vector<16xi32>,
      tpu.vector_store %arg14[%swap3A_189], %add3A_188 {strides = array<i32>} : memref<128xi32, #tpu.memory_space<vmem>>, vector<16xi32>,
      %mul3A_191 = arith.constant 128 : i32
      %mul3A_192 = arith.muli %add3A_160, %mul3A_191 : i32
      %add3A_193 = arith.constant 48 : i32
      %add3A_194 = arith.addi %mul3A_192, %add3A_193 : i32
      %get3A_195 = arith.index_cast %add3A_194 : i32 to index
      %get3A_196 = tpu.vector_load %arg8[%get3A_195] {strides = array<i32>} : memref<20480xi32, #tpu.memory_space<vmem>>, vector<16xi32>,
      %add3A_197 = vector.broadcast %mul3A_86 : i32 to vector<16xi32>
      %add3A_198 = arith.addi %get3A_196, %add3A_197 : vector<16xi32>
      %swap3A_199 = arith.constant 48 : index
      %swap3A_200 = tpu.vector_load %arg14[%swap3A_199] {strides = array<i32>} : memref<128xi32, #tpu.memory_space<vmem>>, vector<16xi32>,
      tpu.vector_store %arg14[%swap3A_199], %add3A_198 {strides = array<i32>} : memref<128xi32, #tpu.memory_space<vmem>>, vector<16xi32>,
      %mul3A_201 = arith.constant 128 : i32
      %mul3A_202 = arith.muli %add3A_160, %mul3A_201 : i32
      %add3A_203 = arith.constant 64 : i32
      %add3A_204 = arith.addi %mul3A_202, %add3A_203 : i32
      %get3A_205 = arith.index_cast %add3A_204 : i32 to index
      %get3A_206 = tpu.vector_load %arg8[%get3A_205] {strides = array<i32>} : memref<20480xi32, #tpu.memory_space<vmem>>, vector<16xi32>,
      %add3A_207 = vector.broadcast %mul3A_86 : i32 to vector<16xi32>
      %add3A_208 = arith.addi %get3A_206, %add3A_207 : vector<16xi32>
      %swap3A_209 = arith.constant 64 : index
      %swap3A_210 = tpu.vector_load %arg14[%swap3A_209] {strides = array<i32>} : memref<128xi32, #tpu.memory_space<vmem>>, vector<16xi32>,
      tpu.vector_store %arg14[%swap3A_209], %add3A_208 {strides = array<i32>} : memref<128xi32, #tpu.memory_space<vmem>>, vector<16xi32>,
      %mul3A_211 = arith.constant 128 : i32
      %mul3A_212 = arith.muli %add3A_160, %mul3A_211 : i32
      %add3A_213 = arith.constant 80 : i32
      %add3A_214 = arith.addi %mul3A_212, %add3A_213 : i32
      %get3A_215 = arith.index_cast %add3A_214 : i32 to index
      %get3A_216 = tpu.vector_load %arg8[%get3A_215] {strides = array<i32>} : memref<20480xi32, #tpu.memory_space<vmem>>, vector<16xi32>,
      %add3A_217 = vector.broadcast %mul3A_86 : i32 to vector<16xi32>
      %add3A_218 = arith.addi %get3A_216, %add3A_217 : vector<16xi32>
      %swap3A_219 = arith.constant 80 : index
      %swap3A_220 = tpu.vector_load %arg14[%swap3A_219] {strides = array<i32>} : memref<128xi32, #tpu.memory_space<vmem>>, vector<16xi32>,
      tpu.vector_store %arg14[%swap3A_219], %add3A_218 {strides = array<i32>} : memref<128xi32, #tpu.memory_space<vmem>>, vector<16xi32>,
      %mul3A_221 = arith.constant 128 : i32
      %mul3A_222 = arith.muli %add3A_160, %mul3A_221 : i32
      %add3A_223 = arith.constant 96 : i32
      %add3A_224 = arith.addi %mul3A_222, %add3A_223 : i32
      %get3A_225 = arith.index_cast %add3A_224 : i32 to index
      %get3A_226 = tpu.vector_load %arg8[%get3A_225] {strides = array<i32>} : memref<20480xi32, #tpu.memory_space<vmem>>, vector<16xi32>,
      %add3A_227 = vector.broadcast %mul3A_86 : i32 to vector<16xi32>
      %add3A_228 = arith.addi %get3A_226, %add3A_227 : vector<16xi32>
      %swap3A_229 = arith.constant 96 : index
      %swap3A_230 = tpu.vector_load %arg14[%swap3A_229] {strides = array<i32>} : memref<128xi32, #tpu.memory_space<vmem>>, vector<16xi32>,
      tpu.vector_store %arg14[%swap3A_229], %add3A_228 {strides = array<i32>} : memref<128xi32, #tpu.memory_space<vmem>>, vector<16xi32>,
      %mul3A_231 = arith.constant 128 : i32
      %mul3A_232 = arith.muli %add3A_160, %mul3A_231 : i32
      %add3A_233 = arith.constant 112 : i32
      %add3A_234 = arith.addi %mul3A_232, %add3A_233 : i32
      %get3A_235 = arith.index_cast %add3A_234 : i32 to index
      %get3A_236 = tpu.vector_load %arg8[%get3A_235] {strides = array<i32>} : memref<20480xi32, #tpu.memory_space<vmem>>, vector<16xi32>,
      %add3A_237 = vector.broadcast %mul3A_86 : i32 to vector<16xi32>
      %add3A_238 = arith.addi %get3A_236, %add3A_237 : vector<16xi32>
      %swap3A_239 = arith.constant 112 : index
      %swap3A_240 = tpu.vector_load %arg14[%swap3A_239] {strides = array<i32>} : memref<128xi32, #tpu.memory_space<vmem>>, vector<16xi32>,
      tpu.vector_store %arg14[%swap3A_239], %add3A_238 {strides = array<i32>} : memref<128xi32, #tpu.memory_space<vmem>>, vector<16xi32>,
      %dma_start3A_241 = arith.constant 0 : i32
      %dma_start3A_242 = arith.constant 0 : i32
      %dma_start3A_243 = tpu.memref_slice %arg2[%dma_start3A_241, %dma_start3A_242] : memref<40000x64xf32, #tpu.memory_space<hbm>> -> memref<40000x64xf32, #tpu.memory_space<hbm>>
      tpu.enqueue_indirect_dma source(%dma_start3A_243 : memref<40000x64xf32, #tpu.memory_space<hbm>>) target(%arg12 : memref<128x64xf32, #tpu.memory_space<vmem>>) offsets(%arg14 : memref<128xi32, #tpu.memory_space<vmem>>) semaphore(%arg17 : memref<!tpu.dma_semaphore, #tpu.memory_space<semaphore_mem>>)
      %dma_wait3A = arith.constant 0 : i32
      %dma_wait3A_244 = arith.constant 0 : i32
      %dma_wait3A_245 = tpu.memref_slice %arg2[%dma_wait3A, %dma_wait3A_244] : memref<40000x64xf32, #tpu.memory_space<hbm>> -> memref<40000x64xf32, #tpu.memory_space<hbm>>
      tpu.wait_indirect_dma semaphore(%arg16 : memref<!tpu.dma_semaphore, #tpu.memory_space<semaphore_mem>>) src(%dma_wait3A_245 : memref<40000x64xf32, #tpu.memory_space<hbm>>) dst(%arg11 : memref<128x64xf32, #tpu.memory_space<vmem>>)
      %mul3A_246 = arith.constant 128 : i32
      %mul3A_247 = arith.muli %mul3A_158, %mul3A_246 : i32
      %scan3A_248 = arith.constant 0 : i32
      %scan3A_249 = arith.constant 128 : i32
      %scan3A_250 = arith.addi %scan3A_248, %scan3A_249 : i32
      %scan3A_251 = arith.constant 4 : i32
      scf.for %scan3A_297 = %scan3A_248 to %scan3A_250 step %scan3A_251  : i32 {
        %mul3A_298 = arith.constant 1 : i32
        %mul3A_299 = arith.muli %scan3A_297, %mul3A_298 : i32
        %add3A_300 = arith.constant 0 : i32
        %add3A_301 = arith.addi %add3A_300, %mul3A_299 : i32
        %add3A_302 = arith.addi %mul3A_247, %add3A_301 : i32
        %broadcast_in_dim3A = vector.broadcast %add3A_302 : i32 to vector<16xi32>
        %gather3A = tpu.vector_load_idx %arg10[%broadcast_in_dim3A] : memref<20480xf32, #tpu.memory_space<vmem>>[vector<16xi32>], vector<16xf32>,
        %get3A_303 = arith.index_cast %add3A_301 : i32 to index
        %get3A_304 = arith.constant 0 : index
        %get3A_305 = tpu.vector_load %arg11[%get3A_303, %get3A_304] {strides = array<i32>} : memref<128x64xf32, #tpu.memory_space<vmem>>, vector<16xf32>,
        %mul3A_306 = arith.mulf %get3A_305, %gather3A : vector<16xf32>
        %swap3A_307 = arith.index_cast %add3A_301 : i32 to index
        %swap3A_308 = arith.constant 0 : index
        %swap3A_309 = tpu.vector_load %arg11[%swap3A_307, %swap3A_308] {strides = array<i32>} : memref<128x64xf32, #tpu.memory_space<vmem>>, vector<16xf32>,
        tpu.vector_store %arg11[%swap3A_307, %swap3A_308], %mul3A_306 {strides = array<i32>} : memref<128x64xf32, #tpu.memory_space<vmem>>, vector<16xf32>,
        %get3A_310 = arith.index_cast %add3A_301 : i32 to index
        %get3A_311 = arith.constant 16 : index
        %get3A_312 = tpu.vector_load %arg11[%get3A_310, %get3A_311] {strides = array<i32>} : memref<128x64xf32, #tpu.memory_space<vmem>>, vector<16xf32>,
        %mul3A_313 = arith.mulf %get3A_312, %gather3A : vector<16xf32>
        %swap3A_314 = arith.index_cast %add3A_301 : i32 to index
        %swap3A_315 = arith.constant 16 : index
        %swap3A_316 = tpu.vector_load %arg11[%swap3A_314, %swap3A_315] {strides = array<i32>} : memref<128x64xf32, #tpu.memory_space<vmem>>, vector<16xf32>,
        tpu.vector_store %arg11[%swap3A_314, %swap3A_315], %mul3A_313 {strides = array<i32>} : memref<128x64xf32, #tpu.memory_space<vmem>>, vector<16xf32>,
        %get3A_317 = arith.index_cast %add3A_301 : i32 to index
        %get3A_318 = arith.constant 32 : index
        %get3A_319 = tpu.vector_load %arg11[%get3A_317, %get3A_318] {strides = array<i32>} : memref<128x64xf32, #tpu.memory_space<vmem>>, vector<16xf32>,
        %mul3A_320 = arith.mulf %get3A_319, %gather3A : vector<16xf32>
        %swap3A_321 = arith.index_cast %add3A_301 : i32 to index
        %swap3A_322 = arith.constant 32 : index
        %swap3A_323 = tpu.vector_load %arg11[%swap3A_321, %swap3A_322] {strides = array<i32>} : memref<128x64xf32, #tpu.memory_space<vmem>>, vector<16xf32>,
        tpu.vector_store %arg11[%swap3A_321, %swap3A_322], %mul3A_320 {strides = array<i32>} : memref<128x64xf32, #tpu.memory_space<vmem>>, vector<16xf32>,
        %get3A_324 = arith.index_cast %add3A_301 : i32 to index
        %get3A_325 = arith.constant 48 : index
        %get3A_326 = tpu.vector_load %arg11[%get3A_324, %get3A_325] {strides = array<i32>} : memref<128x64xf32, #tpu.memory_space<vmem>>, vector<16xf32>,
        %mul3A_327 = arith.mulf %get3A_326, %gather3A : vector<16xf32>
        %swap3A_328 = arith.index_cast %add3A_301 : i32 to index
        %swap3A_329 = arith.constant 48 : index
        %swap3A_330 = tpu.vector_load %arg11[%swap3A_328, %swap3A_329] {strides = array<i32>} : memref<128x64xf32, #tpu.memory_space<vmem>>, vector<16xf32>,
        tpu.vector_store %arg11[%swap3A_328, %swap3A_329], %mul3A_327 {strides = array<i32>} : memref<128x64xf32, #tpu.memory_space<vmem>>, vector<16xf32>,
        %scan3A_331 = arith.constant 1 : i32
        %scan3A_332 = arith.addi %scan3A_297, %scan3A_331 : i32
        %mul3A_333 = arith.constant 1 : i32
        %mul3A_334 = arith.muli %scan3A_332, %mul3A_333 : i32
        %add3A_335 = arith.constant 0 : i32
        %add3A_336 = arith.addi %add3A_335, %mul3A_334 : i32
        %add3A_337 = arith.addi %mul3A_247, %add3A_336 : i32
        %broadcast_in_dim3A_338 = vector.broadcast %add3A_337 : i32 to vector<16xi32>
        %gather3A_339 = tpu.vector_load_idx %arg10[%broadcast_in_dim3A_338] : memref<20480xf32, #tpu.memory_space<vmem>>[vector<16xi32>], vector<16xf32>,
        %get3A_340 = arith.index_cast %add3A_336 : i32 to index
        %get3A_341 = arith.constant 0 : index
        %get3A_342 = tpu.vector_load %arg11[%get3A_340, %get3A_341] {strides = array<i32>} : memref<128x64xf32, #tpu.memory_space<vmem>>, vector<16xf32>,
        %mul3A_343 = arith.mulf %get3A_342, %gather3A_339 : vector<16xf32>
        %swap3A_344 = arith.index_cast %add3A_336 : i32 to index
        %swap3A_345 = arith.constant 0 : index
        %swap3A_346 = tpu.vector_load %arg11[%swap3A_344, %swap3A_345] {strides = array<i32>} : memref<128x64xf32, #tpu.memory_space<vmem>>, vector<16xf32>,
        tpu.vector_store %arg11[%swap3A_344, %swap3A_345], %mul3A_343 {strides = array<i32>} : memref<128x64xf32, #tpu.memory_space<vmem>>, vector<16xf32>,
        %get3A_347 = arith.index_cast %add3A_336 : i32 to index
        %get3A_348 = arith.constant 16 : index
        %get3A_349 = tpu.vector_load %arg11[%get3A_347, %get3A_348] {strides = array<i32>} : memref<128x64xf32, #tpu.memory_space<vmem>>, vector<16xf32>,
        %mul3A_350 = arith.mulf %get3A_349, %gather3A_339 : vector<16xf32>
        %swap3A_351 = arith.index_cast %add3A_336 : i32 to index
        %swap3A_352 = arith.constant 16 : index
        %swap3A_353 = tpu.vector_load %arg11[%swap3A_351, %swap3A_352] {strides = array<i32>} : memref<128x64xf32, #tpu.memory_space<vmem>>, vector<16xf32>,
        tpu.vector_store %arg11[%swap3A_351, %swap3A_352], %mul3A_350 {strides = array<i32>} : memref<128x64xf32, #tpu.memory_space<vmem>>, vector<16xf32>,
        %get3A_354 = arith.index_cast %add3A_336 : i32 to index
        %get3A_355 = arith.constant 32 : index
        %get3A_356 = tpu.vector_load %arg11[%get3A_354, %get3A_355] {strides = array<i32>} : memref<128x64xf32, #tpu.memory_space<vmem>>, vector<16xf32>,
        %mul3A_357 = arith.mulf %get3A_356, %gather3A_339 : vector<16xf32>
        %swap3A_358 = arith.index_cast %add3A_336 : i32 to index
        %swap3A_359 = arith.constant 32 : index
        %swap3A_360 = tpu.vector_load %arg11[%swap3A_358, %swap3A_359] {strides = array<i32>} : memref<128x64xf32, #tpu.memory_space<vmem>>, vector<16xf32>,
        tpu.vector_store %arg11[%swap3A_358, %swap3A_359], %mul3A_357 {strides = array<i32>} : memref<128x64xf32, #tpu.memory_space<vmem>>, vector<16xf32>,
        %get3A_361 = arith.index_cast %add3A_336 : i32 to index
        %get3A_362 = arith.constant 48 : index
        %get3A_363 = tpu.vector_load %arg11[%get3A_361, %get3A_362] {strides = array<i32>} : memref<128x64xf32, #tpu.memory_space<vmem>>, vector<16xf32>,
        %mul3A_364 = arith.mulf %get3A_363, %gather3A_339 : vector<16xf32>
        %swap3A_365 = arith.index_cast %add3A_336 : i32 to index
        %swap3A_366 = arith.constant 48 : index
        %swap3A_367 = tpu.vector_load %arg11[%swap3A_365, %swap3A_366] {strides = array<i32>} : memref<128x64xf32, #tpu.memory_space<vmem>>, vector<16xf32>,
        tpu.vector_store %arg11[%swap3A_365, %swap3A_366], %mul3A_364 {strides = array<i32>} : memref<128x64xf32, #tpu.memory_space<vmem>>, vector<16xf32>,
        %scan3A_368 = arith.constant 2 : i32
        %scan3A_369 = arith.addi %scan3A_297, %scan3A_368 : i32
        %mul3A_370 = arith.constant 1 : i32
        %mul3A_371 = arith.muli %scan3A_369, %mul3A_370 : i32
        %add3A_372 = arith.constant 0 : i32
        %add3A_373 = arith.addi %add3A_372, %mul3A_371 : i32
        %add3A_374 = arith.addi %mul3A_247, %add3A_373 : i32
        %broadcast_in_dim3A_375 = vector.broadcast %add3A_374 : i32 to vector<16xi32>
        %gather3A_376 = tpu.vector_load_idx %arg10[%broadcast_in_dim3A_375] : memref<20480xf32, #tpu.memory_space<vmem>>[vector<16xi32>], vector<16xf32>,
        %get3A_377 = arith.index_cast %add3A_373 : i32 to index
        %get3A_378 = arith.constant 0 : index
        %get3A_379 = tpu.vector_load %arg11[%get3A_377, %get3A_378] {strides = array<i32>} : memref<128x64xf32, #tpu.memory_space<vmem>>, vector<16xf32>,
        %mul3A_380 = arith.mulf %get3A_379, %gather3A_376 : vector<16xf32>
        %swap3A_381 = arith.index_cast %add3A_373 : i32 to index
        %swap3A_382 = arith.constant 0 : index
        %swap3A_383 = tpu.vector_load %arg11[%swap3A_381, %swap3A_382] {strides = array<i32>} : memref<128x64xf32, #tpu.memory_space<vmem>>, vector<16xf32>,
        tpu.vector_store %arg11[%swap3A_381, %swap3A_382], %mul3A_380 {strides = array<i32>} : memref<128x64xf32, #tpu.memory_space<vmem>>, vector<16xf32>,
        %get3A_384 = arith.index_cast %add3A_373 : i32 to index
        %get3A_385 = arith.constant 16 : index
        %get3A_386 = tpu.vector_load %arg11[%get3A_384, %get3A_385] {strides = array<i32>} : memref<128x64xf32, #tpu.memory_space<vmem>>, vector<16xf32>,
        %mul3A_387 = arith.mulf %get3A_386, %gather3A_376 : vector<16xf32>
        %swap3A_388 = arith.index_cast %add3A_373 : i32 to index
        %swap3A_389 = arith.constant 16 : index
        %swap3A_390 = tpu.vector_load %arg11[%swap3A_388, %swap3A_389] {strides = array<i32>} : memref<128x64xf32, #tpu.memory_space<vmem>>, vector<16xf32>,
        tpu.vector_store %arg11[%swap3A_388, %swap3A_389], %mul3A_387 {strides = array<i32>} : memref<128x64xf32, #tpu.memory_space<vmem>>, vector<16xf32>,
        %get3A_391 = arith.index_cast %add3A_373 : i32 to index
        %get3A_392 = arith.constant 32 : index
        %get3A_393 = tpu.vector_load %arg11[%get3A_391, %get3A_392] {strides = array<i32>} : memref<128x64xf32, #tpu.memory_space<vmem>>, vector<16xf32>,
        %mul3A_394 = arith.mulf %get3A_393, %gather3A_376 : vector<16xf32>
        %swap3A_395 = arith.index_cast %add3A_373 : i32 to index
        %swap3A_396 = arith.constant 32 : index
        %swap3A_397 = tpu.vector_load %arg11[%swap3A_395, %swap3A_396] {strides = array<i32>} : memref<128x64xf32, #tpu.memory_space<vmem>>, vector<16xf32>,
        tpu.vector_store %arg11[%swap3A_395, %swap3A_396], %mul3A_394 {strides = array<i32>} : memref<128x64xf32, #tpu.memory_space<vmem>>, vector<16xf32>,
        %get3A_398 = arith.index_cast %add3A_373 : i32 to index
        %get3A_399 = arith.constant 48 : index
        %get3A_400 = tpu.vector_load %arg11[%get3A_398, %get3A_399] {strides = array<i32>} : memref<128x64xf32, #tpu.memory_space<vmem>>, vector<16xf32>,
        %mul3A_401 = arith.mulf %get3A_400, %gather3A_376 : vector<16xf32>
        %swap3A_402 = arith.index_cast %add3A_373 : i32 to index
        %swap3A_403 = arith.constant 48 : index
        %swap3A_404 = tpu.vector_load %arg11[%swap3A_402, %swap3A_403] {strides = array<i32>} : memref<128x64xf32, #tpu.memory_space<vmem>>, vector<16xf32>,
        tpu.vector_store %arg11[%swap3A_402, %swap3A_403], %mul3A_401 {strides = array<i32>} : memref<128x64xf32, #tpu.memory_space<vmem>>, vector<16xf32>,
        %scan3A_405 = arith.constant 3 : i32
        %scan3A_406 = arith.addi %scan3A_297, %scan3A_405 : i32
        %mul3A_407 = arith.constant 1 : i32
        %mul3A_408 = arith.muli %scan3A_406, %mul3A_407 : i32
        %add3A_409 = arith.constant 0 : i32
        %add3A_410 = arith.addi %add3A_409, %mul3A_408 : i32
        %add3A_411 = arith.addi %mul3A_247, %add3A_410 : i32
        %broadcast_in_dim3A_412 = vector.broadcast %add3A_411 : i32 to vector<16xi32>
        %gather3A_413 = tpu.vector_load_idx %arg10[%broadcast_in_dim3A_412] : memref<20480xf32, #tpu.memory_space<vmem>>[vector<16xi32>], vector<16xf32>,
        %get3A_414 = arith.index_cast %add3A_410 : i32 to index
        %get3A_415 = arith.constant 0 : index
        %get3A_416 = tpu.vector_load %arg11[%get3A_414, %get3A_415] {strides = array<i32>} : memref<128x64xf32, #tpu.memory_space<vmem>>, vector<16xf32>,
        %mul3A_417 = arith.mulf %get3A_416, %gather3A_413 : vector<16xf32>
        %swap3A_418 = arith.index_cast %add3A_410 : i32 to index
        %swap3A_419 = arith.constant 0 : index
        %swap3A_420 = tpu.vector_load %arg11[%swap3A_418, %swap3A_419] {strides = array<i32>} : memref<128x64xf32, #tpu.memory_space<vmem>>, vector<16xf32>,
        tpu.vector_store %arg11[%swap3A_418, %swap3A_419], %mul3A_417 {strides = array<i32>} : memref<128x64xf32, #tpu.memory_space<vmem>>, vector<16xf32>,
        %get3A_421 = arith.index_cast %add3A_410 : i32 to index
        %get3A_422 = arith.constant 16 : index
        %get3A_423 = tpu.vector_load %arg11[%get3A_421, %get3A_422] {strides = array<i32>} : memref<128x64xf32, #tpu.memory_space<vmem>>, vector<16xf32>,
        %mul3A_424 = arith.mulf %get3A_423, %gather3A_413 : vector<16xf32>
        %swap3A_425 = arith.index_cast %add3A_410 : i32 to index
        %swap3A_426 = arith.constant 16 : index
        %swap3A_427 = tpu.vector_load %arg11[%swap3A_425, %swap3A_426] {strides = array<i32>} : memref<128x64xf32, #tpu.memory_space<vmem>>, vector<16xf32>,
        tpu.vector_store %arg11[%swap3A_425, %swap3A_426], %mul3A_424 {strides = array<i32>} : memref<128x64xf32, #tpu.memory_space<vmem>>, vector<16xf32>,
        %get3A_428 = arith.index_cast %add3A_410 : i32 to index
        %get3A_429 = arith.constant 32 : index
        %get3A_430 = tpu.vector_load %arg11[%get3A_428, %get3A_429] {strides = array<i32>} : memref<128x64xf32, #tpu.memory_space<vmem>>, vector<16xf32>,
        %mul3A_431 = arith.mulf %get3A_430, %gather3A_413 : vector<16xf32>
        %swap3A_432 = arith.index_cast %add3A_410 : i32 to index
        %swap3A_433 = arith.constant 32 : index
        %swap3A_434 = tpu.vector_load %arg11[%swap3A_432, %swap3A_433] {strides = array<i32>} : memref<128x64xf32, #tpu.memory_space<vmem>>, vector<16xf32>,
        tpu.vector_store %arg11[%swap3A_432, %swap3A_433], %mul3A_431 {strides = array<i32>} : memref<128x64xf32, #tpu.memory_space<vmem>>, vector<16xf32>,
        %get3A_435 = arith.index_cast %add3A_410 : i32 to index
        %get3A_436 = arith.constant 48 : index
        %get3A_437 = tpu.vector_load %arg11[%get3A_435, %get3A_436] {strides = array<i32>} : memref<128x64xf32, #tpu.memory_space<vmem>>, vector<16xf32>,
        %mul3A_438 = arith.mulf %get3A_437, %gather3A_413 : vector<16xf32>
        %swap3A_439 = arith.index_cast %add3A_410 : i32 to index
        %swap3A_440 = arith.constant 48 : index
        %swap3A_441 = tpu.vector_load %arg11[%swap3A_439, %swap3A_440] {strides = array<i32>} : memref<128x64xf32, #tpu.memory_space<vmem>>, vector<16xf32>,
        tpu.vector_store %arg11[%swap3A_439, %swap3A_440], %mul3A_438 {strides = array<i32>} : memref<128x64xf32, #tpu.memory_space<vmem>>, vector<16xf32>,
      }
      %scan3A_252 = arith.constant 128 : i32
      %dma_start3A_253 = arith.constant 0 : i32
      %dma_start3A_254 = tpu.memref_slice %arg9[%mul3A_158, %dma_start3A_253] : memref<160x128xi32, #tpu.memory_space<vmem>> -> memref<1x128xi32, #tpu.memory_space<vmem>>
      %dma_start3A_255 = tpu.memref_squeeze %dma_start3A_254 : memref<1x128xi32, #tpu.memory_space<vmem>> -> memref<128xi32, #tpu.memory_space<vmem>>
      %dma_start3A_256 = arith.constant 0 : i32
      %dma_start3A_257 = arith.constant 0 : i32
      %dma_start3A_258 = tpu.memref_slice %arg15[%dma_start3A_256, %dma_start3A_257] : memref<10240x64xf32, #tpu.memory_space<vmem_shared>> -> memref<10240x64xf32, #tpu.memory_space<vmem_shared>>
      tpu.enqueue_indirect_dma source(%arg11 : memref<128x64xf32, #tpu.memory_space<vmem>>) target(%dma_start3A_258 : memref<10240x64xf32, #tpu.memory_space<vmem_shared>>) offsets(%dma_start3A_255 : memref<128xi32, #tpu.memory_space<vmem>>) semaphore(%arg18 : memref<!tpu.dma_semaphore, #tpu.memory_space<semaphore_mem>>) {add = true}
      %dma_wait3A_259 = arith.constant 0 : i32
      %dma_wait3A_260 = arith.constant 0 : i32
      %dma_wait3A_261 = tpu.memref_slice %arg2[%dma_wait3A_259, %dma_wait3A_260] : memref<40000x64xf32, #tpu.memory_space<hbm>> -> memref<40000x64xf32, #tpu.memory_space<hbm>>
      tpu.wait_indirect_dma semaphore(%arg17 : memref<!tpu.dma_semaphore, #tpu.memory_space<semaphore_mem>>) src(%dma_wait3A_261 : memref<40000x64xf32, #tpu.memory_space<hbm>>) dst(%arg12 : memref<128x64xf32, #tpu.memory_space<vmem>>)
      %add3A_262 = arith.constant 1 : i32
      %add3A_263 = arith.addi %mul3A_158, %add3A_262 : i32
      %mul3A_264 = arith.constant 128 : i32
      %mul3A_265 = arith.muli %add3A_263, %mul3A_264 : i32
      %scan3A_266 = arith.constant 0 : i32
      %scan3A_267 = arith.constant 128 : i32
      %scan3A_268 = arith.addi %scan3A_266, %scan3A_267 : i32
      %scan3A_269 = arith.constant 4 : i32
      scf.for %scan3A_297 = %scan3A_266 to %scan3A_268 step %scan3A_269  : i32 {
        %mul3A_298 = arith.constant 1 : i32
        %mul3A_299 = arith.muli %scan3A_297, %mul3A_298 : i32
        %add3A_300 = arith.constant 0 : i32
        %add3A_301 = arith.addi %add3A_300, %mul3A_299 : i32
        %add3A_302 = arith.addi %mul3A_265, %add3A_301 : i32
        %broadcast_in_dim3A = vector.broadcast %add3A_302 : i32 to vector<16xi32>
        %gather3A = tpu.vector_load_idx %arg10[%broadcast_in_dim3A] : memref<20480xf32, #tpu.memory_space<vmem>>[vector<16xi32>], vector<16xf32>,
        %get3A_303 = arith.index_cast %add3A_301 : i32 to index
        %get3A_304 = arith.constant 0 : index
        %get3A_305 = tpu.vector_load %arg12[%get3A_303, %get3A_304] {strides = array<i32>} : memref<128x64xf32, #tpu.memory_space<vmem>>, vector<16xf32>,
        %mul3A_306 = arith.mulf %get3A_305, %gather3A : vector<16xf32>
        %swap3A_307 = arith.index_cast %add3A_301 : i32 to index
        %swap3A_308 = arith.constant 0 : index
        %swap3A_309 = tpu.vector_load %arg12[%swap3A_307, %swap3A_308] {strides = array<i32>} : memref<128x64xf32, #tpu.memory_space<vmem>>, vector<16xf32>,
        tpu.vector_store %arg12[%swap3A_307, %swap3A_308], %mul3A_306 {strides = array<i32>} : memref<128x64xf32, #tpu.memory_space<vmem>>, vector<16xf32>,
        %get3A_310 = arith.index_cast %add3A_301 : i32 to index
        %get3A_311 = arith.constant 16 : index
        %get3A_312 = tpu.vector_load %arg12[%get3A_310, %get3A_311] {strides = array<i32>} : memref<128x64xf32, #tpu.memory_space<vmem>>, vector<16xf32>,
        %mul3A_313 = arith.mulf %get3A_312, %gather3A : vector<16xf32>
        %swap3A_314 = arith.index_cast %add3A_301 : i32 to index
        %swap3A_315 = arith.constant 16 : index
        %swap3A_316 = tpu.vector_load %arg12[%swap3A_314, %swap3A_315] {strides = array<i32>} : memref<128x64xf32, #tpu.memory_space<vmem>>, vector<16xf32>,
        tpu.vector_store %arg12[%swap3A_314, %swap3A_315], %mul3A_313 {strides = array<i32>} : memref<128x64xf32, #tpu.memory_space<vmem>>, vector<16xf32>,
        %get3A_317 = arith.index_cast %add3A_301 : i32 to index
        %get3A_318 = arith.constant 32 : index
        %get3A_319 = tpu.vector_load %arg12[%get3A_317, %get3A_318] {strides = array<i32>} : memref<128x64xf32, #tpu.memory_space<vmem>>, vector<16xf32>,
        %mul3A_320 = arith.mulf %get3A_319, %gather3A : vector<16xf32>
        %swap3A_321 = arith.index_cast %add3A_301 : i32 to index
        %swap3A_322 = arith.constant 32 : index
        %swap3A_323 = tpu.vector_load %arg12[%swap3A_321, %swap3A_322] {strides = array<i32>} : memref<128x64xf32, #tpu.memory_space<vmem>>, vector<16xf32>,
        tpu.vector_store %arg12[%swap3A_321, %swap3A_322], %mul3A_320 {strides = array<i32>} : memref<128x64xf32, #tpu.memory_space<vmem>>, vector<16xf32>,
        %get3A_324 = arith.index_cast %add3A_301 : i32 to index
        %get3A_325 = arith.constant 48 : index
        %get3A_326 = tpu.vector_load %arg12[%get3A_324, %get3A_325] {strides = array<i32>} : memref<128x64xf32, #tpu.memory_space<vmem>>, vector<16xf32>,
        %mul3A_327 = arith.mulf %get3A_326, %gather3A : vector<16xf32>
        %swap3A_328 = arith.index_cast %add3A_301 : i32 to index
        %swap3A_329 = arith.constant 48 : index
        %swap3A_330 = tpu.vector_load %arg12[%swap3A_328, %swap3A_329] {strides = array<i32>} : memref<128x64xf32, #tpu.memory_space<vmem>>, vector<16xf32>,
        tpu.vector_store %arg12[%swap3A_328, %swap3A_329], %mul3A_327 {strides = array<i32>} : memref<128x64xf32, #tpu.memory_space<vmem>>, vector<16xf32>,
        %scan3A_331 = arith.constant 1 : i32
        %scan3A_332 = arith.addi %scan3A_297, %scan3A_331 : i32
        %mul3A_333 = arith.constant 1 : i32
        %mul3A_334 = arith.muli %scan3A_332, %mul3A_333 : i32
        %add3A_335 = arith.constant 0 : i32
        %add3A_336 = arith.addi %add3A_335, %mul3A_334 : i32
        %add3A_337 = arith.addi %mul3A_265, %add3A_336 : i32
        %broadcast_in_dim3A_338 = vector.broadcast %add3A_337 : i32 to vector<16xi32>
        %gather3A_339 = tpu.vector_load_idx %arg10[%broadcast_in_dim3A_338] : memref<20480xf32, #tpu.memory_space<vmem>>[vector<16xi32>], vector<16xf32>,
        %get3A_340 = arith.index_cast %add3A_336 : i32 to index
        %get3A_341 = arith.constant 0 : index
        %get3A_342 = tpu.vector_load %arg12[%get3A_340, %get3A_341] {strides = array<i32>} : memref<128x64xf32, #tpu.memory_space<vmem>>, vector<16xf32>,
        %mul3A_343 = arith.mulf %get3A_342, %gather3A_339 : vector<16xf32>
        %swap3A_344 = arith.index_cast %add3A_336 : i32 to index
        %swap3A_345 = arith.constant 0 : index
        %swap3A_346 = tpu.vector_load %arg12[%swap3A_344, %swap3A_345] {strides = array<i32>} : memref<128x64xf32, #tpu.memory_space<vmem>>, vector<16xf32>,
        tpu.vector_store %arg12[%swap3A_344, %swap3A_345], %mul3A_343 {strides = array<i32>} : memref<128x64xf32, #tpu.memory_space<vmem>>, vector<16xf32>,
        %get3A_347 = arith.index_cast %add3A_336 : i32 to index
        %get3A_348 = arith.constant 16 : index
        %get3A_349 = tpu.vector_load %arg12[%get3A_347, %get3A_348] {strides = array<i32>} : memref<128x64xf32, #tpu.memory_space<vmem>>, vector<16xf32>,
        %mul3A_350 = arith.mulf %get3A_349, %gather3A_339 : vector<16xf32>
        %swap3A_351 = arith.index_cast %add3A_336 : i32 to index
        %swap3A_352 = arith.constant 16 : index
        %swap3A_353 = tpu.vector_load %arg12[%swap3A_351, %swap3A_352] {strides = array<i32>} : memref<128x64xf32, #tpu.memory_space<vmem>>, vector<16xf32>,
        tpu.vector_store %arg12[%swap3A_351, %swap3A_352], %mul3A_350 {strides = array<i32>} : memref<128x64xf32, #tpu.memory_space<vmem>>, vector<16xf32>,
        %get3A_354 = arith.index_cast %add3A_336 : i32 to index
        %get3A_355 = arith.constant 32 : index
        %get3A_356 = tpu.vector_load %arg12[%get3A_354, %get3A_355] {strides = array<i32>} : memref<128x64xf32, #tpu.memory_space<vmem>>, vector<16xf32>,
        %mul3A_357 = arith.mulf %get3A_356, %gather3A_339 : vector<16xf32>
        %swap3A_358 = arith.index_cast %add3A_336 : i32 to index
        %swap3A_359 = arith.constant 32 : index
        %swap3A_360 = tpu.vector_load %arg12[%swap3A_358, %swap3A_359] {strides = array<i32>} : memref<128x64xf32, #tpu.memory_space<vmem>>, vector<16xf32>,
        tpu.vector_store %arg12[%swap3A_358, %swap3A_359], %mul3A_357 {strides = array<i32>} : memref<128x64xf32, #tpu.memory_space<vmem>>, vector<16xf32>,
        %get3A_361 = arith.index_cast %add3A_336 : i32 to index
        %get3A_362 = arith.constant 48 : index
        %get3A_363 = tpu.vector_load %arg12[%get3A_361, %get3A_362] {strides = array<i32>} : memref<128x64xf32, #tpu.memory_space<vmem>>, vector<16xf32>,
        %mul3A_364 = arith.mulf %get3A_363, %gather3A_339 : vector<16xf32>
        %swap3A_365 = arith.index_cast %add3A_336 : i32 to index
        %swap3A_366 = arith.constant 48 : index
        %swap3A_367 = tpu.vector_load %arg12[%swap3A_365, %swap3A_366] {strides = array<i32>} : memref<128x64xf32, #tpu.memory_space<vmem>>, vector<16xf32>,
        tpu.vector_store %arg12[%swap3A_365, %swap3A_366], %mul3A_364 {strides = array<i32>} : memref<128x64xf32, #tpu.memory_space<vmem>>, vector<16xf32>,
        %scan3A_368 = arith.constant 2 : i32
        %scan3A_369 = arith.addi %scan3A_297, %scan3A_368 : i32
        %mul3A_370 = arith.constant 1 : i32
        %mul3A_371 = arith.muli %scan3A_369, %mul3A_370 : i32
        %add3A_372 = arith.constant 0 : i32
        %add3A_373 = arith.addi %add3A_372, %mul3A_371 : i32
        %add3A_374 = arith.addi %mul3A_265, %add3A_373 : i32
        %broadcast_in_dim3A_375 = vector.broadcast %add3A_374 : i32 to vector<16xi32>
        %gather3A_376 = tpu.vector_load_idx %arg10[%broadcast_in_dim3A_375] : memref<20480xf32, #tpu.memory_space<vmem>>[vector<16xi32>], vector<16xf32>,
        %get3A_377 = arith.index_cast %add3A_373 : i32 to index
        %get3A_378 = arith.constant 0 : index
        %get3A_379 = tpu.vector_load %arg12[%get3A_377, %get3A_378] {strides = array<i32>} : memref<128x64xf32, #tpu.memory_space<vmem>>, vector<16xf32>,
        %mul3A_380 = arith.mulf %get3A_379, %gather3A_376 : vector<16xf32>
        %swap3A_381 = arith.index_cast %add3A_373 : i32 to index
        %swap3A_382 = arith.constant 0 : index
        %swap3A_383 = tpu.vector_load %arg12[%swap3A_381, %swap3A_382] {strides = array<i32>} : memref<128x64xf32, #tpu.memory_space<vmem>>, vector<16xf32>,
        tpu.vector_store %arg12[%swap3A_381, %swap3A_382], %mul3A_380 {strides = array<i32>} : memref<128x64xf32, #tpu.memory_space<vmem>>, vector<16xf32>,
        %get3A_384 = arith.index_cast %add3A_373 : i32 to index
        %get3A_385 = arith.constant 16 : index
        %get3A_386 = tpu.vector_load %arg12[%get3A_384, %get3A_385] {strides = array<i32>} : memref<128x64xf32, #tpu.memory_space<vmem>>, vector<16xf32>,
        %mul3A_387 = arith.mulf %get3A_386, %gather3A_376 : vector<16xf32>
        %swap3A_388 = arith.index_cast %add3A_373 : i32 to index
        %swap3A_389 = arith.constant 16 : index
        %swap3A_390 = tpu.vector_load %arg12[%swap3A_388, %swap3A_389] {strides = array<i32>} : memref<128x64xf32, #tpu.memory_space<vmem>>, vector<16xf32>,
        tpu.vector_store %arg12[%swap3A_388, %swap3A_389], %mul3A_387 {strides = array<i32>} : memref<128x64xf32, #tpu.memory_space<vmem>>, vector<16xf32>,
        %get3A_391 = arith.index_cast %add3A_373 : i32 to index
        %get3A_392 = arith.constant 32 : index
        %get3A_393 = tpu.vector_load %arg12[%get3A_391, %get3A_392] {strides = array<i32>} : memref<128x64xf32, #tpu.memory_space<vmem>>, vector<16xf32>,
        %mul3A_394 = arith.mulf %get3A_393, %gather3A_376 : vector<16xf32>
        %swap3A_395 = arith.index_cast %add3A_373 : i32 to index
        %swap3A_396 = arith.constant 32 : index
        %swap3A_397 = tpu.vector_load %arg12[%swap3A_395, %swap3A_396] {strides = array<i32>} : memref<128x64xf32, #tpu.memory_space<vmem>>, vector<16xf32>,
        tpu.vector_store %arg12[%swap3A_395, %swap3A_396], %mul3A_394 {strides = array<i32>} : memref<128x64xf32, #tpu.memory_space<vmem>>, vector<16xf32>,
        %get3A_398 = arith.index_cast %add3A_373 : i32 to index
        %get3A_399 = arith.constant 48 : index
        %get3A_400 = tpu.vector_load %arg12[%get3A_398, %get3A_399] {strides = array<i32>} : memref<128x64xf32, #tpu.memory_space<vmem>>, vector<16xf32>,
        %mul3A_401 = arith.mulf %get3A_400, %gather3A_376 : vector<16xf32>
        %swap3A_402 = arith.index_cast %add3A_373 : i32 to index
        %swap3A_403 = arith.constant 48 : index
        %swap3A_404 = tpu.vector_load %arg12[%swap3A_402, %swap3A_403] {strides = array<i32>} : memref<128x64xf32, #tpu.memory_space<vmem>>, vector<16xf32>,
        tpu.vector_store %arg12[%swap3A_402, %swap3A_403], %mul3A_401 {strides = array<i32>} : memref<128x64xf32, #tpu.memory_space<vmem>>, vector<16xf32>,
        %scan3A_405 = arith.constant 3 : i32
        %scan3A_406 = arith.addi %scan3A_297, %scan3A_405 : i32
        %mul3A_407 = arith.constant 1 : i32
        %mul3A_408 = arith.muli %scan3A_406, %mul3A_407 : i32
        %add3A_409 = arith.constant 0 : i32
        %add3A_410 = arith.addi %add3A_409, %mul3A_408 : i32
        %add3A_411 = arith.addi %mul3A_265, %add3A_410 : i32
        %broadcast_in_dim3A_412 = vector.broadcast %add3A_411 : i32 to vector<16xi32>
        %gather3A_413 = tpu.vector_load_idx %arg10[%broadcast_in_dim3A_412] : memref<20480xf32, #tpu.memory_space<vmem>>[vector<16xi32>], vector<16xf32>,
        %get3A_414 = arith.index_cast %add3A_410 : i32 to index
        %get3A_415 = arith.constant 0 : index
        %get3A_416 = tpu.vector_load %arg12[%get3A_414, %get3A_415] {strides = array<i32>} : memref<128x64xf32, #tpu.memory_space<vmem>>, vector<16xf32>,
        %mul3A_417 = arith.mulf %get3A_416, %gather3A_413 : vector<16xf32>
        %swap3A_418 = arith.index_cast %add3A_410 : i32 to index
        %swap3A_419 = arith.constant 0 : index
        %swap3A_420 = tpu.vector_load %arg12[%swap3A_418, %swap3A_419] {strides = array<i32>} : memref<128x64xf32, #tpu.memory_space<vmem>>, vector<16xf32>,
        tpu.vector_store %arg12[%swap3A_418, %swap3A_419], %mul3A_417 {strides = array<i32>} : memref<128x64xf32, #tpu.memory_space<vmem>>, vector<16xf32>,
        %get3A_421 = arith.index_cast %add3A_410 : i32 to index
        %get3A_422 = arith.constant 16 : index
        %get3A_423 = tpu.vector_load %arg12[%get3A_421, %get3A_422] {strides = array<i32>} : memref<128x64xf32, #tpu.memory_space<vmem>>, vector<16xf32>,
        %mul3A_424 = arith.mulf %get3A_423, %gather3A_413 : vector<16xf32>
        %swap3A_425 = arith.index_cast %add3A_410 : i32 to index
        %swap3A_426 = arith.constant 16 : index
        %swap3A_427 = tpu.vector_load %arg12[%swap3A_425, %swap3A_426] {strides = array<i32>} : memref<128x64xf32, #tpu.memory_space<vmem>>, vector<16xf32>,
        tpu.vector_store %arg12[%swap3A_425, %swap3A_426], %mul3A_424 {strides = array<i32>} : memref<128x64xf32, #tpu.memory_space<vmem>>, vector<16xf32>,
        %get3A_428 = arith.index_cast %add3A_410 : i32 to index
        %get3A_429 = arith.constant 32 : index
        %get3A_430 = tpu.vector_load %arg12[%get3A_428, %get3A_429] {strides = array<i32>} : memref<128x64xf32, #tpu.memory_space<vmem>>, vector<16xf32>,
        %mul3A_431 = arith.mulf %get3A_430, %gather3A_413 : vector<16xf32>
        %swap3A_432 = arith.index_cast %add3A_410 : i32 to index
        %swap3A_433 = arith.constant 32 : index
        %swap3A_434 = tpu.vector_load %arg12[%swap3A_432, %swap3A_433] {strides = array<i32>} : memref<128x64xf32, #tpu.memory_space<vmem>>, vector<16xf32>,
        tpu.vector_store %arg12[%swap3A_432, %swap3A_433], %mul3A_431 {strides = array<i32>} : memref<128x64xf32, #tpu.memory_space<vmem>>, vector<16xf32>,
        %get3A_435 = arith.index_cast %add3A_410 : i32 to index
        %get3A_436 = arith.constant 48 : index
        %get3A_437 = tpu.vector_load %arg12[%get3A_435, %get3A_436] {strides = array<i32>} : memref<128x64xf32, #tpu.memory_space<vmem>>, vector<16xf32>,
        %mul3A_438 = arith.mulf %get3A_437, %gather3A_413 : vector<16xf32>
        %swap3A_439 = arith.index_cast %add3A_410 : i32 to index
        %swap3A_440 = arith.constant 48 : index
        %swap3A_441 = tpu.vector_load %arg12[%swap3A_439, %swap3A_440] {strides = array<i32>} : memref<128x64xf32, #tpu.memory_space<vmem>>, vector<16xf32>,
        tpu.vector_store %arg12[%swap3A_439, %swap3A_440], %mul3A_438 {strides = array<i32>} : memref<128x64xf32, #tpu.memory_space<vmem>>, vector<16xf32>,
      }
      %scan3A_270 = arith.constant 128 : i32
      %add3A_271 = arith.constant 1 : i32
      %add3A_272 = arith.addi %mul3A_158, %add3A_271 : i32
      %dma_start3A_273 = arith.constant 0 : i32
      %dma_start3A_274 = tpu.memref_slice %arg9[%add3A_272, %dma_start3A_273] : memref<160x128xi32, #tpu.memory_space<vmem>> -> memref<1x128xi32, #tpu.memory_space<vmem>>
      %dma_start3A_275 = tpu.memref_squeeze %dma_start3A_274 : memref<1x128xi32, #tpu.memory_space<vmem>> -> memref<128xi32, #tpu.memory_space<vmem>>
      %dma_start3A_276 = arith.constant 0 : i32
      %dma_start3A_277 = arith.constant 0 : i32
      %dma_start3A_278 = tpu.memref_slice %arg15[%dma_start3A_276, %dma_start3A_277] : memref<10240x64xf32, #tpu.memory_space<vmem_shared>> -> memref<10240x64xf32, #tpu.memory_space<vmem_shared>>
      tpu.enqueue_indirect_dma source(%arg12 : memref<128x64xf32, #tpu.memory_space<vmem>>) target(%dma_start3A_278 : memref<10240x64xf32, #tpu.memory_space<vmem_shared>>) offsets(%dma_start3A_275 : memref<128xi32, #tpu.memory_space<vmem>>) semaphore(%arg19 : memref<!tpu.dma_semaphore, #tpu.memory_space<semaphore_mem>>) {add = true}
      %dma_wait3A_279 = arith.constant 0 : i32
      %dma_wait3A_280 = tpu.memref_slice %arg9[%mul3A_158, %dma_wait3A_279] : memref<160x128xi32, #tpu.memory_space<vmem>> -> memref<1x128xi32, #tpu.memory_space<vmem>>
      %dma_wait3A_281 = tpu.memref_squeeze %dma_wait3A_280 : memref<1x128xi32, #tpu.memory_space<vmem>> -> memref<128xi32, #tpu.memory_space<vmem>>
      %dma_wait3A_282 = arith.constant 0 : i32
      %dma_wait3A_283 = arith.constant 0 : i32
      %dma_wait3A_284 = tpu.memref_slice %arg15[%dma_wait3A_282, %dma_wait3A_283] : memref<10240x64xf32, #tpu.memory_space<vmem_shared>> -> memref<10240x64xf32, #tpu.memory_space<vmem_shared>>
      tpu.wait_indirect_dma semaphore(%arg18 : memref<!tpu.dma_semaphore, #tpu.memory_space<semaphore_mem>>) src(%arg11 : memref<128x64xf32, #tpu.memory_space<vmem>>) dst(%dma_wait3A_284 : memref<10240x64xf32, #tpu.memory_space<vmem_shared>>)
      %add3A_285 = arith.constant 1 : i32
      %add3A_286 = arith.addi %add3A_156, %add3A_285 : i32
      %lt3A = arith.constant 80 : i32
      %lt3A_287 = arith.cmpi slt, %add3A_286, %lt3A : i32
      %convert_element_type3A = arith.extui %lt3A_287 : i1 to i32
      %cond3A = arith.constant 0 : i32
      %cond3A_288 = arith.cmpi ne, %convert_element_type3A, %cond3A : i32
      scf.if %cond3A_288 {
        %add3A_297 = arith.constant 2 : i32
        %add3A_298 = arith.addi %mul3A_158, %add3A_297 : i32
        %mul3A_299 = arith.constant 128 : i32
        %mul3A_300 = arith.muli %add3A_298, %mul3A_299 : i32
        %add3A_301 = arith.constant 0 : i32
        %add3A_302 = arith.addi %mul3A_300, %add3A_301 : i32
        %get3A_303 = arith.index_cast %add3A_302 : i32 to index
        %get3A_304 = tpu.vector_load %arg8[%get3A_303] {strides = array<i32>} : memref<20480xi32, #tpu.memory_space<vmem>>, vector<16xi32>,
        %add3A_305 = vector.broadcast %mul3A_86 : i32 to vector<16xi32>
        %add3A_306 = arith.addi %get3A_304, %add3A_305 : vector<16xi32>
        %swap3A_307 = arith.constant 0 : index
        %swap3A_308 = tpu.vector_load %arg13[%swap3A_307] {strides = array<i32>} : memref<128xi32, #tpu.memory_space<vmem>>, vector<16xi32>,
        tpu.vector_store %arg13[%swap3A_307], %add3A_306 {strides = array<i32>} : memref<128xi32, #tpu.memory_space<vmem>>, vector<16xi32>,
        %mul3A_309 = arith.constant 128 : i32
        %mul3A_310 = arith.muli %add3A_298, %mul3A_309 : i32
        %add3A_311 = arith.constant 16 : i32
        %add3A_312 = arith.addi %mul3A_310, %add3A_311 : i32
        %get3A_313 = arith.index_cast %add3A_312 : i32 to index
        %get3A_314 = tpu.vector_load %arg8[%get3A_313] {strides = array<i32>} : memref<20480xi32, #tpu.memory_space<vmem>>, vector<16xi32>,
        %add3A_315 = vector.broadcast %mul3A_86 : i32 to vector<16xi32>
        %add3A_316 = arith.addi %get3A_314, %add3A_315 : vector<16xi32>
        %swap3A_317 = arith.constant 16 : index
        %swap3A_318 = tpu.vector_load %arg13[%swap3A_317] {strides = array<i32>} : memref<128xi32, #tpu.memory_space<vmem>>, vector<16xi32>,
        tpu.vector_store %arg13[%swap3A_317], %add3A_316 {strides = array<i32>} : memref<128xi32, #tpu.memory_space<vmem>>, vector<16xi32>,
        %mul3A_319 = arith.constant 128 : i32
        %mul3A_320 = arith.muli %add3A_298, %mul3A_319 : i32
        %add3A_321 = arith.constant 32 : i32
        %add3A_322 = arith.addi %mul3A_320, %add3A_321 : i32
        %get3A_323 = arith.index_cast %add3A_322 : i32 to index
        %get3A_324 = tpu.vector_load %arg8[%get3A_323] {strides = array<i32>} : memref<20480xi32, #tpu.memory_space<vmem>>, vector<16xi32>,
        %add3A_325 = vector.broadcast %mul3A_86 : i32 to vector<16xi32>
        %add3A_326 = arith.addi %get3A_324, %add3A_325 : vector<16xi32>
        %swap3A_327 = arith.constant 32 : index
        %swap3A_328 = tpu.vector_load %arg13[%swap3A_327] {strides = array<i32>} : memref<128xi32, #tpu.memory_space<vmem>>, vector<16xi32>,
        tpu.vector_store %arg13[%swap3A_327], %add3A_326 {strides = array<i32>} : memref<128xi32, #tpu.memory_space<vmem>>, vector<16xi32>,
        %mul3A_329 = arith.constant 128 : i32
        %mul3A_330 = arith.muli %add3A_298, %mul3A_329 : i32
        %add3A_331 = arith.constant 48 : i32
        %add3A_332 = arith.addi %mul3A_330, %add3A_331 : i32
        %get3A_333 = arith.index_cast %add3A_332 : i32 to index
        %get3A_334 = tpu.vector_load %arg8[%get3A_333] {strides = array<i32>} : memref<20480xi32, #tpu.memory_space<vmem>>, vector<16xi32>,
        %add3A_335 = vector.broadcast %mul3A_86 : i32 to vector<16xi32>
        %add3A_336 = arith.addi %get3A_334, %add3A_335 : vector<16xi32>
        %swap3A_337 = arith.constant 48 : index
        %swap3A_338 = tpu.vector_load %arg13[%swap3A_337] {strides = array<i32>} : memref<128xi32, #tpu.memory_space<vmem>>, vector<16xi32>,
        tpu.vector_store %arg13[%swap3A_337], %add3A_336 {strides = array<i32>} : memref<128xi32, #tpu.memory_space<vmem>>, vector<16xi32>,
        %mul3A_339 = arith.constant 128 : i32
        %mul3A_340 = arith.muli %add3A_298, %mul3A_339 : i32
        %add3A_341 = arith.constant 64 : i32
        %add3A_342 = arith.addi %mul3A_340, %add3A_341 : i32
        %get3A_343 = arith.index_cast %add3A_342 : i32 to index
        %get3A_344 = tpu.vector_load %arg8[%get3A_343] {strides = array<i32>} : memref<20480xi32, #tpu.memory_space<vmem>>, vector<16xi32>,
        %add3A_345 = vector.broadcast %mul3A_86 : i32 to vector<16xi32>
        %add3A_346 = arith.addi %get3A_344, %add3A_345 : vector<16xi32>
        %swap3A_347 = arith.constant 64 : index
        %swap3A_348 = tpu.vector_load %arg13[%swap3A_347] {strides = array<i32>} : memref<128xi32, #tpu.memory_space<vmem>>, vector<16xi32>,
        tpu.vector_store %arg13[%swap3A_347], %add3A_346 {strides = array<i32>} : memref<128xi32, #tpu.memory_space<vmem>>, vector<16xi32>,
        %mul3A_349 = arith.constant 128 : i32
        %mul3A_350 = arith.muli %add3A_298, %mul3A_349 : i32
        %add3A_351 = arith.constant 80 : i32
        %add3A_352 = arith.addi %mul3A_350, %add3A_351 : i32
        %get3A_353 = arith.index_cast %add3A_352 : i32 to index
        %get3A_354 = tpu.vector_load %arg8[%get3A_353] {strides = array<i32>} : memref<20480xi32, #tpu.memory_space<vmem>>, vector<16xi32>,
        %add3A_355 = vector.broadcast %mul3A_86 : i32 to vector<16xi32>
        %add3A_356 = arith.addi %get3A_354, %add3A_355 : vector<16xi32>
        %swap3A_357 = arith.constant 80 : index
        %swap3A_358 = tpu.vector_load %arg13[%swap3A_357] {strides = array<i32>} : memref<128xi32, #tpu.memory_space<vmem>>, vector<16xi32>,
        tpu.vector_store %arg13[%swap3A_357], %add3A_356 {strides = array<i32>} : memref<128xi32, #tpu.memory_space<vmem>>, vector<16xi32>,
        %mul3A_359 = arith.constant 128 : i32
        %mul3A_360 = arith.muli %add3A_298, %mul3A_359 : i32
        %add3A_361 = arith.constant 96 : i32
        %add3A_362 = arith.addi %mul3A_360, %add3A_361 : i32
        %get3A_363 = arith.index_cast %add3A_362 : i32 to index
        %get3A_364 = tpu.vector_load %arg8[%get3A_363] {strides = array<i32>} : memref<20480xi32, #tpu.memory_space<vmem>>, vector<16xi32>,
        %add3A_365 = vector.broadcast %mul3A_86 : i32 to vector<16xi32>
        %add3A_366 = arith.addi %get3A_364, %add3A_365 : vector<16xi32>
        %swap3A_367 = arith.constant 96 : index
        %swap3A_368 = tpu.vector_load %arg13[%swap3A_367] {strides = array<i32>} : memref<128xi32, #tpu.memory_space<vmem>>, vector<16xi32>,
        tpu.vector_store %arg13[%swap3A_367], %add3A_366 {strides = array<i32>} : memref<128xi32, #tpu.memory_space<vmem>>, vector<16xi32>,
        %mul3A_369 = arith.constant 128 : i32
        %mul3A_370 = arith.muli %add3A_298, %mul3A_369 : i32
        %add3A_371 = arith.constant 112 : i32
        %add3A_372 = arith.addi %mul3A_370, %add3A_371 : i32
        %get3A_373 = arith.index_cast %add3A_372 : i32 to index
        %get3A_374 = tpu.vector_load %arg8[%get3A_373] {strides = array<i32>} : memref<20480xi32, #tpu.memory_space<vmem>>, vector<16xi32>,
        %add3A_375 = vector.broadcast %mul3A_86 : i32 to vector<16xi32>
        %add3A_376 = arith.addi %get3A_374, %add3A_375 : vector<16xi32>
        %swap3A_377 = arith.constant 112 : index
        %swap3A_378 = tpu.vector_load %arg13[%swap3A_377] {strides = array<i32>} : memref<128xi32, #tpu.memory_space<vmem>>, vector<16xi32>,
        tpu.vector_store %arg13[%swap3A_377], %add3A_376 {strides = array<i32>} : memref<128xi32, #tpu.memory_space<vmem>>, vector<16xi32>,
        %dma_start3A_379 = arith.constant 0 : i32
        %dma_start3A_380 = arith.constant 0 : i32
        %dma_start3A_381 = tpu.memref_slice %arg2[%dma_start3A_379, %dma_start3A_380] : memref<40000x64xf32, #tpu.memory_space<hbm>> -> memref<40000x64xf32, #tpu.memory_space<hbm>>
        tpu.enqueue_indirect_dma source(%dma_start3A_381 : memref<40000x64xf32, #tpu.memory_space<hbm>>) target(%arg11 : memref<128x64xf32, #tpu.memory_space<vmem>>) offsets(%arg13 : memref<128xi32, #tpu.memory_space<vmem>>) semaphore(%arg16 : memref<!tpu.dma_semaphore, #tpu.memory_space<semaphore_mem>>)
      } else {
      }
      %add3A_289 = arith.constant 1 : i32
      %add3A_290 = arith.addi %mul3A_158, %add3A_289 : i32
      %dma_wait3A_291 = arith.constant 0 : i32
      %dma_wait3A_292 = tpu.memref_slice %arg9[%add3A_290, %dma_wait3A_291] : memref<160x128xi32, #tpu.memory_space<vmem>> -> memref<1x128xi32, #tpu.memory_space<vmem>>
      %dma_wait3A_293 = tpu.memref_squeeze %dma_wait3A_292 : memref<1x128xi32, #tpu.memory_space<vmem>> -> memref<128xi32, #tpu.memory_space<vmem>>
      %dma_wait3A_294 = arith.constant 0 : i32
      %dma_wait3A_295 = arith.constant 0 : i32
      %dma_wait3A_296 = tpu.memref_slice %arg15[%dma_wait3A_294, %dma_wait3A_295] : memref<10240x64xf32, #tpu.memory_space<vmem_shared>> -> memref<10240x64xf32, #tpu.memory_space<vmem_shared>>
      tpu.wait_indirect_dma semaphore(%arg19 : memref<!tpu.dma_semaphore, #tpu.memory_space<semaphore_mem>>) src(%arg12 : memref<128x64xf32, #tpu.memory_space<vmem>>) dst(%dma_wait3A_296 : memref<10240x64xf32, #tpu.memory_space<vmem_shared>>)
    }
    %scan3A_145 = arith.constant 80 : i32
    %barrier3A_146 = arith.constant 0 : index
    tpu.barrier barrier_id(%barrier3A_146)
    %mul3A_147 = arith.constant 640 : i32
    %mul3A_148 = arith.muli %arg1, %mul3A_147 : i32
    %mul3A_149 = arith.constant 640 : i32
    %mul3A_150 = arith.muli %arg1, %mul3A_149 : i32
    %run_scoped3A_151 = arith.constant 1 : i32
    "tpu.region"() ({
      %run_scoped3A_152 = tpu.sem_alloc : memref<!tpu.dma_semaphore, #tpu.memory_space<semaphore_mem>>
      %dma_start3A_153 = arith.constant 0 : i32
      %dma_start3A_154 = tpu.memref_slice %arg7[%run_scoped3A_151, %arg0, %mul3A_150, %dma_start3A_153] : memref<2x2x10240x64xf32, #tpu.memory_space<hbm>> -> memref<1x1x640x64xf32, #tpu.memory_space<hbm>>
      %dma_start3A_155 = tpu.memref_squeeze %dma_start3A_154 : memref<1x1x640x64xf32, #tpu.memory_space<hbm>> -> memref<640x64xf32, #tpu.memory_space<hbm>>
      %dma_start3A_156 = arith.constant 0 : i32
      %dma_start3A_157 = tpu.memref_slice %arg15[%mul3A_148, %dma_start3A_156] : memref<10240x64xf32, #tpu.memory_space<vmem_shared>> -> memref<640x64xf32, #tpu.memory_space<vmem_shared>>
      tpu.enqueue_dma source(%dma_start3A_157 : memref<640x64xf32, #tpu.memory_space<vmem_shared>>) target(%dma_start3A_155 : memref<640x64xf32, #tpu.memory_space<hbm>>) target_semaphore(%run_scoped3A_152 : memref<!tpu.dma_semaphore, #tpu.memory_space<semaphore_mem>>)
      %dma_wait3A = arith.constant 0 : i32
      %dma_wait3A_158 = tpu.memref_slice %arg7[%run_scoped3A_151, %arg0, %mul3A_150, %dma_wait3A] : memref<2x2x10240x64xf32, #tpu.memory_space<hbm>> -> memref<1x1x640x64xf32, #tpu.memory_space<hbm>>
      %dma_wait3A_159 = tpu.memref_squeeze %dma_wait3A_158 : memref<1x1x640x64xf32, #tpu.memory_space<hbm>> -> memref<640x64xf32, #tpu.memory_space<hbm>>
      %dma_wait3A_160 = arith.constant 0 : i32
      %dma_wait3A_161 = tpu.memref_slice %arg15[%mul3A_148, %dma_wait3A_160] : memref<10240x64xf32, #tpu.memory_space<vmem_shared>> -> memref<640x64xf32, #tpu.memory_space<vmem_shared>>
      tpu.wait_dma2 semaphore(%run_scoped3A_152 : memref<!tpu.dma_semaphore, #tpu.memory_space<semaphore_mem>>) src(%dma_wait3A_161 : memref<640x64xf32, #tpu.memory_space<vmem_shared>>) dst(%dma_wait3A_159 : memref<640x64xf32, #tpu.memory_space<hbm>>)
      tpu.yield
    }) : () -> ()
    return
  }
}

module attributes {stable_mosaic.version = 14 : i64} {
  func.func @_tc1_body(%arg0: memref<80x128xf32, #tpu.memory_space<vmem>>, %arg1: memref<80x128xf32, #tpu.memory_space<vmem>>, %arg2: memref<80x128xf32, #tpu.memory_space<vmem>>, %arg3: memref<10112x8xf32, #tpu.memory_space<vmem>>, %arg4: memref<3x2xf32, #tpu.memory_space<vmem>>, %arg5: memref<10x10xf32, #tpu.memory_space<vmem>>, %arg6: memref<1x10xf32, #tpu.memory_space<vmem>>, %arg7: memref<10x1xf32, #tpu.memory_space<vmem>>, %arg8: memref<1x1xf32, #tpu.memory_space<vmem>>, %arg9: memref<3x80x128xf32, #tpu.memory_space<vmem>>, %arg10: memref<10112x4xf32, #tpu.memory_space<vmem>>) attributes {dimension_semantics = [], scalar_prefetch = 0 : i64, scratch_operands = 0 : i64, tpu.core_type = #tpu.core_type<tc>} {
    %iota3A = tpu.iota {dimensions = array<i32: 0>} : vector<80x128xi32>
    %iota3A_0 = tpu.iota {dimensions = array<i32: 1>} : vector<80x128xi32>
    %mul3A = arith.constant 128 : i32
    %mul3A_1 = vector.broadcast %mul3A : i32 to vector<80x128xi32>
    %mul3A_2 = arith.muli %iota3A, %mul3A_1 : vector<80x128xi32>
    %add3A = arith.addi %mul3A_2, %iota3A_0 : vector<80x128xi32>
    %lt3A = arith.constant 10000 : i32
    %lt3A_3 = vector.broadcast %lt3A : i32 to vector<80x128xi32>
    %lt3A_4 = arith.cmpi slt, %add3A, %lt3A_3 : vector<80x128xi32>
    %get3A = arith.constant 0 : index
    %get3A_5 = arith.constant 0 : index
    %get3A_6 = vector.load %arg0[%get3A, %get3A_5] : memref<80x128xf32, #tpu.memory_space<vmem>>, vector<80x128xf32>
    %get3A_7 = arith.constant 0 : index
    %get3A_8 = arith.constant 0 : index
    %get3A_9 = vector.load %arg1[%get3A_7, %get3A_8] : memref<80x128xf32, #tpu.memory_space<vmem>>, vector<80x128xf32>
    %get3A_10 = arith.constant 0 : index
    %get3A_11 = arith.constant 0 : index
    %get3A_12 = vector.load %arg2[%get3A_10, %get3A_11] : memref<80x128xf32, #tpu.memory_space<vmem>>, vector<80x128xf32>
    %jit3A = arith.constant 0.000000e+00 : f32
    %broadcast_in_dim3A = vector.broadcast %jit3A : f32 to vector<80x128xf32>
    %select_n3A = arith.select %lt3A_4, %get3A_12, %broadcast_in_dim3A : vector<80x128xi1>, vector<80x128xf32>
    %gt3A = arith.constant 2.000000e+00 : f32
    %gt3A_13 = vector.broadcast %gt3A : f32 to vector<80x128xf32>
    %gt3A_14 = arith.cmpf ogt, %select_n3A, %gt3A_13 : vector<80x128xf32>
    %reduce_or3A = arith.constant 1.000000e+00 : f32
    %reduce_or3A_15 = arith.constant 0.000000e+00 : f32
    %reduce_or3A_16 = vector.broadcast %reduce_or3A : f32 to vector<80x128xf32>
    %reduce_or3A_17 = vector.broadcast %reduce_or3A_15 : f32 to vector<80x128xf32>
    %reduce_or3A_18 = arith.select %gt3A_14, %reduce_or3A_16, %reduce_or3A_17 : vector<80x128xi1>, vector<80x128xf32>
    %reduce_or3A_19 = vector.shape_cast %reduce_or3A_18 : vector<80x128xf32> to vector<1x80x128xf32>
    %reduce_or3A_20 = arith.constant dense<0xFF800000> : vector<1xf32>
    %reduce_or3A_21 = vector.multi_reduction <maximumf>, %reduce_or3A_19, %reduce_or3A_20 [1, 2] : vector<1x80x128xf32> to vector<1xf32>
    %reduce_or3A_22 = vector.shape_cast %reduce_or3A_21 : vector<1xf32> to vector<1x1x1xf32>
    %reduce_or3A_23 = vector.extract %reduce_or3A_22[0, 0, 0] : f32 from vector<1x1x1xf32>
    %reduce_or3A_24 = arith.constant 0.000000e+00 : f32
    %reduce_or3A_25 = arith.cmpf ogt, %reduce_or3A_23, %reduce_or3A_24 : f32
    %swap3A = arith.constant 0 : index
    %swap3A_26 = arith.constant 0 : index
    %swap3A_27 = arith.constant 0 : index
    %swap3A_28 = vector.load %arg9[%swap3A, %swap3A_26, %swap3A_27] : memref<3x80x128xf32, #tpu.memory_space<vmem>>, vector<1x80x128xf32>
    %swap3A_29 = vector.shape_cast %swap3A_28 : vector<1x80x128xf32> to vector<80x128xf32>
    %swap3A_30 = vector.shape_cast %get3A_6 : vector<80x128xf32> to vector<1x80x128xf32>
    tpu.vector_store %arg9[%swap3A, %swap3A_26, %swap3A_27], %swap3A_30 {strides = array<i32>} : memref<3x80x128xf32, #tpu.memory_space<vmem>>, vector<1x80x128xf32>,
    %jit3A_31 = arith.constant 0.000000e+00 : f32
    %broadcast_in_dim3A_32 = vector.broadcast %jit3A_31 : f32 to vector<80x128xf32>
    %select_n3A_33 = arith.select %lt3A_4, %get3A_9, %broadcast_in_dim3A_32 : vector<80x128xi1>, vector<80x128xf32>
    %reduce_sum3A = vector.shape_cast %select_n3A_33 : vector<80x128xf32> to vector<1x80x128xf32>
    %reduce_sum3A_34 = arith.constant dense<0.000000e+00> : vector<1xf32>
    %reduce_sum3A_35 = vector.multi_reduction <add>, %reduce_sum3A, %reduce_sum3A_34 [1, 2] : vector<1x80x128xf32> to vector<1xf32>
    %reduce_sum3A_36 = vector.shape_cast %reduce_sum3A_35 : vector<1xf32> to vector<1x1x1xf32>
    %reduce_sum3A_37 = vector.extract %reduce_sum3A_36[0, 0, 0] : f32 from vector<1x1x1xf32>
    %div3A = arith.constant 1.000000e+04 : f32
    %div3A_38 = arith.divf %reduce_sum3A_37, %div3A : f32
    %sub3A = vector.broadcast %div3A_38 : f32 to vector<80x128xf32>
    %sub3A_39 = arith.subf %get3A_9, %sub3A : vector<80x128xf32>
    %jit3A_40 = arith.constant 0.000000e+00 : f32
    %broadcast_in_dim3A_41 = vector.broadcast %jit3A_40 : f32 to vector<80x128xf32>
    %select_n3A_42 = arith.select %lt3A_4, %sub3A_39, %broadcast_in_dim3A_41 : vector<80x128xi1>, vector<80x128xf32>
    %mul3A_43 = arith.mulf %select_n3A_42, %select_n3A_42 : vector<80x128xf32>
    %reduce_sum3A_44 = vector.shape_cast %mul3A_43 : vector<80x128xf32> to vector<1x80x128xf32>
    %reduce_sum3A_45 = arith.constant dense<0.000000e+00> : vector<1xf32>
    %reduce_sum3A_46 = vector.multi_reduction <add>, %reduce_sum3A_44, %reduce_sum3A_45 [1, 2] : vector<1x80x128xf32> to vector<1xf32>
    %reduce_sum3A_47 = vector.shape_cast %reduce_sum3A_46 : vector<1xf32> to vector<1x1x1xf32>
    %reduce_sum3A_48 = vector.extract %reduce_sum3A_47[0, 0, 0] : f32 from vector<1x1x1xf32>
    %div3A_49 = arith.constant 9.999000e+03 : f32
    %div3A_50 = arith.divf %reduce_sum3A_48, %div3A_49 : f32
    %sqrt3A = math.sqrt %div3A_50 : f32
    %gt3A_51 = arith.constant 9.99999993E-9 : f32
    %gt3A_52 = arith.cmpf ogt, %sqrt3A, %gt3A_51 : f32
    %div3A_53 = vector.broadcast %sqrt3A : f32 to vector<80x128xf32>
    %div3A_54 = arith.divf %select_n3A_42, %div3A_53 : vector<80x128xf32>
    %select_n3A_55 = arith.select %gt3A_52, %div3A_54, %select_n3A_42 : vector<80x128xf32>
    %swap3A_56 = arith.constant 1 : index
    %swap3A_57 = arith.constant 0 : index
    %swap3A_58 = arith.constant 0 : index
    %swap3A_59 = vector.load %arg9[%swap3A_56, %swap3A_57, %swap3A_58] : memref<3x80x128xf32, #tpu.memory_space<vmem>>, vector<1x80x128xf32>
    %swap3A_60 = vector.shape_cast %swap3A_59 : vector<1x80x128xf32> to vector<80x128xf32>
    %swap3A_61 = vector.shape_cast %select_n3A_55 : vector<80x128xf32> to vector<1x80x128xf32>
    tpu.vector_store %arg9[%swap3A_56, %swap3A_57, %swap3A_58], %swap3A_61 {strides = array<i32>} : memref<3x80x128xf32, #tpu.memory_space<vmem>>, vector<1x80x128xf32>,
    %jit3A_62 = arith.constant 0.000000e+00 : f32
    %broadcast_in_dim3A_63 = vector.broadcast %jit3A_62 : f32 to vector<80x128xf32>
    %select_n3A_64 = arith.select %lt3A_4, %get3A_12, %broadcast_in_dim3A_63 : vector<80x128xi1>, vector<80x128xf32>
    %reduce_sum3A_65 = vector.shape_cast %select_n3A_64 : vector<80x128xf32> to vector<1x80x128xf32>
    %reduce_sum3A_66 = arith.constant dense<0.000000e+00> : vector<1xf32>
    %reduce_sum3A_67 = vector.multi_reduction <add>, %reduce_sum3A_65, %reduce_sum3A_66 [1, 2] : vector<1x80x128xf32> to vector<1xf32>
    %reduce_sum3A_68 = vector.shape_cast %reduce_sum3A_67 : vector<1xf32> to vector<1x1x1xf32>
    %reduce_sum3A_69 = vector.extract %reduce_sum3A_68[0, 0, 0] : f32 from vector<1x1x1xf32>
    %div3A_70 = arith.constant 1.000000e+04 : f32
    %div3A_71 = arith.divf %reduce_sum3A_69, %div3A_70 : f32
    %sub3A_72 = vector.broadcast %div3A_71 : f32 to vector<80x128xf32>
    %sub3A_73 = arith.subf %get3A_12, %sub3A_72 : vector<80x128xf32>
    %jit3A_74 = arith.constant 0.000000e+00 : f32
    %broadcast_in_dim3A_75 = vector.broadcast %jit3A_74 : f32 to vector<80x128xf32>
    %select_n3A_76 = arith.select %lt3A_4, %sub3A_73, %broadcast_in_dim3A_75 : vector<80x128xi1>, vector<80x128xf32>
    %mul3A_77 = arith.mulf %select_n3A_76, %select_n3A_76 : vector<80x128xf32>
    %reduce_sum3A_78 = vector.shape_cast %mul3A_77 : vector<80x128xf32> to vector<1x80x128xf32>
    %reduce_sum3A_79 = arith.constant dense<0.000000e+00> : vector<1xf32>
    %reduce_sum3A_80 = vector.multi_reduction <add>, %reduce_sum3A_78, %reduce_sum3A_79 [1, 2] : vector<1x80x128xf32> to vector<1xf32>
    %reduce_sum3A_81 = vector.shape_cast %reduce_sum3A_80 : vector<1xf32> to vector<1x1x1xf32>
    %reduce_sum3A_82 = vector.extract %reduce_sum3A_81[0, 0, 0] : f32 from vector<1x1x1xf32>
    %div3A_83 = arith.constant 9.999000e+03 : f32
    %div3A_84 = arith.divf %reduce_sum3A_82, %div3A_83 : f32
    %sqrt3A_85 = math.sqrt %div3A_84 : f32
    %gt3A_86 = arith.constant 9.99999993E-9 : f32
    %gt3A_87 = arith.cmpf ogt, %sqrt3A_85, %gt3A_86 : f32
    %div3A_88 = vector.broadcast %sqrt3A_85 : f32 to vector<80x128xf32>
    %div3A_89 = arith.divf %select_n3A_76, %div3A_88 : vector<80x128xf32>
    %select_n3A_90 = arith.select %gt3A_87, %div3A_89, %select_n3A_76 : vector<80x128xf32>
    %broadcast_in_dim3A_91 = arith.constant 1.000000e+00 : f32
    %broadcast_in_dim3A_92 = vector.broadcast %broadcast_in_dim3A_91 : f32 to vector<80x128xf32>
    %select_n3A_93 = arith.select %reduce_or3A_25, %select_n3A_90, %broadcast_in_dim3A_92 : vector<80x128xf32>
    %swap3A_94 = arith.constant 2 : index
    %swap3A_95 = arith.constant 0 : index
    %swap3A_96 = arith.constant 0 : index
    %swap3A_97 = vector.load %arg9[%swap3A_94, %swap3A_95, %swap3A_96] : memref<3x80x128xf32, #tpu.memory_space<vmem>>, vector<1x80x128xf32>
    %swap3A_98 = vector.shape_cast %swap3A_97 : vector<1x80x128xf32> to vector<80x128xf32>
    %swap3A_99 = vector.shape_cast %select_n3A_93 : vector<80x128xf32> to vector<1x80x128xf32>
    tpu.vector_store %arg9[%swap3A_94, %swap3A_95, %swap3A_96], %swap3A_99 {strides = array<i32>} : memref<3x80x128xf32, #tpu.memory_space<vmem>>, vector<1x80x128xf32>,
    %get3A_100 = arith.constant 0 : index
    %get3A_101 = arith.constant 0 : index
    %get3A_102 = vector.load %arg5[%get3A_100, %get3A_101] : memref<10x10xf32, #tpu.memory_space<vmem>>, vector<10x10xf32>
    %get3A_103 = arith.constant 0 : index
    %get3A_104 = arith.constant 0 : index
    %get3A_105 = vector.load %arg3[%get3A_103, %get3A_104] : memref<10112x8xf32, #tpu.memory_space<vmem>>, vector<10112x8xf32>
    %slice3A = vector.extract_strided_slice %get3A_102 {offsets = [0, 0], sizes = [8, 10], strides = [1, 1]} : vector<10x10xf32> to vector<8x10xf32>
    %dot_general3A = arith.constant dense<0.000000e+00> : vector<10112x10xf32>
    %dot_general3A_106 = tpu.matmul %get3A_105, %slice3A, %dot_general3A {dimension_numbers = #tpu.dot_dimension_numbers<[1], [0], [0], [1], [0, 0, 1, 1], [], []>, transpose_lhs_hint = false} : vector<10112x8xf32>, vector<8x10xf32>, vector<10112x10xf32> -> vector<10112x10xf32>
    %get3A_107 = arith.constant 0 : index
    %get3A_108 = arith.constant 0 : index
    %get3A_109 = vector.load %arg6[%get3A_107, %get3A_108] : memref<1x10xf32, #tpu.memory_space<vmem>>, vector<1x10xf32>
    %add3A_110 = vector.broadcast %get3A_109 : vector<1x10xf32> to vector<10112x10xf32>
    %add3A_111 = arith.addf %dot_general3A_106, %add3A_110 : vector<10112x10xf32>
    %get3A_112 = arith.constant 0 : index
    %get3A_113 = arith.constant 0 : index
    %get3A_114 = vector.load %arg4[%get3A_112, %get3A_113] : memref<3x2xf32, #tpu.memory_space<vmem>>, vector<3x2xf32>
    %slice3A_115 = vector.extract_strided_slice %get3A_102 {offsets = [8, 0], sizes = [2, 10], strides = [1, 1]} : vector<10x10xf32> to vector<2x10xf32>
    %dot_general3A_116 = arith.constant dense<0.000000e+00> : vector<3x10xf32>
    %dot_general3A_117 = tpu.matmul %get3A_114, %slice3A_115, %dot_general3A_116 {dimension_numbers = #tpu.dot_dimension_numbers<[1], [0], [0], [1], [0, 0, 1, 1], [], []>, transpose_lhs_hint = false} : vector<3x2xf32>, vector<2x10xf32>, vector<3x10xf32> -> vector<3x10xf32>
    %get3A_118 = arith.constant 0 : index
    %get3A_119 = arith.constant 0 : index
    %get3A_120 = vector.load %arg7[%get3A_118, %get3A_119] : memref<10x1xf32, #tpu.memory_space<vmem>>, vector<10x1xf32>
    %slice3A_121 = vector.extract_strided_slice %dot_general3A_117 {offsets = [0, 0], sizes = [1, 10], strides = [1, 1]} : vector<3x10xf32> to vector<1x10xf32>
    %add3A_122 = vector.broadcast %slice3A_121 : vector<1x10xf32> to vector<10112x10xf32>
    %add3A_123 = arith.addf %add3A_111, %add3A_122 : vector<10112x10xf32>
    %max3A = arith.constant 0.000000e+00 : f32
    %max3A_124 = vector.broadcast %max3A : f32 to vector<10112x10xf32>
    %max3A_125 = arith.maximumf %add3A_123, %max3A_124 : vector<10112x10xf32>
    %dot_general3A_126 = arith.constant dense<0.000000e+00> : vector<10112x1xf32>
    %dot_general3A_127 = tpu.matmul %max3A_125, %get3A_120, %dot_general3A_126 {dimension_numbers = #tpu.dot_dimension_numbers<[1], [0], [0], [1], [0, 0, 1, 1], [], []>, transpose_lhs_hint = false} : vector<10112x10xf32>, vector<10x1xf32>, vector<10112x1xf32> -> vector<10112x1xf32>
    %slice3A_128 = vector.extract_strided_slice %dot_general3A_117 {offsets = [1, 0], sizes = [1, 10], strides = [1, 1]} : vector<3x10xf32> to vector<1x10xf32>
    %add3A_129 = vector.broadcast %slice3A_128 : vector<1x10xf32> to vector<10112x10xf32>
    %add3A_130 = arith.addf %add3A_111, %add3A_129 : vector<10112x10xf32>
    %max3A_131 = arith.constant 0.000000e+00 : f32
    %max3A_132 = vector.broadcast %max3A_131 : f32 to vector<10112x10xf32>
    %max3A_133 = arith.maximumf %add3A_130, %max3A_132 : vector<10112x10xf32>
    %dot_general3A_134 = arith.constant dense<0.000000e+00> : vector<10112x1xf32>
    %dot_general3A_135 = tpu.matmul %max3A_133, %get3A_120, %dot_general3A_134 {dimension_numbers = #tpu.dot_dimension_numbers<[1], [0], [0], [1], [0, 0, 1, 1], [], []>, transpose_lhs_hint = false} : vector<10112x10xf32>, vector<10x1xf32>, vector<10112x1xf32> -> vector<10112x1xf32>
    %slice3A_136 = vector.extract_strided_slice %dot_general3A_117 {offsets = [2, 0], sizes = [1, 10], strides = [1, 1]} : vector<3x10xf32> to vector<1x10xf32>
    %add3A_137 = vector.broadcast %slice3A_136 : vector<1x10xf32> to vector<10112x10xf32>
    %add3A_138 = arith.addf %add3A_111, %add3A_137 : vector<10112x10xf32>
    %max3A_139 = arith.constant 0.000000e+00 : f32
    %max3A_140 = vector.broadcast %max3A_139 : f32 to vector<10112x10xf32>
    %max3A_141 = arith.maximumf %add3A_138, %max3A_140 : vector<10112x10xf32>
    %dot_general3A_142 = arith.constant dense<0.000000e+00> : vector<10112x1xf32>
    %dot_general3A_143 = tpu.matmul %max3A_141, %get3A_120, %dot_general3A_142 {dimension_numbers = #tpu.dot_dimension_numbers<[1], [0], [0], [1], [0, 0, 1, 1], [], []>, transpose_lhs_hint = false} : vector<10112x10xf32>, vector<10x1xf32>, vector<10112x1xf32> -> vector<10112x1xf32>
    %broadcast_in_dim3A_144 = arith.constant 0.000000e+00 : f32
    %broadcast_in_dim3A_145 = vector.broadcast %broadcast_in_dim3A_144 : f32 to vector<10112x1xf32>
    %concatenate3A = tpu.concatenate %dot_general3A_127, %dot_general3A_135, %dot_general3A_143, %broadcast_in_dim3A_145 in 1 : vector<10112x1xf32>, vector<10112x1xf32>, vector<10112x1xf32>, vector<10112x1xf32> -> vector<10112x4xf32>
    %get3A_146 = arith.constant 0 : index
    %get3A_147 = arith.constant 0 : index
    %get3A_148 = vector.load %arg8[%get3A_146, %get3A_147] : memref<1x1xf32, #tpu.memory_space<vmem>>, vector<1x1xf32>
    %get3A_149 = vector.extract %get3A_148[0, 0] : f32 from vector<1x1xf32>
    %add3A_150 = vector.broadcast %get3A_149 : f32 to vector<10112x4xf32>
    %add3A_151 = arith.addf %concatenate3A, %add3A_150 : vector<10112x4xf32>
    %logistic3A = arith.negf %add3A_151 : vector<10112x4xf32>
    %logistic3A_152 = math.exp %logistic3A : vector<10112x4xf32>
    %logistic3A_153 = arith.constant 1.000000e+00 : f32
    %logistic3A_154 = vector.broadcast %logistic3A_153 : f32 to vector<10112x4xf32>
    %logistic3A_155 = arith.addf %logistic3A_154, %logistic3A_152 : vector<10112x4xf32>
    %logistic3A_156 = arith.divf %logistic3A_154, %logistic3A_155 : vector<10112x4xf32>
    %swap3A_157 = arith.constant 0 : index
    %swap3A_158 = arith.constant 0 : index
    %swap3A_159 = vector.load %arg10[%swap3A_157, %swap3A_158] : memref<10112x4xf32, #tpu.memory_space<vmem>>, vector<10112x4xf32>
    tpu.vector_store %arg10[%swap3A_157, %swap3A_158], %logistic3A_156 {strides = array<i32>} : memref<10112x4xf32, #tpu.memory_space<vmem>>, vector<10112x4xf32>,
    return
  }
}

module attributes {stable_mosaic.version = 14 : i64} {
  func.func @_tc2_body(%arg0: memref<2x80x128xf32, #tpu.memory_space<vmem>>, %arg1: memref<3x80x128xf32, #tpu.memory_space<vmem>>, %arg2: memref<80x128xf32, #tpu.memory_space<vmem>>, %arg3: memref<3x80x128xf32, #tpu.memory_space<vmem>>) attributes {dimension_semantics = [], scalar_prefetch = 0 : i64, scratch_operands = 0 : i64, tpu.core_type = #tpu.core_type<tc>} {
    %get3A = arith.constant 0 : index
    %get3A_0 = arith.constant 0 : index
    %get3A_1 = arith.constant 0 : index
    %get3A_2 = vector.load %arg0[%get3A, %get3A_0, %get3A_1] : memref<2x80x128xf32, #tpu.memory_space<vmem>>, vector<1x80x128xf32>
    %get3A_3 = vector.shape_cast %get3A_2 : vector<1x80x128xf32> to vector<80x128xf32>
    %get3A_4 = arith.constant 1 : index
    %get3A_5 = arith.constant 0 : index
    %get3A_6 = arith.constant 0 : index
    %get3A_7 = vector.load %arg0[%get3A_4, %get3A_5, %get3A_6] : memref<2x80x128xf32, #tpu.memory_space<vmem>>, vector<1x80x128xf32>
    %get3A_8 = vector.shape_cast %get3A_7 : vector<1x80x128xf32> to vector<80x128xf32>
    %add3A = arith.addf %get3A_3, %get3A_8 : vector<80x128xf32>
    %add3A_9 = arith.constant 1.000000e+00 : f32
    %add3A_10 = vector.broadcast %add3A_9 : f32 to vector<80x128xf32>
    %add3A_11 = arith.addf %add3A, %add3A_10 : vector<80x128xf32>
    %max3A = arith.constant 9.99999996E-13 : f32
    %max3A_12 = vector.broadcast %max3A : f32 to vector<80x128xf32>
    %max3A_13 = arith.maximumf %add3A_11, %max3A_12 : vector<80x128xf32>
    %sqrt3A = math.sqrt %max3A_13 : vector<80x128xf32>
    %div3A = arith.constant 1.000000e+00 : f32
    %div3A_14 = vector.broadcast %div3A : f32 to vector<80x128xf32>
    %div3A_15 = arith.divf %div3A_14, %sqrt3A : vector<80x128xf32>
    %swap3A = arith.constant 0 : index
    %swap3A_16 = arith.constant 0 : index
    %swap3A_17 = vector.load %arg2[%swap3A, %swap3A_16] : memref<80x128xf32, #tpu.memory_space<vmem>>, vector<80x128xf32>
    tpu.vector_store %arg2[%swap3A, %swap3A_16], %div3A_15 {strides = array<i32>} : memref<80x128xf32, #tpu.memory_space<vmem>>, vector<80x128xf32>,
    %get3A_18 = arith.constant 0 : index
    %get3A_19 = arith.constant 0 : index
    %get3A_20 = arith.constant 0 : index
    %get3A_21 = vector.load %arg1[%get3A_18, %get3A_19, %get3A_20] : memref<3x80x128xf32, #tpu.memory_space<vmem>>, vector<1x80x128xf32>
    %get3A_22 = vector.shape_cast %get3A_21 : vector<1x80x128xf32> to vector<80x128xf32>
    %mul3A = arith.mulf %div3A_15, %get3A_22 : vector<80x128xf32>
    %swap3A_23 = arith.constant 0 : index
    %swap3A_24 = arith.constant 0 : index
    %swap3A_25 = arith.constant 0 : index
    %swap3A_26 = vector.load %arg3[%swap3A_23, %swap3A_24, %swap3A_25] : memref<3x80x128xf32, #tpu.memory_space<vmem>>, vector<1x80x128xf32>
    %swap3A_27 = vector.shape_cast %swap3A_26 : vector<1x80x128xf32> to vector<80x128xf32>
    %swap3A_28 = vector.shape_cast %mul3A : vector<80x128xf32> to vector<1x80x128xf32>
    tpu.vector_store %arg3[%swap3A_23, %swap3A_24, %swap3A_25], %swap3A_28 {strides = array<i32>} : memref<3x80x128xf32, #tpu.memory_space<vmem>>, vector<1x80x128xf32>,
    %get3A_29 = arith.constant 1 : index
    %get3A_30 = arith.constant 0 : index
    %get3A_31 = arith.constant 0 : index
    %get3A_32 = vector.load %arg1[%get3A_29, %get3A_30, %get3A_31] : memref<3x80x128xf32, #tpu.memory_space<vmem>>, vector<1x80x128xf32>
    %get3A_33 = vector.shape_cast %get3A_32 : vector<1x80x128xf32> to vector<80x128xf32>
    %mul3A_34 = arith.mulf %div3A_15, %get3A_33 : vector<80x128xf32>
    %swap3A_35 = arith.constant 1 : index
    %swap3A_36 = arith.constant 0 : index
    %swap3A_37 = arith.constant 0 : index
    %swap3A_38 = vector.load %arg3[%swap3A_35, %swap3A_36, %swap3A_37] : memref<3x80x128xf32, #tpu.memory_space<vmem>>, vector<1x80x128xf32>
    %swap3A_39 = vector.shape_cast %swap3A_38 : vector<1x80x128xf32> to vector<80x128xf32>
    %swap3A_40 = vector.shape_cast %mul3A_34 : vector<80x128xf32> to vector<1x80x128xf32>
    tpu.vector_store %arg3[%swap3A_35, %swap3A_36, %swap3A_37], %swap3A_40 {strides = array<i32>} : memref<3x80x128xf32, #tpu.memory_space<vmem>>, vector<1x80x128xf32>,
    %get3A_41 = arith.constant 2 : index
    %get3A_42 = arith.constant 0 : index
    %get3A_43 = arith.constant 0 : index
    %get3A_44 = vector.load %arg1[%get3A_41, %get3A_42, %get3A_43] : memref<3x80x128xf32, #tpu.memory_space<vmem>>, vector<1x80x128xf32>
    %get3A_45 = vector.shape_cast %get3A_44 : vector<1x80x128xf32> to vector<80x128xf32>
    %mul3A_46 = arith.mulf %div3A_15, %get3A_45 : vector<80x128xf32>
    %swap3A_47 = arith.constant 2 : index
    %swap3A_48 = arith.constant 0 : index
    %swap3A_49 = arith.constant 0 : index
    %swap3A_50 = vector.load %arg3[%swap3A_47, %swap3A_48, %swap3A_49] : memref<3x80x128xf32, #tpu.memory_space<vmem>>, vector<1x80x128xf32>
    %swap3A_51 = vector.shape_cast %swap3A_50 : vector<1x80x128xf32> to vector<80x128xf32>
    %swap3A_52 = vector.shape_cast %mul3A_46 : vector<80x128xf32> to vector<1x80x128xf32>
    tpu.vector_store %arg3[%swap3A_47, %swap3A_48, %swap3A_49], %swap3A_52 {strides = array<i32>} : memref<3x80x128xf32, #tpu.memory_space<vmem>>, vector<1x80x128xf32>,
    return
  }
}

module attributes {stable_mosaic.version = 14 : i64} {
  func.func @_tc3_body(%arg0: i32, %arg1: memref<2000x16xf32, #tpu.memory_space<vmem>>, %arg2: memref<2000x16xf32, #tpu.memory_space<vmem>>, %arg3: memref<2000x16xf32, #tpu.memory_space<vmem>>, %arg4: memref<2000x1xf32, #tpu.memory_space<vmem>>, %arg5: memref<16x256xf32, #tpu.memory_space<vmem>>, %arg6: memref<1x256xf32, #tpu.memory_space<vmem>>, %arg7: memref<256x256xf32, #tpu.memory_space<vmem>>, %arg8: memref<2000x128xf32, #tpu.memory_space<vmem>>, %arg9: memref<2000x128xf32, #tpu.memory_space<vmem>>) attributes {dimension_semantics = [#tpu.dimension_semantics<arbitrary>], iteration_bounds = array<i64: 5>, scalar_prefetch = 0 : i64, scratch_operands = 0 : i64, tpu.core_type = #tpu.core_type<tc>, window_params = [{transform_indices = @transform_0, window_bounds = array<i64: 2000, 16>}, {transform_indices = @transform_1, window_bounds = array<i64: 2000, 16>}, {transform_indices = @transform_2, window_bounds = array<i64: 2000, 16>}, {transform_indices = @transform_3, window_bounds = array<i64: 2000, 1>}, {pipeline_mode = #tpu.pipeline_mode<synchronous>, transform_indices = @transform_4, window_bounds = array<i64: 16, 256>}, {pipeline_mode = #tpu.pipeline_mode<synchronous>, transform_indices = @transform_5, window_bounds = array<i64: 1, 256>}, {pipeline_mode = #tpu.pipeline_mode<synchronous>, transform_indices = @transform_6, window_bounds = array<i64: 256, 256>}, {transform_indices = @transform_7, window_bounds = array<i64: 2000, 128>}, {transform_indices = @transform_8, window_bounds = array<i64: 2000, 128>}]} {
    %get3A = arith.constant 0 : index
    %get3A_0 = arith.constant 0 : index
    %get3A_1 = vector.load %arg4[%get3A, %get3A_0] : memref<2000x1xf32, #tpu.memory_space<vmem>>, vector<2000x1xf32>
    %get3A_2 = arith.constant 0 : index
    %get3A_3 = arith.constant 0 : index
    %get3A_4 = vector.load %arg1[%get3A_2, %get3A_3] : memref<2000x16xf32, #tpu.memory_space<vmem>>, vector<2000x16xf32>
    %get3A_5 = arith.constant 0 : index
    %get3A_6 = arith.constant 0 : index
    %get3A_7 = vector.load %arg2[%get3A_5, %get3A_6] : memref<2000x16xf32, #tpu.memory_space<vmem>>, vector<2000x16xf32>
    %add3A = arith.addf %get3A_4, %get3A_7 : vector<2000x16xf32>
    %get3A_8 = arith.constant 0 : index
    %get3A_9 = arith.constant 0 : index
    %get3A_10 = vector.load %arg3[%get3A_8, %get3A_9] : memref<2000x16xf32, #tpu.memory_space<vmem>>, vector<2000x16xf32>
    %add3A_11 = arith.addf %add3A, %get3A_10 : vector<2000x16xf32>
    %mul3A = vector.broadcast %get3A_1 : vector<2000x1xf32> to vector<2000x16xf32>
    %mul3A_12 = arith.mulf %mul3A, %add3A_11 : vector<2000x16xf32>
    %get3A_13 = arith.constant 0 : index
    %get3A_14 = arith.constant 0 : index
    %get3A_15 = vector.load %arg5[%get3A_13, %get3A_14] : memref<16x256xf32, #tpu.memory_space<vmem>>, vector<16x256xf32>
    %dot_general3A = arith.constant dense<0.000000e+00> : vector<2000x256xf32>
    %dot_general3A_16 = tpu.matmul %mul3A_12, %get3A_15, %dot_general3A {dimension_numbers = #tpu.dot_dimension_numbers<[1], [0], [0], [1], [0, 0, 1, 1], [], []>, transpose_lhs_hint = false} : vector<2000x16xf32>, vector<16x256xf32>, vector<2000x256xf32> -> vector<2000x256xf32>
    %get3A_17 = arith.constant 0 : index
    %get3A_18 = arith.constant 0 : index
    %get3A_19 = vector.load %arg6[%get3A_17, %get3A_18] : memref<1x256xf32, #tpu.memory_space<vmem>>, vector<1x256xf32>
    %add3A_20 = vector.broadcast %get3A_19 : vector<1x256xf32> to vector<2000x256xf32>
    %add3A_21 = arith.addf %dot_general3A_16, %add3A_20 : vector<2000x256xf32>
    %max3A = arith.constant 0.000000e+00 : f32
    %max3A_22 = vector.broadcast %max3A : f32 to vector<2000x256xf32>
    %max3A_23 = arith.maximumf %add3A_21, %max3A_22 : vector<2000x256xf32>
    %get3A_24 = arith.constant 0 : index
    %get3A_25 = arith.constant 0 : index
    %get3A_26 = vector.load %arg7[%get3A_24, %get3A_25] : memref<256x256xf32, #tpu.memory_space<vmem>>, vector<256x256xf32>
    %dot_general3A_27 = arith.constant dense<0.000000e+00> : vector<2000x256xf32>
    %dot_general3A_28 = tpu.matmul %max3A_23, %get3A_26, %dot_general3A_27 {dimension_numbers = #tpu.dot_dimension_numbers<[1], [0], [0], [1], [0, 0, 1, 1], [], []>, transpose_lhs_hint = false} : vector<2000x256xf32>, vector<256x256xf32>, vector<2000x256xf32> -> vector<2000x256xf32>
    %mul3A_29 = vector.broadcast %get3A_1 : vector<2000x1xf32> to vector<2000x256xf32>
    %mul3A_30 = arith.mulf %mul3A_29, %dot_general3A_28 : vector<2000x256xf32>
    %slice3A = vector.extract_strided_slice %mul3A_30 {offsets = [0, 0], sizes = [2000, 128], strides = [1, 1]} : vector<2000x256xf32> to vector<2000x128xf32>
    %swap3A = arith.constant 0 : index
    %swap3A_31 = arith.constant 0 : index
    %swap3A_32 = vector.load %arg8[%swap3A, %swap3A_31] : memref<2000x128xf32, #tpu.memory_space<vmem>>, vector<2000x128xf32>
    tpu.vector_store %arg8[%swap3A, %swap3A_31], %slice3A {strides = array<i32>} : memref<2000x128xf32, #tpu.memory_space<vmem>>, vector<2000x128xf32>,
    %slice3A_33 = vector.extract_strided_slice %mul3A_30 {offsets = [0, 128], sizes = [2000, 128], strides = [1, 1]} : vector<2000x256xf32> to vector<2000x128xf32>
    %swap3A_34 = arith.constant 0 : index
    %swap3A_35 = arith.constant 0 : index
    %swap3A_36 = vector.load %arg9[%swap3A_34, %swap3A_35] : memref<2000x128xf32, #tpu.memory_space<vmem>>, vector<2000x128xf32>
    tpu.vector_store %arg9[%swap3A_34, %swap3A_35], %slice3A_33 {strides = array<i32>} : memref<2000x128xf32, #tpu.memory_space<vmem>>, vector<2000x128xf32>,
    return
  }
  func.func @transform_0(%arg0: i32) -> (i32, i32) {
    %c0_i32 = arith.constant 0 : i32
    %c0_i32_0 = arith.constant 0 : i32
    return %arg0, %c0_i32 : i32, i32
  }
  func.func @transform_1(%arg0: i32) -> (i32, i32) {
    %c0_i32 = arith.constant 0 : i32
    %c0_i32_0 = arith.constant 0 : i32
    return %arg0, %c0_i32 : i32, i32
  }
  func.func @transform_2(%arg0: i32) -> (i32, i32) {
    %c0_i32 = arith.constant 0 : i32
    %c0_i32_0 = arith.constant 0 : i32
    return %arg0, %c0_i32 : i32, i32
  }
  func.func @transform_3(%arg0: i32) -> (i32, i32) {
    %c0_i32 = arith.constant 0 : i32
    %c0_i32_0 = arith.constant 0 : i32
    return %arg0, %c0_i32 : i32, i32
  }
  func.func @transform_4(%arg0: i32) -> (i32, i32) {
    %c0_i32 = arith.constant 0 : i32
    %c0_i32_0 = arith.constant 0 : i32
    %c0_i32_1 = arith.constant 0 : i32
    return %c0_i32, %c0_i32_0 : i32, i32
  }
  func.func @transform_5(%arg0: i32) -> (i32, i32) {
    %c0_i32 = arith.constant 0 : i32
    %c0_i32_0 = arith.constant 0 : i32
    %c0_i32_1 = arith.constant 0 : i32
    return %c0_i32, %c0_i32_0 : i32, i32
  }
  func.func @transform_6(%arg0: i32) -> (i32, i32) {
    %c0_i32 = arith.constant 0 : i32
    %c0_i32_0 = arith.constant 0 : i32
    %c0_i32_1 = arith.constant 0 : i32
    return %c0_i32, %c0_i32_0 : i32, i32
  }
  func.func @transform_7(%arg0: i32) -> (i32, i32) {
    %c0_i32 = arith.constant 0 : i32
    %c0_i32_0 = arith.constant 0 : i32
    return %arg0, %c0_i32 : i32, i32
  }
  func.func @transform_8(%arg0: i32) -> (i32, i32) {
    %c0_i32 = arith.constant 0 : i32
    %c0_i32_0 = arith.constant 0 : i32
    return %arg0, %c0_i32 : i32, i32
  }
}

module attributes {stable_mosaic.version = 14 : i64} {
  func.func @_tc4_body(%arg0: i32, %arg1: memref<2000x64xf32, #tpu.memory_space<vmem>>, %arg2: memref<2000x64xf32, #tpu.memory_space<vmem>>, %arg3: memref<2000x64xf32, #tpu.memory_space<vmem>>, %arg4: memref<2000x64xf32, #tpu.memory_space<vmem>>, %arg5: memref<2000x128xf32, #tpu.memory_space<vmem>>, %arg6: memref<2000x128xf32, #tpu.memory_space<vmem>>, %arg7: memref<2000x1xf32, #tpu.memory_space<vmem>>, %arg8: memref<1x256xf32, #tpu.memory_space<vmem>>, %arg9: memref<2000x256xf32, #tpu.memory_space<vmem>>, %arg10: memref<1x256xf32, #tpu.memory_space<vmem>>) attributes {dimension_semantics = [#tpu.dimension_semantics<arbitrary>], iteration_bounds = array<i64: 5>, scalar_prefetch = 0 : i64, scratch_operands = 0 : i64, tpu.core_type = #tpu.core_type<tc>, window_params = [{transform_indices = @transform_0, window_bounds = array<i64: 2000, 64>}, {transform_indices = @transform_1, window_bounds = array<i64: 2000, 64>}, {transform_indices = @transform_2, window_bounds = array<i64: 2000, 64>}, {transform_indices = @transform_3, window_bounds = array<i64: 2000, 64>}, {transform_indices = @transform_4, window_bounds = array<i64: 2000, 128>}, {transform_indices = @transform_5, window_bounds = array<i64: 2000, 128>}, {transform_indices = @transform_6, window_bounds = array<i64: 2000, 1>}, {pipeline_mode = #tpu.pipeline_mode<synchronous>, transform_indices = @transform_7, window_bounds = array<i64: 1, 256>}, {transform_indices = @transform_8, window_bounds = array<i64: 2000, 256>}, {pipeline_mode = #tpu.pipeline_mode<synchronous>, transform_indices = @transform_9, window_bounds = array<i64: 1, 256>}]} {
    %get3A = arith.constant 0 : index
    %get3A_0 = arith.constant 0 : index
    %get3A_1 = vector.load %arg7[%get3A, %get3A_0] : memref<2000x1xf32, #tpu.memory_space<vmem>>, vector<2000x1xf32>
    %get3A_2 = arith.constant 0 : index
    %get3A_3 = arith.constant 0 : index
    %get3A_4 = vector.load %arg8[%get3A_2, %get3A_3] : memref<1x256xf32, #tpu.memory_space<vmem>>, vector<1x256xf32>
    %get3A_5 = arith.constant 0 : index
    %get3A_6 = arith.constant 0 : index
    %get3A_7 = vector.load %arg1[%get3A_5, %get3A_6] : memref<2000x64xf32, #tpu.memory_space<vmem>>, vector<2000x64xf32>
    %get3A_8 = arith.constant 0 : index
    %get3A_9 = arith.constant 0 : index
    %get3A_10 = vector.load %arg2[%get3A_8, %get3A_9] : memref<2000x64xf32, #tpu.memory_space<vmem>>, vector<2000x64xf32>
    %concatenate3A = tpu.concatenate %get3A_7, %get3A_10 in 1 : vector<2000x64xf32>, vector<2000x64xf32> -> vector<2000x128xf32>
    %get3A_11 = arith.constant 0 : index
    %get3A_12 = arith.constant 0 : index
    %get3A_13 = vector.load %arg5[%get3A_11, %get3A_12] : memref<2000x128xf32, #tpu.memory_space<vmem>>, vector<2000x128xf32>
    %add3A = arith.addf %concatenate3A, %get3A_13 : vector<2000x128xf32>
    %mul3A = vector.broadcast %get3A_1 : vector<2000x1xf32> to vector<2000x128xf32>
    %mul3A_14 = arith.mulf %mul3A, %add3A : vector<2000x128xf32>
    %slice3A = vector.extract_strided_slice %get3A_4 {offsets = [0, 0], sizes = [1, 128], strides = [1, 1]} : vector<1x256xf32> to vector<1x128xf32>
    %add3A_15 = vector.broadcast %slice3A : vector<1x128xf32> to vector<2000x128xf32>
    %add3A_16 = arith.addf %mul3A_14, %add3A_15 : vector<2000x128xf32>
    %max3A = arith.constant 0.000000e+00 : f32
    %max3A_17 = vector.broadcast %max3A : f32 to vector<2000x128xf32>
    %max3A_18 = arith.maximumf %add3A_16, %max3A_17 : vector<2000x128xf32>
    %get3A_19 = arith.constant 0 : index
    %get3A_20 = arith.constant 0 : index
    %get3A_21 = vector.load %arg3[%get3A_19, %get3A_20] : memref<2000x64xf32, #tpu.memory_space<vmem>>, vector<2000x64xf32>
    %get3A_22 = arith.constant 0 : index
    %get3A_23 = arith.constant 0 : index
    %get3A_24 = vector.load %arg4[%get3A_22, %get3A_23] : memref<2000x64xf32, #tpu.memory_space<vmem>>, vector<2000x64xf32>
    %concatenate3A_25 = tpu.concatenate %get3A_21, %get3A_24 in 1 : vector<2000x64xf32>, vector<2000x64xf32> -> vector<2000x128xf32>
    %get3A_26 = arith.constant 0 : index
    %get3A_27 = arith.constant 0 : index
    %get3A_28 = vector.load %arg6[%get3A_26, %get3A_27] : memref<2000x128xf32, #tpu.memory_space<vmem>>, vector<2000x128xf32>
    %add3A_29 = arith.addf %concatenate3A_25, %get3A_28 : vector<2000x128xf32>
    %mul3A_30 = vector.broadcast %get3A_1 : vector<2000x1xf32> to vector<2000x128xf32>
    %mul3A_31 = arith.mulf %mul3A_30, %add3A_29 : vector<2000x128xf32>
    %slice3A_32 = vector.extract_strided_slice %get3A_4 {offsets = [0, 128], sizes = [1, 128], strides = [1, 1]} : vector<1x256xf32> to vector<1x128xf32>
    %add3A_33 = vector.broadcast %slice3A_32 : vector<1x128xf32> to vector<2000x128xf32>
    %add3A_34 = arith.addf %mul3A_31, %add3A_33 : vector<2000x128xf32>
    %max3A_35 = arith.constant 0.000000e+00 : f32
    %max3A_36 = vector.broadcast %max3A_35 : f32 to vector<2000x128xf32>
    %max3A_37 = arith.maximumf %add3A_34, %max3A_36 : vector<2000x128xf32>
    %concatenate3A_38 = tpu.concatenate %max3A_18, %max3A_37 in 1 : vector<2000x128xf32>, vector<2000x128xf32> -> vector<2000x256xf32>
    %swap3A = arith.constant 0 : index
    %swap3A_39 = arith.constant 0 : index
    %swap3A_40 = vector.load %arg9[%swap3A, %swap3A_39] : memref<2000x256xf32, #tpu.memory_space<vmem>>, vector<2000x256xf32>
    tpu.vector_store %arg9[%swap3A, %swap3A_39], %concatenate3A_38 {strides = array<i32>} : memref<2000x256xf32, #tpu.memory_space<vmem>>, vector<2000x256xf32>,
    %eq3A = arith.constant 0 : i32
    %eq3A_41 = arith.cmpi eq, %arg0, %eq3A : i32
    %convert_element_type3A = arith.extui %eq3A_41 : i1 to i32
    %cond3A = arith.constant 0 : i32
    %cond3A_42 = arith.cmpi ne, %convert_element_type3A, %cond3A : i32
    scf.if %cond3A_42 {
      %broadcast_in_dim3A_51 = arith.constant 0.000000e+00 : f32
      %broadcast_in_dim3A_52 = vector.broadcast %broadcast_in_dim3A_51 : f32 to vector<1x256xf32>
      %swap3A_53 = arith.constant 0 : index
      %swap3A_54 = arith.constant 0 : index
      %swap3A_55 = vector.load %arg10[%swap3A_53, %swap3A_54] : memref<1x256xf32, #tpu.memory_space<vmem>>, vector<1x256xf32>
      tpu.vector_store %arg10[%swap3A_53, %swap3A_54], %broadcast_in_dim3A_52 {strides = array<i32>} : memref<1x256xf32, #tpu.memory_space<vmem>>, vector<1x256xf32>,
    } else {
    }
    %get3A_43 = arith.constant 0 : index
    %get3A_44 = arith.constant 0 : index
    %get3A_45 = vector.load %arg10[%get3A_43, %get3A_44] : memref<1x256xf32, #tpu.memory_space<vmem>>, vector<1x256xf32>
    %reduce_sum3A = arith.constant dense<0.000000e+00> : vector<256xf32>
    %reduce_sum3A_46 = vector.multi_reduction <add>, %concatenate3A_38, %reduce_sum3A [0] : vector<2000x256xf32> to vector<256xf32>
    %broadcast_in_dim3A = vector.shape_cast %reduce_sum3A_46 : vector<256xf32> to vector<1x256xf32>
    %add3A_47 = arith.addf %get3A_45, %broadcast_in_dim3A : vector<1x256xf32>
    %swap3A_48 = arith.constant 0 : index
    %swap3A_49 = arith.constant 0 : index
    %swap3A_50 = vector.load %arg10[%swap3A_48, %swap3A_49] : memref<1x256xf32, #tpu.memory_space<vmem>>, vector<1x256xf32>
    tpu.vector_store %arg10[%swap3A_48, %swap3A_49], %add3A_47 {strides = array<i32>} : memref<1x256xf32, #tpu.memory_space<vmem>>, vector<1x256xf32>,
    return
  }
  func.func @transform_0(%arg0: i32) -> (i32, i32) {
    %c0_i32 = arith.constant 0 : i32
    %c0_i32_0 = arith.constant 0 : i32
    return %arg0, %c0_i32 : i32, i32
  }
  func.func @transform_1(%arg0: i32) -> (i32, i32) {
    %c0_i32 = arith.constant 0 : i32
    %c0_i32_0 = arith.constant 0 : i32
    return %arg0, %c0_i32 : i32, i32
  }
  func.func @transform_2(%arg0: i32) -> (i32, i32) {
    %c0_i32 = arith.constant 0 : i32
    %c0_i32_0 = arith.constant 0 : i32
    return %arg0, %c0_i32 : i32, i32
  }
  func.func @transform_3(%arg0: i32) -> (i32, i32) {
    %c0_i32 = arith.constant 0 : i32
    %c0_i32_0 = arith.constant 0 : i32
    return %arg0, %c0_i32 : i32, i32
  }
  func.func @transform_4(%arg0: i32) -> (i32, i32) {
    %c0_i32 = arith.constant 0 : i32
    %c0_i32_0 = arith.constant 0 : i32
    return %arg0, %c0_i32 : i32, i32
  }
  func.func @transform_5(%arg0: i32) -> (i32, i32) {
    %c0_i32 = arith.constant 0 : i32
    %c0_i32_0 = arith.constant 0 : i32
    return %arg0, %c0_i32 : i32, i32
  }
  func.func @transform_6(%arg0: i32) -> (i32, i32) {
    %c0_i32 = arith.constant 0 : i32
    %c0_i32_0 = arith.constant 0 : i32
    return %arg0, %c0_i32 : i32, i32
  }
  func.func @transform_7(%arg0: i32) -> (i32, i32) {
    %c0_i32 = arith.constant 0 : i32
    %c0_i32_0 = arith.constant 0 : i32
    %c0_i32_1 = arith.constant 0 : i32
    return %c0_i32, %c0_i32_0 : i32, i32
  }
  func.func @transform_8(%arg0: i32) -> (i32, i32) {
    %c0_i32 = arith.constant 0 : i32
    %c0_i32_0 = arith.constant 0 : i32
    return %arg0, %c0_i32 : i32, i32
  }
  func.func @transform_9(%arg0: i32) -> (i32, i32) {
    %c0_i32 = arith.constant 0 : i32
    %c0_i32_0 = arith.constant 0 : i32
    %c0_i32_1 = arith.constant 0 : i32
    return %c0_i32, %c0_i32_0 : i32, i32
  }
}

module attributes {stable_mosaic.version = 14 : i64} {
  func.func @_tc5_body(%arg0: i32, %arg1: memref<2000x256xf32, #tpu.memory_space<vmem>>, %arg2: memref<1x256xf32, #tpu.memory_space<vmem>>, %arg3: memref<256x256xf32, #tpu.memory_space<vmem>>, %arg4: memref<256x256xf32, #tpu.memory_space<vmem>>, %arg5: memref<1x256xf32, #tpu.memory_space<vmem>>, %arg6: memref<256x1xf32, #tpu.memory_space<vmem>>, %arg7: memref<1x1xf32, #tpu.memory_space<vmem>>, %arg8: memref<512x512xf32, #tpu.memory_space<vmem>>, %arg9: memref<1x512xf32, #tpu.memory_space<vmem>>, %arg10: memref<512x256xf32, #tpu.memory_space<vmem>>, %arg11: memref<1x256xf32, #tpu.memory_space<vmem>>, %arg12: memref<256x1xf32, #tpu.memory_space<vmem>>, %arg13: memref<1x1xf32, #tpu.memory_space<vmem>>, %arg14: memref<2000x1xf32, #tpu.memory_space<vmem>>, %arg15: memref<1x1xf32, #tpu.memory_space<vmem>>) attributes {dimension_semantics = [#tpu.dimension_semantics<arbitrary>], iteration_bounds = array<i64: 5>, scalar_prefetch = 0 : i64, scratch_operands = 0 : i64, tpu.core_type = #tpu.core_type<tc>, window_params = [{transform_indices = @transform_0, window_bounds = array<i64: 2000, 256>}, {pipeline_mode = #tpu.pipeline_mode<synchronous>, transform_indices = @transform_1, window_bounds = array<i64: 1, 256>}, {pipeline_mode = #tpu.pipeline_mode<synchronous>, transform_indices = @transform_2, window_bounds = array<i64: 256, 256>}, {pipeline_mode = #tpu.pipeline_mode<synchronous>, transform_indices = @transform_3, window_bounds = array<i64: 256, 256>}, {pipeline_mode = #tpu.pipeline_mode<synchronous>, transform_indices = @transform_4, window_bounds = array<i64: 1, 256>}, {pipeline_mode = #tpu.pipeline_mode<synchronous>, transform_indices = @transform_5, window_bounds = array<i64: 256, 1>}, {pipeline_mode = #tpu.pipeline_mode<synchronous>, transform_indices = @transform_6, window_bounds = array<i64: 1, 1>}, {pipeline_mode = #tpu.pipeline_mode<synchronous>, transform_indices = @transform_7, window_bounds = array<i64: 512, 512>}, {pipeline_mode = #tpu.pipeline_mode<synchronous>, transform_indices = @transform_8, window_bounds = array<i64: 1, 512>}, {pipeline_mode = #tpu.pipeline_mode<synchronous>, transform_indices = @transform_9, window_bounds = array<i64: 512, 256>}, {pipeline_mode = #tpu.pipeline_mode<synchronous>, transform_indices = @transform_10, window_bounds = array<i64: 1, 256>}, {pipeline_mode = #tpu.pipeline_mode<synchronous>, transform_indices = @transform_11, window_bounds = array<i64: 256, 1>}, {pipeline_mode = #tpu.pipeline_mode<synchronous>, transform_indices = @transform_12, window_bounds = array<i64: 1, 1>}, {transform_indices = @transform_13, window_bounds = array<i64: 2000, 1>}, {pipeline_mode = #tpu.pipeline_mode<synchronous>, transform_indices = @transform_14, window_bounds = array<i64: 1, 1>}]} {
    %get3A = arith.constant 0 : index
    %get3A_0 = arith.constant 0 : index
    %get3A_1 = vector.load %arg2[%get3A, %get3A_0] : memref<1x256xf32, #tpu.memory_space<vmem>>, vector<1x256xf32>
    %mul3A = arith.constant 9.99999974E-5 : f32
    %mul3A_2 = vector.broadcast %mul3A : f32 to vector<1x256xf32>
    %mul3A_3 = arith.mulf %get3A_1, %mul3A_2 : vector<1x256xf32>
    %get3A_4 = arith.constant 0 : index
    %get3A_5 = arith.constant 0 : index
    %get3A_6 = vector.load %arg4[%get3A_4, %get3A_5] : memref<256x256xf32, #tpu.memory_space<vmem>>, vector<256x256xf32>
    %dot_general3A = arith.constant dense<0.000000e+00> : vector<1x256xf32>
    %dot_general3A_7 = tpu.matmul %mul3A_3, %get3A_6, %dot_general3A {dimension_numbers = #tpu.dot_dimension_numbers<[1], [0], [0], [1], [0, 0, 1, 1], [], []>, transpose_lhs_hint = false} : vector<1x256xf32>, vector<256x256xf32>, vector<1x256xf32> -> vector<1x256xf32>
    %get3A_8 = arith.constant 0 : index
    %get3A_9 = arith.constant 0 : index
    %get3A_10 = vector.load %arg5[%get3A_8, %get3A_9] : memref<1x256xf32, #tpu.memory_space<vmem>>, vector<1x256xf32>
    %add3A = arith.addf %dot_general3A_7, %get3A_10 : vector<1x256xf32>
    %get3A_11 = arith.constant 0 : index
    %get3A_12 = arith.constant 0 : index
    %get3A_13 = vector.load %arg1[%get3A_11, %get3A_12] : memref<2000x256xf32, #tpu.memory_space<vmem>>, vector<2000x256xf32>
    %get3A_14 = arith.constant 0 : index
    %get3A_15 = arith.constant 0 : index
    %get3A_16 = vector.load %arg3[%get3A_14, %get3A_15] : memref<256x256xf32, #tpu.memory_space<vmem>>, vector<256x256xf32>
    %dot_general3A_17 = arith.constant dense<0.000000e+00> : vector<2000x256xf32>
    %dot_general3A_18 = tpu.matmul %get3A_13, %get3A_16, %dot_general3A_17 {dimension_numbers = #tpu.dot_dimension_numbers<[1], [0], [0], [1], [0, 0, 1, 1], [], []>, transpose_lhs_hint = false} : vector<2000x256xf32>, vector<256x256xf32>, vector<2000x256xf32> -> vector<2000x256xf32>
    %add3A_19 = vector.broadcast %add3A : vector<1x256xf32> to vector<2000x256xf32>
    %add3A_20 = arith.addf %dot_general3A_18, %add3A_19 : vector<2000x256xf32>
    %max3A = arith.constant 0.000000e+00 : f32
    %max3A_21 = vector.broadcast %max3A : f32 to vector<2000x256xf32>
    %max3A_22 = arith.maximumf %add3A_20, %max3A_21 : vector<2000x256xf32>
    %get3A_23 = arith.constant 0 : index
    %get3A_24 = arith.constant 0 : index
    %get3A_25 = vector.load %arg6[%get3A_23, %get3A_24] : memref<256x1xf32, #tpu.memory_space<vmem>>, vector<256x1xf32>
    %dot_general3A_26 = arith.constant dense<0.000000e+00> : vector<2000x1xf32>
    %dot_general3A_27 = tpu.matmul %max3A_22, %get3A_25, %dot_general3A_26 {dimension_numbers = #tpu.dot_dimension_numbers<[1], [0], [0], [1], [0, 0, 1, 1], [], []>, transpose_lhs_hint = false} : vector<2000x256xf32>, vector<256x1xf32>, vector<2000x1xf32> -> vector<2000x1xf32>
    %get3A_28 = arith.constant 0 : index
    %get3A_29 = arith.constant 0 : index
    %get3A_30 = vector.load %arg7[%get3A_28, %get3A_29] : memref<1x1xf32, #tpu.memory_space<vmem>>, vector<1x1xf32>
    %add3A_31 = vector.broadcast %get3A_30 : vector<1x1xf32> to vector<2000x1xf32>
    %add3A_32 = arith.addf %dot_general3A_27, %add3A_31 : vector<2000x1xf32>
    %swap3A = arith.constant 0 : index
    %swap3A_33 = arith.constant 0 : index
    %swap3A_34 = vector.load %arg14[%swap3A, %swap3A_33] : memref<2000x1xf32, #tpu.memory_space<vmem>>, vector<2000x1xf32>
    tpu.vector_store %arg14[%swap3A, %swap3A_33], %add3A_32 {strides = array<i32>} : memref<2000x1xf32, #tpu.memory_space<vmem>>, vector<2000x1xf32>,
    %eq3A = arith.constant 0 : i32
    %eq3A_35 = arith.cmpi eq, %arg0, %eq3A : i32
    %convert_element_type3A = arith.extui %eq3A_35 : i1 to i32
    %cond3A = arith.constant 0 : i32
    %cond3A_36 = arith.cmpi ne, %convert_element_type3A, %cond3A : i32
    scf.if %cond3A_36 {
      %concatenate3A = tpu.concatenate %mul3A_3, %mul3A_3 in 1 : vector<1x256xf32>, vector<1x256xf32> -> vector<1x512xf32>
      %get3A_37 = arith.constant 0 : index
      %get3A_38 = arith.constant 0 : index
      %get3A_39 = vector.load %arg8[%get3A_37, %get3A_38] : memref<512x512xf32, #tpu.memory_space<vmem>>, vector<512x512xf32>
      %dot_general3A_40 = arith.constant dense<0.000000e+00> : vector<1x512xf32>
      %dot_general3A_41 = tpu.matmul %concatenate3A, %get3A_39, %dot_general3A_40 {dimension_numbers = #tpu.dot_dimension_numbers<[1], [0], [0], [1], [0, 0, 1, 1], [], []>, transpose_lhs_hint = false} : vector<1x512xf32>, vector<512x512xf32>, vector<1x512xf32> -> vector<1x512xf32>
      %get3A_42 = arith.constant 0 : index
      %get3A_43 = arith.constant 0 : index
      %get3A_44 = vector.load %arg9[%get3A_42, %get3A_43] : memref<1x512xf32, #tpu.memory_space<vmem>>, vector<1x512xf32>
      %add3A_45 = arith.addf %dot_general3A_41, %get3A_44 : vector<1x512xf32>
      %max3A_46 = arith.constant 0.000000e+00 : f32
      %max3A_47 = vector.broadcast %max3A_46 : f32 to vector<1x512xf32>
      %max3A_48 = arith.maximumf %add3A_45, %max3A_47 : vector<1x512xf32>
      %get3A_49 = arith.constant 0 : index
      %get3A_50 = arith.constant 0 : index
      %get3A_51 = vector.load %arg10[%get3A_49, %get3A_50] : memref<512x256xf32, #tpu.memory_space<vmem>>, vector<512x256xf32>
      %dot_general3A_52 = arith.constant dense<0.000000e+00> : vector<1x256xf32>
      %dot_general3A_53 = tpu.matmul %max3A_48, %get3A_51, %dot_general3A_52 {dimension_numbers = #tpu.dot_dimension_numbers<[1], [0], [0], [1], [0, 0, 1, 1], [], []>, transpose_lhs_hint = false} : vector<1x512xf32>, vector<512x256xf32>, vector<1x256xf32> -> vector<1x256xf32>
      %get3A_54 = arith.constant 0 : index
      %get3A_55 = arith.constant 0 : index
      %get3A_56 = vector.load %arg11[%get3A_54, %get3A_55] : memref<1x256xf32, #tpu.memory_space<vmem>>, vector<1x256xf32>
      %add3A_57 = arith.addf %dot_general3A_53, %get3A_56 : vector<1x256xf32>
      %max3A_58 = arith.constant 0.000000e+00 : f32
      %max3A_59 = vector.broadcast %max3A_58 : f32 to vector<1x256xf32>
      %max3A_60 = arith.maximumf %add3A_57, %max3A_59 : vector<1x256xf32>
      %get3A_61 = arith.constant 0 : index
      %get3A_62 = arith.constant 0 : index
      %get3A_63 = vector.load %arg12[%get3A_61, %get3A_62] : memref<256x1xf32, #tpu.memory_space<vmem>>, vector<256x1xf32>
      %dot_general3A_64 = arith.constant dense<0.000000e+00> : vector<1x1xf32>
      %dot_general3A_65 = tpu.matmul %max3A_60, %get3A_63, %dot_general3A_64 {dimension_numbers = #tpu.dot_dimension_numbers<[1], [0], [0], [1], [0, 0, 1, 1], [], []>, transpose_lhs_hint = false} : vector<1x256xf32>, vector<256x1xf32>, vector<1x1xf32> -> vector<1x1xf32>
      %get3A_66 = arith.constant 0 : index
      %get3A_67 = arith.constant 0 : index
      %get3A_68 = vector.load %arg13[%get3A_66, %get3A_67] : memref<1x1xf32, #tpu.memory_space<vmem>>, vector<1x1xf32>
      %add3A_69 = arith.addf %dot_general3A_65, %get3A_68 : vector<1x1xf32>
      %swap3A_70 = arith.constant 0 : index
      %swap3A_71 = arith.constant 0 : index
      %swap3A_72 = vector.load %arg15[%swap3A_70, %swap3A_71] : memref<1x1xf32, #tpu.memory_space<vmem>>, vector<1x1xf32>
      tpu.vector_store %arg15[%swap3A_70, %swap3A_71], %add3A_69 {strides = array<i32>} : memref<1x1xf32, #tpu.memory_space<vmem>>, vector<1x1xf32>,
    } else {
    }
    return
  }
  func.func @transform_0(%arg0: i32) -> (i32, i32) {
    %c0_i32 = arith.constant 0 : i32
    %c0_i32_0 = arith.constant 0 : i32
    return %arg0, %c0_i32 : i32, i32
  }
  func.func @transform_1(%arg0: i32) -> (i32, i32) {
    %c0_i32 = arith.constant 0 : i32
    %c0_i32_0 = arith.constant 0 : i32
    %c0_i32_1 = arith.constant 0 : i32
    return %c0_i32, %c0_i32_0 : i32, i32
  }
  func.func @transform_2(%arg0: i32) -> (i32, i32) {
    %c0_i32 = arith.constant 0 : i32
    %c0_i32_0 = arith.constant 0 : i32
    %c0_i32_1 = arith.constant 0 : i32
    return %c0_i32, %c0_i32_0 : i32, i32
  }
  func.func @transform_3(%arg0: i32) -> (i32, i32) {
    %c0_i32 = arith.constant 0 : i32
    %c0_i32_0 = arith.constant 0 : i32
    %c0_i32_1 = arith.constant 0 : i32
    return %c0_i32, %c0_i32_0 : i32, i32
  }
  func.func @transform_4(%arg0: i32) -> (i32, i32) {
    %c0_i32 = arith.constant 0 : i32
    %c0_i32_0 = arith.constant 0 : i32
    %c0_i32_1 = arith.constant 0 : i32
    return %c0_i32, %c0_i32_0 : i32, i32
  }
  func.func @transform_5(%arg0: i32) -> (i32, i32) {
    %c0_i32 = arith.constant 0 : i32
    %c0_i32_0 = arith.constant 0 : i32
    %c0_i32_1 = arith.constant 0 : i32
    return %c0_i32, %c0_i32_0 : i32, i32
  }
  func.func @transform_6(%arg0: i32) -> (i32, i32) {
    %c0_i32 = arith.constant 0 : i32
    %c0_i32_0 = arith.constant 0 : i32
    %c0_i32_1 = arith.constant 0 : i32
    return %c0_i32, %c0_i32_0 : i32, i32
  }
  func.func @transform_7(%arg0: i32) -> (i32, i32) {
    %c0_i32 = arith.constant 0 : i32
    %c0_i32_0 = arith.constant 0 : i32
    %c0_i32_1 = arith.constant 0 : i32
    return %c0_i32, %c0_i32_0 : i32, i32
  }
  func.func @transform_8(%arg0: i32) -> (i32, i32) {
    %c0_i32 = arith.constant 0 : i32
    %c0_i32_0 = arith.constant 0 : i32
    %c0_i32_1 = arith.constant 0 : i32
    return %c0_i32, %c0_i32_0 : i32, i32
  }
  func.func @transform_9(%arg0: i32) -> (i32, i32) {
    %c0_i32 = arith.constant 0 : i32
    %c0_i32_0 = arith.constant 0 : i32
    %c0_i32_1 = arith.constant 0 : i32
    return %c0_i32, %c0_i32_0 : i32, i32
  }
  func.func @transform_10(%arg0: i32) -> (i32, i32) {
    %c0_i32 = arith.constant 0 : i32
    %c0_i32_0 = arith.constant 0 : i32
    %c0_i32_1 = arith.constant 0 : i32
    return %c0_i32, %c0_i32_0 : i32, i32
  }
  func.func @transform_11(%arg0: i32) -> (i32, i32) {
    %c0_i32 = arith.constant 0 : i32
    %c0_i32_0 = arith.constant 0 : i32
    %c0_i32_1 = arith.constant 0 : i32
    return %c0_i32, %c0_i32_0 : i32, i32
  }
  func.func @transform_12(%arg0: i32) -> (i32, i32) {
    %c0_i32 = arith.constant 0 : i32
    %c0_i32_0 = arith.constant 0 : i32
    %c0_i32_1 = arith.constant 0 : i32
    return %c0_i32, %c0_i32_0 : i32, i32
  }
  func.func @transform_13(%arg0: i32) -> (i32, i32) {
    %c0_i32 = arith.constant 0 : i32
    %c0_i32_0 = arith.constant 0 : i32
    return %arg0, %c0_i32 : i32, i32
  }
  func.func @transform_14(%arg0: i32) -> (i32, i32) {
    %c0_i32 = arith.constant 0 : i32
    %c0_i32_0 = arith.constant 0 : i32
    %c0_i32_1 = arith.constant 0 : i32
    return %c0_i32, %c0_i32_0 : i32, i32
  }
}

</mosaic_0001>

<sc_bundles>
// kernel: kernel.10.cloned.1.call-start
scs
__scs_entry_jumppad:
0x0: {  	(pc) =	sbr.rel $0x88, $3  }
0x1: {  	(tag) =	ssettag $0x0;
	lr =	simm.s32 $0x1  }
0x2: {  	[smem:$0x3F87] =	sst lr;
	_ =	strace $0xD0000000  }
0x3: {  	_ = 	snop  }
0x4: {  	_ = 	snop  }
0x5: {  	_ = 	snop  }
0x6: {  	_ = 	snop  }
0x7: {  	_ = 	snop  }
__scs_overlays_trampoline_lowered:
0x8: {  	[smem:$0x3F96] =	sst s0  }
0x9: {  	[smem:$0x3F97] =	sst s1  }
0xa: {  	[smem:$0x3F98] =	sst s2  }
0xb: {  	[smem:$0x3F99] =	sst s3  }
0xc: {  	[smem:$0x3F9A] =	sst s4  }
0xd: {  	[smem:$0x3F9B] =	sst s5  }
0xe: {  	[smem:$0x3F9C] =	sst s6  }
0xf: {  	[smem:$0x3F9D] =	sst s7  }
0x10: {  	[smem:$0x3F9E] =	sst s8  }
0x11: {  	[smem:$0x3F9F] =	sst s9;
	s0 =	simm.s32 @!p0 $0x0  }
0x12: {  	s1 =	sld [smem:$0x3F85];
	s0 =	simm.s32 @p0 $0x1  }
0x13: {  	[smem:$0x3FA0] =	sst s0;
	s0 =	simm.s32 @!p1 $0x0  }
0x14: {  	s2 =	sld [smem:$0x3F84];
	s0 =	simm.s32 @p1 $0x1  }
0x15: {  	[smem:$0x3FA1] =	sst s0;
	s0 =	simm.s32 @!p2 $0x0  }
0x16: {  	s3 =	sld [smem:$0x3FDB];
	s0 =	simm.s32 @p2 $0x1  }
0x17: {  	s4 =	simm.s32 $0x1BF5;
	[smem:$0x3FA3] =	sst s0  }
0x18: {  	s0 =	sld [smem:$0x3F86];
	_ =	swait.ge [sflag:s4], $0x0  }
0x19: {  	s7 =	sld [smem:$0x3F87]  }
0x1a: {  	s8 =	sadd.s32 $0xFFFFE003, lr  }
0x1b: {  	s9 =	sadd.s32 $0xFFFFFEF7, lr;
	s5 =	simm.s32 $0xFFFFFFFF;
	p2 =	slt.u32 s8, $0xFFFFF086  }
0x1c: {  	p1 =	slt.u32 s9, $0xF7A;
	s5 =	simm.s32 @!p2 $0x0  }
0x1d: {  	s5 =	simm.s32 @p1 $0x1;
	p0 =	seq.s32 s7, s2  }
0x1e: {  	s7 =	smul.u32 @!p0 $0xF7A, s2;
	p2 =	seq.s32 @!p0 s5, $0x0  }
0x1f: {  	s9 =	smul.u32 $0xF7A, s1;
	s8 =	simm.s32 @!p0 $0x1BF5;
	p2 =	por !p2, p0  }
0x20: {  	[sflag:s8] =	ssyncset.s32 @!p0 $0xFFFFF086;
	s6 =	sadd.s32 @!p0 s3, s7;
	s7 =	simm.s32 @!p0 $0x108  }
0x21: {  	s3 =	sadd.s32 s3, s9;
	s6 =	sadd.s32 @!p0 $0x88, s6;
	s7 =	simm.s32 @p2 $0x1082  }
0x22: {  	[simem:s7], [sflag:s8] =	dma.local @!p0 [hbm:s6], $0xF7A  }
0x23: {  	s9 =	sor.u32 $0xD0000000, s2;
	s6 =	simm.s32 $0x108;
	_ =	swait.ge @!p0 [sflag:s8], $0x0  }
0x24: {  	s3 =	sadd.s32 $0x88, s3;
	s6 =	simm.s32 @!p1 $0x1082;
	[sflag:s4] =	ssyncset.s32 $0xFFFFF086  }
0x25: {  	[simem:s6], [sflag:s4] =	dma.local [hbm:s3], $0xF7A  }
0x26: {  	[smem:$0x3F87] =	sst s1;
	(tag) =	ssettag s2;
	_ =	strace s9  }
0x27: {  	s1 =	sld [smem:$0x3F97]  }
0x28: {  	s2 =	sld [smem:$0x3F98]  }
0x29: {  	s4 =	sld [smem:$0x3F9A]  }
0x2a: {  	p0 =	seq.s32 s5, $0x0;
	s5 =	sld [smem:$0x3F9B]  }
0x2b: {  	s6 =	sld [smem:$0x3F9C]  }
0x2c: {  	s7 =	sld [smem:$0x3F9D]  }
0x2d: {  	s3 =	simm.s32 $0x108;
	s8 =	sld [smem:$0x3F9E]  }
0x2e: {  	s3 =	simm.s32 @!p0 $0x1082;
	s9 =	sld [smem:$0x3F9F]  }
0x2f: {  	lr =	sadd.s32 s0, s3;
	s0 =	sld [smem:$0x3F96]  }
0x30: {  	s3 =	sld [smem:$0x3F99]  }
0x31: {  	[smem:$0x3FA2] =	sst s10  }
0x32: {  	s10 =	sld [smem:$0x3FA0];
	_ =	sdelay $0x3  }
0x33: {  	p0 =	seq.s32 s10, $0x1;
	s10 =	sld [smem:$0x3FA2];
	_ =	sdelay $0x3  }
0x34: {  	[smem:$0x3FA2] =	sst s10  }
0x35: {  	s10 =	sld [smem:$0x3FA1];
	_ =	sdelay $0x3  }
0x36: {  	p1 =	seq.s32 s10, $0x1;
	s10 =	sld [smem:$0x3FA2];
	_ =	sdelay $0x3  }
0x37: {  	[smem:$0x3FA2] =	sst s10  }
0x38: {  	s10 =	sld [smem:$0x3FA3]  }
0x39: {  	_ = 	snop;
	(pc) =	sbr.ind lr, $3  }
0x3a: {  	_ = 	snop  }
0x3b: {  	_ = 	snop  }
0x3c: {  	p2 =	seq.s32 s10, $0x1;
	s10 =	sld [smem:$0x3FA2]  }
0x3d: {  	_ =	shalt  }
0x3e: {  	_ =	shalt  }
0x3f: {  	_ =	shalt  }
0x40: {  	_ =	shalt  }
0x41: {  	_ =	shalt  }
0x42: {  	_ =	shalt  }
0x43: {  	_ =	shalt  }
0x44: {  	_ =	shalt  }
0x45: {  	_ =	shalt  }
0x46: {  	_ =	shalt  }
0x47: {  	_ =	shalt  }
0x48: {  	_ =	shalt  }
0x49: {  	_ =	shalt  }
0x4a: {  	_ =	shalt  }
0x4b: {  	_ =	shalt  }
0x4c: {  	_ =	shalt  }
0x4d: {  	_ =	shalt  }
0x4e: {  	_ =	shalt  }
0x4f: {  	_ =	shalt  }
0x50: {  	_ =	shalt  }
0x51: {  	_ =	shalt  }
0x52: {  	_ =	shalt  }
0x53: {  	_ =	shalt  }
0x54: {  	_ =	shalt  }
0x55: {  	_ =	shalt  }
0x56: {  	_ =	shalt  }
0x57: {  	_ =	shalt  }
0x58: {  	_ =	shalt  }
0x59: {  	_ =	shalt  }
0x5a: {  	_ =	shalt  }
0x5b: {  	_ =	shalt  }
0x5c: {  	_ =	shalt  }
0x5d: {  	_ =	shalt  }
0x5e: {  	_ =	shalt  }
0x5f: {  	_ =	shalt  }
0x60: {  	_ =	shalt  }
0x61: {  	_ =	shalt  }
0x62: {  	_ =	shalt  }
0x63: {  	_ =	shalt  }
0x64: {  	_ =	shalt  }
0x65: {  	_ =	shalt  }
0x66: {  	_ =	shalt  }
0x67: {  	_ =	shalt  }
0x68: {  	_ =	shalt  }
0x69: {  	_ =	shalt  }
0x6a: {  	_ =	shalt  }
0x6b: {  	_ =	shalt  }
0x6c: {  	_ =	shalt  }
0x6d: {  	_ =	shalt  }
0x6e: {  	_ =	shalt  }
0x6f: {  	_ =	shalt  }
0x70: {  	_ =	shalt  }
0x71: {  	_ =	shalt  }
0x72: {  	_ =	shalt  }
0x73: {  	_ =	shalt  }
0x74: {  	_ =	shalt  }
0x75: {  	_ =	shalt  }
0x76: {  	_ =	shalt  }
0x77: {  	_ =	shalt  }
0x78: {  	_ =	shalt  }
0x79: {  	_ =	shalt  }
0x7a: {  	_ =	shalt  }
0x7b: {  	_ =	shalt  }
0x7c: {  	_ =	shalt  }
0x7d: {  	_ =	shalt  }
0x7e: {  	_ =	shalt  }
0x7f: {  	_ =	shalt  }
0x80: {  	_ =	shalt  }
0x81: {  	_ =	shalt  }
0x82: {  	_ =	shalt  }
0x83: {  	_ =	shalt  }
0x84: {  	_ =	shalt  }
0x85: {  	_ =	shalt  }
0x86: {  	_ =	shalt  }
0x87: {  	_ =	shalt  }
.Lfunc_end0:
.L_simem_size_0:
called_computation_lowered:
.L_overlay_start_0:
0x88: {  	s2 =	sld [smem:$0x3FD9]  }
0x89: {  	s3 =	sld [smem:$0x3FFE];
	_ =	sdelay $0x1  }
0x8a: {  	s1 =	srdreg.scid  }
0x8b: {  	s0 =	sand.u32 $0x1, s1  }
0x8c: {  	s14 =	sshll.u32 s0, $0xA;
	s2 =	sadd.s32 s3, s2  }
0x8d: {  	s2 =	sadd.s32 s2, s14  }
0x8e: {  	[smem:$0x3FAE] =	sst s2  }
0x8f: {  	_ = 	snop  }
0x90: {  	s2 =	sld [smem:$0x3FD0];
	_ =	sdelay $0x2  }
0x91: {  	s15 =	simm.s32 $0xA;
	s4 =	simm.s32 $0x10  }
0x92: {  	[smem:s4], [sflag:s15] =	dma.local [hbm:s2], $0x1  }
0x93: {  	_ =	swait.eq [sflag:s15], $0x1  }
0x94: {  	[sflag:s15] =	ssyncset.done $0x0  }
0x95: {  	[sflag:s15] =	ssyncadd.s32 $0xFFFFFFFF  }
0x96: {  	s16 =	sld [smem:$0x10];
	(tm) =	ssettm $0x1  }
0x97: {  	s17 =	sld [smem:$0x3FFB];
	_ =	sdelay $0x3  }
0x98: {  	_ =	strace s17  }
0x99: {  	s3 =	sld [smem:$0x3FFC];
	_ =	sdelay $0x3  }
0x9a: {  	_ =	strace s3  }
0x9b: {  	s3 =	sld [smem:$0x3FFD];
	_ =	sdelay $0x3  }
0x9c: {  	_ =	strace s3  }
0x9d: {  	_ =	strace $0x8FFFFFFF  }
0x9e: {  	s18 =	sld [smem:$0x3FDB];
	_ =	sdelay $0x1  }
0x9f: {  	s19 =	simm.s32 $_scs_section_size  }
0xa0: {  	s5 =	simm.s32 $_size__tile_overlayer_lowered;
	s6 =	simm.s32 $_tile_overlayer_lowered  }
0xa1: {  	s22 =	simm.s32 $0x1BFF;
	s21 =	sshll.u32 s6, $0x1;
	s3 =	sadd.s32 s19, s18  }
0xa2: {  	s7 =	simm.s32 $0x0;
	s20 =	sshll.u32 s5, $0x1;
	s5 =	sadd.s32 s21, s3  }
0xa3: {  	[timem:s7], [sflag:s22] =	dma.local [hbm:s5], s20  }
0xa4: {  	_ =	swait.ge [sflag:s22], s20  }
0xa5: {  	s4 =	ssub.s32 $0x0, s20;
	[sflag:s22] =	ssyncset.done $0x0  }
0xa6: {  	[sflag:s22] =	ssyncadd.s32 s4;
	_ =	sdelay $0x1  }
0xa7: {  	s23 =	simm.s32 $0x1B8B  }
0xa8: {  	_ =	swait.ge [sflag:s23], $0x1  }
0xa9: {  	[sflag:s23] =	ssyncset.done $0x0  }
0xaa: {  	s25 =	simm.s32 $0x1B8E;
	s24 =	sld [smem:$0x3FFE];
	[sflag:s23] =	ssyncadd.s32 $0xFFFFFFFF  }
0xab: {  	s26 =	simm.s32 $execute0_lowered;
	[smem:$0x3FD2] =	sst s25  }
0xac: {  	s5 =	sshll.u32 s26, $0x1;
	_ =	strace $0x80000046;
	[dreg:$0x1] =	wrdreg $0xFFFFFFFF  }
0xad: {  	s28 =	simm.s32 $_size_execute0_lowered;
	s3 =	sadd.s32 s3, s5;
	[dreg:$0x0] =	wrdreg $0x0  }
0xae: {  	s5 =	sshll.u32 s28, $0x1;
	[dreg:$0x2] =	wrdreg s3  }
0xaf: {  	[dreg:$0x3] =	wrdreg s5  }
0xb0: {  	[dreg:$0x4] =	wrdreg $0xC0  }
0xb1: {  	_ =	task [dreg:s7], $0x5FFFF  }
0xb2: {  	[dreg:$0x1] =	wrdreg $0xFFFFFFFF  }
0xb3: {  	[dreg:$0x0] =	wrdreg $0x60  }
0xb4: {  	[dreg:$0x2] =	wrdreg s24  }
0xb5: {  	[dreg:$0x3] =	wrdreg s16  }
0xb6: {  	[dreg:$0x4] =	wrdreg $0x13E000  }
0xb7: {  	[dreg:$0x5] =	wrdreg $0x9  }
0xb8: {  	_ =	task.clear_ibuf [dreg:s7], $0x6FFFF;
	_ =	strace $0x90000046  }
0xb9: {  	s29 =	simm.s32 $0x9;
	_ =	strace $0x80000048  }
0xba: {  	_ =	swait.ge [sflag:s29], $0x1  }
0xbb: {  	[sflag:s29] =	ssyncadd.s32 $0xFFFFFFFF  }
0xbc: {  	_ =	strace $0x90000048  }
0xbd: {  	_ =	sfence  }
0xbe: {  	s30 =	sld [smem:$0x0];
	_ =	sdelay $0x2  }
0xbf: {  	s31 =	sshll.u32 s1, $0xD;
	s1 =	sshrl.u32 s1, $0x2  }
0xc0: {  	s3 =	sand.u32 $0x4000, s31;
	s1 =	sadd.s32 s1, s30  }
0xc1: {  	s0 =	sor.u32 s3, s0;
	s1 =	sshll.u32 s1, $0x11  }
0xc2: {  	s0 =	sor.u32 s1, s0  }
0xc3: {  	s0 =	sadd.s32 $0x8F2B, s0  }
0xc4: {  	[sflag:s0] =	ssyncadd.remote.s32 $0x1  }
0xc5: {  	_ =	sfence.sel $0xFFFF  }
0xc6: {  	[dreg:$0x0] =	wrdreg $0xFFFFFFFF;
	(pc) =	sbr.abs _section_cstart, $3  }
0xc7: {  	[dreg:$0x1] =	wrdreg $0xFFFFFFFF  }
0xc8: {  	_ =	task.clear_ibuf [dreg:s7], $0x2FFFF;
	_ =	strace $0x9FFFFFFF  }
0xc9: {  	(tm) =	ssettm $0x7FFFFFFF  }
tec
execute0_lowered:
.L_overlay_start_1:
0x0: {  	(tag) =	ssettag $0x1  }
0x1: {  	s7 =	rddreg [dreg:$0x0]  }
0x2: {  	s0 =	srdreg.scid;
	s2 =	rddreg [dreg:$0x1]  }
0x3: {  	s3 =	rddreg [dreg:$0x2];
	s4 =	simm.s32 $0x0;
	s15 =	simm.s32 $0xC600  }
0x4: {  	s16 =	simm.s32 $0xEE00;
	s6 =	sand.u32 $0x1, s0;
	s0 =	stileid.u32  }
0x5: {  	s19 =	simm.s32 $0x11600;
	s20 =	simm.s32 $0x80;
	s10 =	smul.u32 $0x280, s0  }
0x6: {  	s21 =	simm.s32 $0x1;
	s22 =	simm.s32 $0x0;
	s11 =	smul.u32 $0x2800, s6  }
0x7: {  	[smem:$0x7FF] =	sst s4;
	s1 =	sshll.u32 s6, $0x4;
	s30 =	smul.u32 $0x28000, s6  }
0x8: {  	s5 =	sadd.s32 $0x4E00, s7;
	s14 =	smul.u32 $0x2800, s0;
	s1 =	sor.u32 s0, s1  }
0x9: {  	s12 =	ssub.s32 $0x2, s6;
	s17 =	sshll.u32 s0, $0x6;
	s8 =	smul.u32 $0x500, s1  }
0xa: {  	s13 =	sshrl.u32 s12, $0x1;
	s17 =	sor.u32 $0x1C02, s17;
	s9 =	smul.u32 $0x2800, s1  }
0xb: {  	s1 =	rddreg [dreg:$0x3];
	_ =	strace $0x80000047;
	s11 =	sadd.s32 s10, s11  }
0xc: {  	s12 =	ssub.s32 s12, s13;
	s18 =	sadd.s32 s10, s3;
	s31 =	sadd.s32 s14, s30  }
0xd: {  	s13 =	simm.s32 $0x2;
	s14 =	simm.s32 $0x9E00;
	s11 =	sshrl.u32 s11, $0x3  }
0xe: {  	s18 =	sshrl.u32 s18, $0x3;
	s8 =	sadd.s32 s8, s7;
	s9 =	sshrl.u32 s9, $0x3  }
0xf: {  	s11 =	sadd.s32 s11, s7;
	s9 =	sadd.s32 s9, s7;
	s8 =	sadd.s32 $0x6200, s8  }
0x10: {  	s10 =	sadd.s32 $0x24200, s11;
	s11 =	smax.u32 s12, $0x1;
	s12 =	sor.u32 $0x30, s31  }
0x11: {  	s6 =	sadd.s32 $0x1A200, s9;
	s7 =	sadd.s32 $0x10200, s9;
	s9 =	sadd.s32 $0x24C00, s9  }
.LBB2_1:
0x12: {  	[tilespmem:s4], [sflag:$0x2] =	stream.linear.gather [hbm4b:s5+s4], $0x9E00, $0x38;
	[tilespmem:$0x14080] =	vst v63  }
0x13: {  	_ =	swait.ge [sflag:s13], $0x9E00  }
0x14: {  	[sflag:s13] =	ssyncset.done $0x0  }
0x15: {  	[sflag:s13] =	ssyncadd.s32 $0xFFFF6200  }
0x16: {  	[tilespmem:s14], [sflag:$0x2] =	stream.linear.gather [hbm4b:s6+s4], $0x2800, $0x38;
	[tilespmem:$0x14080] =	vst v63  }
0x17: {  	_ =	swait.ge [sflag:s13], $0x2800  }
0x18: {  	[sflag:s13] =	ssyncset.done $0x0  }
0x19: {  	[sflag:s13] =	ssyncadd.s32 $0xFFFFD800  }
0x1a: {  	[tilespmem:s15], [sflag:$0x2] =	stream.linear.gather [hbm4b:s7+s4], $0x2800, $0x38;
	[tilespmem:$0x14080] =	vst v63  }
0x1b: {  	_ =	swait.ge [sflag:s13], $0x2800  }
0x1c: {  	[sflag:s13] =	ssyncset.done $0x0  }
0x1d: {  	[sflag:s13] =	ssyncadd.s32 $0xFFFFD800  }
0x1e: {  	[tilespmem:s16], [sflag:$0x2] =	stream.linear.gather [hbm4b:s8+s4], $0x2800, $0x38;
	[tilespmem:$0x14080] =	vst v63  }
0x1f: {  	_ =	swait.ge [sflag:s13], $0x2800  }
0x20: {  	[sflag:s13] =	ssyncset.done $0x0  }
0x21: {  	[sflag:s13] =	ssyncadd.s32 $0xFFFFD800  }
0x22: {  	[spmem:s18], [sflag:s17] =	dma.local [hbm:s2], $0x50  }
0x23: {  	_ =	swait.ge [sflag:s13], $0x50  }
0x24: {  	s23 =	simm.s32 $0xFFFFFFFC;
	[sflag:s13] =	ssyncset.done $0x0  }
0x25: {  	s24 =	simm.s32 $0x9E20;
	s25 =	simm.s32 $0xC620;
	[sflag:s13] =	ssyncadd.s32 $0xFFFFFFB0  }
0x26: {  	s26 =	simm.s32 $0x11620;
	s28 =	smov.u32 s12;
	[bflag:$0x0] =	sbarrier.arrive $0xFFFF  }
.LBB2_2:
0x27: {  	v0 =	vld [tilespmem:s24+$0xFFFFFFE0]  }
0x28: {  	v1 =	vld [tilespmem:s25+$0xFFFFFFE0];
	_ =	sdelay $0x3  }
0x29: {  	v0 =	vshll.u32 v0, $0x2  }
0x2a: {  	v0 =	vadd.s32 v1, v0;
	_ =	sdelay $0x4  }
0x2b: {  	v0 =	vld.idx.msk [tilespmem:v0+s4+$0x0], $0xffff;
	_ =	sdelay $0x2  }
0x2c: {  	s29 =	sadd.s32 $0xFFFFFFD0, s28  }
0x2d: {  	p0 =	slt.u32 s29, $0x4E200  }
0x2e: {  	v0 =	vpsel !p0, $0x0, v0  }
0x2f: {  	[tilespmem:s26+$0xFFFFFFE0] =	vst v0  }
0x30: {  	v0 =	vld [tilespmem:s24+$0xFFFFFFF0]  }
0x31: {  	v61 =	vld [tilespmem:s25+$0xFFFFFFF0];
	_ =	sdelay $0x3  }
0x32: {  	v0 =	vshll.u32 v0, $0x2  }
0x33: {  	v0 =	vadd.s32 v61, v0;
	_ =	sdelay $0x4  }
0x34: {  	v0 =	vld.idx.msk [tilespmem:v0+s4+$0x0], $0xffff;
	_ =	sdelay $0x2  }
0x35: {  	s30 =	sadd.s32 $0xFFFFFFE0, s28  }
0x36: {  	p4 =	slt.u32 s30, $0x4E200  }
0x37: {  	v0 =	vpsel !p4, $0x0, v0  }
0x38: {  	[tilespmem:s26+$0xFFFFFFF0] =	vst v0  }
0x39: {  	v0 =	vld [tilespmem:s24+$0x0]  }
0x3a: {  	v62 =	vld [tilespmem:s25+$0x0];
	_ =	sdelay $0x3  }
0x3b: {  	v0 =	vshll.u32 v0, $0x2  }
0x3c: {  	v0 =	vadd.s32 v62, v0;
	_ =	sdelay $0x4  }
0x3d: {  	v0 =	vld.idx.msk [tilespmem:v0+s4+$0x0], $0xffff;
	_ =	sdelay $0x2  }
0x3e: {  	s31 =	sadd.s32 $0xFFFFFFF0, s28  }
0x3f: {  	p5 =	slt.u32 s31, $0x4E200  }
0x40: {  	v0 =	vpsel !p5, $0x0, v0  }
0x41: {  	[tilespmem:s26+$0x0] =	vst v0  }
0x42: {  	v0 =	vld [tilespmem:s24+$0x10]  }
0x43: {  	v63 =	vld [tilespmem:s25+$0x10];
	_ =	sdelay $0x3  }
0x44: {  	v0 =	vshll.u32 v0, $0x2  }
0x45: {  	v0 =	vadd.s32 v63, v0;
	_ =	sdelay $0x4  }
0x46: {  	s23 =	sadd.s32 $0x4, s23;
	v0 =	vld.idx.msk [tilespmem:v0+s4+$0x0], $0xffff  }
0x47: {  	p0 =	slt.u32 s23, $0x27C  }
.Ltmp0:
0x48: {  	_ = 	snop;
	(pc) =	sbr.rel @p0 .LBB2_2-.Ltmp0, $4  }
0x49: {  	_ = 	snop  }
0x4a: {  	p6 =	slt.u32 s28, $0x4E200  }
0x4b: {  	s28 =	sadd.s32 $0x40, s28;
	v0 =	vpsel !p6, $0x0, v0  }
0x4c: {  	s24 =	sadd.s32 $0x40, s24;
	s25 =	sadd.s32 $0x40, s25;
	[tilespmem:s26+$0x10] =	vst v0;
	s26 =	sadd.s32 $0x40, s26  }
0x4d: {  	s23 =	simm.s32 $0x0  }
0x4e: {  	[hbm4b:s9+s23] =	stream.linear.scatter [tilespmem:s19], [sflag:$0x2], $0x2800, $0x38;
	[tilespmem:$0x14080] =	vst v63  }
0x4f: {  	_ =	swait.ge [sflag:s13], $0x2800  }
0x50: {  	[sflag:s13] =	ssyncset.done $0x0  }
0x51: {  	[sflag:s13] =	ssyncadd.s32 $0xFFFFD800  }
.LBB2_4:
0x52: {  	p0 =	sne.s32 s23, $0x9E00  }
.Ltmp1:
0x53: {  	_ = 	snop;
	(pc) =	sbr.rel @p0 .LBB2_4-.Ltmp1, $4  }
0x54: {  	_ = 	snop  }
0x55: {  	s24 =	sshra.s32 s23, $0x2  }
0x56: {  	s23 =	sadd.s32 $0x200, s23;
	s25 =	sadd.s32 $0x11600, s24;
	s24 =	sadd.s32 $0xEE00, s24  }
0x57: {  	[spmem:s3] =	stream.indirect.scatter.add.f32 [tilespmem:s25], [sflag:$0x1], $0x1, s24, s20, $0xb8;
	[tilespmem:$0x14080] =	vst v63  }
0x58: {  	_ =	swait.ge [sflag:s21], $0x80  }
0x59: {  	s23 =	simm.s32 $0x4F;
	[sflag:s21] =	ssyncset.done $0x0  }
.LBB2_6:
0x5a: {  	p0 =	sne.s32 s23, $0x1;
	s23 =	sadd.s32 $0xFFFFFFFF, s23;
	[sflag:s21] =	ssyncadd.s32 $0xFFFFFF80  }
.Ltmp2:
0x5b: {  	(pc) =	sbr.rel @p0 .LBB2_6-.Ltmp2, $3  }
0x5c: {  	_ =	sdelay $0x1  }
0x5d: {  	_ =	swait.ge [sflag:s21], $0x80  }
0x5e: {  	[sflag:s21] =	ssyncset.done $0x0  }
0x5f: {  	s22 =	sadd.s32 $0x1, s22  }
0x60: {  	[sflag:s21] =	ssyncadd.s32 $0xFFFFFF80;
	p0 =	sne.s32 s22, s11  }
.Ltmp3:
0x61: {  	[bflag:$0x0] =	sbarrier.arrive $0xFFFF;
	(pc) =	sbr.rel @p0 .LBB2_1-.Ltmp3, $4  }
0x62: {  	[hbm:s10], [sflag:s17] =	dma.local [spmem:s18], $0x50  }
0x63: {  	_ =	swait.ge [sflag:s13], $0x50  }
0x64: {  	[sflag:s13] =	ssyncset.done $0x0  }
0x65: {  	[sflag:s13] =	ssyncadd.s32 $0xFFFFFFB0  }
0x66: {  	_ =	sfence.sel $0x180000  }
0x67: {  	[bflag:$0x0] =	sbarrier.arrive $0xFFFF  }
0x68: {  	p0 =	sne.s32 s0, $0x0;
	_ =	strace $0x90000047  }
0x69: {  	s0 =	sadd.s32 @!p0 $0x100000, s1;
	[bflag:$0x2] =	sbarrier.arrive $0xFFFF  }
0x6a: {  	[sflag:s0] =	ssyncadd.tile.s32 @!p0 $0x1;
	_ =	shalt  }
.Lfunc_end2:
_tile_overlayer_lowered:
.L_overlay_start_2:
0x6b: {  	(tag) =	ssettag $0x2  }
0x6c: {  	s0 =	rddreg [dreg:$0x0];
	s2 =	stileid.u32  }
0x6d: {  	s1 =	rddreg [dreg:$0x1];
	p0 =	sne.s32 s2, $0x0  }
0x6e: {  	s3 =	rddreg [dreg:$0x2];
	[bflag:$0x3] =	sbarrier.arrive $0xFFFF;
	s2 =	simm.s32 @!p0 $0x1C02  }
0x6f: {  	[timem:s3], [sflag:s2] =	dma.local @!p0 [hbm:s0], s1  }
0x70: {  	s0 =	simm.s32 @!p0 $0x2  }
0x71: {  	_ =	swait.ge @!p0 [sflag:s0], s1  }
0x72: {  	s1 =	ssub.s32 @!p0 $0x0, s1;
	[sflag:s0] =	ssyncset.done @!p0 $0x0  }
0x73: {  	[sflag:s0] =	ssyncadd.s32 @!p0 s1  }
0x74: {  	[bflag:$0x3] =	sbarrier.arrive $0xFFFF  }
0x75: {  	_ =	shalt  }

// kernel: kernel.13.cloned.1.call-start
scs
__scs_entry_jumppad:
0x0: {  	(pc) =	sbr.rel $0x88, $3  }
0x1: {  	(tag) =	ssettag $0x0;
	lr =	simm.s32 $0x1  }
0x2: {  	[smem:$0x3F87] =	sst lr;
	_ =	strace $0xD0000000  }
0x3: {  	_ = 	snop  }
0x4: {  	_ = 	snop  }
0x5: {  	_ = 	snop  }
0x6: {  	_ = 	snop  }
0x7: {  	_ = 	snop  }
__scs_overlays_trampoline_lowered:
0x8: {  	[smem:$0x3F96] =	sst s0  }
0x9: {  	[smem:$0x3F97] =	sst s1  }
0xa: {  	[smem:$0x3F98] =	sst s2  }
0xb: {  	[smem:$0x3F99] =	sst s3  }
0xc: {  	[smem:$0x3F9A] =	sst s4  }
0xd: {  	[smem:$0x3F9B] =	sst s5  }
0xe: {  	[smem:$0x3F9C] =	sst s6  }
0xf: {  	[smem:$0x3F9D] =	sst s7  }
0x10: {  	[smem:$0x3F9E] =	sst s8  }
0x11: {  	[smem:$0x3F9F] =	sst s9;
	s0 =	simm.s32 @!p0 $0x0  }
0x12: {  	s1 =	sld [smem:$0x3F85];
	s0 =	simm.s32 @p0 $0x1  }
0x13: {  	[smem:$0x3FA0] =	sst s0;
	s0 =	simm.s32 @!p1 $0x0  }
0x14: {  	s2 =	sld [smem:$0x3F84];
	s0 =	simm.s32 @p1 $0x1  }
0x15: {  	[smem:$0x3FA1] =	sst s0;
	s0 =	simm.s32 @!p2 $0x0  }
0x16: {  	s3 =	sld [smem:$0x3FDB];
	s0 =	simm.s32 @p2 $0x1  }
0x17: {  	s4 =	simm.s32 $0x1BF5;
	[smem:$0x3FA3] =	sst s0  }
0x18: {  	s0 =	sld [smem:$0x3F86];
	_ =	swait.ge [sflag:s4], $0x0  }
0x19: {  	s7 =	sld [smem:$0x3F87]  }
0x1a: {  	s8 =	sadd.s32 $0xFFFFE003, lr  }
0x1b: {  	s9 =	sadd.s32 $0xFFFFFEF7, lr;
	s5 =	simm.s32 $0xFFFFFFFF;
	p2 =	slt.u32 s8, $0xFFFFF086  }
0x1c: {  	p1 =	slt.u32 s9, $0xF7A;
	s5 =	simm.s32 @!p2 $0x0  }
0x1d: {  	s5 =	simm.s32 @p1 $0x1;
	p0 =	seq.s32 s7, s2  }
0x1e: {  	s7 =	smul.u32 @!p0 $0xF7A, s2;
	p2 =	seq.s32 @!p0 s5, $0x0  }
0x1f: {  	s9 =	smul.u32 $0xF7A, s1;
	s8 =	simm.s32 @!p0 $0x1BF5;
	p2 =	por !p2, p0  }
0x20: {  	[sflag:s8] =	ssyncset.s32 @!p0 $0xFFFFF086;
	s6 =	sadd.s32 @!p0 s3, s7;
	s7 =	simm.s32 @!p0 $0x108  }
0x21: {  	s3 =	sadd.s32 s3, s9;
	s6 =	sadd.s32 @!p0 $0x88, s6;
	s7 =	simm.s32 @p2 $0x1082  }
0x22: {  	[simem:s7], [sflag:s8] =	dma.local @!p0 [hbm:s6], $0xF7A  }
0x23: {  	s9 =	sor.u32 $0xD0000000, s2;
	s6 =	simm.s32 $0x108;
	_ =	swait.ge @!p0 [sflag:s8], $0x0  }
0x24: {  	s3 =	sadd.s32 $0x88, s3;
	s6 =	simm.s32 @!p1 $0x1082;
	[sflag:s4] =	ssyncset.s32 $0xFFFFF086  }
0x25: {  	[simem:s6], [sflag:s4] =	dma.local [hbm:s3], $0xF7A  }
0x26: {  	[smem:$0x3F87] =	sst s1;
	(tag) =	ssettag s2;
	_ =	strace s9  }
0x27: {  	s1 =	sld [smem:$0x3F97]  }
0x28: {  	s2 =	sld [smem:$0x3F98]  }
0x29: {  	s4 =	sld [smem:$0x3F9A]  }
0x2a: {  	p0 =	seq.s32 s5, $0x0;
	s5 =	sld [smem:$0x3F9B]  }
0x2b: {  	s6 =	sld [smem:$0x3F9C]  }
0x2c: {  	s7 =	sld [smem:$0x3F9D]  }
0x2d: {  	s3 =	simm.s32 $0x108;
	s8 =	sld [smem:$0x3F9E]  }
0x2e: {  	s3 =	simm.s32 @!p0 $0x1082;
	s9 =	sld [smem:$0x3F9F]  }
0x2f: {  	lr =	sadd.s32 s0, s3;
	s0 =	sld [smem:$0x3F96]  }
0x30: {  	s3 =	sld [smem:$0x3F99]  }
0x31: {  	[smem:$0x3FA2] =	sst s10  }
0x32: {  	s10 =	sld [smem:$0x3FA0];
	_ =	sdelay $0x3  }
0x33: {  	p0 =	seq.s32 s10, $0x1;
	s10 =	sld [smem:$0x3FA2];
	_ =	sdelay $0x3  }
0x34: {  	[smem:$0x3FA2] =	sst s10  }
0x35: {  	s10 =	sld [smem:$0x3FA1];
	_ =	sdelay $0x3  }
0x36: {  	p1 =	seq.s32 s10, $0x1;
	s10 =	sld [smem:$0x3FA2];
	_ =	sdelay $0x3  }
0x37: {  	[smem:$0x3FA2] =	sst s10  }
0x38: {  	s10 =	sld [smem:$0x3FA3]  }
0x39: {  	_ = 	snop;
	(pc) =	sbr.ind lr, $3  }
0x3a: {  	_ = 	snop  }
0x3b: {  	_ = 	snop  }
0x3c: {  	p2 =	seq.s32 s10, $0x1;
	s10 =	sld [smem:$0x3FA2]  }
0x3d: {  	_ =	shalt  }
0x3e: {  	_ =	shalt  }
0x3f: {  	_ =	shalt  }
0x40: {  	_ =	shalt  }
0x41: {  	_ =	shalt  }
0x42: {  	_ =	shalt  }
0x43: {  	_ =	shalt  }
0x44: {  	_ =	shalt  }
0x45: {  	_ =	shalt  }
0x46: {  	_ =	shalt  }
0x47: {  	_ =	shalt  }
0x48: {  	_ =	shalt  }
0x49: {  	_ =	shalt  }
0x4a: {  	_ =	shalt  }
0x4b: {  	_ =	shalt  }
0x4c: {  	_ =	shalt  }
0x4d: {  	_ =	shalt  }
0x4e: {  	_ =	shalt  }
0x4f: {  	_ =	shalt  }
0x50: {  	_ =	shalt  }
0x51: {  	_ =	shalt  }
0x52: {  	_ =	shalt  }
0x53: {  	_ =	shalt  }
0x54: {  	_ =	shalt  }
0x55: {  	_ =	shalt  }
0x56: {  	_ =	shalt  }
0x57: {  	_ =	shalt  }
0x58: {  	_ =	shalt  }
0x59: {  	_ =	shalt  }
0x5a: {  	_ =	shalt  }
0x5b: {  	_ =	shalt  }
0x5c: {  	_ =	shalt  }
0x5d: {  	_ =	shalt  }
0x5e: {  	_ =	shalt  }
0x5f: {  	_ =	shalt  }
0x60: {  	_ =	shalt  }
0x61: {  	_ =	shalt  }
0x62: {  	_ =	shalt  }
0x63: {  	_ =	shalt  }
0x64: {  	_ =	shalt  }
0x65: {  	_ =	shalt  }
0x66: {  	_ =	shalt  }
0x67: {  	_ =	shalt  }
0x68: {  	_ =	shalt  }
0x69: {  	_ =	shalt  }
0x6a: {  	_ =	shalt  }
0x6b: {  	_ =	shalt  }
0x6c: {  	_ =	shalt  }
0x6d: {  	_ =	shalt  }
0x6e: {  	_ =	shalt  }
0x6f: {  	_ =	shalt  }
0x70: {  	_ =	shalt  }
0x71: {  	_ =	shalt  }
0x72: {  	_ =	shalt  }
0x73: {  	_ =	shalt  }
0x74: {  	_ =	shalt  }
0x75: {  	_ =	shalt  }
0x76: {  	_ =	shalt  }
0x77: {  	_ =	shalt  }
0x78: {  	_ =	shalt  }
0x79: {  	_ =	shalt  }
0x7a: {  	_ =	shalt  }
0x7b: {  	_ =	shalt  }
0x7c: {  	_ =	shalt  }
0x7d: {  	_ =	shalt  }
0x7e: {  	_ =	shalt  }
0x7f: {  	_ =	shalt  }
0x80: {  	_ =	shalt  }
0x81: {  	_ =	shalt  }
0x82: {  	_ =	shalt  }
0x83: {  	_ =	shalt  }
0x84: {  	_ =	shalt  }
0x85: {  	_ =	shalt  }
0x86: {  	_ =	shalt  }
0x87: {  	_ =	shalt  }
.Lfunc_end0:
.L_simem_size_0:
called_computation.1_lowered:
.L_overlay_start_0:
0x88: {  	s2 =	sld [smem:$0x3FD9]  }
0x89: {  	s3 =	sld [smem:$0x3FFE];
	_ =	sdelay $0x1  }
0x8a: {  	s1 =	srdreg.scid  }
0x8b: {  	s0 =	sand.u32 $0x1, s1  }
0x8c: {  	s14 =	sshll.u32 s0, $0xA;
	s2 =	sadd.s32 s3, s2  }
0x8d: {  	s2 =	sadd.s32 s2, s14  }
0x8e: {  	[smem:$0x3FAE] =	sst s2  }
0x8f: {  	_ = 	snop  }
0x90: {  	s2 =	sld [smem:$0x3FD0];
	_ =	sdelay $0x2  }
0x91: {  	s15 =	simm.s32 $0xA;
	s4 =	simm.s32 $0x10  }
0x92: {  	[smem:s4], [sflag:s15] =	dma.local [hbm:s2], $0x1  }
0x93: {  	_ =	swait.eq [sflag:s15], $0x1  }
0x94: {  	[sflag:s15] =	ssyncset.done $0x0  }
0x95: {  	[sflag:s15] =	ssyncadd.s32 $0xFFFFFFFF  }
0x96: {  	s16 =	sld [smem:$0x10];
	(tm) =	ssettm $0x1  }
0x97: {  	s17 =	sld [smem:$0x3FFB];
	_ =	sdelay $0x3  }
0x98: {  	_ =	strace s17  }
0x99: {  	s3 =	sld [smem:$0x3FFC];
	_ =	sdelay $0x3  }
0x9a: {  	_ =	strace s3  }
0x9b: {  	s3 =	sld [smem:$0x3FFD];
	_ =	sdelay $0x3  }
0x9c: {  	_ =	strace s3  }
0x9d: {  	_ =	strace $0x8FFFFFFF  }
0x9e: {  	s18 =	sld [smem:$0x3FDB];
	_ =	sdelay $0x1  }
0x9f: {  	s19 =	simm.s32 $_scs_section_size  }
0xa0: {  	s5 =	simm.s32 $_size__tile_overlayer_lowered;
	s6 =	simm.s32 $_tile_overlayer_lowered  }
0xa1: {  	s22 =	simm.s32 $0x1BFF;
	s21 =	sshll.u32 s6, $0x1;
	s3 =	sadd.s32 s19, s18  }
0xa2: {  	s7 =	simm.s32 $0x0;
	s20 =	sshll.u32 s5, $0x1;
	s5 =	sadd.s32 s21, s3  }
0xa3: {  	[timem:s7], [sflag:s22] =	dma.local [hbm:s5], s20  }
0xa4: {  	_ =	swait.ge [sflag:s22], s20  }
0xa5: {  	s4 =	ssub.s32 $0x0, s20;
	[sflag:s22] =	ssyncset.done $0x0  }
0xa6: {  	[sflag:s22] =	ssyncadd.s32 s4;
	_ =	sdelay $0x1  }
0xa7: {  	s23 =	simm.s32 $0x1B8B  }
0xa8: {  	_ =	swait.ge [sflag:s23], $0x1  }
0xa9: {  	[sflag:s23] =	ssyncset.done $0x0  }
0xaa: {  	s25 =	simm.s32 $0x1B8E;
	s24 =	sld [smem:$0x3FFE];
	[sflag:s23] =	ssyncadd.s32 $0xFFFFFFFF  }
0xab: {  	s26 =	simm.s32 $execute0_lowered;
	[smem:$0x3FD2] =	sst s25  }
0xac: {  	s5 =	sshll.u32 s26, $0x1;
	_ =	strace $0x80000049;
	[dreg:$0x1] =	wrdreg $0xFFFFFFFF  }
0xad: {  	s28 =	simm.s32 $_size_execute0_lowered;
	s3 =	sadd.s32 s3, s5;
	[dreg:$0x0] =	wrdreg $0x0  }
0xae: {  	s5 =	sshll.u32 s28, $0x1;
	[dreg:$0x2] =	wrdreg s3  }
0xaf: {  	[dreg:$0x3] =	wrdreg s5  }
0xb0: {  	[dreg:$0x4] =	wrdreg $0xC0  }
0xb1: {  	_ =	task [dreg:s7], $0x5FFFF  }
0xb2: {  	[dreg:$0x1] =	wrdreg $0xFFFFFFFF  }
0xb3: {  	[dreg:$0x0] =	wrdreg $0x60  }
0xb4: {  	[dreg:$0x2] =	wrdreg s24  }
0xb5: {  	[dreg:$0x3] =	wrdreg s16  }
0xb6: {  	[dreg:$0x4] =	wrdreg $0x88000  }
0xb7: {  	[dreg:$0x5] =	wrdreg $0x9  }
0xb8: {  	_ =	task.clear_ibuf [dreg:s7], $0x6FFFF;
	_ =	strace $0x90000049  }
0xb9: {  	s29 =	simm.s32 $0x9;
	_ =	strace $0x8000004B  }
0xba: {  	_ =	swait.ge [sflag:s29], $0x1  }
0xbb: {  	[sflag:s29] =	ssyncadd.s32 $0xFFFFFFFF  }
0xbc: {  	_ =	strace $0x9000004B  }
0xbd: {  	_ =	sfence  }
0xbe: {  	s30 =	sld [smem:$0x0];
	_ =	sdelay $0x2  }
0xbf: {  	s31 =	sshll.u32 s1, $0xD;
	s1 =	sshrl.u32 s1, $0x2  }
0xc0: {  	s3 =	sand.u32 $0x4000, s31;
	s1 =	sadd.s32 s1, s30  }
0xc1: {  	s0 =	sor.u32 s3, s0;
	s1 =	sshll.u32 s1, $0x11  }
0xc2: {  	s0 =	sor.u32 s1, s0  }
0xc3: {  	s0 =	sadd.s32 $0x8F2B, s0  }
0xc4: {  	[sflag:s0] =	ssyncadd.remote.s32 $0x1  }
0xc5: {  	_ =	sfence.sel $0xFFFF  }
0xc6: {  	[dreg:$0x0] =	wrdreg $0xFFFFFFFF;
	(pc) =	sbr.abs _section_cstart, $3  }
0xc7: {  	[dreg:$0x1] =	wrdreg $0xFFFFFFFF  }
0xc8: {  	_ =	task.clear_ibuf [dreg:s7], $0x2FFFF;
	_ =	strace $0x9FFFFFFF  }
0xc9: {  	(tm) =	ssettm $0x7FFFFFFF  }
tec
execute0_lowered:
.L_overlay_start_1:
0x0: {  	(tag) =	ssettag $0x1  }
0x1: {  	s6 =	rddreg [dreg:$0x0]  }
0x2: {  	s2 =	rddreg [dreg:$0x1]  }
0x3: {  	s3 =	rddreg [dreg:$0x2]  }
0x4: {  	s4 =	srdreg.scid;
	s1 =	stileid.u32;
	s13 =	simm.s32 $0x5000  }
0x5: {  	s16 =	simm.s32 $0x80;
	s17 =	simm.s32 $0x7800;
	s18 =	simm.s32 $0x8000  }
0x6: {  	s19 =	simm.s32 $0x1;
	s20 =	simm.s32 $0x2;
	s21 =	simm.s32 $0x3  }
0x7: {  	s22 =	simm.s32 $0x4;
	s23 =	simm.s32 $0x0;
	s7 =	sand.u32 $0x1, s4  }
0x8: {  	s9 =	smul.u32 $0x2800, s1;
	s4 =	simm.s32 $0x0;
	s14 =	sshll.u32 s1, $0x6  }
0x9: {  	s5 =	sshll.u32 s7, $0x4;
	s8 =	smul.u32 $0x28000, s7;
	[smem:$0x7FF] =	sst s4  }
0xa: {  	s7 =	ssub.s32 $0x2, s7;
	s14 =	sor.u32 $0x1C05, s14;
	s5 =	sor.u32 s1, s5  }
0xb: {  	_ =	strace $0x8000004A;
	s31 =	sshrl.u32 s7, $0x1;
	s10 =	smul.u32 $0x500, s5  }
0xc: {  	s15 =	sadd.s32 s9, s3;
	s8 =	sadd.s32 s9, s8;
	s5 =	sadd.s32 $0x10200, s6  }
0xd: {  	s12 =	ssub.s32 s7, s31;
	s8 =	sshrl.u32 s8, $0x3;
	s10 =	sadd.s32 s10, s6  }
0xe: {  	s15 =	sshrl.u32 s15, $0x3;
	s11 =	sadd.s32 s8, s6;
	s6 =	sadd.s32 $0x2EC00, s10  }
0xf: {  	s7 =	sadd.s32 $0x6200, s10;
	s8 =	sadd.s32 $0x24C00, s10;
	s9 =	sadd.s32 $0x15200, s11  }
0x10: {  	s10 =	smax.u32 s12, $0x1;
	s11 =	simm.s32 $0x5;
	s12 =	simm.s32 $0x2800  }
.LBB2_1:
0x11: {  	[tilespmem:s4], [sflag:$0x5] =	stream.linear.gather [hbm4b:s6+s4], $0x2800, $0x38;
	[tilespmem:$0xB000] =	vst v63  }
0x12: {  	_ =	swait.ge [sflag:s11], $0x2800  }
0x13: {  	[sflag:s11] =	ssyncset.done $0x0  }
0x14: {  	[sflag:s11] =	ssyncadd.s32 $0xFFFFD800  }
0x15: {  	[tilespmem:s12], [sflag:$0x5] =	stream.linear.gather [hbm4b:s7+s4], $0x2800, $0x38;
	[tilespmem:$0xB000] =	vst v63  }
0x16: {  	_ =	swait.ge [sflag:s11], $0x2800  }
0x17: {  	[sflag:s11] =	ssyncset.done $0x0  }
0x18: {  	[sflag:s11] =	ssyncadd.s32 $0xFFFFD800  }
0x19: {  	[tilespmem:s13], [sflag:$0x5] =	stream.linear.gather [hbm4b:s8+s4], $0x2800, $0x38;
	[tilespmem:$0xB000] =	vst v63  }
0x1a: {  	_ =	swait.ge [sflag:s11], $0x2800  }
0x1b: {  	[sflag:s11] =	ssyncset.done $0x0  }
0x1c: {  	[sflag:s11] =	ssyncadd.s32 $0xFFFFD800  }
0x1d: {  	[spmem:s15], [sflag:s14] =	dma.local [hbm:s2], $0x500  }
0x1e: {  	_ =	swait.ge [sflag:s11], $0x500  }
0x1f: {  	[sflag:s11] =	ssyncset.done $0x0  }
0x20: {  	[sflag:s11] =	ssyncadd.s32 $0xFFFFFB00  }
0x21: {  	s24 =	simm.s32 $0x0;
	s25 =	simm.s32 $0x0;
	[bflag:$0x0] =	sbarrier.arrive $0xFFFF  }
0x22: {  	[tilespmem:s17], [sflag:$0x1] =	stream.indirect.gather [hbm4b:s5+s16], $0x10, s4, s16, $0xb8;
	[tilespmem:$0xB000] =	vst v63  }
.LBB2_2:
0x23: {  	s28 =	sadd.s32 $0xFFFFFFFC, s24  }
0x24: {  	s26 =	sadd.s32 $0x4, s28  }
0x25: {  	v0 =	vmov s26  }
0x26: {  	s31 =	sshll.u32 s25, $0x8;
	v0 =	vand.u32 $0xFFFFFFFC, v0  }
0x27: {  	s26 =	sor.u32 $0x80, s31;
	v0 =	vbroadcast v0, $0x0  }
0x28: {  	[tilespmem:s18], [sflag:$0x2] =	stream.indirect.gather [hbm4b:s5+s16], $0x10, s26, s16, $0xb8;
	[tilespmem:$0xB000] =	vst v63  }
0x29: {  	_ =	swait.ge [sflag:s19], $0x800  }
0x2a: {  	[sflag:s19] =	ssyncset.done $0x0  }
0x2b: {  	s29 =	simm.s32 $0x7820;
	[sflag:s19] =	ssyncadd.s32 $0xFFFFF800  }
0x2c: {  	s30 =	sadd.s32 $0x5, s28;
	v1 =	vld [tilespmem:s29+$0xFFFFFFE0]  }
0x2d: {  	v2 =	vmov s30;
	v0 =	vld.idx.msk [tilespmem:v0+s13+$0x0], $0xffff  }
0x2e: {  	v2 =	vand.u32 $0xFFFFFFFD, v2  }
0x2f: {  	v2 =	vbroadcast v2, $0x0;
	_ =	sdelay $0x2  }
0x30: {  	v0 =	vmul.f32 v1, v0;
	_ =	sdelay $0x1  }
0x31: {  	s0 =	sadd.s32 $0x6, s28;
	v1 =	vld [tilespmem:s29+$0xFFFFFFF0];
	[tilespmem:s29+$0xFFFFFFE0] =	vst v0  }
0x32: {  	v0 =	vld.idx.msk [tilespmem:v2+s13+$0x0], $0xffff;
	v2 =	vmov s0  }
0x33: {  	v2 =	vand.u32 $0xFFFFFFFE, v2  }
0x34: {  	v2 =	vbroadcast v2, $0x0;
	_ =	sdelay $0x2  }
0x35: {  	v0 =	vmul.f32 v1, v0;
	_ =	sdelay $0x1  }
0x36: {  	[tilespmem:s29+$0xFFFFFFF0] =	vst v0  }
0x37: {  	v1 =	vld.idx.msk [tilespmem:v2+s13+$0x0], $0xffff  }
0x38: {  	v2 =	vld [tilespmem:s29+$0x0];
	_ =	sdelay $0x1  }
0x39: {  	s31 =	sadd.s32 $0x7, s28  }
0x3a: {  	v0 =	vmov s31;
	_ =	sdelay $0x1  }
0x3b: {  	s28 =	simm.s32 $0x0;
	v1 =	vmul.f32 v2, v1  }
.LBB2_3:
0x3c: {  	_ = 	snop  }
0x3d: {  	s30 =	sadd.s32 s28, s24;
	s28 =	sadd.s32 $0x4, s28;
	[tilespmem:s29+$0x0] =	vst v1  }
0x3e: {  	s31 =	sadd.s32 $0x4, s30;
	p0 =	slt.u32 s28, $0x7C;
	v0 =	vld.idx.msk [tilespmem:v0+s13+$0x0], $0xffff  }
0x3f: {  	v1 =	vmov s31;
	v2 =	vld [tilespmem:s29+$0x10]  }
0x40: {  	v1 =	vand.u32 $0xFFFFFFFC, v1  }
0x41: {  	v1 =	vbroadcast v1, $0x0;
	_ =	sdelay $0x2  }
0x42: {  	v0 =	vmul.f32 v2, v0;
	_ =	sdelay $0x1  }
0x43: {  	[tilespmem:s29+$0x10] =	vst v0  }
0x44: {  	s31 =	sadd.s32 $0x5, s30;
	s29 =	sadd.s32 $0x40, s29;
	v0 =	vld.idx.msk [tilespmem:v1+s13+$0x0], $0xffff  }
0x45: {  	v2 =	vmov s31;
	v1 =	vld [tilespmem:s29+$0xFFFFFFE0]  }
0x46: {  	v2 =	vand.u32 $0xFFFFFFFD, v2  }
0x47: {  	v2 =	vbroadcast v2, $0x0;
	_ =	sdelay $0x2  }
0x48: {  	v0 =	vmul.f32 v1, v0;
	_ =	sdelay $0x1  }
0x49: {  	[tilespmem:s29+$0xFFFFFFE0] =	vst v0  }
0x4a: {  	s31 =	sadd.s32 $0x6, s30;
	v0 =	vld.idx.msk [tilespmem:v2+s13+$0x0], $0xffff  }
0x4b: {  	v2 =	vmov s31;
	v1 =	vld [tilespmem:s29+$0xFFFFFFF0]  }
0x4c: {  	v2 =	vand.u32 $0xFFFFFFFE, v2  }
0x4d: {  	v2 =	vbroadcast v2, $0x0;
	_ =	sdelay $0x2  }
0x4e: {  	v0 =	vmul.f32 v1, v0;
	_ =	sdelay $0x1  }
0x4f: {  	[tilespmem:s29+$0xFFFFFFF0] =	vst v0  }
0x50: {  	v1 =	vld.idx.msk [tilespmem:v2+s13+$0x0], $0xffff  }
0x51: {  	v2 =	vld [tilespmem:s29+$0x0]  }
.Ltmp0:
0x52: {  	(pc) =	sbr.rel @p0 .LBB2_3-.Ltmp0, $3  }
0x53: {  	s30 =	sadd.s32 $0x7, s30  }
0x54: {  	v0 =	vmov s30;
	_ =	sdelay $0x1  }
0x55: {  	v1 =	vmul.f32 v2, v1  }
0x56: {  	_ =	sdelay $0x2  }
0x57: {  	[tilespmem:s29+$0x0] =	vst v1;
	v1 =	vld [tilespmem:s29+$0x10]  }
0x58: {  	v0 =	vld.idx.msk [tilespmem:v0+s13+$0x0], $0xffff;
	_ =	sdelay $0x1  }
0x59: {  	s30 =	sadd.s32 $0xFFFFFFFC, s24  }
0x5a: {  	s28 =	sadd.s32 $0x84, s30  }
0x5b: {  	v2 =	vmov s28  }
0x5c: {  	s28 =	sshll.u32 s25, $0xA;
	v0 =	vmul.f32 v1, v0;
	v1 =	vand.u32 $0xFFFFFFFC, v2  }
0x5d: {  	s31 =	sshrl.u32 s28, $0x2;
	v1 =	vbroadcast v1, $0x0  }
0x5e: {  	[tilespmem:s29+$0x10] =	vst v0;
	s29 =	sadd.s32 $0x2800, s31  }
0x5f: {  	[spmem:s3] =	stream.indirect.scatter.add.f32 [tilespmem:s17], [sflag:$0x3], $0x10, s29, s16, $0xb8;
	[tilespmem:$0xB000] =	vst v63  }
0x60: {  	_ =	swait.ge [sflag:s20], $0x800  }
0x61: {  	[sflag:s20] =	ssyncset.done $0x0  }
0x62: {  	[sflag:s20] =	ssyncadd.s32 $0xFFFFF800  }
0x63: {  	s0 =	sadd.s32 $0x85, s30;
	s29 =	simm.s32 $0x8020;
	v0 =	vld.idx.msk [tilespmem:v1+s13+$0x0], $0xffff  }
0x64: {  	v2 =	vmov s0;
	v1 =	vld [tilespmem:s29+$0xFFFFFFE0]  }
0x65: {  	v2 =	vand.u32 $0xFFFFFFFD, v2  }
0x66: {  	v2 =	vbroadcast v2, $0x0;
	_ =	sdelay $0x2  }
0x67: {  	v0 =	vmul.f32 v1, v0;
	_ =	sdelay $0x1  }
0x68: {  	s0 =	sadd.s32 $0x86, s30;
	v1 =	vld [tilespmem:s29+$0xFFFFFFF0];
	[tilespmem:s29+$0xFFFFFFE0] =	vst v0  }
0x69: {  	v0 =	vld.idx.msk [tilespmem:v2+s13+$0x0], $0xffff;
	v2 =	vmov s0  }
0x6a: {  	v2 =	vand.u32 $0xFFFFFFFE, v2  }
0x6b: {  	v2 =	vbroadcast v2, $0x0;
	_ =	sdelay $0x2  }
0x6c: {  	v0 =	vmul.f32 v1, v0;
	_ =	sdelay $0x1  }
0x6d: {  	[tilespmem:s29+$0xFFFFFFF0] =	vst v0  }
0x6e: {  	v1 =	vld.idx.msk [tilespmem:v2+s13+$0x0], $0xffff  }
0x6f: {  	v2 =	vld [tilespmem:s29+$0x0];
	_ =	sdelay $0x1  }
0x70: {  	s0 =	sadd.s32 $0x87, s30  }
0x71: {  	v0 =	vmov s0;
	_ =	sdelay $0x1  }
0x72: {  	s30 =	simm.s32 $0x0;
	v1 =	vmul.f32 v2, v1  }
.LBB2_5:
0x73: {  	_ = 	snop  }
0x74: {  	s31 =	sadd.s32 s30, s24;
	s30 =	sadd.s32 $0x4, s30;
	[tilespmem:s29+$0x0] =	vst v1  }
0x75: {  	s0 =	sadd.s32 $0x84, s31;
	p0 =	slt.u32 s30, $0x7C;
	v0 =	vld.idx.msk [tilespmem:v0+s13+$0x0], $0xffff  }
0x76: {  	v1 =	vmov s0;
	v2 =	vld [tilespmem:s29+$0x10]  }
0x77: {  	v1 =	vand.u32 $0xFFFFFFFC, v1  }
0x78: {  	v1 =	vbroadcast v1, $0x0;
	_ =	sdelay $0x2  }
0x79: {  	v0 =	vmul.f32 v2, v0;
	_ =	sdelay $0x1  }
0x7a: {  	[tilespmem:s29+$0x10] =	vst v0  }
0x7b: {  	s0 =	sadd.s32 $0x85, s31;
	s29 =	sadd.s32 $0x40, s29;
	v0 =	vld.idx.msk [tilespmem:v1+s13+$0x0], $0xffff  }
0x7c: {  	v2 =	vmov s0;
	v1 =	vld [tilespmem:s29+$0xFFFFFFE0]  }
0x7d: {  	v2 =	vand.u32 $0xFFFFFFFD, v2  }
0x7e: {  	v2 =	vbroadcast v2, $0x0;
	_ =	sdelay $0x2  }
0x7f: {  	v0 =	vmul.f32 v1, v0;
	_ =	sdelay $0x1  }
0x80: {  	[tilespmem:s29+$0xFFFFFFE0] =	vst v0  }
0x81: {  	s0 =	sadd.s32 $0x86, s31;
	v0 =	vld.idx.msk [tilespmem:v2+s13+$0x0], $0xffff  }
0x82: {  	v2 =	vmov s0;
	v1 =	vld [tilespmem:s29+$0xFFFFFFF0]  }
0x83: {  	v2 =	vand.u32 $0xFFFFFFFE, v2  }
0x84: {  	v2 =	vbroadcast v2, $0x0;
	_ =	sdelay $0x2  }
0x85: {  	v0 =	vmul.f32 v1, v0;
	_ =	sdelay $0x1  }
0x86: {  	[tilespmem:s29+$0xFFFFFFF0] =	vst v0  }
0x87: {  	v1 =	vld.idx.msk [tilespmem:v2+s13+$0x0], $0xffff  }
0x88: {  	v2 =	vld [tilespmem:s29+$0x0]  }
.Ltmp1:
0x89: {  	(pc) =	sbr.rel @p0 .LBB2_5-.Ltmp1, $3  }
0x8a: {  	s0 =	sadd.s32 $0x87, s31  }
0x8b: {  	v0 =	vmov s0;
	_ =	sdelay $0x1  }
0x8c: {  	v1 =	vmul.f32 v2, v1  }
0x8d: {  	_ =	sdelay $0x2  }
0x8e: {  	v63 =	vld [tilespmem:s29+$0x10];
	[tilespmem:s29+$0x0] =	vst v1  }
0x8f: {  	v0 =	vld.idx.msk [tilespmem:v0+s13+$0x0], $0xffff;
	_ =	sdelay $0x4  }
0x90: {  	v0 =	vmul.f32 v63, v0;
	_ =	sdelay $0x1  }
0x91: {  	s0 =	sadd.s32 $0x2800, s26;
	[tilespmem:s29+$0x10] =	vst v0  }
0x92: {  	[spmem:s3] =	stream.indirect.scatter.add.f32 [tilespmem:s18], [sflag:$0x4], $0x10, s0, s16, $0xb8;
	[tilespmem:$0xB000] =	vst v63  }
0x93: {  	p0 =	seq.s32 s25, $0x27;
	s25 =	sadd.s32 $0x1, s25;
	_ =	swait.ge [sflag:s21], $0x800  }
0x94: {  	s26 =	simm.s32 @!p0 $0x80;
	s0 =	sshrl.u32 @!p0 s28, $0x2;
	[sflag:s21] =	ssyncset.done $0x0  }
0x95: {  	s28 =	simm.s32 @!p0 $0x7800;
	s0 =	sadd.s32 @!p0 $0x100, s0;
	[sflag:s21] =	ssyncadd.s32 $0xFFFFF800  }
0x96: {  	[tilespmem:s28], [sflag:$0x1] =	stream.indirect.gather @!p0 [hbm4b:s5+s26], $0x10, s0, s26, $0xb8;
	[tilespmem:$0xB000] =	vst v63  }
0x97: {  	p0 =	sne.s32 s25, $0x28  }
.Ltmp2:
0x98: {  	_ = 	snop;
	(pc) =	sbr.rel @p0 .LBB2_2-.Ltmp2, $4  }
0x99: {  	_ = 	snop  }
0x9a: {  	_ =	swait.ge [sflag:s22], $0x800  }
0x9b: {  	[sflag:s22] =	ssyncset.done $0x0  }
0x9c: {  	s24 =	sadd.s32 $0x100, s24;
	[sflag:s22] =	ssyncadd.s32 $0xFFFFF800  }
0x9d: {  	s23 =	sadd.s32 $0x1, s23  }
0x9e: {  	p0 =	sne.s32 s23, s10  }
.Ltmp3:
0x9f: {  	[bflag:$0x0] =	sbarrier.arrive $0xFFFF;
	(pc) =	sbr.rel @p0 .LBB2_1-.Ltmp3, $4  }
0xa0: {  	[hbm:s9], [sflag:s14] =	dma.local [spmem:s15], $0x500  }
0xa1: {  	_ =	swait.ge [sflag:s11], $0x500  }
0xa2: {  	[sflag:s11] =	ssyncset.done $0x0  }
0xa3: {  	[sflag:s11] =	ssyncadd.s32 $0xFFFFFB00  }
0xa4: {  	_ =	sfence.sel $0x180000  }
0xa5: {  	[bflag:$0x0] =	sbarrier.arrive $0xFFFF  }
0xa6: {  	_ =	strace $0x9000004A  }
0xa7: {  	[bflag:$0x2] =	sbarrier.arrive $0xFFFF  }
0xa8: {  	p0 =	sne.s32 s1, $0x0;
	s0 =	rddreg [dreg:$0x3]  }
0xa9: {  	s0 =	sadd.s32 @!p0 $0x100000, s0  }
0xaa: {  	[sflag:s0] =	ssyncadd.tile.s32 @!p0 $0x1;
	_ =	shalt  }
.Lfunc_end2:
_tile_overlayer_lowered:
.L_overlay_start_2:
0xab: {  	(tag) =	ssettag $0x2  }
0xac: {  	s0 =	rddreg [dreg:$0x0];
	s2 =	stileid.u32  }
0xad: {  	s1 =	rddreg [dreg:$0x1];
	p0 =	sne.s32 s2, $0x0  }
0xae: {  	s3 =	rddreg [dreg:$0x2];
	[bflag:$0x3] =	sbarrier.arrive $0xFFFF;
	s2 =	simm.s32 @!p0 $0x1C05  }
0xaf: {  	[timem:s3], [sflag:s2] =	dma.local @!p0 [hbm:s0], s1  }
0xb0: {  	s0 =	simm.s32 @!p0 $0x5  }
0xb1: {  	_ =	swait.ge @!p0 [sflag:s0], s1  }
0xb2: {  	s1 =	ssub.s32 @!p0 $0x0, s1;
	[sflag:s0] =	ssyncset.done @!p0 $0x0  }
0xb3: {  	[sflag:s0] =	ssyncadd.s32 @!p0 s1  }
0xb4: {  	[bflag:$0x3] =	sbarrier.arrive $0xFFFF  }
0xb5: {  	_ =	shalt  }

// kernel: kernel.16.cloned.1.call-start
scs
__scs_entry_jumppad:
0x0: {  	(pc) =	sbr.rel $0x88, $3  }
0x1: {  	(tag) =	ssettag $0x0;
	lr =	simm.s32 $0x1  }
0x2: {  	[smem:$0x3F87] =	sst lr;
	_ =	strace $0xD0000000  }
0x3: {  	_ = 	snop  }
0x4: {  	_ = 	snop  }
0x5: {  	_ = 	snop  }
0x6: {  	_ = 	snop  }
0x7: {  	_ = 	snop  }
__scs_overlays_trampoline_lowered:
0x8: {  	[smem:$0x3F96] =	sst s0  }
0x9: {  	[smem:$0x3F97] =	sst s1  }
0xa: {  	[smem:$0x3F98] =	sst s2  }
0xb: {  	[smem:$0x3F99] =	sst s3  }
0xc: {  	[smem:$0x3F9A] =	sst s4  }
0xd: {  	[smem:$0x3F9B] =	sst s5  }
0xe: {  	[smem:$0x3F9C] =	sst s6  }
0xf: {  	[smem:$0x3F9D] =	sst s7  }
0x10: {  	[smem:$0x3F9E] =	sst s8  }
0x11: {  	[smem:$0x3F9F] =	sst s9;
	s0 =	simm.s32 @!p0 $0x0  }
0x12: {  	s1 =	sld [smem:$0x3F85];
	s0 =	simm.s32 @p0 $0x1  }
0x13: {  	[smem:$0x3FA0] =	sst s0;
	s0 =	simm.s32 @!p1 $0x0  }
0x14: {  	s2 =	sld [smem:$0x3F84];
	s0 =	simm.s32 @p1 $0x1  }
0x15: {  	[smem:$0x3FA1] =	sst s0;
	s0 =	simm.s32 @!p2 $0x0  }
0x16: {  	s3 =	sld [smem:$0x3FDB];
	s0 =	simm.s32 @p2 $0x1  }
0x17: {  	s4 =	simm.s32 $0x1BF5;
	[smem:$0x3FA3] =	sst s0  }
0x18: {  	s0 =	sld [smem:$0x3F86];
	_ =	swait.ge [sflag:s4], $0x0  }
0x19: {  	s7 =	sld [smem:$0x3F87]  }
0x1a: {  	s8 =	sadd.s32 $0xFFFFE003, lr  }
0x1b: {  	s9 =	sadd.s32 $0xFFFFFEF7, lr;
	s5 =	simm.s32 $0xFFFFFFFF;
	p2 =	slt.u32 s8, $0xFFFFF086  }
0x1c: {  	p1 =	slt.u32 s9, $0xF7A;
	s5 =	simm.s32 @!p2 $0x0  }
0x1d: {  	s5 =	simm.s32 @p1 $0x1;
	p0 =	seq.s32 s7, s2  }
0x1e: {  	s7 =	smul.u32 @!p0 $0xF7A, s2;
	p2 =	seq.s32 @!p0 s5, $0x0  }
0x1f: {  	s9 =	smul.u32 $0xF7A, s1;
	s8 =	simm.s32 @!p0 $0x1BF5;
	p2 =	por !p2, p0  }
0x20: {  	[sflag:s8] =	ssyncset.s32 @!p0 $0xFFFFF086;
	s6 =	sadd.s32 @!p0 s3, s7;
	s7 =	simm.s32 @!p0 $0x108  }
0x21: {  	s3 =	sadd.s32 s3, s9;
	s6 =	sadd.s32 @!p0 $0x88, s6;
	s7 =	simm.s32 @p2 $0x1082  }
0x22: {  	[simem:s7], [sflag:s8] =	dma.local @!p0 [hbm:s6], $0xF7A  }
0x23: {  	s9 =	sor.u32 $0xD0000000, s2;
	s6 =	simm.s32 $0x108;
	_ =	swait.ge @!p0 [sflag:s8], $0x0  }
0x24: {  	s3 =	sadd.s32 $0x88, s3;
	s6 =	simm.s32 @!p1 $0x1082;
	[sflag:s4] =	ssyncset.s32 $0xFFFFF086  }
0x25: {  	[simem:s6], [sflag:s4] =	dma.local [hbm:s3], $0xF7A  }
0x26: {  	[smem:$0x3F87] =	sst s1;
	(tag) =	ssettag s2;
	_ =	strace s9  }
0x27: {  	s1 =	sld [smem:$0x3F97]  }
0x28: {  	s2 =	sld [smem:$0x3F98]  }
0x29: {  	s4 =	sld [smem:$0x3F9A]  }
0x2a: {  	p0 =	seq.s32 s5, $0x0;
	s5 =	sld [smem:$0x3F9B]  }
0x2b: {  	s6 =	sld [smem:$0x3F9C]  }
0x2c: {  	s7 =	sld [smem:$0x3F9D]  }
0x2d: {  	s3 =	simm.s32 $0x108;
	s8 =	sld [smem:$0x3F9E]  }
0x2e: {  	s3 =	simm.s32 @!p0 $0x1082;
	s9 =	sld [smem:$0x3F9F]  }
0x2f: {  	lr =	sadd.s32 s0, s3;
	s0 =	sld [smem:$0x3F96]  }
0x30: {  	s3 =	sld [smem:$0x3F99]  }
0x31: {  	[smem:$0x3FA2] =	sst s10  }
0x32: {  	s10 =	sld [smem:$0x3FA0];
	_ =	sdelay $0x3  }
0x33: {  	p0 =	seq.s32 s10, $0x1;
	s10 =	sld [smem:$0x3FA2];
	_ =	sdelay $0x3  }
0x34: {  	[smem:$0x3FA2] =	sst s10  }
0x35: {  	s10 =	sld [smem:$0x3FA1];
	_ =	sdelay $0x3  }
0x36: {  	p1 =	seq.s32 s10, $0x1;
	s10 =	sld [smem:$0x3FA2];
	_ =	sdelay $0x3  }
0x37: {  	[smem:$0x3FA2] =	sst s10  }
0x38: {  	s10 =	sld [smem:$0x3FA3]  }
0x39: {  	_ = 	snop;
	(pc) =	sbr.ind lr, $3  }
0x3a: {  	_ = 	snop  }
0x3b: {  	_ = 	snop  }
0x3c: {  	p2 =	seq.s32 s10, $0x1;
	s10 =	sld [smem:$0x3FA2]  }
0x3d: {  	_ =	shalt  }
0x3e: {  	_ =	shalt  }
0x3f: {  	_ =	shalt  }
0x40: {  	_ =	shalt  }
0x41: {  	_ =	shalt  }
0x42: {  	_ =	shalt  }
0x43: {  	_ =	shalt  }
0x44: {  	_ =	shalt  }
0x45: {  	_ =	shalt  }
0x46: {  	_ =	shalt  }
0x47: {  	_ =	shalt  }
0x48: {  	_ =	shalt  }
0x49: {  	_ =	shalt  }
0x4a: {  	_ =	shalt  }
0x4b: {  	_ =	shalt  }
0x4c: {  	_ =	shalt  }
0x4d: {  	_ =	shalt  }
0x4e: {  	_ =	shalt  }
0x4f: {  	_ =	shalt  }
0x50: {  	_ =	shalt  }
0x51: {  	_ =	shalt  }
0x52: {  	_ =	shalt  }
0x53: {  	_ =	shalt  }
0x54: {  	_ =	shalt  }
0x55: {  	_ =	shalt  }
0x56: {  	_ =	shalt  }
0x57: {  	_ =	shalt  }
0x58: {  	_ =	shalt  }
0x59: {  	_ =	shalt  }
0x5a: {  	_ =	shalt  }
0x5b: {  	_ =	shalt  }
0x5c: {  	_ =	shalt  }
0x5d: {  	_ =	shalt  }
0x5e: {  	_ =	shalt  }
0x5f: {  	_ =	shalt  }
0x60: {  	_ =	shalt  }
0x61: {  	_ =	shalt  }
0x62: {  	_ =	shalt  }
0x63: {  	_ =	shalt  }
0x64: {  	_ =	shalt  }
0x65: {  	_ =	shalt  }
0x66: {  	_ =	shalt  }
0x67: {  	_ =	shalt  }
0x68: {  	_ =	shalt  }
0x69: {  	_ =	shalt  }
0x6a: {  	_ =	shalt  }
0x6b: {  	_ =	shalt  }
0x6c: {  	_ =	shalt  }
0x6d: {  	_ =	shalt  }
0x6e: {  	_ =	shalt  }
0x6f: {  	_ =	shalt  }
0x70: {  	_ =	shalt  }
0x71: {  	_ =	shalt  }
0x72: {  	_ =	shalt  }
0x73: {  	_ =	shalt  }
0x74: {  	_ =	shalt  }
0x75: {  	_ =	shalt  }
0x76: {  	_ =	shalt  }
0x77: {  	_ =	shalt  }
0x78: {  	_ =	shalt  }
0x79: {  	_ =	shalt  }
0x7a: {  	_ =	shalt  }
0x7b: {  	_ =	shalt  }
0x7c: {  	_ =	shalt  }
0x7d: {  	_ =	shalt  }
0x7e: {  	_ =	shalt  }
0x7f: {  	_ =	shalt  }
0x80: {  	_ =	shalt  }
0x81: {  	_ =	shalt  }
0x82: {  	_ =	shalt  }
0x83: {  	_ =	shalt  }
0x84: {  	_ =	shalt  }
0x85: {  	_ =	shalt  }
0x86: {  	_ =	shalt  }
0x87: {  	_ =	shalt  }
.Lfunc_end0:
.L_simem_size_0:
called_computation.2_lowered:
.L_overlay_start_0:
0x88: {  	s2 =	sld [smem:$0x3FD9]  }
0x89: {  	s3 =	sld [smem:$0x3FFE];
	_ =	sdelay $0x1  }
0x8a: {  	s1 =	srdreg.scid  }
0x8b: {  	s0 =	sand.u32 $0x1, s1  }
0x8c: {  	s16 =	sshll.u32 s0, $0xA;
	s2 =	sadd.s32 s3, s2  }
0x8d: {  	s2 =	sadd.s32 s2, s16  }
0x8e: {  	[smem:$0x3FAE] =	sst s2  }
0x8f: {  	_ = 	snop  }
0x90: {  	(tm) =	ssettm $0x1  }
0x91: {  	s17 =	sld [smem:$0x3FFB];
	_ =	sdelay $0x3  }
0x92: {  	_ =	strace s17  }
0x93: {  	s2 =	sld [smem:$0x3FFC];
	_ =	sdelay $0x3  }
0x94: {  	_ =	strace s2  }
0x95: {  	s2 =	sld [smem:$0x3FFD];
	_ =	sdelay $0x3  }
0x96: {  	_ =	strace s2  }
0x97: {  	_ =	strace $0x8FFFFFFF  }
0x98: {  	s18 =	sld [smem:$0x3FDB];
	_ =	sdelay $0x1  }
0x99: {  	s19 =	simm.s32 $_scs_section_size  }
0x9a: {  	s4 =	simm.s32 $_size__tile_overlayer_lowered;
	s5 =	simm.s32 $_tile_overlayer_lowered  }
0x9b: {  	s22 =	simm.s32 $0x1BFF;
	s21 =	sshll.u32 s5, $0x1;
	s2 =	sadd.s32 s19, s18  }
0x9c: {  	s6 =	simm.s32 $0x0;
	s20 =	sshll.u32 s4, $0x1;
	s4 =	sadd.s32 s21, s2  }
0x9d: {  	[timem:s6], [sflag:s22] =	dma.local [hbm:s4], s20  }
0x9e: {  	_ =	swait.ge [sflag:s22], s20  }
0x9f: {  	s3 =	ssub.s32 $0x0, s20;
	[sflag:s22] =	ssyncset.done $0x0  }
0xa0: {  	[sflag:s22] =	ssyncadd.s32 s3;
	_ =	sdelay $0x1  }
0xa1: {  	s23 =	simm.s32 $0x1B8B  }
0xa2: {  	_ =	swait.ge [sflag:s23], $0x1  }
0xa3: {  	[sflag:s23] =	ssyncset.done $0x0  }
0xa4: {  	s25 =	simm.s32 $0x1B8E;
	s24 =	sld [smem:$0x3FFE];
	[sflag:s23] =	ssyncadd.s32 $0xFFFFFFFF  }
0xa5: {  	s26 =	simm.s32 $execute0_lowered;
	[smem:$0x3FD2] =	sst s25  }
0xa6: {  	s4 =	sshll.u32 s26, $0x1;
	_ =	strace $0x8000004C;
	[dreg:$0x1] =	wrdreg $0xFFFFFFFF  }
0xa7: {  	s28 =	simm.s32 $_size_execute0_lowered;
	s2 =	sadd.s32 s2, s4;
	[dreg:$0x0] =	wrdreg $0x0  }
0xa8: {  	s4 =	sshll.u32 s28, $0x1;
	[dreg:$0x2] =	wrdreg s2  }
0xa9: {  	[dreg:$0x3] =	wrdreg s4  }
0xaa: {  	[dreg:$0x4] =	wrdreg $0xC0  }
0xab: {  	_ =	task [dreg:s6], $0x5FFFF  }
0xac: {  	[dreg:$0x1] =	wrdreg $0xFFFFFFFF  }
0xad: {  	[dreg:$0x0] =	wrdreg $0x60  }
0xae: {  	[dreg:$0x2] =	wrdreg s24  }
0xaf: {  	[dreg:$0x3] =	wrdreg $0x131000  }
0xb0: {  	[dreg:$0x4] =	wrdreg $0x9  }
0xb1: {  	_ =	task.clear_ibuf [dreg:s6], $0x5FFFF;
	_ =	strace $0x9000004C  }
0xb2: {  	s29 =	simm.s32 $0x9;
	_ =	strace $0x8000004E  }
0xb3: {  	_ =	swait.ge [sflag:s29], $0x1  }
0xb4: {  	[sflag:s29] =	ssyncadd.s32 $0xFFFFFFFF  }
0xb5: {  	_ =	strace $0x9000004E  }
0xb6: {  	_ =	sfence  }
0xb7: {  	s30 =	sld [smem:$0x0];
	_ =	sdelay $0x2  }
0xb8: {  	s31 =	sshll.u32 s1, $0xD;
	s1 =	sshrl.u32 s1, $0x2  }
0xb9: {  	s3 =	sand.u32 $0x4000, s31;
	s1 =	sadd.s32 s1, s30  }
0xba: {  	s0 =	sor.u32 s3, s0;
	s1 =	sshll.u32 s1, $0x11  }
0xbb: {  	s0 =	sor.u32 s1, s0  }
0xbc: {  	s0 =	sadd.s32 $0x8F2B, s0  }
0xbd: {  	[sflag:s0] =	ssyncadd.remote.s32 $0x1  }
0xbe: {  	_ =	sfence.sel $0xFFFF  }
0xbf: {  	[dreg:$0x0] =	wrdreg $0xFFFFFFFF;
	(pc) =	sbr.abs _section_cstart, $3  }
0xc0: {  	[dreg:$0x1] =	wrdreg $0xFFFFFFFF  }
0xc1: {  	_ =	task.clear_ibuf [dreg:s6], $0x2FFFF;
	_ =	strace $0x9FFFFFFF  }
0xc2: {  	(tm) =	ssettm $0x7FFFFFFF  }
0xc3: {  	_ =	shalt  }
tec
execute0_lowered:
.L_overlay_start_1:
0x0: {  	(tag) =	ssettag $0x1  }
0x1: {  	s0 =	rddreg [dreg:$0x0]  }
0x2: {  	s2 =	rddreg [dreg:$0x1]  }
0x3: {  	s15 =	stileid.u32;
	s4 =	srdreg.scid  }
0x4: {  	s3 =	simm.s32 $0x0;
	s12 =	simm.s32 $0x5;
	s14 =	simm.s32 $0xA000  }
0x5: {  	s17 =	simm.s32 $0x80;
	s19 =	simm.s32 $0xF000;
	s20 =	simm.s32 $0x13080  }
0x6: {  	s21 =	simm.s32 $0x11000;
	s22 =	simm.s32 $0x1;
	s23 =	simm.s32 $0x2  }
0x7: {  	s24 =	simm.s32 $0x3;
	s25 =	simm.s32 $0x4;
	s1 =	smul.u32 $0xA00, s15  }
0x8: {  	s26 =	simm.s32 $0x0;
	s6 =	sand.u32 $0x1, s4;
	s9 =	smul.u32 $0xA000, s15  }
0x9: {  	[smem:$0x7FF] =	sst s3;
	s4 =	sadd.s32 $0xAE200, s0;
	s31 =	sshll.u32 s15, $0x6  }
0xa: {  	s5 =	smul.u32 $0xA0000, s6;
	_ =	strace $0x8000004D;
	s8 =	ssub.s32 $0x2, s6  }
0xb: {  	s13 =	smul.u32 $0x4E20, s6;
	s15 =	sor.u32 $0x1C05, s31;
	s1 =	sadd.s32 s1, s0  }
0xc: {  	s10 =	sshrl.u32 s8, $0x1;
	s30 =	sadd.s32 s9, s2;
	s7 =	sadd.s32 s9, s5  }
0xd: {  	s5 =	sadd.s32 $0x4E00, s0;
	s11 =	ssub.s32 s8, s10;
	s28 =	sadd.s32 $0x2EC00, s1  }
0xe: {  	s29 =	sadd.s32 $0x6200, s1;
	s1 =	sadd.s32 $0x24C00, s1;
	[dreg:$0x3] =	wrdreg s28  }
0xf: {  	s18 =	sadd.s32 $0x2710, s13;
	s7 =	sshrl.u32 s7, $0x3;
	[dreg:$0x4] =	wrdreg s29  }
0x10: {  	s16 =	sshrl.u32 s30, $0x3;
	[dreg:$0x5] =	wrdreg s1;
	s0 =	sadd.s32 s7, s0  }
0x11: {  	v0 =	vmov s13;
	s11 =	smax.u32 s11, $0x1;
	v1 =	vmov s18;
	s9 =	sadd.s32 $0xFC400, s0;
	s10 =	sadd.s32 $0x124400, s0  }
.LBB2_1:
0x12: {  	s0 =	rddreg [dreg:$0x3]  }
0x13: {  	[tilespmem:s3], [sflag:$0x5] =	stream.linear.gather [hbm4b:s0+s3], $0x5000, $0x38;
	[tilespmem:$0x1D100] =	vst v63  }
0x14: {  	_ =	swait.ge [sflag:s12], $0x5000  }
0x15: {  	[sflag:s12] =	ssyncset.done $0x0  }
0x16: {  	s1 =	simm.s32 $0x5000;
	s18 =	rddreg [dreg:$0x4];
	[sflag:s12] =	ssyncadd.s32 $0xFFFFB000  }
0x17: {  	[tilespmem:s1], [sflag:$0x5] =	stream.linear.gather [hbm4b:s18+s3], $0x5000, $0x38;
	[tilespmem:$0x1D100] =	vst v63  }
0x18: {  	_ =	swait.ge [sflag:s12], $0x5000  }
0x19: {  	[sflag:s12] =	ssyncset.done $0x0  }
0x1a: {  	s30 =	rddreg [dreg:$0x5];
	[sflag:s12] =	ssyncadd.s32 $0xFFFFB000  }
0x1b: {  	[tilespmem:s14], [sflag:$0x5] =	stream.linear.gather [hbm4b:s30+s3], $0x5000, $0x38;
	[tilespmem:$0x1D100] =	vst v63  }
0x1c: {  	_ =	swait.ge [sflag:s12], $0x5000  }
0x1d: {  	[sflag:s12] =	ssyncset.done $0x0  }
0x1e: {  	[sflag:s12] =	ssyncadd.s32 $0xFFFFB000  }
0x1f: {  	[spmem:s16], [sflag:s15] =	dma.local [hbm:s5], $0x1400  }
0x20: {  	_ =	swait.ge [sflag:s12], $0x1400  }
0x21: {  	[sflag:s12] =	ssyncset.done $0x0  }
0x22: {  	[sflag:s12] =	ssyncadd.s32 $0xFFFFEC00  }
0x23: {  	[bflag:$0x0] =	sbarrier.arrive $0xFFFF  }
0x24: {  	v2 =	vld [tilespmem:$0x0]  }
0x25: {  	v3 =	vld [tilespmem:$0x10]  }
0x26: {  	v4 =	vld [tilespmem:$0x20]  }
0x27: {  	v5 =	vld [tilespmem:$0x30]  }
0x28: {  	v6 =	vld [tilespmem:$0x40]  }
0x29: {  	v7 =	vld [tilespmem:$0x50];
	v2 =	vadd.s32 v0, v2  }
0x2a: {  	[tilespmem:$0x13000] =	vst v2;
	v2 =	vadd.s32 v0, v3;
	v3 =	vld [tilespmem:$0x60]  }
0x2b: {  	v63 =	vld [tilespmem:$0x70];
	[tilespmem:$0x13010] =	vst v2;
	v2 =	vadd.s32 v0, v4  }
0x2c: {  	[tilespmem:$0x13020] =	vst v2;
	v2 =	vadd.s32 v0, v5  }
0x2d: {  	[tilespmem:$0x13030] =	vst v2;
	v2 =	vadd.s32 v0, v6  }
0x2e: {  	[tilespmem:$0x13040] =	vst v2;
	v2 =	vadd.s32 v0, v7  }
0x2f: {  	[tilespmem:$0x13050] =	vst v2;
	v2 =	vadd.s32 v0, v3  }
0x30: {  	[tilespmem:$0x13060] =	vst v2;
	v2 =	vadd.s32 v0, v63  }
0x31: {  	s31 =	simm.s32 $0x13000;
	s28 =	simm.s32 $0x0;
	s29 =	simm.s32 $0x0;
	[tilespmem:$0x13070] =	vst v2  }
0x32: {  	[tilespmem:s19], [sflag:$0x1] =	stream.indirect.gather [hbm4b:s4+s17], $0x40, s31, s17, $0xb8;
	[tilespmem:$0x1D100] =	vst v63  }
.LBB2_2:
0x33: {  	s30 =	sshll.u32 s29, $0x8  }
0x34: {  	v2 =	vld [tilespmem:s30+$0x80];
	_ =	sdelay $0x4  }
0x35: {  	v2 =	vadd.s32 v0, v2  }
0x36: {  	[tilespmem:$0x13080] =	vst v2  }
0x37: {  	v2 =	vld [tilespmem:s30+$0x90];
	_ =	sdelay $0x4  }
0x38: {  	v2 =	vadd.s32 v0, v2  }
0x39: {  	[tilespmem:$0x13090] =	vst v2  }
0x3a: {  	v2 =	vld [tilespmem:s30+$0xA0];
	_ =	sdelay $0x4  }
0x3b: {  	v2 =	vadd.s32 v0, v2  }
0x3c: {  	[tilespmem:$0x130A0] =	vst v2  }
0x3d: {  	v2 =	vld [tilespmem:s30+$0xB0];
	_ =	sdelay $0x4  }
0x3e: {  	v2 =	vadd.s32 v0, v2  }
0x3f: {  	[tilespmem:$0x130B0] =	vst v2  }
0x40: {  	v2 =	vld [tilespmem:s30+$0xC0];
	_ =	sdelay $0x4  }
0x41: {  	v2 =	vadd.s32 v0, v2  }
0x42: {  	[tilespmem:$0x130C0] =	vst v2  }
0x43: {  	v2 =	vld [tilespmem:s30+$0xD0];
	_ =	sdelay $0x4  }
0x44: {  	v2 =	vadd.s32 v0, v2  }
0x45: {  	[tilespmem:$0x130D0] =	vst v2  }
0x46: {  	v2 =	vld [tilespmem:s30+$0xE0];
	_ =	sdelay $0x4  }
0x47: {  	v2 =	vadd.s32 v0, v2  }
0x48: {  	[tilespmem:$0x130E0] =	vst v2  }
0x49: {  	v2 =	vld [tilespmem:s30+$0xF0];
	_ =	sdelay $0x1  }
0x4a: {  	s1 =	sadd.s32 $0xFFFFFFFC, s28  }
0x4b: {  	s0 =	sadd.s32 $0x4, s1  }
0x4c: {  	v3 =	vmov s0  }
0x4d: {  	v3 =	vand.u32 $0xFFFFFFFC, v3;
	v2 =	vadd.s32 v0, v2  }
0x4e: {  	[tilespmem:$0x130F0] =	vst v2;
	v2 =	vbroadcast v3, $0x0  }
0x4f: {  	[tilespmem:s21], [sflag:$0x2] =	stream.indirect.gather [hbm4b:s4+s17], $0x40, s20, s17, $0xb8;
	[tilespmem:$0x1D100] =	vst v63  }
0x50: {  	_ =	swait.ge [sflag:s22], $0x2000  }
0x51: {  	[sflag:s22] =	ssyncset.done $0x0  }
0x52: {  	s0 =	simm.s32 $0xF080;
	[sflag:s22] =	ssyncadd.s32 $0xFFFFE000  }
0x53: {  	v3 =	vld [tilespmem:s0+$0xFFFFFFB0]  }
0x54: {  	v2 =	vld.idx.msk [tilespmem:v2+s14+$0x0], $0xffff  }
0x55: {  	v4 =	vld [tilespmem:s0+$0xFFFFFF80]  }
0x56: {  	s13 =	sadd.s32 $0x5, s1;
	v5 =	vld [tilespmem:s0+$0xFFFFFF90]  }
0x57: {  	v6 =	vmov s13;
	v7 =	vld [tilespmem:s0+$0xFFFFFFA0]  }
0x58: {  	v6 =	vand.u32 $0xFFFFFFFD, v6  }
0x59: {  	v6 =	vbroadcast v6, $0x0;
	v3 =	vmul.f32 v3, v2  }
0x5a: {  	v4 =	vmul.f32 v4, v2  }
0x5b: {  	v5 =	vmul.f32 v5, v2;
	[tilespmem:s0+$0xFFFFFFB0] =	vst v3  }
0x5c: {  	v2 =	vmul.f32 v7, v2;
	[tilespmem:s0+$0xFFFFFF80] =	vst v4  }
0x5d: {  	[tilespmem:s0+$0xFFFFFF90] =	vst v5  }
0x5e: {  	[tilespmem:s0+$0xFFFFFFA0] =	vst v2;
	v3 =	vld [tilespmem:s0+$0xFFFFFFC0]  }
0x5f: {  	v2 =	vld.idx.msk [tilespmem:v6+s14+$0x0], $0xffff  }
0x60: {  	v4 =	vld [tilespmem:s0+$0xFFFFFFF0]  }
0x61: {  	s8 =	sadd.s32 $0x6, s1;
	v5 =	vld [tilespmem:s0+$0xFFFFFFD0]  }
0x62: {  	v62 =	vmov s8;
	v61 =	vld [tilespmem:s0+$0xFFFFFFE0]  }
0x63: {  	v7 =	vand.u32 $0xFFFFFFFE, v62  }
0x64: {  	v7 =	vbroadcast v7, $0x0;
	v3 =	vmul.f32 v3, v2  }
0x65: {  	v4 =	vmul.f32 v4, v2  }
0x66: {  	v5 =	vmul.f32 v5, v2;
	[tilespmem:s0+$0xFFFFFFC0] =	vst v3  }
0x67: {  	v2 =	vmul.f32 v61, v2;
	[tilespmem:s0+$0xFFFFFFF0] =	vst v4  }
0x68: {  	[tilespmem:s0+$0xFFFFFFD0] =	vst v5  }
0x69: {  	[tilespmem:s0+$0xFFFFFFE0] =	vst v2;
	v2 =	vld [tilespmem:s0+$0x0]  }
0x6a: {  	v3 =	vld.idx.msk [tilespmem:v7+s14+$0x0], $0xffff;
	_ =	sdelay $0x1  }
0x6b: {  	v4 =	vld [tilespmem:s0+$0x30]  }
0x6c: {  	v5 =	vld [tilespmem:s0+$0x20]  }
0x6d: {  	v63 =	vld [tilespmem:s0+$0x10]  }
0x6e: {  	v2 =	vmul.f32 v2, v3  }
0x6f: {  	s18 =	sadd.s32 $0x7, s1  }
0x70: {  	v4 =	vmul.f32 v4, v3;
	[tilespmem:s0+$0x0] =	vst v2;
	v2 =	vmov s18  }
0x71: {  	v5 =	vmul.f32 v5, v3  }
0x72: {  	v3 =	vmul.f32 v63, v3;
	[tilespmem:s0+$0x30] =	vst v4  }
0x73: {  	s31 =	sor.u32 $0x80, s30;
	s1 =	simm.s32 $0x0;
	s13 =	simm.s32 $0xF080;
	[tilespmem:s0+$0x20] =	vst v5  }
.LBB2_3:
0x74: {  	[tilespmem:s0+$0x10] =	vst v3;
	v3 =	vld [tilespmem:s0+$0x70];
	s13 =	sadd.s32 $0x100, s13;
	s18 =	smov.u32 s1;
	s1 =	sadd.s32 $0x4, s1  }
0x75: {  	p0 =	slt.u32 s1, $0x7C;
	v2 =	vld.idx.msk [tilespmem:v2+s14+$0x0], $0xffff  }
0x76: {  	v4 =	vld [tilespmem:s0+$0x40]  }
0x77: {  	s18 =	sadd.s32 s18, s28;
	v5 =	vld [tilespmem:s0+$0x50]  }
0x78: {  	s6 =	sadd.s32 $0x4, s18;
	s7 =	sadd.s32 $0x5, s18;
	s8 =	sadd.s32 $0x6, s18;
	v6 =	vld [tilespmem:s0+$0x60]  }
0x79: {  	s18 =	sadd.s32 $0x7, s18;
	v7 =	vmov s6;
	v8 =	vmov s7;
	v9 =	vmov s8  }
0x7a: {  	v7 =	vand.u32 $0xFFFFFFFC, v7;
	v8 =	vand.u32 $0xFFFFFFFD, v8;
	v9 =	vand.u32 $0xFFFFFFFE, v9  }
0x7b: {  	v7 =	vbroadcast v7, $0x0;
	v4 =	vmul.f32 v4, v2  }
0x7c: {  	v3 =	vmul.f32 v3, v2;
	v5 =	vmul.f32 v5, v2  }
0x7d: {  	[tilespmem:s0+$0x40] =	vst v4;
	v2 =	vmul.f32 v6, v2  }
0x7e: {  	[tilespmem:s0+$0x70] =	vst v3  }
0x7f: {  	v3 =	vld [tilespmem:s13+$0xFFFFFFA0];
	[tilespmem:s0+$0x50] =	vst v5  }
0x80: {  	v4 =	vld [tilespmem:s13+$0xFFFFFFB0];
	[tilespmem:s0+$0x60] =	vst v2;
	s0 =	smov.u32 s13  }
0x81: {  	v2 =	vld.idx.msk [tilespmem:v7+s14+$0x0], $0xffff  }
0x82: {  	v5 =	vld [tilespmem:s13+$0xFFFFFF80]  }
0x83: {  	v6 =	vld [tilespmem:s13+$0xFFFFFF90];
	_ =	sdelay $0x2  }
0x84: {  	v7 =	vbroadcast v8, $0x0  }
0x85: {  	v4 =	vmul.f32 v4, v2;
	v5 =	vmul.f32 v5, v2  }
0x86: {  	v6 =	vmul.f32 v6, v2;
	v2 =	vmul.f32 v3, v2  }
0x87: {  	[tilespmem:s13+$0xFFFFFFB0] =	vst v4  }
0x88: {  	[tilespmem:s13+$0xFFFFFF80] =	vst v5  }
0x89: {  	[tilespmem:s13+$0xFFFFFF90] =	vst v6;
	v3 =	vld [tilespmem:s13+$0xFFFFFFF0]  }
0x8a: {  	[tilespmem:s13+$0xFFFFFFA0] =	vst v2;
	v2 =	vld [tilespmem:s13+$0xFFFFFFD0]  }
0x8b: {  	v4 =	vld.idx.msk [tilespmem:v7+s14+$0x0], $0xffff  }
0x8c: {  	v5 =	vld [tilespmem:s13+$0xFFFFFFC0]  }
0x8d: {  	v6 =	vld [tilespmem:s13+$0xFFFFFFE0];
	_ =	sdelay $0x2  }
0x8e: {  	v7 =	vbroadcast v9, $0x0  }
0x8f: {  	v2 =	vmul.f32 v2, v4;
	v5 =	vmul.f32 v5, v4  }
0x90: {  	v3 =	vmul.f32 v3, v4;
	v6 =	vmul.f32 v6, v4  }
0x91: {  	[tilespmem:s13+$0xFFFFFFC0] =	vst v5  }
0x92: {  	[tilespmem:s13+$0xFFFFFFF0] =	vst v3  }
0x93: {  	[tilespmem:s13+$0xFFFFFFD0] =	vst v2;
	v2 =	vld [tilespmem:s13+$0x30]  }
0x94: {  	[tilespmem:s13+$0xFFFFFFE0] =	vst v6;
	v3 =	vld [tilespmem:s13+$0x0]  }
0x95: {  	v4 =	vld.idx.msk [tilespmem:v7+s14+$0x0], $0xffff  }
0x96: {  	v5 =	vld [tilespmem:s13+$0x10]  }
0x97: {  	v6 =	vld [tilespmem:s13+$0x20];
	_ =	sdelay $0x3  }
.Ltmp0:
0x98: {  	v7 =	vmul.f32 v3, v4;
	v3 =	vmul.f32 v5, v4;
	(pc) =	sbr.rel @p0 .LBB2_3-.Ltmp0, $4  }
0x99: {  	v5 =	vmul.f32 v6, v4;
	v4 =	vmul.f32 v2, v4;
	v2 =	vmov s18  }
0x9a: {  	[tilespmem:s13+$0x0] =	vst v7  }
0x9b: {  	[tilespmem:s13+$0x30] =	vst v4  }
0x9c: {  	[tilespmem:s13+$0x20] =	vst v5  }
0x9d: {  	_ =	sdelay $0x2  }
0x9e: {  	[tilespmem:s0+$0x10] =	vst v3;
	v3 =	vld [tilespmem:s0+$0x40]  }
0x9f: {  	v2 =	vld.idx.msk [tilespmem:v2+s14+$0x0], $0xffff  }
0xa0: {  	v4 =	vld [tilespmem:s0+$0x70]  }
0xa1: {  	v5 =	vld [tilespmem:s0+$0x50]  }
0xa2: {  	v6 =	vld [tilespmem:s0+$0x60];
	_ =	sdelay $0x1  }
0xa3: {  	v3 =	vmul.f32 v3, v2  }
0xa4: {  	s1 =	sadd.s32 $0xFFFFFFFC, s28;
	v4 =	vmul.f32 v4, v2  }
0xa5: {  	s6 =	sadd.s32 $0x84, s1;
	v5 =	vmul.f32 v5, v2;
	[tilespmem:s0+$0x40] =	vst v3  }
0xa6: {  	v2 =	vmul.f32 v6, v2;
	[tilespmem:s0+$0x70] =	vst v4;
	v3 =	vmov s6  }
0xa7: {  	s18 =	sand.u32 $0x3FFFFF00, s30;
	[tilespmem:s0+$0x50] =	vst v5;
	v3 =	vand.u32 $0xFFFFFFFC, v3  }
0xa8: {  	s7 =	sadd.s32 $0x5000, s18;
	[tilespmem:s0+$0x60] =	vst v2;
	v2 =	vbroadcast v3, $0x0  }
0xa9: {  	[spmem:s2] =	stream.indirect.scatter.add.f32 [tilespmem:s19], [sflag:$0x3], $0x40, s7, s17, $0xb8;
	[tilespmem:$0x1D100] =	vst v63  }
0xaa: {  	_ =	swait.ge [sflag:s23], $0x2000  }
0xab: {  	[sflag:s23] =	ssyncset.done $0x0  }
0xac: {  	s0 =	simm.s32 $0x11080;
	[sflag:s23] =	ssyncadd.s32 $0xFFFFE000  }
0xad: {  	v3 =	vld [tilespmem:s0+$0xFFFFFFB0]  }
0xae: {  	v2 =	vld.idx.msk [tilespmem:v2+s14+$0x0], $0xffff  }
0xaf: {  	v4 =	vld [tilespmem:s0+$0xFFFFFF80]  }
0xb0: {  	s8 =	sadd.s32 $0x85, s1;
	v5 =	vld [tilespmem:s0+$0xFFFFFF90]  }
0xb1: {  	v60 =	vmov s8;
	v7 =	vld [tilespmem:s0+$0xFFFFFFA0]  }
0xb2: {  	v6 =	vand.u32 $0xFFFFFFFD, v60  }
0xb3: {  	v6 =	vbroadcast v6, $0x0;
	v3 =	vmul.f32 v3, v2  }
0xb4: {  	v4 =	vmul.f32 v4, v2  }
0xb5: {  	v5 =	vmul.f32 v5, v2;
	[tilespmem:s0+$0xFFFFFFB0] =	vst v3  }
0xb6: {  	v2 =	vmul.f32 v7, v2;
	[tilespmem:s0+$0xFFFFFF80] =	vst v4  }
0xb7: {  	[tilespmem:s0+$0xFFFFFF90] =	vst v5  }
0xb8: {  	[tilespmem:s0+$0xFFFFFFA0] =	vst v2;
	v3 =	vld [tilespmem:s0+$0xFFFFFFC0]  }
0xb9: {  	v2 =	vld.idx.msk [tilespmem:v6+s14+$0x0], $0xffff  }
0xba: {  	v4 =	vld [tilespmem:s0+$0xFFFFFFF0]  }
0xbb: {  	s13 =	sadd.s32 $0x86, s1;
	v5 =	vld [tilespmem:s0+$0xFFFFFFD0]  }
0xbc: {  	v62 =	vmov s13;
	v61 =	vld [tilespmem:s0+$0xFFFFFFE0]  }
0xbd: {  	v7 =	vand.u32 $0xFFFFFFFE, v62  }
0xbe: {  	v7 =	vbroadcast v7, $0x0;
	v3 =	vmul.f32 v3, v2  }
0xbf: {  	v4 =	vmul.f32 v4, v2  }
0xc0: {  	v5 =	vmul.f32 v5, v2;
	[tilespmem:s0+$0xFFFFFFC0] =	vst v3  }
0xc1: {  	v2 =	vmul.f32 v61, v2;
	[tilespmem:s0+$0xFFFFFFF0] =	vst v4  }
0xc2: {  	[tilespmem:s0+$0xFFFFFFD0] =	vst v5  }
0xc3: {  	[tilespmem:s0+$0xFFFFFFE0] =	vst v2;
	v2 =	vld [tilespmem:s0+$0x0]  }
0xc4: {  	v3 =	vld.idx.msk [tilespmem:v7+s14+$0x0], $0xffff;
	_ =	sdelay $0x1  }
0xc5: {  	v4 =	vld [tilespmem:s0+$0x30]  }
0xc6: {  	v5 =	vld [tilespmem:s0+$0x20]  }
0xc7: {  	v63 =	vld [tilespmem:s0+$0x10]  }
0xc8: {  	v2 =	vmul.f32 v2, v3  }
0xc9: {  	s18 =	sadd.s32 $0x87, s1  }
0xca: {  	v4 =	vmul.f32 v4, v3;
	[tilespmem:s0+$0x0] =	vst v2;
	v2 =	vmov s18  }
0xcb: {  	v5 =	vmul.f32 v5, v3  }
0xcc: {  	v3 =	vmul.f32 v63, v3;
	[tilespmem:s0+$0x30] =	vst v4  }
0xcd: {  	s1 =	simm.s32 $0x0;
	s13 =	simm.s32 $0x11080;
	[tilespmem:s0+$0x20] =	vst v5  }
.LBB2_5:
0xce: {  	[tilespmem:s0+$0x10] =	vst v3;
	v3 =	vld [tilespmem:s0+$0x70];
	s13 =	sadd.s32 $0x100, s13;
	s6 =	smov.u32 s1;
	s1 =	sadd.s32 $0x4, s1  }
0xcf: {  	p0 =	slt.u32 s1, $0x7C;
	v2 =	vld.idx.msk [tilespmem:v2+s14+$0x0], $0xffff  }
0xd0: {  	v4 =	vld [tilespmem:s0+$0x40]  }
0xd1: {  	s6 =	sadd.s32 s6, s28;
	v5 =	vld [tilespmem:s0+$0x50]  }
0xd2: {  	s7 =	sadd.s32 $0x84, s6;
	s8 =	sadd.s32 $0x85, s6;
	s18 =	sadd.s32 $0x86, s6;
	v6 =	vld [tilespmem:s0+$0x60]  }
0xd3: {  	v7 =	vmov s7;
	v8 =	vmov s8;
	v9 =	vmov s18;
	s18 =	sadd.s32 $0x87, s6  }
0xd4: {  	v7 =	vand.u32 $0xFFFFFFFC, v7;
	v8 =	vand.u32 $0xFFFFFFFD, v8;
	v9 =	vand.u32 $0xFFFFFFFE, v9  }
0xd5: {  	v7 =	vbroadcast v7, $0x0;
	v4 =	vmul.f32 v4, v2  }
0xd6: {  	v3 =	vmul.f32 v3, v2;
	v5 =	vmul.f32 v5, v2  }
0xd7: {  	[tilespmem:s0+$0x40] =	vst v4;
	v2 =	vmul.f32 v6, v2  }
0xd8: {  	[tilespmem:s0+$0x70] =	vst v3  }
0xd9: {  	v3 =	vld [tilespmem:s13+$0xFFFFFFA0];
	[tilespmem:s0+$0x50] =	vst v5  }
0xda: {  	v4 =	vld [tilespmem:s13+$0xFFFFFFB0];
	[tilespmem:s0+$0x60] =	vst v2;
	s0 =	smov.u32 s13  }
0xdb: {  	v2 =	vld.idx.msk [tilespmem:v7+s14+$0x0], $0xffff  }
0xdc: {  	v5 =	vld [tilespmem:s13+$0xFFFFFF80]  }
0xdd: {  	v6 =	vld [tilespmem:s13+$0xFFFFFF90];
	_ =	sdelay $0x2  }
0xde: {  	v7 =	vbroadcast v8, $0x0  }
0xdf: {  	v4 =	vmul.f32 v4, v2;
	v5 =	vmul.f32 v5, v2  }
0xe0: {  	v6 =	vmul.f32 v6, v2;
	v2 =	vmul.f32 v3, v2  }
0xe1: {  	[tilespmem:s13+$0xFFFFFFB0] =	vst v4  }
0xe2: {  	[tilespmem:s13+$0xFFFFFF80] =	vst v5  }
0xe3: {  	[tilespmem:s13+$0xFFFFFF90] =	vst v6;
	v3 =	vld [tilespmem:s13+$0xFFFFFFF0]  }
0xe4: {  	[tilespmem:s13+$0xFFFFFFA0] =	vst v2;
	v2 =	vld [tilespmem:s13+$0xFFFFFFD0]  }
0xe5: {  	v4 =	vld.idx.msk [tilespmem:v7+s14+$0x0], $0xffff  }
0xe6: {  	v5 =	vld [tilespmem:s13+$0xFFFFFFC0]  }
0xe7: {  	v6 =	vld [tilespmem:s13+$0xFFFFFFE0];
	_ =	sdelay $0x2  }
0xe8: {  	v7 =	vbroadcast v9, $0x0  }
0xe9: {  	v2 =	vmul.f32 v2, v4;
	v5 =	vmul.f32 v5, v4  }
0xea: {  	v3 =	vmul.f32 v3, v4;
	v6 =	vmul.f32 v6, v4  }
0xeb: {  	[tilespmem:s13+$0xFFFFFFC0] =	vst v5  }
0xec: {  	[tilespmem:s13+$0xFFFFFFF0] =	vst v3  }
0xed: {  	[tilespmem:s13+$0xFFFFFFD0] =	vst v2;
	v2 =	vld [tilespmem:s13+$0x30]  }
0xee: {  	[tilespmem:s13+$0xFFFFFFE0] =	vst v6;
	v3 =	vld [tilespmem:s13+$0x0]  }
0xef: {  	v4 =	vld.idx.msk [tilespmem:v7+s14+$0x0], $0xffff  }
0xf0: {  	v5 =	vld [tilespmem:s13+$0x10]  }
0xf1: {  	v6 =	vld [tilespmem:s13+$0x20];
	_ =	sdelay $0x3  }
.Ltmp1:
0xf2: {  	v7 =	vmul.f32 v3, v4;
	v3 =	vmul.f32 v5, v4;
	(pc) =	sbr.rel @p0 .LBB2_5-.Ltmp1, $4  }
0xf3: {  	v5 =	vmul.f32 v6, v4;
	v4 =	vmul.f32 v2, v4;
	v2 =	vmov s18  }
0xf4: {  	[tilespmem:s13+$0x0] =	vst v7  }
0xf5: {  	[tilespmem:s13+$0x30] =	vst v4  }
0xf6: {  	[tilespmem:s13+$0x20] =	vst v5  }
0xf7: {  	_ =	sdelay $0x2  }
0xf8: {  	[tilespmem:s0+$0x10] =	vst v3;
	v3 =	vld [tilespmem:s0+$0x40]  }
0xf9: {  	v2 =	vld.idx.msk [tilespmem:v2+s14+$0x0], $0xffff  }
0xfa: {  	v4 =	vld [tilespmem:s0+$0x70]  }
0xfb: {  	v5 =	vld [tilespmem:s0+$0x50]  }
0xfc: {  	v6 =	vld [tilespmem:s0+$0x60];
	_ =	sdelay $0x1  }
0xfd: {  	v3 =	vmul.f32 v3, v2  }
0xfe: {  	v4 =	vmul.f32 v4, v2  }
0xff: {  	v5 =	vmul.f32 v5, v2;
	[tilespmem:s0+$0x40] =	vst v3  }
0x100: {  	v2 =	vmul.f32 v6, v2;
	[tilespmem:s0+$0x70] =	vst v4  }
0x101: {  	[tilespmem:s0+$0x50] =	vst v5  }
0x102: {  	s31 =	sadd.s32 $0x5000, s31;
	[tilespmem:s0+$0x60] =	vst v2  }
0x103: {  	[spmem:s2] =	stream.indirect.scatter.add.f32 [tilespmem:s21], [sflag:$0x4], $0x40, s31, s17, $0xb8;
	[tilespmem:$0x1D100] =	vst v63  }
0x104: {  	_ =	swait.ge [sflag:s24], $0x2000  }
0x105: {  	[sflag:s24] =	ssyncset.done $0x0  }
0x106: {  	p0 =	seq.s32 s29, $0x4F;
	[sflag:s24] =	ssyncadd.s32 $0xFFFFE000  }
0x107: {  	v2 =	vld @!p0 [tilespmem:s30+$0x100];
	_ =	sdelay $0x4  }
0x108: {  	v2 =	vadd.s32 @!p0 v0, v2  }
0x109: {  	[tilespmem:$0x13000] =	vst @!p0 v2  }
0x10a: {  	v2 =	vld @!p0 [tilespmem:s30+$0x110];
	_ =	sdelay $0x4  }
0x10b: {  	v2 =	vadd.s32 @!p0 v0, v2  }
0x10c: {  	[tilespmem:$0x13010] =	vst @!p0 v2  }
0x10d: {  	v2 =	vld @!p0 [tilespmem:s30+$0x120];
	_ =	sdelay $0x4  }
0x10e: {  	v2 =	vadd.s32 @!p0 v0, v2  }
0x10f: {  	[tilespmem:$0x13020] =	vst @!p0 v2  }
0x110: {  	v2 =	vld @!p0 [tilespmem:s30+$0x130];
	_ =	sdelay $0x4  }
0x111: {  	v2 =	vadd.s32 @!p0 v0, v2  }
0x112: {  	[tilespmem:$0x13030] =	vst @!p0 v2  }
0x113: {  	v2 =	vld @!p0 [tilespmem:s30+$0x140];
	_ =	sdelay $0x4  }
0x114: {  	v2 =	vadd.s32 @!p0 v0, v2  }
0x115: {  	[tilespmem:$0x13040] =	vst @!p0 v2  }
0x116: {  	v2 =	vld @!p0 [tilespmem:s30+$0x150];
	_ =	sdelay $0x4  }
0x117: {  	v2 =	vadd.s32 @!p0 v0, v2  }
0x118: {  	[tilespmem:$0x13050] =	vst @!p0 v2  }
0x119: {  	v2 =	vld @!p0 [tilespmem:s30+$0x160];
	_ =	sdelay $0x4  }
0x11a: {  	v2 =	vadd.s32 @!p0 v0, v2  }
0x11b: {  	[tilespmem:$0x13060] =	vst @!p0 v2  }
0x11c: {  	v2 =	vld @!p0 [tilespmem:s30+$0x170];
	_ =	sdelay $0x4  }
0x11d: {  	s29 =	sadd.s32 $0x1, s29;
	v2 =	vadd.s32 @!p0 v0, v2  }
0x11e: {  	s1 =	simm.s32 @!p0 $0x13000;
	s6 =	simm.s32 @!p0 $0xF000;
	s0 =	simm.s32 @!p0 $0x80;
	[tilespmem:$0x13070] =	vst @!p0 v2  }
0x11f: {  	[tilespmem:s6], [sflag:$0x1] =	stream.indirect.gather @!p0 [hbm4b:s4+s0], $0x40, s1, s0, $0xb8;
	[tilespmem:$0x1D100] =	vst v63  }
0x120: {  	p0 =	sne.s32 s29, $0x50  }
.Ltmp2:
0x121: {  	_ = 	snop;
	(pc) =	sbr.rel @p0 .LBB2_2-.Ltmp2, $4  }
0x122: {  	_ = 	snop  }
0x123: {  	_ =	swait.ge [sflag:s25], $0x2000  }
0x124: {  	[sflag:s25] =	ssyncset.done $0x0  }
0x125: {  	s28 =	sadd.s32 $0x100, s28;
	[sflag:s25] =	ssyncadd.s32 $0xFFFFE000  }
0x126: {  	[bflag:$0x0] =	sbarrier.arrive $0xFFFF  }
0x127: {  	[hbm:s9], [sflag:s15] =	dma.local [spmem:s16], $0x1400  }
0x128: {  	_ =	swait.ge [sflag:s12], $0x1400  }
0x129: {  	[sflag:s12] =	ssyncset.done $0x0  }
0x12a: {  	[sflag:s12] =	ssyncadd.s32 $0xFFFFEC00  }
0x12b: {  	[spmem:s16], [sflag:s15] =	dma.local [hbm:s5], $0x1400  }
0x12c: {  	_ =	swait.ge [sflag:s12], $0x1400  }
0x12d: {  	[sflag:s12] =	ssyncset.done $0x0  }
0x12e: {  	[sflag:s12] =	ssyncadd.s32 $0xFFFFEC00  }
0x12f: {  	[bflag:$0x0] =	sbarrier.arrive $0xFFFF  }
0x130: {  	v2 =	vld [tilespmem:$0x0]  }
0x131: {  	v3 =	vld [tilespmem:$0x10]  }
0x132: {  	v4 =	vld [tilespmem:$0x20]  }
0x133: {  	v5 =	vld [tilespmem:$0x30]  }
0x134: {  	v6 =	vld [tilespmem:$0x40]  }
0x135: {  	v7 =	vld [tilespmem:$0x50];
	v2 =	vadd.s32 v1, v2  }
0x136: {  	[tilespmem:$0x13000] =	vst v2;
	v2 =	vadd.s32 v1, v3;
	v3 =	vld [tilespmem:$0x60]  }
0x137: {  	v63 =	vld [tilespmem:$0x70];
	[tilespmem:$0x13010] =	vst v2;
	v2 =	vadd.s32 v1, v4  }
0x138: {  	[tilespmem:$0x13020] =	vst v2;
	v2 =	vadd.s32 v1, v5  }
0x139: {  	[tilespmem:$0x13030] =	vst v2;
	v2 =	vadd.s32 v1, v6  }
0x13a: {  	[tilespmem:$0x13040] =	vst v2;
	v2 =	vadd.s32 v1, v7  }
0x13b: {  	[tilespmem:$0x13050] =	vst v2;
	v2 =	vadd.s32 v1, v3  }
0x13c: {  	[tilespmem:$0x13060] =	vst v2;
	v2 =	vadd.s32 v1, v63  }
0x13d: {  	s0 =	simm.s32 $0x13000;
	s29 =	simm.s32 $0x0;
	s28 =	simm.s32 $0x0;
	[tilespmem:$0x13070] =	vst v2  }
0x13e: {  	[tilespmem:s19], [sflag:$0x1] =	stream.indirect.gather [hbm4b:s4+s17], $0x40, s0, s17, $0xb8;
	[tilespmem:$0x1D100] =	vst v63  }
.LBB2_8:
0x13f: {  	s30 =	sshll.u32 s29, $0x8  }
0x140: {  	v2 =	vld [tilespmem:s30+$0x80];
	_ =	sdelay $0x4  }
0x141: {  	v2 =	vadd.s32 v1, v2  }
0x142: {  	[tilespmem:$0x13080] =	vst v2  }
0x143: {  	v2 =	vld [tilespmem:s30+$0x90];
	_ =	sdelay $0x4  }
0x144: {  	v2 =	vadd.s32 v1, v2  }
0x145: {  	[tilespmem:$0x13090] =	vst v2  }
0x146: {  	v2 =	vld [tilespmem:s30+$0xA0];
	_ =	sdelay $0x4  }
0x147: {  	v2 =	vadd.s32 v1, v2  }
0x148: {  	[tilespmem:$0x130A0] =	vst v2  }
0x149: {  	v2 =	vld [tilespmem:s30+$0xB0];
	_ =	sdelay $0x4  }
0x14a: {  	v2 =	vadd.s32 v1, v2  }
0x14b: {  	[tilespmem:$0x130B0] =	vst v2  }
0x14c: {  	v2 =	vld [tilespmem:s30+$0xC0];
	_ =	sdelay $0x4  }
0x14d: {  	v2 =	vadd.s32 v1, v2  }
0x14e: {  	[tilespmem:$0x130C0] =	vst v2  }
0x14f: {  	v2 =	vld [tilespmem:s30+$0xD0];
	_ =	sdelay $0x4  }
0x150: {  	v2 =	vadd.s32 v1, v2  }
0x151: {  	[tilespmem:$0x130D0] =	vst v2  }
0x152: {  	v2 =	vld [tilespmem:s30+$0xE0];
	_ =	sdelay $0x4  }
0x153: {  	v2 =	vadd.s32 v1, v2  }
0x154: {  	[tilespmem:$0x130E0] =	vst v2  }
0x155: {  	v2 =	vld [tilespmem:s30+$0xF0];
	_ =	sdelay $0x1  }
0x156: {  	s1 =	sadd.s32 $0xFFFFFFFC, s28  }
0x157: {  	s0 =	sadd.s32 $0x4, s1  }
0x158: {  	v3 =	vmov s0  }
0x159: {  	v3 =	vand.u32 $0xFFFFFFFC, v3;
	v2 =	vadd.s32 v1, v2  }
0x15a: {  	[tilespmem:$0x130F0] =	vst v2;
	v2 =	vbroadcast v3, $0x0  }
0x15b: {  	[tilespmem:s21], [sflag:$0x2] =	stream.indirect.gather [hbm4b:s4+s17], $0x40, s20, s17, $0xb8;
	[tilespmem:$0x1D100] =	vst v63  }
0x15c: {  	_ =	swait.ge [sflag:s22], $0x2000  }
0x15d: {  	[sflag:s22] =	ssyncset.done $0x0  }
0x15e: {  	s0 =	simm.s32 $0xF080;
	[sflag:s22] =	ssyncadd.s32 $0xFFFFE000  }
0x15f: {  	v3 =	vld [tilespmem:s0+$0xFFFFFFB0]  }
0x160: {  	v2 =	vld.idx.msk [tilespmem:v2+s14+$0x0], $0xffff  }
0x161: {  	v4 =	vld [tilespmem:s0+$0xFFFFFF80]  }
0x162: {  	s6 =	sadd.s32 $0x5, s1;
	v5 =	vld [tilespmem:s0+$0xFFFFFF90]  }
0x163: {  	v6 =	vmov s6;
	v7 =	vld [tilespmem:s0+$0xFFFFFFA0]  }
0x164: {  	v6 =	vand.u32 $0xFFFFFFFD, v6  }
0x165: {  	v6 =	vbroadcast v6, $0x0;
	v3 =	vmul.f32 v3, v2  }
0x166: {  	v4 =	vmul.f32 v4, v2  }
0x167: {  	v5 =	vmul.f32 v5, v2;
	[tilespmem:s0+$0xFFFFFFB0] =	vst v3  }
0x168: {  	v2 =	vmul.f32 v7, v2;
	[tilespmem:s0+$0xFFFFFF80] =	vst v4  }
0x169: {  	[tilespmem:s0+$0xFFFFFF90] =	vst v5  }
0x16a: {  	[tilespmem:s0+$0xFFFFFFA0] =	vst v2;
	v3 =	vld [tilespmem:s0+$0xFFFFFFC0]  }
0x16b: {  	v2 =	vld.idx.msk [tilespmem:v6+s14+$0x0], $0xffff  }
0x16c: {  	v4 =	vld [tilespmem:s0+$0xFFFFFFF0]  }
0x16d: {  	s13 =	sadd.s32 $0x6, s1;
	v5 =	vld [tilespmem:s0+$0xFFFFFFD0]  }
0x16e: {  	v62 =	vmov s13;
	v61 =	vld [tilespmem:s0+$0xFFFFFFE0]  }
0x16f: {  	v7 =	vand.u32 $0xFFFFFFFE, v62  }
0x170: {  	v7 =	vbroadcast v7, $0x0;
	v3 =	vmul.f32 v3, v2  }
0x171: {  	v4 =	vmul.f32 v4, v2  }
0x172: {  	v5 =	vmul.f32 v5, v2;
	[tilespmem:s0+$0xFFFFFFC0] =	vst v3  }
0x173: {  	v2 =	vmul.f32 v61, v2;
	[tilespmem:s0+$0xFFFFFFF0] =	vst v4  }
0x174: {  	[tilespmem:s0+$0xFFFFFFD0] =	vst v5  }
0x175: {  	[tilespmem:s0+$0xFFFFFFE0] =	vst v2;
	v2 =	vld [tilespmem:s0+$0x0]  }
0x176: {  	v3 =	vld.idx.msk [tilespmem:v7+s14+$0x0], $0xffff;
	_ =	sdelay $0x1  }
0x177: {  	v4 =	vld [tilespmem:s0+$0x30]  }
0x178: {  	v5 =	vld [tilespmem:s0+$0x20]  }
0x179: {  	v63 =	vld [tilespmem:s0+$0x10]  }
0x17a: {  	v2 =	vmul.f32 v2, v3  }
0x17b: {  	s18 =	sadd.s32 $0x7, s1  }
0x17c: {  	v4 =	vmul.f32 v4, v3;
	[tilespmem:s0+$0x0] =	vst v2;
	v2 =	vmov s18  }
0x17d: {  	v5 =	vmul.f32 v5, v3  }
0x17e: {  	v3 =	vmul.f32 v63, v3;
	[tilespmem:s0+$0x30] =	vst v4  }
0x17f: {  	s31 =	sor.u32 $0x80, s30;
	s1 =	simm.s32 $0x0;
	s13 =	simm.s32 $0xF080;
	[tilespmem:s0+$0x20] =	vst v5  }
.LBB2_9:
0x180: {  	[tilespmem:s0+$0x10] =	vst v3;
	v3 =	vld [tilespmem:s0+$0x70];
	s13 =	sadd.s32 $0x100, s13;
	s6 =	smov.u32 s1;
	s1 =	sadd.s32 $0x4, s1  }
0x181: {  	p0 =	slt.u32 s1, $0x7C;
	v2 =	vld.idx.msk [tilespmem:v2+s14+$0x0], $0xffff  }
0x182: {  	v4 =	vld [tilespmem:s0+$0x40]  }
0x183: {  	s6 =	sadd.s32 s6, s28;
	v5 =	vld [tilespmem:s0+$0x50]  }
0x184: {  	s7 =	sadd.s32 $0x4, s6;
	s8 =	sadd.s32 $0x5, s6;
	s18 =	sadd.s32 $0x6, s6;
	v6 =	vld [tilespmem:s0+$0x60]  }
0x185: {  	v7 =	vmov s7;
	v8 =	vmov s8;
	v9 =	vmov s18;
	s18 =	sadd.s32 $0x7, s6  }
0x186: {  	v7 =	vand.u32 $0xFFFFFFFC, v7;
	v8 =	vand.u32 $0xFFFFFFFD, v8;
	v9 =	vand.u32 $0xFFFFFFFE, v9  }
0x187: {  	v7 =	vbroadcast v7, $0x0;
	v4 =	vmul.f32 v4, v2  }
0x188: {  	v3 =	vmul.f32 v3, v2;
	v5 =	vmul.f32 v5, v2  }
0x189: {  	[tilespmem:s0+$0x40] =	vst v4;
	v2 =	vmul.f32 v6, v2  }
0x18a: {  	[tilespmem:s0+$0x70] =	vst v3  }
0x18b: {  	v3 =	vld [tilespmem:s13+$0xFFFFFFA0];
	[tilespmem:s0+$0x50] =	vst v5  }
0x18c: {  	v4 =	vld [tilespmem:s13+$0xFFFFFFB0];
	[tilespmem:s0+$0x60] =	vst v2;
	s0 =	smov.u32 s13  }
0x18d: {  	v2 =	vld.idx.msk [tilespmem:v7+s14+$0x0], $0xffff  }
0x18e: {  	v5 =	vld [tilespmem:s13+$0xFFFFFF80]  }
0x18f: {  	v6 =	vld [tilespmem:s13+$0xFFFFFF90];
	_ =	sdelay $0x2  }
0x190: {  	v7 =	vbroadcast v8, $0x0  }
0x191: {  	v4 =	vmul.f32 v4, v2;
	v5 =	vmul.f32 v5, v2  }
0x192: {  	v6 =	vmul.f32 v6, v2;
	v2 =	vmul.f32 v3, v2  }
0x193: {  	[tilespmem:s13+$0xFFFFFFB0] =	vst v4  }
0x194: {  	[tilespmem:s13+$0xFFFFFF80] =	vst v5  }
0x195: {  	[tilespmem:s13+$0xFFFFFF90] =	vst v6;
	v3 =	vld [tilespmem:s13+$0xFFFFFFF0]  }
0x196: {  	[tilespmem:s13+$0xFFFFFFA0] =	vst v2;
	v2 =	vld [tilespmem:s13+$0xFFFFFFD0]  }
0x197: {  	v4 =	vld.idx.msk [tilespmem:v7+s14+$0x0], $0xffff  }
0x198: {  	v5 =	vld [tilespmem:s13+$0xFFFFFFC0]  }
0x199: {  	v6 =	vld [tilespmem:s13+$0xFFFFFFE0];
	_ =	sdelay $0x2  }
0x19a: {  	v7 =	vbroadcast v9, $0x0  }
0x19b: {  	v2 =	vmul.f32 v2, v4;
	v5 =	vmul.f32 v5, v4  }
0x19c: {  	v3 =	vmul.f32 v3, v4;
	v6 =	vmul.f32 v6, v4  }
0x19d: {  	[tilespmem:s13+$0xFFFFFFC0] =	vst v5  }
0x19e: {  	[tilespmem:s13+$0xFFFFFFF0] =	vst v3  }
0x19f: {  	[tilespmem:s13+$0xFFFFFFD0] =	vst v2;
	v2 =	vld [tilespmem:s13+$0x30]  }
0x1a0: {  	[tilespmem:s13+$0xFFFFFFE0] =	vst v6;
	v3 =	vld [tilespmem:s13+$0x0]  }
0x1a1: {  	v4 =	vld.idx.msk [tilespmem:v7+s14+$0x0], $0xffff  }
0x1a2: {  	v5 =	vld [tilespmem:s13+$0x10]  }
0x1a3: {  	v6 =	vld [tilespmem:s13+$0x20];
	_ =	sdelay $0x3  }
.Ltmp3:
0x1a4: {  	v7 =	vmul.f32 v3, v4;
	v3 =	vmul.f32 v5, v4;
	(pc) =	sbr.rel @p0 .LBB2_9-.Ltmp3, $4  }
0x1a5: {  	v5 =	vmul.f32 v6, v4;
	v4 =	vmul.f32 v2, v4;
	v2 =	vmov s18  }
0x1a6: {  	[tilespmem:s13+$0x0] =	vst v7  }
0x1a7: {  	[tilespmem:s13+$0x30] =	vst v4  }
0x1a8: {  	[tilespmem:s13+$0x20] =	vst v5  }
0x1a9: {  	_ =	sdelay $0x2  }
0x1aa: {  	[tilespmem:s0+$0x10] =	vst v3;
	v3 =	vld [tilespmem:s0+$0x40]  }
0x1ab: {  	v2 =	vld.idx.msk [tilespmem:v2+s14+$0x0], $0xffff  }
0x1ac: {  	v4 =	vld [tilespmem:s0+$0x70]  }
0x1ad: {  	v5 =	vld [tilespmem:s0+$0x50]  }
0x1ae: {  	v6 =	vld [tilespmem:s0+$0x60];
	_ =	sdelay $0x1  }
0x1af: {  	v3 =	vmul.f32 v3, v2  }
0x1b0: {  	s1 =	sadd.s32 $0xFFFFFFFC, s28;
	v4 =	vmul.f32 v4, v2  }
0x1b1: {  	s6 =	sadd.s32 $0x84, s1;
	v5 =	vmul.f32 v5, v2;
	[tilespmem:s0+$0x40] =	vst v3  }
0x1b2: {  	v2 =	vmul.f32 v6, v2;
	[tilespmem:s0+$0x70] =	vst v4;
	v3 =	vmov s6  }
0x1b3: {  	s18 =	sand.u32 $0x3FFFFF00, s30;
	[tilespmem:s0+$0x50] =	vst v5;
	v3 =	vand.u32 $0xFFFFFFFC, v3  }
0x1b4: {  	s7 =	sadd.s32 $0x5000, s18;
	[tilespmem:s0+$0x60] =	vst v2;
	v2 =	vbroadcast v3, $0x0  }
0x1b5: {  	[spmem:s2] =	stream.indirect.scatter.add.f32 [tilespmem:s19], [sflag:$0x3], $0x40, s7, s17, $0xb8;
	[tilespmem:$0x1D100] =	vst v63  }
0x1b6: {  	_ =	swait.ge [sflag:s23], $0x2000  }
0x1b7: {  	[sflag:s23] =	ssyncset.done $0x0  }
0x1b8: {  	s0 =	simm.s32 $0x11080;
	[sflag:s23] =	ssyncadd.s32 $0xFFFFE000  }
0x1b9: {  	v3 =	vld [tilespmem:s0+$0xFFFFFFB0]  }
0x1ba: {  	v2 =	vld.idx.msk [tilespmem:v2+s14+$0x0], $0xffff  }
0x1bb: {  	v4 =	vld [tilespmem:s0+$0xFFFFFF80]  }
0x1bc: {  	s8 =	sadd.s32 $0x85, s1;
	v5 =	vld [tilespmem:s0+$0xFFFFFF90]  }
0x1bd: {  	v60 =	vmov s8;
	v7 =	vld [tilespmem:s0+$0xFFFFFFA0]  }
0x1be: {  	v6 =	vand.u32 $0xFFFFFFFD, v60  }
0x1bf: {  	v6 =	vbroadcast v6, $0x0;
	v3 =	vmul.f32 v3, v2  }
0x1c0: {  	v4 =	vmul.f32 v4, v2  }
0x1c1: {  	v5 =	vmul.f32 v5, v2;
	[tilespmem:s0+$0xFFFFFFB0] =	vst v3  }
0x1c2: {  	v2 =	vmul.f32 v7, v2;
	[tilespmem:s0+$0xFFFFFF80] =	vst v4  }
0x1c3: {  	[tilespmem:s0+$0xFFFFFF90] =	vst v5  }
0x1c4: {  	[tilespmem:s0+$0xFFFFFFA0] =	vst v2;
	v3 =	vld [tilespmem:s0+$0xFFFFFFC0]  }
0x1c5: {  	v2 =	vld.idx.msk [tilespmem:v6+s14+$0x0], $0xffff  }
0x1c6: {  	v4 =	vld [tilespmem:s0+$0xFFFFFFF0]  }
0x1c7: {  	s13 =	sadd.s32 $0x86, s1;
	v5 =	vld [tilespmem:s0+$0xFFFFFFD0]  }
0x1c8: {  	v62 =	vmov s13;
	v61 =	vld [tilespmem:s0+$0xFFFFFFE0]  }
0x1c9: {  	v7 =	vand.u32 $0xFFFFFFFE, v62  }
0x1ca: {  	v7 =	vbroadcast v7, $0x0;
	v3 =	vmul.f32 v3, v2  }
0x1cb: {  	v4 =	vmul.f32 v4, v2  }
0x1cc: {  	v5 =	vmul.f32 v5, v2;
	[tilespmem:s0+$0xFFFFFFC0] =	vst v3  }
0x1cd: {  	v2 =	vmul.f32 v61, v2;
	[tilespmem:s0+$0xFFFFFFF0] =	vst v4  }
0x1ce: {  	[tilespmem:s0+$0xFFFFFFD0] =	vst v5  }
0x1cf: {  	[tilespmem:s0+$0xFFFFFFE0] =	vst v2;
	v2 =	vld [tilespmem:s0+$0x0]  }
0x1d0: {  	v3 =	vld.idx.msk [tilespmem:v7+s14+$0x0], $0xffff;
	_ =	sdelay $0x1  }
0x1d1: {  	v4 =	vld [tilespmem:s0+$0x30]  }
0x1d2: {  	v5 =	vld [tilespmem:s0+$0x20]  }
0x1d3: {  	v63 =	vld [tilespmem:s0+$0x10]  }
0x1d4: {  	v2 =	vmul.f32 v2, v3  }
0x1d5: {  	s18 =	sadd.s32 $0x87, s1  }
0x1d6: {  	v4 =	vmul.f32 v4, v3;
	[tilespmem:s0+$0x0] =	vst v2;
	v2 =	vmov s18  }
0x1d7: {  	v5 =	vmul.f32 v5, v3  }
0x1d8: {  	v3 =	vmul.f32 v63, v3;
	[tilespmem:s0+$0x30] =	vst v4  }
0x1d9: {  	s1 =	simm.s32 $0x0;
	s13 =	simm.s32 $0x11080;
	[tilespmem:s0+$0x20] =	vst v5  }
.LBB2_11:
0x1da: {  	[tilespmem:s0+$0x10] =	vst v3;
	v3 =	vld [tilespmem:s0+$0x70];
	s13 =	sadd.s32 $0x100, s13;
	s6 =	smov.u32 s1;
	s1 =	sadd.s32 $0x4, s1  }
0x1db: {  	p0 =	slt.u32 s1, $0x7C;
	v2 =	vld.idx.msk [tilespmem:v2+s14+$0x0], $0xffff  }
0x1dc: {  	v4 =	vld [tilespmem:s0+$0x40]  }
0x1dd: {  	s6 =	sadd.s32 s6, s28;
	v5 =	vld [tilespmem:s0+$0x50]  }
0x1de: {  	s7 =	sadd.s32 $0x84, s6;
	s8 =	sadd.s32 $0x85, s6;
	s18 =	sadd.s32 $0x86, s6;
	v6 =	vld [tilespmem:s0+$0x60]  }
0x1df: {  	v7 =	vmov s7;
	v8 =	vmov s8;
	v9 =	vmov s18;
	s18 =	sadd.s32 $0x87, s6  }
0x1e0: {  	v7 =	vand.u32 $0xFFFFFFFC, v7;
	v8 =	vand.u32 $0xFFFFFFFD, v8;
	v9 =	vand.u32 $0xFFFFFFFE, v9  }
0x1e1: {  	v7 =	vbroadcast v7, $0x0;
	v4 =	vmul.f32 v4, v2  }
0x1e2: {  	v3 =	vmul.f32 v3, v2;
	v5 =	vmul.f32 v5, v2  }
0x1e3: {  	[tilespmem:s0+$0x40] =	vst v4;
	v2 =	vmul.f32 v6, v2  }
0x1e4: {  	[tilespmem:s0+$0x70] =	vst v3  }
0x1e5: {  	v3 =	vld [tilespmem:s13+$0xFFFFFFA0];
	[tilespmem:s0+$0x50] =	vst v5  }
0x1e6: {  	v4 =	vld [tilespmem:s13+$0xFFFFFFB0];
	[tilespmem:s0+$0x60] =	vst v2;
	s0 =	smov.u32 s13  }
0x1e7: {  	v2 =	vld.idx.msk [tilespmem:v7+s14+$0x0], $0xffff  }
0x1e8: {  	v5 =	vld [tilespmem:s13+$0xFFFFFF80]  }
0x1e9: {  	v6 =	vld [tilespmem:s13+$0xFFFFFF90];
	_ =	sdelay $0x2  }
0x1ea: {  	v7 =	vbroadcast v8, $0x0  }
0x1eb: {  	v4 =	vmul.f32 v4, v2;
	v5 =	vmul.f32 v5, v2  }
0x1ec: {  	v6 =	vmul.f32 v6, v2;
	v2 =	vmul.f32 v3, v2  }
0x1ed: {  	[tilespmem:s13+$0xFFFFFFB0] =	vst v4  }
0x1ee: {  	[tilespmem:s13+$0xFFFFFF80] =	vst v5  }
0x1ef: {  	[tilespmem:s13+$0xFFFFFF90] =	vst v6;
	v3 =	vld [tilespmem:s13+$0xFFFFFFF0]  }
0x1f0: {  	[tilespmem:s13+$0xFFFFFFA0] =	vst v2;
	v2 =	vld [tilespmem:s13+$0xFFFFFFD0]  }
0x1f1: {  	v4 =	vld.idx.msk [tilespmem:v7+s14+$0x0], $0xffff  }
0x1f2: {  	v5 =	vld [tilespmem:s13+$0xFFFFFFC0]  }
0x1f3: {  	v6 =	vld [tilespmem:s13+$0xFFFFFFE0];
	_ =	sdelay $0x2  }
0x1f4: {  	v7 =	vbroadcast v9, $0x0  }
0x1f5: {  	v2 =	vmul.f32 v2, v4;
	v5 =	vmul.f32 v5, v4  }
0x1f6: {  	v3 =	vmul.f32 v3, v4;
	v6 =	vmul.f32 v6, v4  }
0x1f7: {  	[tilespmem:s13+$0xFFFFFFC0] =	vst v5  }
0x1f8: {  	[tilespmem:s13+$0xFFFFFFF0] =	vst v3  }
0x1f9: {  	[tilespmem:s13+$0xFFFFFFD0] =	vst v2;
	v2 =	vld [tilespmem:s13+$0x30]  }
0x1fa: {  	[tilespmem:s13+$0xFFFFFFE0] =	vst v6;
	v3 =	vld [tilespmem:s13+$0x0]  }
0x1fb: {  	v4 =	vld.idx.msk [tilespmem:v7+s14+$0x0], $0xffff  }
0x1fc: {  	v5 =	vld [tilespmem:s13+$0x10]  }
0x1fd: {  	v6 =	vld [tilespmem:s13+$0x20];
	_ =	sdelay $0x3  }
.Ltmp4:
0x1fe: {  	v7 =	vmul.f32 v3, v4;
	v3 =	vmul.f32 v5, v4;
	(pc) =	sbr.rel @p0 .LBB2_11-.Ltmp4, $4  }
0x1ff: {  	v5 =	vmul.f32 v6, v4;
	v4 =	vmul.f32 v2, v4;
	v2 =	vmov s18  }
0x200: {  	[tilespmem:s13+$0x0] =	vst v7  }
0x201: {  	[tilespmem:s13+$0x30] =	vst v4  }
0x202: {  	[tilespmem:s13+$0x20] =	vst v5  }
0x203: {  	_ =	sdelay $0x2  }
0x204: {  	[tilespmem:s0+$0x10] =	vst v3;
	v3 =	vld [tilespmem:s0+$0x40]  }
0x205: {  	v2 =	vld.idx.msk [tilespmem:v2+s14+$0x0], $0xffff  }
0x206: {  	v4 =	vld [tilespmem:s0+$0x70]  }
0x207: {  	v5 =	vld [tilespmem:s0+$0x50]  }
0x208: {  	v6 =	vld [tilespmem:s0+$0x60];
	_ =	sdelay $0x1  }
0x209: {  	v3 =	vmul.f32 v3, v2  }
0x20a: {  	v4 =	vmul.f32 v4, v2  }
0x20b: {  	v5 =	vmul.f32 v5, v2;
	[tilespmem:s0+$0x40] =	vst v3  }
0x20c: {  	v2 =	vmul.f32 v6, v2;
	[tilespmem:s0+$0x70] =	vst v4  }
0x20d: {  	[tilespmem:s0+$0x50] =	vst v5  }
0x20e: {  	s31 =	sadd.s32 $0x5000, s31;
	[tilespmem:s0+$0x60] =	vst v2  }
0x20f: {  	[spmem:s2] =	stream.indirect.scatter.add.f32 [tilespmem:s21], [sflag:$0x4], $0x40, s31, s17, $0xb8;
	[tilespmem:$0x1D100] =	vst v63  }
0x210: {  	_ =	swait.ge [sflag:s24], $0x2000  }
0x211: {  	[sflag:s24] =	ssyncset.done $0x0  }
0x212: {  	p0 =	seq.s32 s29, $0x4F;
	[sflag:s24] =	ssyncadd.s32 $0xFFFFE000  }
0x213: {  	v2 =	vld @!p0 [tilespmem:s30+$0x100];
	_ =	sdelay $0x4  }
0x214: {  	v2 =	vadd.s32 @!p0 v1, v2  }
0x215: {  	[tilespmem:$0x13000] =	vst @!p0 v2  }
0x216: {  	v2 =	vld @!p0 [tilespmem:s30+$0x110];
	_ =	sdelay $0x4  }
0x217: {  	v2 =	vadd.s32 @!p0 v1, v2  }
0x218: {  	[tilespmem:$0x13010] =	vst @!p0 v2  }
0x219: {  	v2 =	vld @!p0 [tilespmem:s30+$0x120];
	_ =	sdelay $0x4  }
0x21a: {  	v2 =	vadd.s32 @!p0 v1, v2  }
0x21b: {  	[tilespmem:$0x13020] =	vst @!p0 v2  }
0x21c: {  	v2 =	vld @!p0 [tilespmem:s30+$0x130];
	_ =	sdelay $0x4  }
0x21d: {  	v2 =	vadd.s32 @!p0 v1, v2  }
0x21e: {  	[tilespmem:$0x13030] =	vst @!p0 v2  }
0x21f: {  	v2 =	vld @!p0 [tilespmem:s30+$0x140];
	_ =	sdelay $0x4  }
0x220: {  	v2 =	vadd.s32 @!p0 v1, v2  }
0x221: {  	[tilespmem:$0x13040] =	vst @!p0 v2  }
0x222: {  	v2 =	vld @!p0 [tilespmem:s30+$0x150];
	_ =	sdelay $0x4  }
0x223: {  	v2 =	vadd.s32 @!p0 v1, v2  }
0x224: {  	[tilespmem:$0x13050] =	vst @!p0 v2  }
0x225: {  	v2 =	vld @!p0 [tilespmem:s30+$0x160];
	_ =	sdelay $0x4  }
0x226: {  	v2 =	vadd.s32 @!p0 v1, v2  }
0x227: {  	[tilespmem:$0x13060] =	vst @!p0 v2  }
0x228: {  	v2 =	vld @!p0 [tilespmem:s30+$0x170];
	_ =	sdelay $0x4  }
0x229: {  	s29 =	sadd.s32 $0x1, s29;
	v2 =	vadd.s32 @!p0 v1, v2  }
0x22a: {  	s1 =	simm.s32 @!p0 $0x13000;
	s6 =	simm.s32 @!p0 $0xF000;
	s0 =	simm.s32 @!p0 $0x80;
	[tilespmem:$0x13070] =	vst @!p0 v2  }
0x22b: {  	[tilespmem:s6], [sflag:$0x1] =	stream.indirect.gather @!p0 [hbm4b:s4+s0], $0x40, s1, s0, $0xb8;
	[tilespmem:$0x1D100] =	vst v63  }
0x22c: {  	p0 =	sne.s32 s29, $0x50  }
.Ltmp5:
0x22d: {  	_ = 	snop;
	(pc) =	sbr.rel @p0 .LBB2_8-.Ltmp5, $4  }
0x22e: {  	_ = 	snop  }
0x22f: {  	_ =	swait.ge [sflag:s25], $0x2000  }
0x230: {  	[sflag:s25] =	ssyncset.done $0x0  }
0x231: {  	s28 =	sadd.s32 $0x100, s28;
	[sflag:s25] =	ssyncadd.s32 $0xFFFFE000  }
0x232: {  	s26 =	sadd.s32 $0x1, s26  }
0x233: {  	p0 =	sne.s32 s26, s11  }
.Ltmp6:
0x234: {  	[bflag:$0x0] =	sbarrier.arrive $0xFFFF;
	(pc) =	sbr.rel @p0 .LBB2_1-.Ltmp6, $4  }
0x235: {  	[hbm:s10], [sflag:s15] =	dma.local [spmem:s16], $0x1400  }
0x236: {  	_ =	swait.ge [sflag:s12], $0x1400  }
0x237: {  	[sflag:s12] =	ssyncset.done $0x0  }
0x238: {  	[sflag:s12] =	ssyncadd.s32 $0xFFFFEC00  }
0x239: {  	_ =	sfence.sel $0x180000  }
0x23a: {  	[bflag:$0x0] =	sbarrier.arrive $0xFFFF  }
0x23b: {  	_ =	strace $0x9000004D  }
0x23c: {  	s0 =	stileid.u32;
	[bflag:$0x2] =	sbarrier.arrive $0xFFFF  }
0x23d: {  	p0 =	sne.s32 s0, $0x0;
	s0 =	rddreg [dreg:$0x2]  }
0x23e: {  	s0 =	sadd.s32 @!p0 $0x100000, s0  }
0x23f: {  	[sflag:s0] =	ssyncadd.tile.s32 @!p0 $0x1;
	_ =	shalt  }
.Lfunc_end2:
_tile_overlayer_lowered:
.L_overlay_start_2:
0x240: {  	(tag) =	ssettag $0x2  }
0x241: {  	s0 =	rddreg [dreg:$0x0];
	s2 =	stileid.u32  }
0x242: {  	s1 =	rddreg [dreg:$0x1];
	p0 =	sne.s32 s2, $0x0  }
0x243: {  	s3 =	rddreg [dreg:$0x2];
	[bflag:$0x3] =	sbarrier.arrive $0xFFFF;
	s2 =	simm.s32 @!p0 $0x1C05  }
0x244: {  	[timem:s3], [sflag:s2] =	dma.local @!p0 [hbm:s0], s1  }
0x245: {  	s0 =	simm.s32 @!p0 $0x5  }
0x246: {  	_ =	swait.ge @!p0 [sflag:s0], s1  }
0x247: {  	s1 =	ssub.s32 @!p0 $0x0, s1;
	[sflag:s0] =	ssyncset.done @!p0 $0x0  }
0x248: {  	[sflag:s0] =	ssyncadd.s32 @!p0 s1  }
0x249: {  	[bflag:$0x3] =	sbarrier.arrive $0xFFFF  }
0x24a: {  	_ =	shalt  }

</sc_bundles>
